<compile_context>
chip_gen: v7x
topology: tpu7x:2x2x1
jax: 0.10.2.dev20260603
libtpu: 0.0.44.dev20260713+nightly
codegen_flags: <defaults>
</compile_context>

<pallas_src>
import functools
import math

import jax
import jax.numpy as jnp
from jax import lax
from jax.experimental import pallas as pl
from jax.experimental.pallas import tpu as pltpu
from jax.experimental.pallas import tpu_sc as plsc

D = 512
N_TOK = 8192
SCALE = 1.0 / math.sqrt(D)

_info = plsc.get_sparse_core_info()
_NC, _NS, _L = _info.num_cores, _info.num_subcores, _info.num_lanes
_NW = _NC * _NS
_TPW = N_TOK // _NW
_CH = 64
_NCHUNK = _TPW // _CH


def _emb_body(ids_hbm, tid_hbm, gid_hbm, word_hbm, task_hbm, seg_hbm,
              out_hbm,
              idx_v, cidx_v, tmp_v, tt_v, st_v, comb_v,
              rows_v0, rows_v1, rows_v2,
              gsem0, gsem1, gsem2, osem0, osem1, osem2):
    cid = lax.axis_index("c")
    sid = lax.axis_index("s")
    base = (sid * _NC + cid) * _TPW
    rows = (rows_v0, rows_v1, rows_v2)
    gsem = (gsem0, gsem1, gsem2)
    osem = (osem0, osem1, osem2)

    pltpu.sync_copy(ids_hbm.at[pl.ds(base, _TPW)], idx_v)

    cpw = [None, None, None]
    cpo = [None, None, None]

    def start(c):
        b = c % 3
        if cpo[b] is not None:
            cpo[b].wait()
        cpw[b] = pltpu.async_copy(
            word_hbm.at[idx_v.at[pl.ds(c * _CH, _CH)]], rows[b], gsem[b])

    start(0)
    start(1)

    cp_t = pltpu.async_copy(task_hbm, tt_v, osem0)
    cp_s = pltpu.async_copy(seg_hbm, st_v, osem1)
    cp_i = pltpu.async_copy(
        tid_hbm.at[pl.ds(base, _TPW)], cidx_v.at[pl.ds(0, _TPW)], osem2)
    pltpu.sync_copy(gid_hbm.at[pl.ds(base, _TPW)], tmp_v)
    cp_t.wait()
    cp_s.wait()
    cp_i.wait()

    def build9(j, carry):
        sl = pl.ds(j * _L, _L)
        for t in range(3):
            for g in range(3):
                comb_v[t * 3 + g, sl] = tt_v[t, sl] + st_v[g, sl] * SCALE
        return carry

    lax.fori_loop(0, D // _L, build9, 0)

    for j in range(_TPW // _L):
        sl = pl.ds(j * _L, _L)
        cidx_v[sl] = cidx_v[sl] * 3 + tmp_v[sl]
    for c in range(_NCHUNK):
        b = c % 3
        if c + 2 < _NCHUNK:
            start(c + 2)
        cpw[b].wait()

        @plsc.parallel_loop(0, _CH, unroll=2)
        def tok(i, b=b, c=c):
            cc = cidx_v[pl.ds(c * _CH + i, _L)][0]
            for j in range(D // _L):
                sl = pl.ds(j * _L, _L)
                plsc.addupdate(rows[b].at[i, sl], comb_v[cc, sl])

        cpo[b] = pltpu.async_copy(
            rows[b], out_hbm.at[pl.ds(base + c * _CH, _CH)], osem[b])
    for b in range(3):
        cpo[b].wait()


_emb_kernel = functools.partial(
    pl.kernel,
    out_type=jax.ShapeDtypeStruct((N_TOK, D), jnp.float32),
    mesh=plsc.VectorSubcoreMesh(core_axis_name="c", subcore_axis_name="s"),
    scratch_types=[
        pltpu.VMEM((_TPW,), jnp.int32),
        pltpu.VMEM((_TPW + _L,), jnp.int32),
        pltpu.VMEM((_TPW,), jnp.int32),
        pltpu.VMEM((3, D), jnp.float32),
        pltpu.VMEM((3, D), jnp.float32),
        pltpu.VMEM((9, D), jnp.float32),
        pltpu.VMEM((_CH, D), jnp.float32),
        pltpu.VMEM((_CH, D), jnp.float32),
        pltpu.VMEM((_CH, D), jnp.float32),
        pltpu.SemaphoreType.DMA,
        pltpu.SemaphoreType.DMA,
        pltpu.SemaphoreType.DMA,
        pltpu.SemaphoreType.DMA,
        pltpu.SemaphoreType.DMA,
        pltpu.SemaphoreType.DMA,
    ],
)(_emb_body)


@jax.jit
def kernel(input_ids, task_ids, segment_ids, word_table, task_table,
           segment_table):
    shape = input_ids.shape
    ids = input_ids.reshape(-1).astype(jnp.int32)
    tid = task_ids.reshape(-1).astype(jnp.int32)
    gid = segment_ids.reshape(-1).astype(jnp.int32)
    out = _emb_kernel(ids, tid, gid, word_table, task_table, segment_table)
    return out.reshape(shape + (D,))

# --- scband reference (transcript-rebuilt; emitter-appended) ---
"""Pipeline reference for scband-embedding-layer-52424370815248 (READ-ONLY COPY).

The authoritative reference and input builder live on the scoring server;
editing this copy changes nothing except your own understanding.
"""

import jax, jax.numpy as jnp
import numpy as np
import math

VOCAB = 32128
D_MODEL = 512
BATCH = 4
SEQ = 2048

def setup_inputs(seed: int = 0) -> dict:
    key = jax.random.key(seed)
    k1, k2, k3, k4, k5, k6 = jax.random.split(key, 6)
    input_ids = jax.random.randint(k1, (BATCH, SEQ), 0, VOCAB, dtype=jnp.int64 if jax.config.jax_enable_x64 else jnp.int32)
    task_ids = jax.random.randint(k2, (BATCH, SEQ), 0, 3, dtype=jnp.int64 if jax.config.jax_enable_x64 else jnp.int32)
    segment_ids = jax.random.randint(k3, (BATCH, SEQ), 0, 3, dtype=jnp.int64 if jax.config.jax_enable_x64 else jnp.int32)
    word_table = jax.random.normal(k4, (VOCAB, D_MODEL), dtype=jnp.float32) * 0.02
    task_table = jax.random.normal(k5, (3, D_MODEL), dtype=jnp.float32) * 0.02
    segment_table = jax.random.normal(k6, (3, D_MODEL), dtype=jnp.float32) * 0.02
    return {
        "input_ids": input_ids,
        "task_ids": task_ids,
        "segment_ids": segment_ids,
        "word_table": word_table,
        "task_table": task_table,
        "segment_table": segment_table,
    }

def reference(input_ids, task_ids, segment_ids, word_table, task_table, segment_table):
    word_embeds = jnp.take(word_table, input_ids, axis=0)
    task_embeds = jnp.take(task_table, task_ids, axis=0)
    segment_embeds = jnp.take(segment_table, segment_ids, axis=0)
    # Faithful to torch precedence: word + task + (segment / sqrt(d_model))
    embeds = word_embeds + task_embeds + segment_embeds / math.sqrt(D_MODEL)
    return embeds

if __name__ == "__main__":
    import jax
    _d = setup_inputs()
    print(jax.jit(kernel)(*tuple(_d.values())))

</pallas_src>

<mosaic_0001>
#map = affine_map<(d0, d1) -> (0)>
#map1 = affine_map<(d0, d1) -> (0, 0)>
module attributes {stable_mosaic.version = 14 : i64} {
  func.func @_emb_body(%arg0: i32, %arg1: i32, %arg2: memref<8192xi32, #tpu.memory_space<hbm>>, %arg3: memref<8192xi32, #tpu.memory_space<hbm>>, %arg4: memref<8192xi32, #tpu.memory_space<hbm>>, %arg5: memref<32128x512xf32, #tpu.memory_space<hbm>>, %arg6: memref<3x512xf32, #tpu.memory_space<hbm>>, %arg7: memref<3x512xf32, #tpu.memory_space<hbm>>, %arg8: memref<8192x512xf32, #tpu.memory_space<hbm>>, %arg9: memref<256xi32, #tpu.memory_space<vmem>>, %arg10: memref<272xi32, #tpu.memory_space<vmem>>, %arg11: memref<256xi32, #tpu.memory_space<vmem>>, %arg12: memref<3x512xf32, #tpu.memory_space<vmem>>, %arg13: memref<3x512xf32, #tpu.memory_space<vmem>>, %arg14: memref<9x512xf32, #tpu.memory_space<vmem>>, %arg15: memref<64x512xf32, #tpu.memory_space<vmem>>, %arg16: memref<64x512xf32, #tpu.memory_space<vmem>>, %arg17: memref<64x512xf32, #tpu.memory_space<vmem>>, %arg18: memref<!tpu.dma_semaphore, #tpu.memory_space<semaphore_mem>>, %arg19: memref<!tpu.dma_semaphore, #tpu.memory_space<semaphore_mem>>, %arg20: memref<!tpu.dma_semaphore, #tpu.memory_space<semaphore_mem>>, %arg21: memref<!tpu.dma_semaphore, #tpu.memory_space<semaphore_mem>>, %arg22: memref<!tpu.dma_semaphore, #tpu.memory_space<semaphore_mem>>, %arg23: memref<!tpu.dma_semaphore, #tpu.memory_space<semaphore_mem>>) attributes {dimension_semantics = [#tpu.dimension_semantics<core_parallel>, #tpu.dimension_semantics<subcore_parallel>], iteration_bounds = array<i64: 2, 16>, scalar_prefetch = 0 : i64, scratch_operands = 15 : i64, tpu.core_type = #tpu.core_type<sc_vector_subcore>, window_params = [{transform_indices = #map}, {transform_indices = #map}, {transform_indices = #map}, {transform_indices = #map1}, {transform_indices = #map1}, {transform_indices = #map1}, {transform_indices = #map1}]} {
    %mul3A = arith.constant 2 : i32
    %mul3A_0 = arith.muli %arg1, %mul3A : i32
    %add3A = arith.addi %mul3A_0, %arg0 : i32
    %mul3A_1 = arith.constant 256 : i32
    %mul3A_2 = arith.muli %add3A, %mul3A_1 : i32
    "tpu.region"() ({
      %run_scoped3A = tpu.sem_alloc : memref<!tpu.dma_semaphore, #tpu.memory_space<semaphore_mem>>
      %dma_start3A_331 = tpu.memref_slice %arg2[%mul3A_2] : memref<8192xi32, #tpu.memory_space<hbm>> -> memref<256xi32, #tpu.memory_space<hbm>>
      %dma_start3A_332 = tpu.memref_slice %arg2[%mul3A_2] : memref<8192xi32, #tpu.memory_space<hbm>> -> memref<256xi32, #tpu.memory_space<hbm>>
      tpu.enqueue_dma source(%dma_start3A_332 : memref<256xi32, #tpu.memory_space<hbm>>) target(%arg9 : memref<256xi32, #tpu.memory_space<vmem>>) target_semaphore(%run_scoped3A : memref<!tpu.dma_semaphore, #tpu.memory_space<semaphore_mem>>)
      %dma_wait3A_333 = tpu.memref_slice %arg2[%mul3A_2] : memref<8192xi32, #tpu.memory_space<hbm>> -> memref<256xi32, #tpu.memory_space<hbm>>
      %dma_wait3A_334 = tpu.memref_slice %arg2[%mul3A_2] : memref<8192xi32, #tpu.memory_space<hbm>> -> memref<256xi32, #tpu.memory_space<hbm>>
      tpu.wait_dma2 semaphore(%run_scoped3A : memref<!tpu.dma_semaphore, #tpu.memory_space<semaphore_mem>>) src(%dma_wait3A_334 : memref<256xi32, #tpu.memory_space<hbm>>) dst(%arg9 : memref<256xi32, #tpu.memory_space<vmem>>)
      tpu.yield
    }) : () -> ()
    %dma_start3A = arith.constant 0 : i32
    %dma_start3A_3 = tpu.memref_slice %arg9[%dma_start3A] : memref<256xi32, #tpu.memory_space<vmem>> -> memref<64xi32, #tpu.memory_space<vmem>>
    %dma_start3A_4 = arith.constant 0 : i32
    %dma_start3A_5 = arith.constant 0 : i32
    %dma_start3A_6 = tpu.memref_slice %arg5[%dma_start3A_4, %dma_start3A_5] : memref<32128x512xf32, #tpu.memory_space<hbm>> -> memref<32128x512xf32, #tpu.memory_space<hbm>>
    tpu.enqueue_indirect_dma source(%dma_start3A_6 : memref<32128x512xf32, #tpu.memory_space<hbm>>) target(%arg15 : memref<64x512xf32, #tpu.memory_space<vmem>>) offsets(%dma_start3A_3 : memref<64xi32, #tpu.memory_space<vmem>>) semaphore(%arg18 : memref<!tpu.dma_semaphore, #tpu.memory_space<semaphore_mem>>)
    %dma_start3A_7 = arith.constant 64 : i32
    %dma_start3A_8 = tpu.memref_slice %arg9[%dma_start3A_7] : memref<256xi32, #tpu.memory_space<vmem>> -> memref<64xi32, #tpu.memory_space<vmem>>
    %dma_start3A_9 = arith.constant 0 : i32
    %dma_start3A_10 = arith.constant 0 : i32
    %dma_start3A_11 = tpu.memref_slice %arg5[%dma_start3A_9, %dma_start3A_10] : memref<32128x512xf32, #tpu.memory_space<hbm>> -> memref<32128x512xf32, #tpu.memory_space<hbm>>
    tpu.enqueue_indirect_dma source(%dma_start3A_11 : memref<32128x512xf32, #tpu.memory_space<hbm>>) target(%arg16 : memref<64x512xf32, #tpu.memory_space<vmem>>) offsets(%dma_start3A_8 : memref<64xi32, #tpu.memory_space<vmem>>) semaphore(%arg19 : memref<!tpu.dma_semaphore, #tpu.memory_space<semaphore_mem>>)
    tpu.enqueue_dma source(%arg6 : memref<3x512xf32, #tpu.memory_space<hbm>>) target(%arg12 : memref<3x512xf32, #tpu.memory_space<vmem>>) target_semaphore(%arg21 : memref<!tpu.dma_semaphore, #tpu.memory_space<semaphore_mem>>)
    tpu.enqueue_dma source(%arg7 : memref<3x512xf32, #tpu.memory_space<hbm>>) target(%arg13 : memref<3x512xf32, #tpu.memory_space<vmem>>) target_semaphore(%arg22 : memref<!tpu.dma_semaphore, #tpu.memory_space<semaphore_mem>>)
    %dma_start3A_12 = arith.constant 0 : i32
    %dma_start3A_13 = tpu.memref_slice %arg10[%dma_start3A_12] : memref<272xi32, #tpu.memory_space<vmem>> -> memref<256xi32, #tpu.memory_space<vmem>>
    %dma_start3A_14 = tpu.memref_slice %arg3[%mul3A_2] : memref<8192xi32, #tpu.memory_space<hbm>> -> memref<256xi32, #tpu.memory_space<hbm>>
    %dma_start3A_15 = arith.constant 0 : i32
    %dma_start3A_16 = tpu.memref_slice %arg10[%dma_start3A_15] : memref<272xi32, #tpu.memory_space<vmem>> -> memref<256xi32, #tpu.memory_space<vmem>>
    %dma_start3A_17 = tpu.memref_slice %arg3[%mul3A_2] : memref<8192xi32, #tpu.memory_space<hbm>> -> memref<256xi32, #tpu.memory_space<hbm>>
    tpu.enqueue_dma source(%dma_start3A_17 : memref<256xi32, #tpu.memory_space<hbm>>) target(%dma_start3A_16 : memref<256xi32, #tpu.memory_space<vmem>>) target_semaphore(%arg23 : memref<!tpu.dma_semaphore, #tpu.memory_space<semaphore_mem>>)
    "tpu.region"() ({
      %run_scoped3A = tpu.sem_alloc : memref<!tpu.dma_semaphore, #tpu.memory_space<semaphore_mem>>
      %dma_start3A_331 = tpu.memref_slice %arg4[%mul3A_2] : memref<8192xi32, #tpu.memory_space<hbm>> -> memref<256xi32, #tpu.memory_space<hbm>>
      %dma_start3A_332 = tpu.memref_slice %arg4[%mul3A_2] : memref<8192xi32, #tpu.memory_space<hbm>> -> memref<256xi32, #tpu.memory_space<hbm>>
      tpu.enqueue_dma source(%dma_start3A_332 : memref<256xi32, #tpu.memory_space<hbm>>) target(%arg11 : memref<256xi32, #tpu.memory_space<vmem>>) target_semaphore(%run_scoped3A : memref<!tpu.dma_semaphore, #tpu.memory_space<semaphore_mem>>)
      %dma_wait3A_333 = tpu.memref_slice %arg4[%mul3A_2] : memref<8192xi32, #tpu.memory_space<hbm>> -> memref<256xi32, #tpu.memory_space<hbm>>
      %dma_wait3A_334 = tpu.memref_slice %arg4[%mul3A_2] : memref<8192xi32, #tpu.memory_space<hbm>> -> memref<256xi32, #tpu.memory_space<hbm>>
      tpu.wait_dma2 semaphore(%run_scoped3A : memref<!tpu.dma_semaphore, #tpu.memory_space<semaphore_mem>>) src(%dma_wait3A_334 : memref<256xi32, #tpu.memory_space<hbm>>) dst(%arg11 : memref<256xi32, #tpu.memory_space<vmem>>)
      tpu.yield
    }) : () -> ()
    tpu.wait_dma2 semaphore(%arg21 : memref<!tpu.dma_semaphore, #tpu.memory_space<semaphore_mem>>) src(%arg6 : memref<3x512xf32, #tpu.memory_space<hbm>>) dst(%arg12 : memref<3x512xf32, #tpu.memory_space<vmem>>)
    tpu.wait_dma2 semaphore(%arg22 : memref<!tpu.dma_semaphore, #tpu.memory_space<semaphore_mem>>) src(%arg7 : memref<3x512xf32, #tpu.memory_space<hbm>>) dst(%arg13 : memref<3x512xf32, #tpu.memory_space<vmem>>)
    %dma_wait3A = arith.constant 0 : i32
    %dma_wait3A_18 = tpu.memref_slice %arg10[%dma_wait3A] : memref<272xi32, #tpu.memory_space<vmem>> -> memref<256xi32, #tpu.memory_space<vmem>>
    %dma_wait3A_19 = tpu.memref_slice %arg3[%mul3A_2] : memref<8192xi32, #tpu.memory_space<hbm>> -> memref<256xi32, #tpu.memory_space<hbm>>
    %dma_wait3A_20 = arith.constant 0 : i32
    %dma_wait3A_21 = tpu.memref_slice %arg10[%dma_wait3A_20] : memref<272xi32, #tpu.memory_space<vmem>> -> memref<256xi32, #tpu.memory_space<vmem>>
    %dma_wait3A_22 = tpu.memref_slice %arg3[%mul3A_2] : memref<8192xi32, #tpu.memory_space<hbm>> -> memref<256xi32, #tpu.memory_space<hbm>>
    tpu.wait_dma2 semaphore(%arg23 : memref<!tpu.dma_semaphore, #tpu.memory_space<semaphore_mem>>) src(%dma_wait3A_22 : memref<256xi32, #tpu.memory_space<hbm>>) dst(%dma_wait3A_21 : memref<256xi32, #tpu.memory_space<vmem>>)
    %scan3A = arith.constant 0 : i32
    %scan3A_23 = arith.constant 0 : i32
    %scan3A_24 = arith.constant 32 : i32
    %scan3A_25 = arith.addi %scan3A_23, %scan3A_24 : i32
    %scan3A_26 = arith.constant 1 : i32
    scf.for %scan3A_331 = %scan3A_23 to %scan3A_25 step %scan3A_26  : i32 {
      %mul3A_332 = arith.constant 16 : i32
      %mul3A_333 = arith.muli %scan3A_331, %mul3A_332 : i32
      %get3A_334 = arith.constant 0 : i32
      %get3A_335 = arith.index_cast %get3A_334 : i32 to index
      %get3A_336 = arith.index_cast %mul3A_333 : i32 to index
      %get3A_337 = tpu.vector_load %arg12[%get3A_335, %get3A_336] {strides = array<i32>} : memref<3x512xf32, #tpu.memory_space<vmem>>, vector<1x16xf32>,
      %get3A_338 = vector.shape_cast %get3A_337 : vector<1x16xf32> to vector<16xf32>
      %get3A_339 = arith.constant 0 : i32
      %get3A_340 = arith.index_cast %get3A_339 : i32 to index
      %get3A_341 = arith.index_cast %mul3A_333 : i32 to index
      %get3A_342 = tpu.vector_load %arg13[%get3A_340, %get3A_341] {strides = array<i32>} : memref<3x512xf32, #tpu.memory_space<vmem>>, vector<1x16xf32>,
      %get3A_343 = vector.shape_cast %get3A_342 : vector<1x16xf32> to vector<16xf32>
      %mul3A_344 = arith.constant 0.0441941731 : f32
      %mul3A_345 = vector.broadcast %mul3A_344 : f32 to vector<16xf32>
      %mul3A_346 = arith.mulf %get3A_343, %mul3A_345 : vector<16xf32>
      %add3A_347 = arith.addf %get3A_338, %mul3A_346 : vector<16xf32>
      %swap3A_348 = arith.constant 0 : i32
      %swap3A_349 = arith.index_cast %swap3A_348 : i32 to index
      %swap3A_350 = arith.index_cast %mul3A_333 : i32 to index
      %swap3A_351 = tpu.vector_load %arg14[%swap3A_349, %swap3A_350] {strides = array<i32>} : memref<9x512xf32, #tpu.memory_space<vmem>>, vector<1x16xf32>,
      %swap3A_352 = vector.shape_cast %swap3A_351 : vector<1x16xf32> to vector<16xf32>
      %swap3A_353 = vector.shape_cast %add3A_347 : vector<16xf32> to vector<1x16xf32>
      tpu.vector_store %arg14[%swap3A_349, %swap3A_350], %swap3A_353 {strides = array<i32>} : memref<9x512xf32, #tpu.memory_space<vmem>>, vector<1x16xf32>,
      %get3A_354 = arith.constant 0 : i32
      %get3A_355 = arith.index_cast %get3A_354 : i32 to index
      %get3A_356 = arith.index_cast %mul3A_333 : i32 to index
      %get3A_357 = tpu.vector_load %arg12[%get3A_355, %get3A_356] {strides = array<i32>} : memref<3x512xf32, #tpu.memory_space<vmem>>, vector<1x16xf32>,
      %get3A_358 = vector.shape_cast %get3A_357 : vector<1x16xf32> to vector<16xf32>
      %get3A_359 = arith.constant 1 : i32
      %get3A_360 = arith.index_cast %get3A_359 : i32 to index
      %get3A_361 = arith.index_cast %mul3A_333 : i32 to index
      %get3A_362 = tpu.vector_load %arg13[%get3A_360, %get3A_361] {strides = array<i32>} : memref<3x512xf32, #tpu.memory_space<vmem>>, vector<1x16xf32>,
      %get3A_363 = vector.shape_cast %get3A_362 : vector<1x16xf32> to vector<16xf32>
      %mul3A_364 = arith.constant 0.0441941731 : f32
      %mul3A_365 = vector.broadcast %mul3A_364 : f32 to vector<16xf32>
      %mul3A_366 = arith.mulf %get3A_363, %mul3A_365 : vector<16xf32>
      %add3A_367 = arith.addf %get3A_358, %mul3A_366 : vector<16xf32>
      %swap3A_368 = arith.constant 1 : i32
      %swap3A_369 = arith.index_cast %swap3A_368 : i32 to index
      %swap3A_370 = arith.index_cast %mul3A_333 : i32 to index
      %swap3A_371 = tpu.vector_load %arg14[%swap3A_369, %swap3A_370] {strides = array<i32>} : memref<9x512xf32, #tpu.memory_space<vmem>>, vector<1x16xf32>,
      %swap3A_372 = vector.shape_cast %swap3A_371 : vector<1x16xf32> to vector<16xf32>
      %swap3A_373 = vector.shape_cast %add3A_367 : vector<16xf32> to vector<1x16xf32>
      tpu.vector_store %arg14[%swap3A_369, %swap3A_370], %swap3A_373 {strides = array<i32>} : memref<9x512xf32, #tpu.memory_space<vmem>>, vector<1x16xf32>,
      %get3A_374 = arith.constant 0 : i32
      %get3A_375 = arith.index_cast %get3A_374 : i32 to index
      %get3A_376 = arith.index_cast %mul3A_333 : i32 to index
      %get3A_377 = tpu.vector_load %arg12[%get3A_375, %get3A_376] {strides = array<i32>} : memref<3x512xf32, #tpu.memory_space<vmem>>, vector<1x16xf32>,
      %get3A_378 = vector.shape_cast %get3A_377 : vector<1x16xf32> to vector<16xf32>
      %get3A_379 = arith.constant 2 : i32
      %get3A_380 = arith.index_cast %get3A_379 : i32 to index
      %get3A_381 = arith.index_cast %mul3A_333 : i32 to index
      %get3A_382 = tpu.vector_load %arg13[%get3A_380, %get3A_381] {strides = array<i32>} : memref<3x512xf32, #tpu.memory_space<vmem>>, vector<1x16xf32>,
      %get3A_383 = vector.shape_cast %get3A_382 : vector<1x16xf32> to vector<16xf32>
      %mul3A_384 = arith.constant 0.0441941731 : f32
      %mul3A_385 = vector.broadcast %mul3A_384 : f32 to vector<16xf32>
      %mul3A_386 = arith.mulf %get3A_383, %mul3A_385 : vector<16xf32>
      %add3A_387 = arith.addf %get3A_378, %mul3A_386 : vector<16xf32>
      %swap3A_388 = arith.constant 2 : i32
      %swap3A_389 = arith.index_cast %swap3A_388 : i32 to index
      %swap3A_390 = arith.index_cast %mul3A_333 : i32 to index
      %swap3A_391 = tpu.vector_load %arg14[%swap3A_389, %swap3A_390] {strides = array<i32>} : memref<9x512xf32, #tpu.memory_space<vmem>>, vector<1x16xf32>,
      %swap3A_392 = vector.shape_cast %swap3A_391 : vector<1x16xf32> to vector<16xf32>
      %swap3A_393 = vector.shape_cast %add3A_387 : vector<16xf32> to vector<1x16xf32>
      tpu.vector_store %arg14[%swap3A_389, %swap3A_390], %swap3A_393 {strides = array<i32>} : memref<9x512xf32, #tpu.memory_space<vmem>>, vector<1x16xf32>,
      %get3A_394 = arith.constant 1 : i32
      %get3A_395 = arith.index_cast %get3A_394 : i32 to index
      %get3A_396 = arith.index_cast %mul3A_333 : i32 to index
      %get3A_397 = tpu.vector_load %arg12[%get3A_395, %get3A_396] {strides = array<i32>} : memref<3x512xf32, #tpu.memory_space<vmem>>, vector<1x16xf32>,
      %get3A_398 = vector.shape_cast %get3A_397 : vector<1x16xf32> to vector<16xf32>
      %get3A_399 = arith.constant 0 : i32
      %get3A_400 = arith.index_cast %get3A_399 : i32 to index
      %get3A_401 = arith.index_cast %mul3A_333 : i32 to index
      %get3A_402 = tpu.vector_load %arg13[%get3A_400, %get3A_401] {strides = array<i32>} : memref<3x512xf32, #tpu.memory_space<vmem>>, vector<1x16xf32>,
      %get3A_403 = vector.shape_cast %get3A_402 : vector<1x16xf32> to vector<16xf32>
      %mul3A_404 = arith.constant 0.0441941731 : f32
      %mul3A_405 = vector.broadcast %mul3A_404 : f32 to vector<16xf32>
      %mul3A_406 = arith.mulf %get3A_403, %mul3A_405 : vector<16xf32>
      %add3A_407 = arith.addf %get3A_398, %mul3A_406 : vector<16xf32>
      %swap3A_408 = arith.constant 3 : i32
      %swap3A_409 = arith.index_cast %swap3A_408 : i32 to index
      %swap3A_410 = arith.index_cast %mul3A_333 : i32 to index
      %swap3A_411 = tpu.vector_load %arg14[%swap3A_409, %swap3A_410] {strides = array<i32>} : memref<9x512xf32, #tpu.memory_space<vmem>>, vector<1x16xf32>,
      %swap3A_412 = vector.shape_cast %swap3A_411 : vector<1x16xf32> to vector<16xf32>
      %swap3A_413 = vector.shape_cast %add3A_407 : vector<16xf32> to vector<1x16xf32>
      tpu.vector_store %arg14[%swap3A_409, %swap3A_410], %swap3A_413 {strides = array<i32>} : memref<9x512xf32, #tpu.memory_space<vmem>>, vector<1x16xf32>,
      %get3A_414 = arith.constant 1 : i32
      %get3A_415 = arith.index_cast %get3A_414 : i32 to index
      %get3A_416 = arith.index_cast %mul3A_333 : i32 to index
      %get3A_417 = tpu.vector_load %arg12[%get3A_415, %get3A_416] {strides = array<i32>} : memref<3x512xf32, #tpu.memory_space<vmem>>, vector<1x16xf32>,
      %get3A_418 = vector.shape_cast %get3A_417 : vector<1x16xf32> to vector<16xf32>
      %get3A_419 = arith.constant 1 : i32
      %get3A_420 = arith.index_cast %get3A_419 : i32 to index
      %get3A_421 = arith.index_cast %mul3A_333 : i32 to index
      %get3A_422 = tpu.vector_load %arg13[%get3A_420, %get3A_421] {strides = array<i32>} : memref<3x512xf32, #tpu.memory_space<vmem>>, vector<1x16xf32>,
      %get3A_423 = vector.shape_cast %get3A_422 : vector<1x16xf32> to vector<16xf32>
      %mul3A_424 = arith.constant 0.0441941731 : f32
      %mul3A_425 = vector.broadcast %mul3A_424 : f32 to vector<16xf32>
      %mul3A_426 = arith.mulf %get3A_423, %mul3A_425 : vector<16xf32>
      %add3A_427 = arith.addf %get3A_418, %mul3A_426 : vector<16xf32>
      %swap3A_428 = arith.constant 4 : i32
      %swap3A_429 = arith.index_cast %swap3A_428 : i32 to index
      %swap3A_430 = arith.index_cast %mul3A_333 : i32 to index
      %swap3A_431 = tpu.vector_load %arg14[%swap3A_429, %swap3A_430] {strides = array<i32>} : memref<9x512xf32, #tpu.memory_space<vmem>>, vector<1x16xf32>,
      %swap3A_432 = vector.shape_cast %swap3A_431 : vector<1x16xf32> to vector<16xf32>
      %swap3A_433 = vector.shape_cast %add3A_427 : vector<16xf32> to vector<1x16xf32>
      tpu.vector_store %arg14[%swap3A_429, %swap3A_430], %swap3A_433 {strides = array<i32>} : memref<9x512xf32, #tpu.memory_space<vmem>>, vector<1x16xf32>,
      %get3A_434 = arith.constant 1 : i32
      %get3A_435 = arith.index_cast %get3A_434 : i32 to index
      %get3A_436 = arith.index_cast %mul3A_333 : i32 to index
      %get3A_437 = tpu.vector_load %arg12[%get3A_435, %get3A_436] {strides = array<i32>} : memref<3x512xf32, #tpu.memory_space<vmem>>, vector<1x16xf32>,
      %get3A_438 = vector.shape_cast %get3A_437 : vector<1x16xf32> to vector<16xf32>
      %get3A_439 = arith.constant 2 : i32
      %get3A_440 = arith.index_cast %get3A_439 : i32 to index
      %get3A_441 = arith.index_cast %mul3A_333 : i32 to index
      %get3A_442 = tpu.vector_load %arg13[%get3A_440, %get3A_441] {strides = array<i32>} : memref<3x512xf32, #tpu.memory_space<vmem>>, vector<1x16xf32>,
      %get3A_443 = vector.shape_cast %get3A_442 : vector<1x16xf32> to vector<16xf32>
      %mul3A_444 = arith.constant 0.0441941731 : f32
      %mul3A_445 = vector.broadcast %mul3A_444 : f32 to vector<16xf32>
      %mul3A_446 = arith.mulf %get3A_443, %mul3A_445 : vector<16xf32>
      %add3A_447 = arith.addf %get3A_438, %mul3A_446 : vector<16xf32>
      %swap3A_448 = arith.constant 5 : i32
      %swap3A_449 = arith.index_cast %swap3A_448 : i32 to index
      %swap3A_450 = arith.index_cast %mul3A_333 : i32 to index
      %swap3A_451 = tpu.vector_load %arg14[%swap3A_449, %swap3A_450] {strides = array<i32>} : memref<9x512xf32, #tpu.memory_space<vmem>>, vector<1x16xf32>,
      %swap3A_452 = vector.shape_cast %swap3A_451 : vector<1x16xf32> to vector<16xf32>
      %swap3A_453 = vector.shape_cast %add3A_447 : vector<16xf32> to vector<1x16xf32>
      tpu.vector_store %arg14[%swap3A_449, %swap3A_450], %swap3A_453 {strides = array<i32>} : memref<9x512xf32, #tpu.memory_space<vmem>>, vector<1x16xf32>,
      %get3A_454 = arith.constant 2 : i32
      %get3A_455 = arith.index_cast %get3A_454 : i32 to index
      %get3A_456 = arith.index_cast %mul3A_333 : i32 to index
      %get3A_457 = tpu.vector_load %arg12[%get3A_455, %get3A_456] {strides = array<i32>} : memref<3x512xf32, #tpu.memory_space<vmem>>, vector<1x16xf32>,
      %get3A_458 = vector.shape_cast %get3A_457 : vector<1x16xf32> to vector<16xf32>
      %get3A_459 = arith.constant 0 : i32
      %get3A_460 = arith.index_cast %get3A_459 : i32 to index
      %get3A_461 = arith.index_cast %mul3A_333 : i32 to index
      %get3A_462 = tpu.vector_load %arg13[%get3A_460, %get3A_461] {strides = array<i32>} : memref<3x512xf32, #tpu.memory_space<vmem>>, vector<1x16xf32>,
      %get3A_463 = vector.shape_cast %get3A_462 : vector<1x16xf32> to vector<16xf32>
      %mul3A_464 = arith.constant 0.0441941731 : f32
      %mul3A_465 = vector.broadcast %mul3A_464 : f32 to vector<16xf32>
      %mul3A_466 = arith.mulf %get3A_463, %mul3A_465 : vector<16xf32>
      %add3A_467 = arith.addf %get3A_458, %mul3A_466 : vector<16xf32>
      %swap3A_468 = arith.constant 6 : i32
      %swap3A_469 = arith.index_cast %swap3A_468 : i32 to index
      %swap3A_470 = arith.index_cast %mul3A_333 : i32 to index
      %swap3A_471 = tpu.vector_load %arg14[%swap3A_469, %swap3A_470] {strides = array<i32>} : memref<9x512xf32, #tpu.memory_space<vmem>>, vector<1x16xf32>,
      %swap3A_472 = vector.shape_cast %swap3A_471 : vector<1x16xf32> to vector<16xf32>
      %swap3A_473 = vector.shape_cast %add3A_467 : vector<16xf32> to vector<1x16xf32>
      tpu.vector_store %arg14[%swap3A_469, %swap3A_470], %swap3A_473 {strides = array<i32>} : memref<9x512xf32, #tpu.memory_space<vmem>>, vector<1x16xf32>,
      %get3A_474 = arith.constant 2 : i32
      %get3A_475 = arith.index_cast %get3A_474 : i32 to index
      %get3A_476 = arith.index_cast %mul3A_333 : i32 to index
      %get3A_477 = tpu.vector_load %arg12[%get3A_475, %get3A_476] {strides = array<i32>} : memref<3x512xf32, #tpu.memory_space<vmem>>, vector<1x16xf32>,
      %get3A_478 = vector.shape_cast %get3A_477 : vector<1x16xf32> to vector<16xf32>
      %get3A_479 = arith.constant 1 : i32
      %get3A_480 = arith.index_cast %get3A_479 : i32 to index
      %get3A_481 = arith.index_cast %mul3A_333 : i32 to index
      %get3A_482 = tpu.vector_load %arg13[%get3A_480, %get3A_481] {strides = array<i32>} : memref<3x512xf32, #tpu.memory_space<vmem>>, vector<1x16xf32>,
      %get3A_483 = vector.shape_cast %get3A_482 : vector<1x16xf32> to vector<16xf32>
      %mul3A_484 = arith.constant 0.0441941731 : f32
      %mul3A_485 = vector.broadcast %mul3A_484 : f32 to vector<16xf32>
      %mul3A_486 = arith.mulf %get3A_483, %mul3A_485 : vector<16xf32>
      %add3A_487 = arith.addf %get3A_478, %mul3A_486 : vector<16xf32>
      %swap3A_488 = arith.constant 7 : i32
      %swap3A_489 = arith.index_cast %swap3A_488 : i32 to index
      %swap3A_490 = arith.index_cast %mul3A_333 : i32 to index
      %swap3A_491 = tpu.vector_load %arg14[%swap3A_489, %swap3A_490] {strides = array<i32>} : memref<9x512xf32, #tpu.memory_space<vmem>>, vector<1x16xf32>,
      %swap3A_492 = vector.shape_cast %swap3A_491 : vector<1x16xf32> to vector<16xf32>
      %swap3A_493 = vector.shape_cast %add3A_487 : vector<16xf32> to vector<1x16xf32>
      tpu.vector_store %arg14[%swap3A_489, %swap3A_490], %swap3A_493 {strides = array<i32>} : memref<9x512xf32, #tpu.memory_space<vmem>>, vector<1x16xf32>,
      %get3A_494 = arith.constant 2 : i32
      %get3A_495 = arith.index_cast %get3A_494 : i32 to index
      %get3A_496 = arith.index_cast %mul3A_333 : i32 to index
      %get3A_497 = tpu.vector_load %arg12[%get3A_495, %get3A_496] {strides = array<i32>} : memref<3x512xf32, #tpu.memory_space<vmem>>, vector<1x16xf32>,
      %get3A_498 = vector.shape_cast %get3A_497 : vector<1x16xf32> to vector<16xf32>
      %get3A_499 = arith.constant 2 : i32
      %get3A_500 = arith.index_cast %get3A_499 : i32 to index
      %get3A_501 = arith.index_cast %mul3A_333 : i32 to index
      %get3A_502 = tpu.vector_load %arg13[%get3A_500, %get3A_501] {strides = array<i32>} : memref<3x512xf32, #tpu.memory_space<vmem>>, vector<1x16xf32>,
      %get3A_503 = vector.shape_cast %get3A_502 : vector<1x16xf32> to vector<16xf32>
      %mul3A_504 = arith.constant 0.0441941731 : f32
      %mul3A_505 = vector.broadcast %mul3A_504 : f32 to vector<16xf32>
      %mul3A_506 = arith.mulf %get3A_503, %mul3A_505 : vector<16xf32>
      %add3A_507 = arith.addf %get3A_498, %mul3A_506 : vector<16xf32>
      %swap3A_508 = arith.constant 8 : i32
      %swap3A_509 = arith.index_cast %swap3A_508 : i32 to index
      %swap3A_510 = arith.index_cast %mul3A_333 : i32 to index
      %swap3A_511 = tpu.vector_load %arg14[%swap3A_509, %swap3A_510] {strides = array<i32>} : memref<9x512xf32, #tpu.memory_space<vmem>>, vector<1x16xf32>,
      %swap3A_512 = vector.shape_cast %swap3A_511 : vector<1x16xf32> to vector<16xf32>
      %swap3A_513 = vector.shape_cast %add3A_507 : vector<16xf32> to vector<1x16xf32>
      tpu.vector_store %arg14[%swap3A_509, %swap3A_510], %swap3A_513 {strides = array<i32>} : memref<9x512xf32, #tpu.memory_space<vmem>>, vector<1x16xf32>,
    }
    %scan3A_27 = arith.constant 32 : i32
    %get3A = arith.constant 0 : index
    %get3A_28 = tpu.vector_load %arg10[%get3A] {strides = array<i32>} : memref<272xi32, #tpu.memory_space<vmem>>, vector<16xi32>,
    %get3A_29 = vector.shape_cast %get3A_28 : vector<16xi32> to vector<16xi32>
    %mul3A_30 = arith.constant 3 : i32
    %mul3A_31 = vector.broadcast %mul3A_30 : i32 to vector<16xi32>
    %mul3A_32 = arith.muli %get3A_29, %mul3A_31 : vector<16xi32>
    %get3A_33 = arith.constant 0 : index
    %get3A_34 = tpu.vector_load %arg11[%get3A_33] {strides = array<i32>} : memref<256xi32, #tpu.memory_space<vmem>>, vector<16xi32>,
    %get3A_35 = vector.shape_cast %get3A_34 : vector<16xi32> to vector<16xi32>
    %add3A_36 = arith.addi %mul3A_32, %get3A_35 : vector<16xi32>
    %swap3A = arith.constant 0 : index
    %swap3A_37 = tpu.vector_load %arg10[%swap3A] {strides = array<i32>} : memref<272xi32, #tpu.memory_space<vmem>>, vector<16xi32>,
    %swap3A_38 = vector.shape_cast %swap3A_37 : vector<16xi32> to vector<16xi32>
    %swap3A_39 = vector.shape_cast %add3A_36 : vector<16xi32> to vector<16xi32>
    tpu.vector_store %arg10[%swap3A], %swap3A_39 {strides = array<i32>} : memref<272xi32, #tpu.memory_space<vmem>>, vector<16xi32>,
    %get3A_40 = arith.constant 16 : index
    %get3A_41 = tpu.vector_load %arg10[%get3A_40] {strides = array<i32>} : memref<272xi32, #tpu.memory_space<vmem>>, vector<16xi32>,
    %get3A_42 = vector.shape_cast %get3A_41 : vector<16xi32> to vector<16xi32>
    %mul3A_43 = arith.constant 3 : i32
    %mul3A_44 = vector.broadcast %mul3A_43 : i32 to vector<16xi32>
    %mul3A_45 = arith.muli %get3A_42, %mul3A_44 : vector<16xi32>
    %get3A_46 = arith.constant 16 : index
    %get3A_47 = tpu.vector_load %arg11[%get3A_46] {strides = array<i32>} : memref<256xi32, #tpu.memory_space<vmem>>, vector<16xi32>,
    %get3A_48 = vector.shape_cast %get3A_47 : vector<16xi32> to vector<16xi32>
    %add3A_49 = arith.addi %mul3A_45, %get3A_48 : vector<16xi32>
    %swap3A_50 = arith.constant 16 : index
    %swap3A_51 = tpu.vector_load %arg10[%swap3A_50] {strides = array<i32>} : memref<272xi32, #tpu.memory_space<vmem>>, vector<16xi32>,
    %swap3A_52 = vector.shape_cast %swap3A_51 : vector<16xi32> to vector<16xi32>
    %swap3A_53 = vector.shape_cast %add3A_49 : vector<16xi32> to vector<16xi32>
    tpu.vector_store %arg10[%swap3A_50], %swap3A_53 {strides = array<i32>} : memref<272xi32, #tpu.memory_space<vmem>>, vector<16xi32>,
    %get3A_54 = arith.constant 32 : index
    %get3A_55 = tpu.vector_load %arg10[%get3A_54] {strides = array<i32>} : memref<272xi32, #tpu.memory_space<vmem>>, vector<16xi32>,
    %get3A_56 = vector.shape_cast %get3A_55 : vector<16xi32> to vector<16xi32>
    %mul3A_57 = arith.constant 3 : i32
    %mul3A_58 = vector.broadcast %mul3A_57 : i32 to vector<16xi32>
    %mul3A_59 = arith.muli %get3A_56, %mul3A_58 : vector<16xi32>
    %get3A_60 = arith.constant 32 : index
    %get3A_61 = tpu.vector_load %arg11[%get3A_60] {strides = array<i32>} : memref<256xi32, #tpu.memory_space<vmem>>, vector<16xi32>,
    %get3A_62 = vector.shape_cast %get3A_61 : vector<16xi32> to vector<16xi32>
    %add3A_63 = arith.addi %mul3A_59, %get3A_62 : vector<16xi32>
    %swap3A_64 = arith.constant 32 : index
    %swap3A_65 = tpu.vector_load %arg10[%swap3A_64] {strides = array<i32>} : memref<272xi32, #tpu.memory_space<vmem>>, vector<16xi32>,
    %swap3A_66 = vector.shape_cast %swap3A_65 : vector<16xi32> to vector<16xi32>
    %swap3A_67 = vector.shape_cast %add3A_63 : vector<16xi32> to vector<16xi32>
    tpu.vector_store %arg10[%swap3A_64], %swap3A_67 {strides = array<i32>} : memref<272xi32, #tpu.memory_space<vmem>>, vector<16xi32>,
    %get3A_68 = arith.constant 48 : index
    %get3A_69 = tpu.vector_load %arg10[%get3A_68] {strides = array<i32>} : memref<272xi32, #tpu.memory_space<vmem>>, vector<16xi32>,
    %get3A_70 = vector.shape_cast %get3A_69 : vector<16xi32> to vector<16xi32>
    %mul3A_71 = arith.constant 3 : i32
    %mul3A_72 = vector.broadcast %mul3A_71 : i32 to vector<16xi32>
    %mul3A_73 = arith.muli %get3A_70, %mul3A_72 : vector<16xi32>
    %get3A_74 = arith.constant 48 : index
    %get3A_75 = tpu.vector_load %arg11[%get3A_74] {strides = array<i32>} : memref<256xi32, #tpu.memory_space<vmem>>, vector<16xi32>,
    %get3A_76 = vector.shape_cast %get3A_75 : vector<16xi32> to vector<16xi32>
    %add3A_77 = arith.addi %mul3A_73, %get3A_76 : vector<16xi32>
    %swap3A_78 = arith.constant 48 : index
    %swap3A_79 = tpu.vector_load %arg10[%swap3A_78] {strides = array<i32>} : memref<272xi32, #tpu.memory_space<vmem>>, vector<16xi32>,
    %swap3A_80 = vector.shape_cast %swap3A_79 : vector<16xi32> to vector<16xi32>
    %swap3A_81 = vector.shape_cast %add3A_77 : vector<16xi32> to vector<16xi32>
    tpu.vector_store %arg10[%swap3A_78], %swap3A_81 {strides = array<i32>} : memref<272xi32, #tpu.memory_space<vmem>>, vector<16xi32>,
    %get3A_82 = arith.constant 64 : index
    %get3A_83 = tpu.vector_load %arg10[%get3A_82] {strides = array<i32>} : memref<272xi32, #tpu.memory_space<vmem>>, vector<16xi32>,
    %get3A_84 = vector.shape_cast %get3A_83 : vector<16xi32> to vector<16xi32>
    %mul3A_85 = arith.constant 3 : i32
    %mul3A_86 = vector.broadcast %mul3A_85 : i32 to vector<16xi32>
    %mul3A_87 = arith.muli %get3A_84, %mul3A_86 : vector<16xi32>
    %get3A_88 = arith.constant 64 : index
    %get3A_89 = tpu.vector_load %arg11[%get3A_88] {strides = array<i32>} : memref<256xi32, #tpu.memory_space<vmem>>, vector<16xi32>,
    %get3A_90 = vector.shape_cast %get3A_89 : vector<16xi32> to vector<16xi32>
    %add3A_91 = arith.addi %mul3A_87, %get3A_90 : vector<16xi32>
    %swap3A_92 = arith.constant 64 : index
    %swap3A_93 = tpu.vector_load %arg10[%swap3A_92] {strides = array<i32>} : memref<272xi32, #tpu.memory_space<vmem>>, vector<16xi32>,
    %swap3A_94 = vector.shape_cast %swap3A_93 : vector<16xi32> to vector<16xi32>
    %swap3A_95 = vector.shape_cast %add3A_91 : vector<16xi32> to vector<16xi32>
    tpu.vector_store %arg10[%swap3A_92], %swap3A_95 {strides = array<i32>} : memref<272xi32, #tpu.memory_space<vmem>>, vector<16xi32>,
    %get3A_96 = arith.constant 80 : index
    %get3A_97 = tpu.vector_load %arg10[%get3A_96] {strides = array<i32>} : memref<272xi32, #tpu.memory_space<vmem>>, vector<16xi32>,
    %get3A_98 = vector.shape_cast %get3A_97 : vector<16xi32> to vector<16xi32>
    %mul3A_99 = arith.constant 3 : i32
    %mul3A_100 = vector.broadcast %mul3A_99 : i32 to vector<16xi32>
    %mul3A_101 = arith.muli %get3A_98, %mul3A_100 : vector<16xi32>
    %get3A_102 = arith.constant 80 : index
    %get3A_103 = tpu.vector_load %arg11[%get3A_102] {strides = array<i32>} : memref<256xi32, #tpu.memory_space<vmem>>, vector<16xi32>,
    %get3A_104 = vector.shape_cast %get3A_103 : vector<16xi32> to vector<16xi32>
    %add3A_105 = arith.addi %mul3A_101, %get3A_104 : vector<16xi32>
    %swap3A_106 = arith.constant 80 : index
    %swap3A_107 = tpu.vector_load %arg10[%swap3A_106] {strides = array<i32>} : memref<272xi32, #tpu.memory_space<vmem>>, vector<16xi32>,
    %swap3A_108 = vector.shape_cast %swap3A_107 : vector<16xi32> to vector<16xi32>
    %swap3A_109 = vector.shape_cast %add3A_105 : vector<16xi32> to vector<16xi32>
    tpu.vector_store %arg10[%swap3A_106], %swap3A_109 {strides = array<i32>} : memref<272xi32, #tpu.memory_space<vmem>>, vector<16xi32>,
    %get3A_110 = arith.constant 96 : index
    %get3A_111 = tpu.vector_load %arg10[%get3A_110] {strides = array<i32>} : memref<272xi32, #tpu.memory_space<vmem>>, vector<16xi32>,
    %get3A_112 = vector.shape_cast %get3A_111 : vector<16xi32> to vector<16xi32>
    %mul3A_113 = arith.constant 3 : i32
    %mul3A_114 = vector.broadcast %mul3A_113 : i32 to vector<16xi32>
    %mul3A_115 = arith.muli %get3A_112, %mul3A_114 : vector<16xi32>
    %get3A_116 = arith.constant 96 : index
    %get3A_117 = tpu.vector_load %arg11[%get3A_116] {strides = array<i32>} : memref<256xi32, #tpu.memory_space<vmem>>, vector<16xi32>,
    %get3A_118 = vector.shape_cast %get3A_117 : vector<16xi32> to vector<16xi32>
    %add3A_119 = arith.addi %mul3A_115, %get3A_118 : vector<16xi32>
    %swap3A_120 = arith.constant 96 : index
    %swap3A_121 = tpu.vector_load %arg10[%swap3A_120] {strides = array<i32>} : memref<272xi32, #tpu.memory_space<vmem>>, vector<16xi32>,
    %swap3A_122 = vector.shape_cast %swap3A_121 : vector<16xi32> to vector<16xi32>
    %swap3A_123 = vector.shape_cast %add3A_119 : vector<16xi32> to vector<16xi32>
    tpu.vector_store %arg10[%swap3A_120], %swap3A_123 {strides = array<i32>} : memref<272xi32, #tpu.memory_space<vmem>>, vector<16xi32>,
    %get3A_124 = arith.constant 112 : index
    %get3A_125 = tpu.vector_load %arg10[%get3A_124] {strides = array<i32>} : memref<272xi32, #tpu.memory_space<vmem>>, vector<16xi32>,
    %get3A_126 = vector.shape_cast %get3A_125 : vector<16xi32> to vector<16xi32>
    %mul3A_127 = arith.constant 3 : i32
    %mul3A_128 = vector.broadcast %mul3A_127 : i32 to vector<16xi32>
    %mul3A_129 = arith.muli %get3A_126, %mul3A_128 : vector<16xi32>
    %get3A_130 = arith.constant 112 : index
    %get3A_131 = tpu.vector_load %arg11[%get3A_130] {strides = array<i32>} : memref<256xi32, #tpu.memory_space<vmem>>, vector<16xi32>,
    %get3A_132 = vector.shape_cast %get3A_131 : vector<16xi32> to vector<16xi32>
    %add3A_133 = arith.addi %mul3A_129, %get3A_132 : vector<16xi32>
    %swap3A_134 = arith.constant 112 : index
    %swap3A_135 = tpu.vector_load %arg10[%swap3A_134] {strides = array<i32>} : memref<272xi32, #tpu.memory_space<vmem>>, vector<16xi32>,
    %swap3A_136 = vector.shape_cast %swap3A_135 : vector<16xi32> to vector<16xi32>
    %swap3A_137 = vector.shape_cast %add3A_133 : vector<16xi32> to vector<16xi32>
    tpu.vector_store %arg10[%swap3A_134], %swap3A_137 {strides = array<i32>} : memref<272xi32, #tpu.memory_space<vmem>>, vector<16xi32>,
    %get3A_138 = arith.constant 128 : index
    %get3A_139 = tpu.vector_load %arg10[%get3A_138] {strides = array<i32>} : memref<272xi32, #tpu.memory_space<vmem>>, vector<16xi32>,
    %get3A_140 = vector.shape_cast %get3A_139 : vector<16xi32> to vector<16xi32>
    %mul3A_141 = arith.constant 3 : i32
    %mul3A_142 = vector.broadcast %mul3A_141 : i32 to vector<16xi32>
    %mul3A_143 = arith.muli %get3A_140, %mul3A_142 : vector<16xi32>
    %get3A_144 = arith.constant 128 : index
    %get3A_145 = tpu.vector_load %arg11[%get3A_144] {strides = array<i32>} : memref<256xi32, #tpu.memory_space<vmem>>, vector<16xi32>,
    %get3A_146 = vector.shape_cast %get3A_145 : vector<16xi32> to vector<16xi32>
    %add3A_147 = arith.addi %mul3A_143, %get3A_146 : vector<16xi32>
    %swap3A_148 = arith.constant 128 : index
    %swap3A_149 = tpu.vector_load %arg10[%swap3A_148] {strides = array<i32>} : memref<272xi32, #tpu.memory_space<vmem>>, vector<16xi32>,
    %swap3A_150 = vector.shape_cast %swap3A_149 : vector<16xi32> to vector<16xi32>
    %swap3A_151 = vector.shape_cast %add3A_147 : vector<16xi32> to vector<16xi32>
    tpu.vector_store %arg10[%swap3A_148], %swap3A_151 {strides = array<i32>} : memref<272xi32, #tpu.memory_space<vmem>>, vector<16xi32>,
    %get3A_152 = arith.constant 144 : index
    %get3A_153 = tpu.vector_load %arg10[%get3A_152] {strides = array<i32>} : memref<272xi32, #tpu.memory_space<vmem>>, vector<16xi32>,
    %get3A_154 = vector.shape_cast %get3A_153 : vector<16xi32> to vector<16xi32>
    %mul3A_155 = arith.constant 3 : i32
    %mul3A_156 = vector.broadcast %mul3A_155 : i32 to vector<16xi32>
    %mul3A_157 = arith.muli %get3A_154, %mul3A_156 : vector<16xi32>
    %get3A_158 = arith.constant 144 : index
    %get3A_159 = tpu.vector_load %arg11[%get3A_158] {strides = array<i32>} : memref<256xi32, #tpu.memory_space<vmem>>, vector<16xi32>,
    %get3A_160 = vector.shape_cast %get3A_159 : vector<16xi32> to vector<16xi32>
    %add3A_161 = arith.addi %mul3A_157, %get3A_160 : vector<16xi32>
    %swap3A_162 = arith.constant 144 : index
    %swap3A_163 = tpu.vector_load %arg10[%swap3A_162] {strides = array<i32>} : memref<272xi32, #tpu.memory_space<vmem>>, vector<16xi32>,
    %swap3A_164 = vector.shape_cast %swap3A_163 : vector<16xi32> to vector<16xi32>
    %swap3A_165 = vector.shape_cast %add3A_161 : vector<16xi32> to vector<16xi32>
    tpu.vector_store %arg10[%swap3A_162], %swap3A_165 {strides = array<i32>} : memref<272xi32, #tpu.memory_space<vmem>>, vector<16xi32>,
    %get3A_166 = arith.constant 160 : index
    %get3A_167 = tpu.vector_load %arg10[%get3A_166] {strides = array<i32>} : memref<272xi32, #tpu.memory_space<vmem>>, vector<16xi32>,
    %get3A_168 = vector.shape_cast %get3A_167 : vector<16xi32> to vector<16xi32>
    %mul3A_169 = arith.constant 3 : i32
    %mul3A_170 = vector.broadcast %mul3A_169 : i32 to vector<16xi32>
    %mul3A_171 = arith.muli %get3A_168, %mul3A_170 : vector<16xi32>
    %get3A_172 = arith.constant 160 : index
    %get3A_173 = tpu.vector_load %arg11[%get3A_172] {strides = array<i32>} : memref<256xi32, #tpu.memory_space<vmem>>, vector<16xi32>,
    %get3A_174 = vector.shape_cast %get3A_173 : vector<16xi32> to vector<16xi32>
    %add3A_175 = arith.addi %mul3A_171, %get3A_174 : vector<16xi32>
    %swap3A_176 = arith.constant 160 : index
    %swap3A_177 = tpu.vector_load %arg10[%swap3A_176] {strides = array<i32>} : memref<272xi32, #tpu.memory_space<vmem>>, vector<16xi32>,
    %swap3A_178 = vector.shape_cast %swap3A_177 : vector<16xi32> to vector<16xi32>
    %swap3A_179 = vector.shape_cast %add3A_175 : vector<16xi32> to vector<16xi32>
    tpu.vector_store %arg10[%swap3A_176], %swap3A_179 {strides = array<i32>} : memref<272xi32, #tpu.memory_space<vmem>>, vector<16xi32>,
    %get3A_180 = arith.constant 176 : index
    %get3A_181 = tpu.vector_load %arg10[%get3A_180] {strides = array<i32>} : memref<272xi32, #tpu.memory_space<vmem>>, vector<16xi32>,
    %get3A_182 = vector.shape_cast %get3A_181 : vector<16xi32> to vector<16xi32>
    %mul3A_183 = arith.constant 3 : i32
    %mul3A_184 = vector.broadcast %mul3A_183 : i32 to vector<16xi32>
    %mul3A_185 = arith.muli %get3A_182, %mul3A_184 : vector<16xi32>
    %get3A_186 = arith.constant 176 : index
    %get3A_187 = tpu.vector_load %arg11[%get3A_186] {strides = array<i32>} : memref<256xi32, #tpu.memory_space<vmem>>, vector<16xi32>,
    %get3A_188 = vector.shape_cast %get3A_187 : vector<16xi32> to vector<16xi32>
    %add3A_189 = arith.addi %mul3A_185, %get3A_188 : vector<16xi32>
    %swap3A_190 = arith.constant 176 : index
    %swap3A_191 = tpu.vector_load %arg10[%swap3A_190] {strides = array<i32>} : memref<272xi32, #tpu.memory_space<vmem>>, vector<16xi32>,
    %swap3A_192 = vector.shape_cast %swap3A_191 : vector<16xi32> to vector<16xi32>
    %swap3A_193 = vector.shape_cast %add3A_189 : vector<16xi32> to vector<16xi32>
    tpu.vector_store %arg10[%swap3A_190], %swap3A_193 {strides = array<i32>} : memref<272xi32, #tpu.memory_space<vmem>>, vector<16xi32>,
    %get3A_194 = arith.constant 192 : index
    %get3A_195 = tpu.vector_load %arg10[%get3A_194] {strides = array<i32>} : memref<272xi32, #tpu.memory_space<vmem>>, vector<16xi32>,
    %get3A_196 = vector.shape_cast %get3A_195 : vector<16xi32> to vector<16xi32>
    %mul3A_197 = arith.constant 3 : i32
    %mul3A_198 = vector.broadcast %mul3A_197 : i32 to vector<16xi32>
    %mul3A_199 = arith.muli %get3A_196, %mul3A_198 : vector<16xi32>
    %get3A_200 = arith.constant 192 : index
    %get3A_201 = tpu.vector_load %arg11[%get3A_200] {strides = array<i32>} : memref<256xi32, #tpu.memory_space<vmem>>, vector<16xi32>,
    %get3A_202 = vector.shape_cast %get3A_201 : vector<16xi32> to vector<16xi32>
    %add3A_203 = arith.addi %mul3A_199, %get3A_202 : vector<16xi32>
    %swap3A_204 = arith.constant 192 : index
    %swap3A_205 = tpu.vector_load %arg10[%swap3A_204] {strides = array<i32>} : memref<272xi32, #tpu.memory_space<vmem>>, vector<16xi32>,
    %swap3A_206 = vector.shape_cast %swap3A_205 : vector<16xi32> to vector<16xi32>
    %swap3A_207 = vector.shape_cast %add3A_203 : vector<16xi32> to vector<16xi32>
    tpu.vector_store %arg10[%swap3A_204], %swap3A_207 {strides = array<i32>} : memref<272xi32, #tpu.memory_space<vmem>>, vector<16xi32>,
    %get3A_208 = arith.constant 208 : index
    %get3A_209 = tpu.vector_load %arg10[%get3A_208] {strides = array<i32>} : memref<272xi32, #tpu.memory_space<vmem>>, vector<16xi32>,
    %get3A_210 = vector.shape_cast %get3A_209 : vector<16xi32> to vector<16xi32>
    %mul3A_211 = arith.constant 3 : i32
    %mul3A_212 = vector.broadcast %mul3A_211 : i32 to vector<16xi32>
    %mul3A_213 = arith.muli %get3A_210, %mul3A_212 : vector<16xi32>
    %get3A_214 = arith.constant 208 : index
    %get3A_215 = tpu.vector_load %arg11[%get3A_214] {strides = array<i32>} : memref<256xi32, #tpu.memory_space<vmem>>, vector<16xi32>,
    %get3A_216 = vector.shape_cast %get3A_215 : vector<16xi32> to vector<16xi32>
    %add3A_217 = arith.addi %mul3A_213, %get3A_216 : vector<16xi32>
    %swap3A_218 = arith.constant 208 : index
    %swap3A_219 = tpu.vector_load %arg10[%swap3A_218] {strides = array<i32>} : memref<272xi32, #tpu.memory_space<vmem>>, vector<16xi32>,
    %swap3A_220 = vector.shape_cast %swap3A_219 : vector<16xi32> to vector<16xi32>
    %swap3A_221 = vector.shape_cast %add3A_217 : vector<16xi32> to vector<16xi32>
    tpu.vector_store %arg10[%swap3A_218], %swap3A_221 {strides = array<i32>} : memref<272xi32, #tpu.memory_space<vmem>>, vector<16xi32>,
    %get3A_222 = arith.constant 224 : index
    %get3A_223 = tpu.vector_load %arg10[%get3A_222] {strides = array<i32>} : memref<272xi32, #tpu.memory_space<vmem>>, vector<16xi32>,
    %get3A_224 = vector.shape_cast %get3A_223 : vector<16xi32> to vector<16xi32>
    %mul3A_225 = arith.constant 3 : i32
    %mul3A_226 = vector.broadcast %mul3A_225 : i32 to vector<16xi32>
    %mul3A_227 = arith.muli %get3A_224, %mul3A_226 : vector<16xi32>
    %get3A_228 = arith.constant 224 : index
    %get3A_229 = tpu.vector_load %arg11[%get3A_228] {strides = array<i32>} : memref<256xi32, #tpu.memory_space<vmem>>, vector<16xi32>,
    %get3A_230 = vector.shape_cast %get3A_229 : vector<16xi32> to vector<16xi32>
    %add3A_231 = arith.addi %mul3A_227, %get3A_230 : vector<16xi32>
    %swap3A_232 = arith.constant 224 : index
    %swap3A_233 = tpu.vector_load %arg10[%swap3A_232] {strides = array<i32>} : memref<272xi32, #tpu.memory_space<vmem>>, vector<16xi32>,
    %swap3A_234 = vector.shape_cast %swap3A_233 : vector<16xi32> to vector<16xi32>
    %swap3A_235 = vector.shape_cast %add3A_231 : vector<16xi32> to vector<16xi32>
    tpu.vector_store %arg10[%swap3A_232], %swap3A_235 {strides = array<i32>} : memref<272xi32, #tpu.memory_space<vmem>>, vector<16xi32>,
    %get3A_236 = arith.constant 240 : index
    %get3A_237 = tpu.vector_load %arg10[%get3A_236] {strides = array<i32>} : memref<272xi32, #tpu.memory_space<vmem>>, vector<16xi32>,
    %get3A_238 = vector.shape_cast %get3A_237 : vector<16xi32> to vector<16xi32>
    %mul3A_239 = arith.constant 3 : i32
    %mul3A_240 = vector.broadcast %mul3A_239 : i32 to vector<16xi32>
    %mul3A_241 = arith.muli %get3A_238, %mul3A_240 : vector<16xi32>
    %get3A_242 = arith.constant 240 : index
    %get3A_243 = tpu.vector_load %arg11[%get3A_242] {strides = array<i32>} : memref<256xi32, #tpu.memory_space<vmem>>, vector<16xi32>,
    %get3A_244 = vector.shape_cast %get3A_243 : vector<16xi32> to vector<16xi32>
    %add3A_245 = arith.addi %mul3A_241, %get3A_244 : vector<16xi32>
    %swap3A_246 = arith.constant 240 : index
    %swap3A_247 = tpu.vector_load %arg10[%swap3A_246] {strides = array<i32>} : memref<272xi32, #tpu.memory_space<vmem>>, vector<16xi32>,
    %swap3A_248 = vector.shape_cast %swap3A_247 : vector<16xi32> to vector<16xi32>
    %swap3A_249 = vector.shape_cast %add3A_245 : vector<16xi32> to vector<16xi32>
    tpu.vector_store %arg10[%swap3A_246], %swap3A_249 {strides = array<i32>} : memref<272xi32, #tpu.memory_space<vmem>>, vector<16xi32>,
    %dma_start3A_250 = arith.constant 128 : i32
    %dma_start3A_251 = tpu.memref_slice %arg9[%dma_start3A_250] : memref<256xi32, #tpu.memory_space<vmem>> -> memref<64xi32, #tpu.memory_space<vmem>>
    %dma_start3A_252 = arith.constant 0 : i32
    %dma_start3A_253 = arith.constant 0 : i32
    %dma_start3A_254 = tpu.memref_slice %arg5[%dma_start3A_252, %dma_start3A_253] : memref<32128x512xf32, #tpu.memory_space<hbm>> -> memref<32128x512xf32, #tpu.memory_space<hbm>>
    tpu.enqueue_indirect_dma source(%dma_start3A_254 : memref<32128x512xf32, #tpu.memory_space<hbm>>) target(%arg17 : memref<64x512xf32, #tpu.memory_space<vmem>>) offsets(%dma_start3A_251 : memref<64xi32, #tpu.memory_space<vmem>>) semaphore(%arg20 : memref<!tpu.dma_semaphore, #tpu.memory_space<semaphore_mem>>)
    %dma_wait3A_255 = arith.constant 0 : i32
    %dma_wait3A_256 = tpu.memref_slice %arg9[%dma_wait3A_255] : memref<256xi32, #tpu.memory_space<vmem>> -> memref<64xi32, #tpu.memory_space<vmem>>
    %dma_wait3A_257 = arith.constant 0 : i32
    %dma_wait3A_258 = arith.constant 0 : i32
    %dma_wait3A_259 = tpu.memref_slice %arg5[%dma_wait3A_257, %dma_wait3A_258] : memref<32128x512xf32, #tpu.memory_space<hbm>> -> memref<32128x512xf32, #tpu.memory_space<hbm>>
    tpu.wait_indirect_dma semaphore(%arg18 : memref<!tpu.dma_semaphore, #tpu.memory_space<semaphore_mem>>) src(%dma_wait3A_259 : memref<32128x512xf32, #tpu.memory_space<hbm>>) dst(%arg15 : memref<64x512xf32, #tpu.memory_space<vmem>>)
    %parallel_loop3A = arith.constant 0 : i32
    %parallel_loop3A_260 = arith.constant 64 : i32
    %parallel_loop3A_261 = arith.constant 1 : i32
    scf.for %parallel_loop3A_331 = %parallel_loop3A to %parallel_loop3A_260 step %parallel_loop3A_261  : i32 {
      %parallel_loop3A_332 = arith.constant 0 : i32
      %parallel_loop3A_333 = arith.addi %parallel_loop3A_332, %parallel_loop3A_331 : i32
      %parallel_loop3A_334 = arith.index_cast %parallel_loop3A_333 : i32 to index
      %parallel_loop3A_335 = tpu.vector_load %arg10[%parallel_loop3A_334] {strides = array<i32>} : memref<272xi32, #tpu.memory_space<vmem>>, vector<16xi32>,
      %parallel_loop3A_336 = vector.shape_cast %parallel_loop3A_335 : vector<16xi32> to vector<16xi32>
      %parallel_loop3A_337 = vector.extract_strided_slice %parallel_loop3A_336 {offsets = [0], sizes = [1], strides = [1]} : vector<16xi32> to vector<1xi32>
      %parallel_loop3A_338 = vector.extract %parallel_loop3A_337[0] : i32 from vector<1xi32>
      %parallel_loop3A_339 = arith.index_cast %parallel_loop3A_338 : i32 to index
      %parallel_loop3A_340 = arith.constant 0 : index
      %parallel_loop3A_341 = tpu.vector_load %arg14[%parallel_loop3A_339, %parallel_loop3A_340] {strides = array<i32>} : memref<9x512xf32, #tpu.memory_space<vmem>>, vector<1x16xf32>,
      %parallel_loop3A_342 = vector.shape_cast %parallel_loop3A_341 : vector<1x16xf32> to vector<16xf32>
      %parallel_loop3A_343 = arith.index_cast %parallel_loop3A_331 : i32 to index
      %parallel_loop3A_344 = arith.constant 0 : index
      %parallel_loop3A_345 = tpu.vector_load %arg15[%parallel_loop3A_343, %parallel_loop3A_344] {strides = array<i32>} : memref<64x512xf32, #tpu.memory_space<vmem>>, vector<1x16xf32>,
      %parallel_loop3A_346 = vector.shape_cast %parallel_loop3A_345 : vector<1x16xf32> to vector<16xf32>
      %parallel_loop3A_347 = vector.shape_cast %parallel_loop3A_342 : vector<16xf32> to vector<1x16xf32>
      tpu.vector_store %arg15[%parallel_loop3A_343, %parallel_loop3A_344], %parallel_loop3A_347 {add = true, strides = array<i32>} : memref<64x512xf32, #tpu.memory_space<vmem>>, vector<1x16xf32>,
      %parallel_loop3A_348 = arith.index_cast %parallel_loop3A_338 : i32 to index
      %parallel_loop3A_349 = arith.constant 16 : index
      %parallel_loop3A_350 = tpu.vector_load %arg14[%parallel_loop3A_348, %parallel_loop3A_349] {strides = array<i32>} : memref<9x512xf32, #tpu.memory_space<vmem>>, vector<1x16xf32>,
      %parallel_loop3A_351 = vector.shape_cast %parallel_loop3A_350 : vector<1x16xf32> to vector<16xf32>
      %parallel_loop3A_352 = arith.index_cast %parallel_loop3A_331 : i32 to index
      %parallel_loop3A_353 = arith.constant 16 : index
      %parallel_loop3A_354 = tpu.vector_load %arg15[%parallel_loop3A_352, %parallel_loop3A_353] {strides = array<i32>} : memref<64x512xf32, #tpu.memory_space<vmem>>, vector<1x16xf32>,
      %parallel_loop3A_355 = vector.shape_cast %parallel_loop3A_354 : vector<1x16xf32> to vector<16xf32>
      %parallel_loop3A_356 = vector.shape_cast %parallel_loop3A_351 : vector<16xf32> to vector<1x16xf32>
      tpu.vector_store %arg15[%parallel_loop3A_352, %parallel_loop3A_353], %parallel_loop3A_356 {add = true, strides = array<i32>} : memref<64x512xf32, #tpu.memory_space<vmem>>, vector<1x16xf32>,
      %parallel_loop3A_357 = arith.index_cast %parallel_loop3A_338 : i32 to index
      %parallel_loop3A_358 = arith.constant 32 : index
      %parallel_loop3A_359 = tpu.vector_load %arg14[%parallel_loop3A_357, %parallel_loop3A_358] {strides = array<i32>} : memref<9x512xf32, #tpu.memory_space<vmem>>, vector<1x16xf32>,
      %parallel_loop3A_360 = vector.shape_cast %parallel_loop3A_359 : vector<1x16xf32> to vector<16xf32>
      %parallel_loop3A_361 = arith.index_cast %parallel_loop3A_331 : i32 to index
      %parallel_loop3A_362 = arith.constant 32 : index
      %parallel_loop3A_363 = tpu.vector_load %arg15[%parallel_loop3A_361, %parallel_loop3A_362] {strides = array<i32>} : memref<64x512xf32, #tpu.memory_space<vmem>>, vector<1x16xf32>,
      %parallel_loop3A_364 = vector.shape_cast %parallel_loop3A_363 : vector<1x16xf32> to vector<16xf32>
      %parallel_loop3A_365 = vector.shape_cast %parallel_loop3A_360 : vector<16xf32> to vector<1x16xf32>
      tpu.vector_store %arg15[%parallel_loop3A_361, %parallel_loop3A_362], %parallel_loop3A_365 {add = true, strides = array<i32>} : memref<64x512xf32, #tpu.memory_space<vmem>>, vector<1x16xf32>,
      %parallel_loop3A_366 = arith.index_cast %parallel_loop3A_338 : i32 to index
      %parallel_loop3A_367 = arith.constant 48 : index
      %parallel_loop3A_368 = tpu.vector_load %arg14[%parallel_loop3A_366, %parallel_loop3A_367] {strides = array<i32>} : memref<9x512xf32, #tpu.memory_space<vmem>>, vector<1x16xf32>,
      %parallel_loop3A_369 = vector.shape_cast %parallel_loop3A_368 : vector<1x16xf32> to vector<16xf32>
      %parallel_loop3A_370 = arith.index_cast %parallel_loop3A_331 : i32 to index
      %parallel_loop3A_371 = arith.constant 48 : index
      %parallel_loop3A_372 = tpu.vector_load %arg15[%parallel_loop3A_370, %parallel_loop3A_371] {strides = array<i32>} : memref<64x512xf32, #tpu.memory_space<vmem>>, vector<1x16xf32>,
      %parallel_loop3A_373 = vector.shape_cast %parallel_loop3A_372 : vector<1x16xf32> to vector<16xf32>
      %parallel_loop3A_374 = vector.shape_cast %parallel_loop3A_369 : vector<16xf32> to vector<1x16xf32>
      tpu.vector_store %arg15[%parallel_loop3A_370, %parallel_loop3A_371], %parallel_loop3A_374 {add = true, strides = array<i32>} : memref<64x512xf32, #tpu.memory_space<vmem>>, vector<1x16xf32>,
      %parallel_loop3A_375 = arith.index_cast %parallel_loop3A_338 : i32 to index
      %parallel_loop3A_376 = arith.constant 64 : index
      %parallel_loop3A_377 = tpu.vector_load %arg14[%parallel_loop3A_375, %parallel_loop3A_376] {strides = array<i32>} : memref<9x512xf32, #tpu.memory_space<vmem>>, vector<1x16xf32>,
      %parallel_loop3A_378 = vector.shape_cast %parallel_loop3A_377 : vector<1x16xf32> to vector<16xf32>
      %parallel_loop3A_379 = arith.index_cast %parallel_loop3A_331 : i32 to index
      %parallel_loop3A_380 = arith.constant 64 : index
      %parallel_loop3A_381 = tpu.vector_load %arg15[%parallel_loop3A_379, %parallel_loop3A_380] {strides = array<i32>} : memref<64x512xf32, #tpu.memory_space<vmem>>, vector<1x16xf32>,
      %parallel_loop3A_382 = vector.shape_cast %parallel_loop3A_381 : vector<1x16xf32> to vector<16xf32>
      %parallel_loop3A_383 = vector.shape_cast %parallel_loop3A_378 : vector<16xf32> to vector<1x16xf32>
      tpu.vector_store %arg15[%parallel_loop3A_379, %parallel_loop3A_380], %parallel_loop3A_383 {add = true, strides = array<i32>} : memref<64x512xf32, #tpu.memory_space<vmem>>, vector<1x16xf32>,
      %parallel_loop3A_384 = arith.index_cast %parallel_loop3A_338 : i32 to index
      %parallel_loop3A_385 = arith.constant 80 : index
      %parallel_loop3A_386 = tpu.vector_load %arg14[%parallel_loop3A_384, %parallel_loop3A_385] {strides = array<i32>} : memref<9x512xf32, #tpu.memory_space<vmem>>, vector<1x16xf32>,
      %parallel_loop3A_387 = vector.shape_cast %parallel_loop3A_386 : vector<1x16xf32> to vector<16xf32>
      %parallel_loop3A_388 = arith.index_cast %parallel_loop3A_331 : i32 to index
      %parallel_loop3A_389 = arith.constant 80 : index
      %parallel_loop3A_390 = tpu.vector_load %arg15[%parallel_loop3A_388, %parallel_loop3A_389] {strides = array<i32>} : memref<64x512xf32, #tpu.memory_space<vmem>>, vector<1x16xf32>,
      %parallel_loop3A_391 = vector.shape_cast %parallel_loop3A_390 : vector<1x16xf32> to vector<16xf32>
      %parallel_loop3A_392 = vector.shape_cast %parallel_loop3A_387 : vector<16xf32> to vector<1x16xf32>
      tpu.vector_store %arg15[%parallel_loop3A_388, %parallel_loop3A_389], %parallel_loop3A_392 {add = true, strides = array<i32>} : memref<64x512xf32, #tpu.memory_space<vmem>>, vector<1x16xf32>,
      %parallel_loop3A_393 = arith.index_cast %parallel_loop3A_338 : i32 to index
      %parallel_loop3A_394 = arith.constant 96 : index
      %parallel_loop3A_395 = tpu.vector_load %arg14[%parallel_loop3A_393, %parallel_loop3A_394] {strides = array<i32>} : memref<9x512xf32, #tpu.memory_space<vmem>>, vector<1x16xf32>,
      %parallel_loop3A_396 = vector.shape_cast %parallel_loop3A_395 : vector<1x16xf32> to vector<16xf32>
      %parallel_loop3A_397 = arith.index_cast %parallel_loop3A_331 : i32 to index
      %parallel_loop3A_398 = arith.constant 96 : index
      %parallel_loop3A_399 = tpu.vector_load %arg15[%parallel_loop3A_397, %parallel_loop3A_398] {strides = array<i32>} : memref<64x512xf32, #tpu.memory_space<vmem>>, vector<1x16xf32>,
      %parallel_loop3A_400 = vector.shape_cast %parallel_loop3A_399 : vector<1x16xf32> to vector<16xf32>
      %parallel_loop3A_401 = vector.shape_cast %parallel_loop3A_396 : vector<16xf32> to vector<1x16xf32>
      tpu.vector_store %arg15[%parallel_loop3A_397, %parallel_loop3A_398], %parallel_loop3A_401 {add = true, strides = array<i32>} : memref<64x512xf32, #tpu.memory_space<vmem>>, vector<1x16xf32>,
      %parallel_loop3A_402 = arith.index_cast %parallel_loop3A_338 : i32 to index
      %parallel_loop3A_403 = arith.constant 112 : index
      %parallel_loop3A_404 = tpu.vector_load %arg14[%parallel_loop3A_402, %parallel_loop3A_403] {strides = array<i32>} : memref<9x512xf32, #tpu.memory_space<vmem>>, vector<1x16xf32>,
      %parallel_loop3A_405 = vector.shape_cast %parallel_loop3A_404 : vector<1x16xf32> to vector<16xf32>
      %parallel_loop3A_406 = arith.index_cast %parallel_loop3A_331 : i32 to index
      %parallel_loop3A_407 = arith.constant 112 : index
      %parallel_loop3A_408 = tpu.vector_load %arg15[%parallel_loop3A_406, %parallel_loop3A_407] {strides = array<i32>} : memref<64x512xf32, #tpu.memory_space<vmem>>, vector<1x16xf32>,
      %parallel_loop3A_409 = vector.shape_cast %parallel_loop3A_408 : vector<1x16xf32> to vector<16xf32>
      %parallel_loop3A_410 = vector.shape_cast %parallel_loop3A_405 : vector<16xf32> to vector<1x16xf32>
      tpu.vector_store %arg15[%parallel_loop3A_406, %parallel_loop3A_407], %parallel_loop3A_410 {add = true, strides = array<i32>} : memref<64x512xf32, #tpu.memory_space<vmem>>, vector<1x16xf32>,
      %parallel_loop3A_411 = arith.index_cast %parallel_loop3A_338 : i32 to index
      %parallel_loop3A_412 = arith.constant 128 : index
      %parallel_loop3A_413 = tpu.vector_load %arg14[%parallel_loop3A_411, %parallel_loop3A_412] {strides = array<i32>} : memref<9x512xf32, #tpu.memory_space<vmem>>, vector<1x16xf32>,
      %parallel_loop3A_414 = vector.shape_cast %parallel_loop3A_413 : vector<1x16xf32> to vector<16xf32>
      %parallel_loop3A_415 = arith.index_cast %parallel_loop3A_331 : i32 to index
      %parallel_loop3A_416 = arith.constant 128 : index
      %parallel_loop3A_417 = tpu.vector_load %arg15[%parallel_loop3A_415, %parallel_loop3A_416] {strides = array<i32>} : memref<64x512xf32, #tpu.memory_space<vmem>>, vector<1x16xf32>,
      %parallel_loop3A_418 = vector.shape_cast %parallel_loop3A_417 : vector<1x16xf32> to vector<16xf32>
      %parallel_loop3A_419 = vector.shape_cast %parallel_loop3A_414 : vector<16xf32> to vector<1x16xf32>
      tpu.vector_store %arg15[%parallel_loop3A_415, %parallel_loop3A_416], %parallel_loop3A_419 {add = true, strides = array<i32>} : memref<64x512xf32, #tpu.memory_space<vmem>>, vector<1x16xf32>,
      %parallel_loop3A_420 = arith.index_cast %parallel_loop3A_338 : i32 to index
      %parallel_loop3A_421 = arith.constant 144 : index
      %parallel_loop3A_422 = tpu.vector_load %arg14[%parallel_loop3A_420, %parallel_loop3A_421] {strides = array<i32>} : memref<9x512xf32, #tpu.memory_space<vmem>>, vector<1x16xf32>,
      %parallel_loop3A_423 = vector.shape_cast %parallel_loop3A_422 : vector<1x16xf32> to vector<16xf32>
      %parallel_loop3A_424 = arith.index_cast %parallel_loop3A_331 : i32 to index
      %parallel_loop3A_425 = arith.constant 144 : index
      %parallel_loop3A_426 = tpu.vector_load %arg15[%parallel_loop3A_424, %parallel_loop3A_425] {strides = array<i32>} : memref<64x512xf32, #tpu.memory_space<vmem>>, vector<1x16xf32>,
      %parallel_loop3A_427 = vector.shape_cast %parallel_loop3A_426 : vector<1x16xf32> to vector<16xf32>
      %parallel_loop3A_428 = vector.shape_cast %parallel_loop3A_423 : vector<16xf32> to vector<1x16xf32>
      tpu.vector_store %arg15[%parallel_loop3A_424, %parallel_loop3A_425], %parallel_loop3A_428 {add = true, strides = array<i32>} : memref<64x512xf32, #tpu.memory_space<vmem>>, vector<1x16xf32>,
      %parallel_loop3A_429 = arith.index_cast %parallel_loop3A_338 : i32 to index
      %parallel_loop3A_430 = arith.constant 160 : index
      %parallel_loop3A_431 = tpu.vector_load %arg14[%parallel_loop3A_429, %parallel_loop3A_430] {strides = array<i32>} : memref<9x512xf32, #tpu.memory_space<vmem>>, vector<1x16xf32>,
      %parallel_loop3A_432 = vector.shape_cast %parallel_loop3A_431 : vector<1x16xf32> to vector<16xf32>
      %parallel_loop3A_433 = arith.index_cast %parallel_loop3A_331 : i32 to index
      %parallel_loop3A_434 = arith.constant 160 : index
      %parallel_loop3A_435 = tpu.vector_load %arg15[%parallel_loop3A_433, %parallel_loop3A_434] {strides = array<i32>} : memref<64x512xf32, #tpu.memory_space<vmem>>, vector<1x16xf32>,
      %parallel_loop3A_436 = vector.shape_cast %parallel_loop3A_435 : vector<1x16xf32> to vector<16xf32>
      %parallel_loop3A_437 = vector.shape_cast %parallel_loop3A_432 : vector<16xf32> to vector<1x16xf32>
      tpu.vector_store %arg15[%parallel_loop3A_433, %parallel_loop3A_434], %parallel_loop3A_437 {add = true, strides = array<i32>} : memref<64x512xf32, #tpu.memory_space<vmem>>, vector<1x16xf32>,
      %parallel_loop3A_438 = arith.index_cast %parallel_loop3A_338 : i32 to index
      %parallel_loop3A_439 = arith.constant 176 : index
      %parallel_loop3A_440 = tpu.vector_load %arg14[%parallel_loop3A_438, %parallel_loop3A_439] {strides = array<i32>} : memref<9x512xf32, #tpu.memory_space<vmem>>, vector<1x16xf32>,
      %parallel_loop3A_441 = vector.shape_cast %parallel_loop3A_440 : vector<1x16xf32> to vector<16xf32>
      %parallel_loop3A_442 = arith.index_cast %parallel_loop3A_331 : i32 to index
      %parallel_loop3A_443 = arith.constant 176 : index
      %parallel_loop3A_444 = tpu.vector_load %arg15[%parallel_loop3A_442, %parallel_loop3A_443] {strides = array<i32>} : memref<64x512xf32, #tpu.memory_space<vmem>>, vector<1x16xf32>,
      %parallel_loop3A_445 = vector.shape_cast %parallel_loop3A_444 : vector<1x16xf32> to vector<16xf32>
      %parallel_loop3A_446 = vector.shape_cast %parallel_loop3A_441 : vector<16xf32> to vector<1x16xf32>
      tpu.vector_store %arg15[%parallel_loop3A_442, %parallel_loop3A_443], %parallel_loop3A_446 {add = true, strides = array<i32>} : memref<64x512xf32, #tpu.memory_space<vmem>>, vector<1x16xf32>,
      %parallel_loop3A_447 = arith.index_cast %parallel_loop3A_338 : i32 to index
      %parallel_loop3A_448 = arith.constant 192 : index
      %parallel_loop3A_449 = tpu.vector_load %arg14[%parallel_loop3A_447, %parallel_loop3A_448] {strides = array<i32>} : memref<9x512xf32, #tpu.memory_space<vmem>>, vector<1x16xf32>,
      %parallel_loop3A_450 = vector.shape_cast %parallel_loop3A_449 : vector<1x16xf32> to vector<16xf32>
      %parallel_loop3A_451 = arith.index_cast %parallel_loop3A_331 : i32 to index
      %parallel_loop3A_452 = arith.constant 192 : index
      %parallel_loop3A_453 = tpu.vector_load %arg15[%parallel_loop3A_451, %parallel_loop3A_452] {strides = array<i32>} : memref<64x512xf32, #tpu.memory_space<vmem>>, vector<1x16xf32>,
      %parallel_loop3A_454 = vector.shape_cast %parallel_loop3A_453 : vector<1x16xf32> to vector<16xf32>
      %parallel_loop3A_455 = vector.shape_cast %parallel_loop3A_450 : vector<16xf32> to vector<1x16xf32>
      tpu.vector_store %arg15[%parallel_loop3A_451, %parallel_loop3A_452], %parallel_loop3A_455 {add = true, strides = array<i32>} : memref<64x512xf32, #tpu.memory_space<vmem>>, vector<1x16xf32>,
      %parallel_loop3A_456 = arith.index_cast %parallel_loop3A_338 : i32 to index
      %parallel_loop3A_457 = arith.constant 208 : index
      %parallel_loop3A_458 = tpu.vector_load %arg14[%parallel_loop3A_456, %parallel_loop3A_457] {strides = array<i32>} : memref<9x512xf32, #tpu.memory_space<vmem>>, vector<1x16xf32>,
      %parallel_loop3A_459 = vector.shape_cast %parallel_loop3A_458 : vector<1x16xf32> to vector<16xf32>
      %parallel_loop3A_460 = arith.index_cast %parallel_loop3A_331 : i32 to index
      %parallel_loop3A_461 = arith.constant 208 : index
      %parallel_loop3A_462 = tpu.vector_load %arg15[%parallel_loop3A_460, %parallel_loop3A_461] {strides = array<i32>} : memref<64x512xf32, #tpu.memory_space<vmem>>, vector<1x16xf32>,
      %parallel_loop3A_463 = vector.shape_cast %parallel_loop3A_462 : vector<1x16xf32> to vector<16xf32>
      %parallel_loop3A_464 = vector.shape_cast %parallel_loop3A_459 : vector<16xf32> to vector<1x16xf32>
      tpu.vector_store %arg15[%parallel_loop3A_460, %parallel_loop3A_461], %parallel_loop3A_464 {add = true, strides = array<i32>} : memref<64x512xf32, #tpu.memory_space<vmem>>, vector<1x16xf32>,
      %parallel_loop3A_465 = arith.index_cast %parallel_loop3A_338 : i32 to index
      %parallel_loop3A_466 = arith.constant 224 : index
      %parallel_loop3A_467 = tpu.vector_load %arg14[%parallel_loop3A_465, %parallel_loop3A_466] {strides = array<i32>} : memref<9x512xf32, #tpu.memory_space<vmem>>, vector<1x16xf32>,
      %parallel_loop3A_468 = vector.shape_cast %parallel_loop3A_467 : vector<1x16xf32> to vector<16xf32>
      %parallel_loop3A_469 = arith.index_cast %parallel_loop3A_331 : i32 to index
      %parallel_loop3A_470 = arith.constant 224 : index
      %parallel_loop3A_471 = tpu.vector_load %arg15[%parallel_loop3A_469, %parallel_loop3A_470] {strides = array<i32>} : memref<64x512xf32, #tpu.memory_space<vmem>>, vector<1x16xf32>,
      %parallel_loop3A_472 = vector.shape_cast %parallel_loop3A_471 : vector<1x16xf32> to vector<16xf32>
      %parallel_loop3A_473 = vector.shape_cast %parallel_loop3A_468 : vector<16xf32> to vector<1x16xf32>
      tpu.vector_store %arg15[%parallel_loop3A_469, %parallel_loop3A_470], %parallel_loop3A_473 {add = true, strides = array<i32>} : memref<64x512xf32, #tpu.memory_space<vmem>>, vector<1x16xf32>,
      %parallel_loop3A_474 = arith.index_cast %parallel_loop3A_338 : i32 to index
      %parallel_loop3A_475 = arith.constant 240 : index
      %parallel_loop3A_476 = tpu.vector_load %arg14[%parallel_loop3A_474, %parallel_loop3A_475] {strides = array<i32>} : memref<9x512xf32, #tpu.memory_space<vmem>>, vector<1x16xf32>,
      %parallel_loop3A_477 = vector.shape_cast %parallel_loop3A_476 : vector<1x16xf32> to vector<16xf32>
      %parallel_loop3A_478 = arith.index_cast %parallel_loop3A_331 : i32 to index
      %parallel_loop3A_479 = arith.constant 240 : index
      %parallel_loop3A_480 = tpu.vector_load %arg15[%parallel_loop3A_478, %parallel_loop3A_479] {strides = array<i32>} : memref<64x512xf32, #tpu.memory_space<vmem>>, vector<1x16xf32>,
      %parallel_loop3A_481 = vector.shape_cast %parallel_loop3A_480 : vector<1x16xf32> to vector<16xf32>
      %parallel_loop3A_482 = vector.shape_cast %parallel_loop3A_477 : vector<16xf32> to vector<1x16xf32>
      tpu.vector_store %arg15[%parallel_loop3A_478, %parallel_loop3A_479], %parallel_loop3A_482 {add = true, strides = array<i32>} : memref<64x512xf32, #tpu.memory_space<vmem>>, vector<1x16xf32>,
      %parallel_loop3A_483 = arith.index_cast %parallel_loop3A_338 : i32 to index
      %parallel_loop3A_484 = arith.constant 256 : index
      %parallel_loop3A_485 = tpu.vector_load %arg14[%parallel_loop3A_483, %parallel_loop3A_484] {strides = array<i32>} : memref<9x512xf32, #tpu.memory_space<vmem>>, vector<1x16xf32>,
      %parallel_loop3A_486 = vector.shape_cast %parallel_loop3A_485 : vector<1x16xf32> to vector<16xf32>
      %parallel_loop3A_487 = arith.index_cast %parallel_loop3A_331 : i32 to index
      %parallel_loop3A_488 = arith.constant 256 : index
      %parallel_loop3A_489 = tpu.vector_load %arg15[%parallel_loop3A_487, %parallel_loop3A_488] {strides = array<i32>} : memref<64x512xf32, #tpu.memory_space<vmem>>, vector<1x16xf32>,
      %parallel_loop3A_490 = vector.shape_cast %parallel_loop3A_489 : vector<1x16xf32> to vector<16xf32>
      %parallel_loop3A_491 = vector.shape_cast %parallel_loop3A_486 : vector<16xf32> to vector<1x16xf32>
      tpu.vector_store %arg15[%parallel_loop3A_487, %parallel_loop3A_488], %parallel_loop3A_491 {add = true, strides = array<i32>} : memref<64x512xf32, #tpu.memory_space<vmem>>, vector<1x16xf32>,
      %parallel_loop3A_492 = arith.index_cast %parallel_loop3A_338 : i32 to index
      %parallel_loop3A_493 = arith.constant 272 : index
      %parallel_loop3A_494 = tpu.vector_load %arg14[%parallel_loop3A_492, %parallel_loop3A_493] {strides = array<i32>} : memref<9x512xf32, #tpu.memory_space<vmem>>, vector<1x16xf32>,
      %parallel_loop3A_495 = vector.shape_cast %parallel_loop3A_494 : vector<1x16xf32> to vector<16xf32>
      %parallel_loop3A_496 = arith.index_cast %parallel_loop3A_331 : i32 to index
      %parallel_loop3A_497 = arith.constant 272 : index
      %parallel_loop3A_498 = tpu.vector_load %arg15[%parallel_loop3A_496, %parallel_loop3A_497] {strides = array<i32>} : memref<64x512xf32, #tpu.memory_space<vmem>>, vector<1x16xf32>,
      %parallel_loop3A_499 = vector.shape_cast %parallel_loop3A_498 : vector<1x16xf32> to vector<16xf32>
      %parallel_loop3A_500 = vector.shape_cast %parallel_loop3A_495 : vector<16xf32> to vector<1x16xf32>
      tpu.vector_store %arg15[%parallel_loop3A_496, %parallel_loop3A_497], %parallel_loop3A_500 {add = true, strides = array<i32>} : memref<64x512xf32, #tpu.memory_space<vmem>>, vector<1x16xf32>,
      %parallel_loop3A_501 = arith.index_cast %parallel_loop3A_338 : i32 to index
      %parallel_loop3A_502 = arith.constant 288 : index
      %parallel_loop3A_503 = tpu.vector_load %arg14[%parallel_loop3A_501, %parallel_loop3A_502] {strides = array<i32>} : memref<9x512xf32, #tpu.memory_space<vmem>>, vector<1x16xf32>,
      %parallel_loop3A_504 = vector.shape_cast %parallel_loop3A_503 : vector<1x16xf32> to vector<16xf32>
      %parallel_loop3A_505 = arith.index_cast %parallel_loop3A_331 : i32 to index
      %parallel_loop3A_506 = arith.constant 288 : index
      %parallel_loop3A_507 = tpu.vector_load %arg15[%parallel_loop3A_505, %parallel_loop3A_506] {strides = array<i32>} : memref<64x512xf32, #tpu.memory_space<vmem>>, vector<1x16xf32>,
      %parallel_loop3A_508 = vector.shape_cast %parallel_loop3A_507 : vector<1x16xf32> to vector<16xf32>
      %parallel_loop3A_509 = vector.shape_cast %parallel_loop3A_504 : vector<16xf32> to vector<1x16xf32>
      tpu.vector_store %arg15[%parallel_loop3A_505, %parallel_loop3A_506], %parallel_loop3A_509 {add = true, strides = array<i32>} : memref<64x512xf32, #tpu.memory_space<vmem>>, vector<1x16xf32>,
      %parallel_loop3A_510 = arith.index_cast %parallel_loop3A_338 : i32 to index
      %parallel_loop3A_511 = arith.constant 304 : index
      %parallel_loop3A_512 = tpu.vector_load %arg14[%parallel_loop3A_510, %parallel_loop3A_511] {strides = array<i32>} : memref<9x512xf32, #tpu.memory_space<vmem>>, vector<1x16xf32>,
      %parallel_loop3A_513 = vector.shape_cast %parallel_loop3A_512 : vector<1x16xf32> to vector<16xf32>
      %parallel_loop3A_514 = arith.index_cast %parallel_loop3A_331 : i32 to index
      %parallel_loop3A_515 = arith.constant 304 : index
      %parallel_loop3A_516 = tpu.vector_load %arg15[%parallel_loop3A_514, %parallel_loop3A_515] {strides = array<i32>} : memref<64x512xf32, #tpu.memory_space<vmem>>, vector<1x16xf32>,
      %parallel_loop3A_517 = vector.shape_cast %parallel_loop3A_516 : vector<1x16xf32> to vector<16xf32>
      %parallel_loop3A_518 = vector.shape_cast %parallel_loop3A_513 : vector<16xf32> to vector<1x16xf32>
      tpu.vector_store %arg15[%parallel_loop3A_514, %parallel_loop3A_515], %parallel_loop3A_518 {add = true, strides = array<i32>} : memref<64x512xf32, #tpu.memory_space<vmem>>, vector<1x16xf32>,
      %parallel_loop3A_519 = arith.index_cast %parallel_loop3A_338 : i32 to index
      %parallel_loop3A_520 = arith.constant 320 : index
      %parallel_loop3A_521 = tpu.vector_load %arg14[%parallel_loop3A_519, %parallel_loop3A_520] {strides = array<i32>} : memref<9x512xf32, #tpu.memory_space<vmem>>, vector<1x16xf32>,
      %parallel_loop3A_522 = vector.shape_cast %parallel_loop3A_521 : vector<1x16xf32> to vector<16xf32>
      %parallel_loop3A_523 = arith.index_cast %parallel_loop3A_331 : i32 to index
      %parallel_loop3A_524 = arith.constant 320 : index
      %parallel_loop3A_525 = tpu.vector_load %arg15[%parallel_loop3A_523, %parallel_loop3A_524] {strides = array<i32>} : memref<64x512xf32, #tpu.memory_space<vmem>>, vector<1x16xf32>,
      %parallel_loop3A_526 = vector.shape_cast %parallel_loop3A_525 : vector<1x16xf32> to vector<16xf32>
      %parallel_loop3A_527 = vector.shape_cast %parallel_loop3A_522 : vector<16xf32> to vector<1x16xf32>
      tpu.vector_store %arg15[%parallel_loop3A_523, %parallel_loop3A_524], %parallel_loop3A_527 {add = true, strides = array<i32>} : memref<64x512xf32, #tpu.memory_space<vmem>>, vector<1x16xf32>,
      %parallel_loop3A_528 = arith.index_cast %parallel_loop3A_338 : i32 to index
      %parallel_loop3A_529 = arith.constant 336 : index
      %parallel_loop3A_530 = tpu.vector_load %arg14[%parallel_loop3A_528, %parallel_loop3A_529] {strides = array<i32>} : memref<9x512xf32, #tpu.memory_space<vmem>>, vector<1x16xf32>,
      %parallel_loop3A_531 = vector.shape_cast %parallel_loop3A_530 : vector<1x16xf32> to vector<16xf32>
      %parallel_loop3A_532 = arith.index_cast %parallel_loop3A_331 : i32 to index
      %parallel_loop3A_533 = arith.constant 336 : index
      %parallel_loop3A_534 = tpu.vector_load %arg15[%parallel_loop3A_532, %parallel_loop3A_533] {strides = array<i32>} : memref<64x512xf32, #tpu.memory_space<vmem>>, vector<1x16xf32>,
      %parallel_loop3A_535 = vector.shape_cast %parallel_loop3A_534 : vector<1x16xf32> to vector<16xf32>
      %parallel_loop3A_536 = vector.shape_cast %parallel_loop3A_531 : vector<16xf32> to vector<1x16xf32>
      tpu.vector_store %arg15[%parallel_loop3A_532, %parallel_loop3A_533], %parallel_loop3A_536 {add = true, strides = array<i32>} : memref<64x512xf32, #tpu.memory_space<vmem>>, vector<1x16xf32>,
      %parallel_loop3A_537 = arith.index_cast %parallel_loop3A_338 : i32 to index
      %parallel_loop3A_538 = arith.constant 352 : index
      %parallel_loop3A_539 = tpu.vector_load %arg14[%parallel_loop3A_537, %parallel_loop3A_538] {strides = array<i32>} : memref<9x512xf32, #tpu.memory_space<vmem>>, vector<1x16xf32>,
      %parallel_loop3A_540 = vector.shape_cast %parallel_loop3A_539 : vector<1x16xf32> to vector<16xf32>
      %parallel_loop3A_541 = arith.index_cast %parallel_loop3A_331 : i32 to index
      %parallel_loop3A_542 = arith.constant 352 : index
      %parallel_loop3A_543 = tpu.vector_load %arg15[%parallel_loop3A_541, %parallel_loop3A_542] {strides = array<i32>} : memref<64x512xf32, #tpu.memory_space<vmem>>, vector<1x16xf32>,
      %parallel_loop3A_544 = vector.shape_cast %parallel_loop3A_543 : vector<1x16xf32> to vector<16xf32>
      %parallel_loop3A_545 = vector.shape_cast %parallel_loop3A_540 : vector<16xf32> to vector<1x16xf32>
      tpu.vector_store %arg15[%parallel_loop3A_541, %parallel_loop3A_542], %parallel_loop3A_545 {add = true, strides = array<i32>} : memref<64x512xf32, #tpu.memory_space<vmem>>, vector<1x16xf32>,
      %parallel_loop3A_546 = arith.index_cast %parallel_loop3A_338 : i32 to index
      %parallel_loop3A_547 = arith.constant 368 : index
      %parallel_loop3A_548 = tpu.vector_load %arg14[%parallel_loop3A_546, %parallel_loop3A_547] {strides = array<i32>} : memref<9x512xf32, #tpu.memory_space<vmem>>, vector<1x16xf32>,
      %parallel_loop3A_549 = vector.shape_cast %parallel_loop3A_548 : vector<1x16xf32> to vector<16xf32>
      %parallel_loop3A_550 = arith.index_cast %parallel_loop3A_331 : i32 to index
      %parallel_loop3A_551 = arith.constant 368 : index
      %parallel_loop3A_552 = tpu.vector_load %arg15[%parallel_loop3A_550, %parallel_loop3A_551] {strides = array<i32>} : memref<64x512xf32, #tpu.memory_space<vmem>>, vector<1x16xf32>,
      %parallel_loop3A_553 = vector.shape_cast %parallel_loop3A_552 : vector<1x16xf32> to vector<16xf32>
      %parallel_loop3A_554 = vector.shape_cast %parallel_loop3A_549 : vector<16xf32> to vector<1x16xf32>
      tpu.vector_store %arg15[%parallel_loop3A_550, %parallel_loop3A_551], %parallel_loop3A_554 {add = true, strides = array<i32>} : memref<64x512xf32, #tpu.memory_space<vmem>>, vector<1x16xf32>,
      %parallel_loop3A_555 = arith.index_cast %parallel_loop3A_338 : i32 to index
      %parallel_loop3A_556 = arith.constant 384 : index
      %parallel_loop3A_557 = tpu.vector_load %arg14[%parallel_loop3A_555, %parallel_loop3A_556] {strides = array<i32>} : memref<9x512xf32, #tpu.memory_space<vmem>>, vector<1x16xf32>,
      %parallel_loop3A_558 = vector.shape_cast %parallel_loop3A_557 : vector<1x16xf32> to vector<16xf32>
      %parallel_loop3A_559 = arith.index_cast %parallel_loop3A_331 : i32 to index
      %parallel_loop3A_560 = arith.constant 384 : index
      %parallel_loop3A_561 = tpu.vector_load %arg15[%parallel_loop3A_559, %parallel_loop3A_560] {strides = array<i32>} : memref<64x512xf32, #tpu.memory_space<vmem>>, vector<1x16xf32>,
      %parallel_loop3A_562 = vector.shape_cast %parallel_loop3A_561 : vector<1x16xf32> to vector<16xf32>
      %parallel_loop3A_563 = vector.shape_cast %parallel_loop3A_558 : vector<16xf32> to vector<1x16xf32>
      tpu.vector_store %arg15[%parallel_loop3A_559, %parallel_loop3A_560], %parallel_loop3A_563 {add = true, strides = array<i32>} : memref<64x512xf32, #tpu.memory_space<vmem>>, vector<1x16xf32>,
      %parallel_loop3A_564 = arith.index_cast %parallel_loop3A_338 : i32 to index
      %parallel_loop3A_565 = arith.constant 400 : index
      %parallel_loop3A_566 = tpu.vector_load %arg14[%parallel_loop3A_564, %parallel_loop3A_565] {strides = array<i32>} : memref<9x512xf32, #tpu.memory_space<vmem>>, vector<1x16xf32>,
      %parallel_loop3A_567 = vector.shape_cast %parallel_loop3A_566 : vector<1x16xf32> to vector<16xf32>
      %parallel_loop3A_568 = arith.index_cast %parallel_loop3A_331 : i32 to index
      %parallel_loop3A_569 = arith.constant 400 : index
      %parallel_loop3A_570 = tpu.vector_load %arg15[%parallel_loop3A_568, %parallel_loop3A_569] {strides = array<i32>} : memref<64x512xf32, #tpu.memory_space<vmem>>, vector<1x16xf32>,
      %parallel_loop3A_571 = vector.shape_cast %parallel_loop3A_570 : vector<1x16xf32> to vector<16xf32>
      %parallel_loop3A_572 = vector.shape_cast %parallel_loop3A_567 : vector<16xf32> to vector<1x16xf32>
      tpu.vector_store %arg15[%parallel_loop3A_568, %parallel_loop3A_569], %parallel_loop3A_572 {add = true, strides = array<i32>} : memref<64x512xf32, #tpu.memory_space<vmem>>, vector<1x16xf32>,
      %parallel_loop3A_573 = arith.index_cast %parallel_loop3A_338 : i32 to index
      %parallel_loop3A_574 = arith.constant 416 : index
      %parallel_loop3A_575 = tpu.vector_load %arg14[%parallel_loop3A_573, %parallel_loop3A_574] {strides = array<i32>} : memref<9x512xf32, #tpu.memory_space<vmem>>, vector<1x16xf32>,
      %parallel_loop3A_576 = vector.shape_cast %parallel_loop3A_575 : vector<1x16xf32> to vector<16xf32>
      %parallel_loop3A_577 = arith.index_cast %parallel_loop3A_331 : i32 to index
      %parallel_loop3A_578 = arith.constant 416 : index
      %parallel_loop3A_579 = tpu.vector_load %arg15[%parallel_loop3A_577, %parallel_loop3A_578] {strides = array<i32>} : memref<64x512xf32, #tpu.memory_space<vmem>>, vector<1x16xf32>,
      %parallel_loop3A_580 = vector.shape_cast %parallel_loop3A_579 : vector<1x16xf32> to vector<16xf32>
      %parallel_loop3A_581 = vector.shape_cast %parallel_loop3A_576 : vector<16xf32> to vector<1x16xf32>
      tpu.vector_store %arg15[%parallel_loop3A_577, %parallel_loop3A_578], %parallel_loop3A_581 {add = true, strides = array<i32>} : memref<64x512xf32, #tpu.memory_space<vmem>>, vector<1x16xf32>,
      %parallel_loop3A_582 = arith.index_cast %parallel_loop3A_338 : i32 to index
      %parallel_loop3A_583 = arith.constant 432 : index
      %parallel_loop3A_584 = tpu.vector_load %arg14[%parallel_loop3A_582, %parallel_loop3A_583] {strides = array<i32>} : memref<9x512xf32, #tpu.memory_space<vmem>>, vector<1x16xf32>,
      %parallel_loop3A_585 = vector.shape_cast %parallel_loop3A_584 : vector<1x16xf32> to vector<16xf32>
      %parallel_loop3A_586 = arith.index_cast %parallel_loop3A_331 : i32 to index
      %parallel_loop3A_587 = arith.constant 432 : index
      %parallel_loop3A_588 = tpu.vector_load %arg15[%parallel_loop3A_586, %parallel_loop3A_587] {strides = array<i32>} : memref<64x512xf32, #tpu.memory_space<vmem>>, vector<1x16xf32>,
      %parallel_loop3A_589 = vector.shape_cast %parallel_loop3A_588 : vector<1x16xf32> to vector<16xf32>
      %parallel_loop3A_590 = vector.shape_cast %parallel_loop3A_585 : vector<16xf32> to vector<1x16xf32>
      tpu.vector_store %arg15[%parallel_loop3A_586, %parallel_loop3A_587], %parallel_loop3A_590 {add = true, strides = array<i32>} : memref<64x512xf32, #tpu.memory_space<vmem>>, vector<1x16xf32>,
      %parallel_loop3A_591 = arith.index_cast %parallel_loop3A_338 : i32 to index
      %parallel_loop3A_592 = arith.constant 448 : index
      %parallel_loop3A_593 = tpu.vector_load %arg14[%parallel_loop3A_591, %parallel_loop3A_592] {strides = array<i32>} : memref<9x512xf32, #tpu.memory_space<vmem>>, vector<1x16xf32>,
      %parallel_loop3A_594 = vector.shape_cast %parallel_loop3A_593 : vector<1x16xf32> to vector<16xf32>
      %parallel_loop3A_595 = arith.index_cast %parallel_loop3A_331 : i32 to index
      %parallel_loop3A_596 = arith.constant 448 : index
      %parallel_loop3A_597 = tpu.vector_load %arg15[%parallel_loop3A_595, %parallel_loop3A_596] {strides = array<i32>} : memref<64x512xf32, #tpu.memory_space<vmem>>, vector<1x16xf32>,
      %parallel_loop3A_598 = vector.shape_cast %parallel_loop3A_597 : vector<1x16xf32> to vector<16xf32>
      %parallel_loop3A_599 = vector.shape_cast %parallel_loop3A_594 : vector<16xf32> to vector<1x16xf32>
      tpu.vector_store %arg15[%parallel_loop3A_595, %parallel_loop3A_596], %parallel_loop3A_599 {add = true, strides = array<i32>} : memref<64x512xf32, #tpu.memory_space<vmem>>, vector<1x16xf32>,
      %parallel_loop3A_600 = arith.index_cast %parallel_loop3A_338 : i32 to index
      %parallel_loop3A_601 = arith.constant 464 : index
      %parallel_loop3A_602 = tpu.vector_load %arg14[%parallel_loop3A_600, %parallel_loop3A_601] {strides = array<i32>} : memref<9x512xf32, #tpu.memory_space<vmem>>, vector<1x16xf32>,
      %parallel_loop3A_603 = vector.shape_cast %parallel_loop3A_602 : vector<1x16xf32> to vector<16xf32>
      %parallel_loop3A_604 = arith.index_cast %parallel_loop3A_331 : i32 to index
      %parallel_loop3A_605 = arith.constant 464 : index
      %parallel_loop3A_606 = tpu.vector_load %arg15[%parallel_loop3A_604, %parallel_loop3A_605] {strides = array<i32>} : memref<64x512xf32, #tpu.memory_space<vmem>>, vector<1x16xf32>,
      %parallel_loop3A_607 = vector.shape_cast %parallel_loop3A_606 : vector<1x16xf32> to vector<16xf32>
      %parallel_loop3A_608 = vector.shape_cast %parallel_loop3A_603 : vector<16xf32> to vector<1x16xf32>
      tpu.vector_store %arg15[%parallel_loop3A_604, %parallel_loop3A_605], %parallel_loop3A_608 {add = true, strides = array<i32>} : memref<64x512xf32, #tpu.memory_space<vmem>>, vector<1x16xf32>,
      %parallel_loop3A_609 = arith.index_cast %parallel_loop3A_338 : i32 to index
      %parallel_loop3A_610 = arith.constant 480 : index
      %parallel_loop3A_611 = tpu.vector_load %arg14[%parallel_loop3A_609, %parallel_loop3A_610] {strides = array<i32>} : memref<9x512xf32, #tpu.memory_space<vmem>>, vector<1x16xf32>,
      %parallel_loop3A_612 = vector.shape_cast %parallel_loop3A_611 : vector<1x16xf32> to vector<16xf32>
      %parallel_loop3A_613 = arith.index_cast %parallel_loop3A_331 : i32 to index
      %parallel_loop3A_614 = arith.constant 480 : index
      %parallel_loop3A_615 = tpu.vector_load %arg15[%parallel_loop3A_613, %parallel_loop3A_614] {strides = array<i32>} : memref<64x512xf32, #tpu.memory_space<vmem>>, vector<1x16xf32>,
      %parallel_loop3A_616 = vector.shape_cast %parallel_loop3A_615 : vector<1x16xf32> to vector<16xf32>
      %parallel_loop3A_617 = vector.shape_cast %parallel_loop3A_612 : vector<16xf32> to vector<1x16xf32>
      tpu.vector_store %arg15[%parallel_loop3A_613, %parallel_loop3A_614], %parallel_loop3A_617 {add = true, strides = array<i32>} : memref<64x512xf32, #tpu.memory_space<vmem>>, vector<1x16xf32>,
      %parallel_loop3A_618 = arith.index_cast %parallel_loop3A_338 : i32 to index
      %parallel_loop3A_619 = arith.constant 496 : index
      %parallel_loop3A_620 = tpu.vector_load %arg14[%parallel_loop3A_618, %parallel_loop3A_619] {strides = array<i32>} : memref<9x512xf32, #tpu.memory_space<vmem>>, vector<1x16xf32>,
      %parallel_loop3A_621 = vector.shape_cast %parallel_loop3A_620 : vector<1x16xf32> to vector<16xf32>
      %parallel_loop3A_622 = arith.index_cast %parallel_loop3A_331 : i32 to index
      %parallel_loop3A_623 = arith.constant 496 : index
      %parallel_loop3A_624 = tpu.vector_load %arg15[%parallel_loop3A_622, %parallel_loop3A_623] {strides = array<i32>} : memref<64x512xf32, #tpu.memory_space<vmem>>, vector<1x16xf32>,
      %parallel_loop3A_625 = vector.shape_cast %parallel_loop3A_624 : vector<1x16xf32> to vector<16xf32>
      %parallel_loop3A_626 = vector.shape_cast %parallel_loop3A_621 : vector<16xf32> to vector<1x16xf32>
      tpu.vector_store %arg15[%parallel_loop3A_622, %parallel_loop3A_623], %parallel_loop3A_626 {add = true, strides = array<i32>} : memref<64x512xf32, #tpu.memory_space<vmem>>, vector<1x16xf32>,
    } {sc.loop_unroll_factor = 2 : i64, sc.parallel_access}
    %add3A_262 = arith.constant 0 : i32
    %add3A_263 = arith.addi %mul3A_2, %add3A_262 : i32
    %dma_start3A_264 = arith.constant 0 : i32
    %dma_start3A_265 = tpu.memref_slice %arg8[%add3A_263, %dma_start3A_264] : memref<8192x512xf32, #tpu.memory_space<hbm>> -> memref<64x512xf32, #tpu.memory_space<hbm>>
    %dma_start3A_266 = arith.constant 0 : i32
    %dma_start3A_267 = tpu.memref_slice %arg8[%add3A_263, %dma_start3A_266] : memref<8192x512xf32, #tpu.memory_space<hbm>> -> memref<64x512xf32, #tpu.memory_space<hbm>>
    tpu.enqueue_dma source(%arg15 : memref<64x512xf32, #tpu.memory_space<vmem>>) target(%dma_start3A_267 : memref<64x512xf32, #tpu.memory_space<hbm>>) target_semaphore(%arg21 : memref<!tpu.dma_semaphore, #tpu.memory_space<semaphore_mem>>)
    %dma_wait3A_268 = arith.constant 0 : i32
    %dma_wait3A_269 = tpu.memref_slice %arg8[%add3A_263, %dma_wait3A_268] : memref<8192x512xf32, #tpu.memory_space<hbm>> -> memref<64x512xf32, #tpu.memory_space<hbm>>
    %dma_wait3A_270 = arith.constant 0 : i32
    %dma_wait3A_271 = tpu.memref_slice %arg8[%add3A_263, %dma_wait3A_270] : memref<8192x512xf32, #tpu.memory_space<hbm>> -> memref<64x512xf32, #tpu.memory_space<hbm>>
    tpu.wait_dma2 semaphore(%arg21 : memref<!tpu.dma_semaphore, #tpu.memory_space<semaphore_mem>>) src(%arg15 : memref<64x512xf32, #tpu.memory_space<vmem>>) dst(%dma_wait3A_271 : memref<64x512xf32, #tpu.memory_space<hbm>>)
    %dma_start3A_272 = arith.constant 192 : i32
    %dma_start3A_273 = tpu.memref_slice %arg9[%dma_start3A_272] : memref<256xi32, #tpu.memory_space<vmem>> -> memref<64xi32, #tpu.memory_space<vmem>>
    %dma_start3A_274 = arith.constant 0 : i32
    %dma_start3A_275 = arith.constant 0 : i32
    %dma_start3A_276 = tpu.memref_slice %arg5[%dma_start3A_274, %dma_start3A_275] : memref<32128x512xf32, #tpu.memory_space<hbm>> -> memref<32128x512xf32, #tpu.memory_space<hbm>>
    tpu.enqueue_indirect_dma source(%dma_start3A_276 : memref<32128x512xf32, #tpu.memory_space<hbm>>) target(%arg15 : memref<64x512xf32, #tpu.memory_space<vmem>>) offsets(%dma_start3A_273 : memref<64xi32, #tpu.memory_space<vmem>>) semaphore(%arg18 : memref<!tpu.dma_semaphore, #tpu.memory_space<semaphore_mem>>)
    %dma_wait3A_277 = arith.constant 64 : i32
    %dma_wait3A_278 = tpu.memref_slice %arg9[%dma_wait3A_277] : memref<256xi32, #tpu.memory_space<vmem>> -> memref<64xi32, #tpu.memory_space<vmem>>
    %dma_wait3A_279 = arith.constant 0 : i32
    %dma_wait3A_280 = arith.constant 0 : i32
    %dma_wait3A_281 = tpu.memref_slice %arg5[%dma_wait3A_279, %dma_wait3A_280] : memref<32128x512xf32, #tpu.memory_space<hbm>> -> memref<32128x512xf32, #tpu.memory_space<hbm>>
    tpu.wait_indirect_dma semaphore(%arg19 : memref<!tpu.dma_semaphore, #tpu.memory_space<semaphore_mem>>) src(%dma_wait3A_281 : memref<32128x512xf32, #tpu.memory_space<hbm>>) dst(%arg16 : memref<64x512xf32, #tpu.memory_space<vmem>>)
    %parallel_loop3A_282 = arith.constant 0 : i32
    %parallel_loop3A_283 = arith.constant 64 : i32
    %parallel_loop3A_284 = arith.constant 1 : i32
    scf.for %parallel_loop3A_331 = %parallel_loop3A_282 to %parallel_loop3A_283 step %parallel_loop3A_284  : i32 {
      %parallel_loop3A_332 = arith.constant 64 : i32
      %parallel_loop3A_333 = arith.addi %parallel_loop3A_332, %parallel_loop3A_331 : i32
      %parallel_loop3A_334 = arith.index_cast %parallel_loop3A_333 : i32 to index
      %parallel_loop3A_335 = tpu.vector_load %arg10[%parallel_loop3A_334] {strides = array<i32>} : memref<272xi32, #tpu.memory_space<vmem>>, vector<16xi32>,
      %parallel_loop3A_336 = vector.shape_cast %parallel_loop3A_335 : vector<16xi32> to vector<16xi32>
      %parallel_loop3A_337 = vector.extract_strided_slice %parallel_loop3A_336 {offsets = [0], sizes = [1], strides = [1]} : vector<16xi32> to vector<1xi32>
      %parallel_loop3A_338 = vector.extract %parallel_loop3A_337[0] : i32 from vector<1xi32>
      %parallel_loop3A_339 = arith.index_cast %parallel_loop3A_338 : i32 to index
      %parallel_loop3A_340 = arith.constant 0 : index
      %parallel_loop3A_341 = tpu.vector_load %arg14[%parallel_loop3A_339, %parallel_loop3A_340] {strides = array<i32>} : memref<9x512xf32, #tpu.memory_space<vmem>>, vector<1x16xf32>,
      %parallel_loop3A_342 = vector.shape_cast %parallel_loop3A_341 : vector<1x16xf32> to vector<16xf32>
      %parallel_loop3A_343 = arith.index_cast %parallel_loop3A_331 : i32 to index
      %parallel_loop3A_344 = arith.constant 0 : index
      %parallel_loop3A_345 = tpu.vector_load %arg16[%parallel_loop3A_343, %parallel_loop3A_344] {strides = array<i32>} : memref<64x512xf32, #tpu.memory_space<vmem>>, vector<1x16xf32>,
      %parallel_loop3A_346 = vector.shape_cast %parallel_loop3A_345 : vector<1x16xf32> to vector<16xf32>
      %parallel_loop3A_347 = vector.shape_cast %parallel_loop3A_342 : vector<16xf32> to vector<1x16xf32>
      tpu.vector_store %arg16[%parallel_loop3A_343, %parallel_loop3A_344], %parallel_loop3A_347 {add = true, strides = array<i32>} : memref<64x512xf32, #tpu.memory_space<vmem>>, vector<1x16xf32>,
      %parallel_loop3A_348 = arith.index_cast %parallel_loop3A_338 : i32 to index
      %parallel_loop3A_349 = arith.constant 16 : index
      %parallel_loop3A_350 = tpu.vector_load %arg14[%parallel_loop3A_348, %parallel_loop3A_349] {strides = array<i32>} : memref<9x512xf32, #tpu.memory_space<vmem>>, vector<1x16xf32>,
      %parallel_loop3A_351 = vector.shape_cast %parallel_loop3A_350 : vector<1x16xf32> to vector<16xf32>
      %parallel_loop3A_352 = arith.index_cast %parallel_loop3A_331 : i32 to index
      %parallel_loop3A_353 = arith.constant 16 : index
      %parallel_loop3A_354 = tpu.vector_load %arg16[%parallel_loop3A_352, %parallel_loop3A_353] {strides = array<i32>} : memref<64x512xf32, #tpu.memory_space<vmem>>, vector<1x16xf32>,
      %parallel_loop3A_355 = vector.shape_cast %parallel_loop3A_354 : vector<1x16xf32> to vector<16xf32>
      %parallel_loop3A_356 = vector.shape_cast %parallel_loop3A_351 : vector<16xf32> to vector<1x16xf32>
      tpu.vector_store %arg16[%parallel_loop3A_352, %parallel_loop3A_353], %parallel_loop3A_356 {add = true, strides = array<i32>} : memref<64x512xf32, #tpu.memory_space<vmem>>, vector<1x16xf32>,
      %parallel_loop3A_357 = arith.index_cast %parallel_loop3A_338 : i32 to index
      %parallel_loop3A_358 = arith.constant 32 : index
      %parallel_loop3A_359 = tpu.vector_load %arg14[%parallel_loop3A_357, %parallel_loop3A_358] {strides = array<i32>} : memref<9x512xf32, #tpu.memory_space<vmem>>, vector<1x16xf32>,
      %parallel_loop3A_360 = vector.shape_cast %parallel_loop3A_359 : vector<1x16xf32> to vector<16xf32>
      %parallel_loop3A_361 = arith.index_cast %parallel_loop3A_331 : i32 to index
      %parallel_loop3A_362 = arith.constant 32 : index
      %parallel_loop3A_363 = tpu.vector_load %arg16[%parallel_loop3A_361, %parallel_loop3A_362] {strides = array<i32>} : memref<64x512xf32, #tpu.memory_space<vmem>>, vector<1x16xf32>,
      %parallel_loop3A_364 = vector.shape_cast %parallel_loop3A_363 : vector<1x16xf32> to vector<16xf32>
      %parallel_loop3A_365 = vector.shape_cast %parallel_loop3A_360 : vector<16xf32> to vector<1x16xf32>
      tpu.vector_store %arg16[%parallel_loop3A_361, %parallel_loop3A_362], %parallel_loop3A_365 {add = true, strides = array<i32>} : memref<64x512xf32, #tpu.memory_space<vmem>>, vector<1x16xf32>,
      %parallel_loop3A_366 = arith.index_cast %parallel_loop3A_338 : i32 to index
      %parallel_loop3A_367 = arith.constant 48 : index
      %parallel_loop3A_368 = tpu.vector_load %arg14[%parallel_loop3A_366, %parallel_loop3A_367] {strides = array<i32>} : memref<9x512xf32, #tpu.memory_space<vmem>>, vector<1x16xf32>,
      %parallel_loop3A_369 = vector.shape_cast %parallel_loop3A_368 : vector<1x16xf32> to vector<16xf32>
      %parallel_loop3A_370 = arith.index_cast %parallel_loop3A_331 : i32 to index
      %parallel_loop3A_371 = arith.constant 48 : index
      %parallel_loop3A_372 = tpu.vector_load %arg16[%parallel_loop3A_370, %parallel_loop3A_371] {strides = array<i32>} : memref<64x512xf32, #tpu.memory_space<vmem>>, vector<1x16xf32>,
      %parallel_loop3A_373 = vector.shape_cast %parallel_loop3A_372 : vector<1x16xf32> to vector<16xf32>
      %parallel_loop3A_374 = vector.shape_cast %parallel_loop3A_369 : vector<16xf32> to vector<1x16xf32>
      tpu.vector_store %arg16[%parallel_loop3A_370, %parallel_loop3A_371], %parallel_loop3A_374 {add = true, strides = array<i32>} : memref<64x512xf32, #tpu.memory_space<vmem>>, vector<1x16xf32>,
      %parallel_loop3A_375 = arith.index_cast %parallel_loop3A_338 : i32 to index
      %parallel_loop3A_376 = arith.constant 64 : index
      %parallel_loop3A_377 = tpu.vector_load %arg14[%parallel_loop3A_375, %parallel_loop3A_376] {strides = array<i32>} : memref<9x512xf32, #tpu.memory_space<vmem>>, vector<1x16xf32>,
      %parallel_loop3A_378 = vector.shape_cast %parallel_loop3A_377 : vector<1x16xf32> to vector<16xf32>
      %parallel_loop3A_379 = arith.index_cast %parallel_loop3A_331 : i32 to index
      %parallel_loop3A_380 = arith.constant 64 : index
      %parallel_loop3A_381 = tpu.vector_load %arg16[%parallel_loop3A_379, %parallel_loop3A_380] {strides = array<i32>} : memref<64x512xf32, #tpu.memory_space<vmem>>, vector<1x16xf32>,
      %parallel_loop3A_382 = vector.shape_cast %parallel_loop3A_381 : vector<1x16xf32> to vector<16xf32>
      %parallel_loop3A_383 = vector.shape_cast %parallel_loop3A_378 : vector<16xf32> to vector<1x16xf32>
      tpu.vector_store %arg16[%parallel_loop3A_379, %parallel_loop3A_380], %parallel_loop3A_383 {add = true, strides = array<i32>} : memref<64x512xf32, #tpu.memory_space<vmem>>, vector<1x16xf32>,
      %parallel_loop3A_384 = arith.index_cast %parallel_loop3A_338 : i32 to index
      %parallel_loop3A_385 = arith.constant 80 : index
      %parallel_loop3A_386 = tpu.vector_load %arg14[%parallel_loop3A_384, %parallel_loop3A_385] {strides = array<i32>} : memref<9x512xf32, #tpu.memory_space<vmem>>, vector<1x16xf32>,
      %parallel_loop3A_387 = vector.shape_cast %parallel_loop3A_386 : vector<1x16xf32> to vector<16xf32>
      %parallel_loop3A_388 = arith.index_cast %parallel_loop3A_331 : i32 to index
      %parallel_loop3A_389 = arith.constant 80 : index
      %parallel_loop3A_390 = tpu.vector_load %arg16[%parallel_loop3A_388, %parallel_loop3A_389] {strides = array<i32>} : memref<64x512xf32, #tpu.memory_space<vmem>>, vector<1x16xf32>,
      %parallel_loop3A_391 = vector.shape_cast %parallel_loop3A_390 : vector<1x16xf32> to vector<16xf32>
      %parallel_loop3A_392 = vector.shape_cast %parallel_loop3A_387 : vector<16xf32> to vector<1x16xf32>
      tpu.vector_store %arg16[%parallel_loop3A_388, %parallel_loop3A_389], %parallel_loop3A_392 {add = true, strides = array<i32>} : memref<64x512xf32, #tpu.memory_space<vmem>>, vector<1x16xf32>,
      %parallel_loop3A_393 = arith.index_cast %parallel_loop3A_338 : i32 to index
      %parallel_loop3A_394 = arith.constant 96 : index
      %parallel_loop3A_395 = tpu.vector_load %arg14[%parallel_loop3A_393, %parallel_loop3A_394] {strides = array<i32>} : memref<9x512xf32, #tpu.memory_space<vmem>>, vector<1x16xf32>,
      %parallel_loop3A_396 = vector.shape_cast %parallel_loop3A_395 : vector<1x16xf32> to vector<16xf32>
      %parallel_loop3A_397 = arith.index_cast %parallel_loop3A_331 : i32 to index
      %parallel_loop3A_398 = arith.constant 96 : index
      %parallel_loop3A_399 = tpu.vector_load %arg16[%parallel_loop3A_397, %parallel_loop3A_398] {strides = array<i32>} : memref<64x512xf32, #tpu.memory_space<vmem>>, vector<1x16xf32>,
      %parallel_loop3A_400 = vector.shape_cast %parallel_loop3A_399 : vector<1x16xf32> to vector<16xf32>
      %parallel_loop3A_401 = vector.shape_cast %parallel_loop3A_396 : vector<16xf32> to vector<1x16xf32>
      tpu.vector_store %arg16[%parallel_loop3A_397, %parallel_loop3A_398], %parallel_loop3A_401 {add = true, strides = array<i32>} : memref<64x512xf32, #tpu.memory_space<vmem>>, vector<1x16xf32>,
      %parallel_loop3A_402 = arith.index_cast %parallel_loop3A_338 : i32 to index
      %parallel_loop3A_403 = arith.constant 112 : index
      %parallel_loop3A_404 = tpu.vector_load %arg14[%parallel_loop3A_402, %parallel_loop3A_403] {strides = array<i32>} : memref<9x512xf32, #tpu.memory_space<vmem>>, vector<1x16xf32>,
      %parallel_loop3A_405 = vector.shape_cast %parallel_loop3A_404 : vector<1x16xf32> to vector<16xf32>
      %parallel_loop3A_406 = arith.index_cast %parallel_loop3A_331 : i32 to index
      %parallel_loop3A_407 = arith.constant 112 : index
      %parallel_loop3A_408 = tpu.vector_load %arg16[%parallel_loop3A_406, %parallel_loop3A_407] {strides = array<i32>} : memref<64x512xf32, #tpu.memory_space<vmem>>, vector<1x16xf32>,
      %parallel_loop3A_409 = vector.shape_cast %parallel_loop3A_408 : vector<1x16xf32> to vector<16xf32>
      %parallel_loop3A_410 = vector.shape_cast %parallel_loop3A_405 : vector<16xf32> to vector<1x16xf32>
      tpu.vector_store %arg16[%parallel_loop3A_406, %parallel_loop3A_407], %parallel_loop3A_410 {add = true, strides = array<i32>} : memref<64x512xf32, #tpu.memory_space<vmem>>, vector<1x16xf32>,
      %parallel_loop3A_411 = arith.index_cast %parallel_loop3A_338 : i32 to index
      %parallel_loop3A_412 = arith.constant 128 : index
      %parallel_loop3A_413 = tpu.vector_load %arg14[%parallel_loop3A_411, %parallel_loop3A_412] {strides = array<i32>} : memref<9x512xf32, #tpu.memory_space<vmem>>, vector<1x16xf32>,
      %parallel_loop3A_414 = vector.shape_cast %parallel_loop3A_413 : vector<1x16xf32> to vector<16xf32>
      %parallel_loop3A_415 = arith.index_cast %parallel_loop3A_331 : i32 to index
      %parallel_loop3A_416 = arith.constant 128 : index
      %parallel_loop3A_417 = tpu.vector_load %arg16[%parallel_loop3A_415, %parallel_loop3A_416] {strides = array<i32>} : memref<64x512xf32, #tpu.memory_space<vmem>>, vector<1x16xf32>,
      %parallel_loop3A_418 = vector.shape_cast %parallel_loop3A_417 : vector<1x16xf32> to vector<16xf32>
      %parallel_loop3A_419 = vector.shape_cast %parallel_loop3A_414 : vector<16xf32> to vector<1x16xf32>
      tpu.vector_store %arg16[%parallel_loop3A_415, %parallel_loop3A_416], %parallel_loop3A_419 {add = true, strides = array<i32>} : memref<64x512xf32, #tpu.memory_space<vmem>>, vector<1x16xf32>,
      %parallel_loop3A_420 = arith.index_cast %parallel_loop3A_338 : i32 to index
      %parallel_loop3A_421 = arith.constant 144 : index
      %parallel_loop3A_422 = tpu.vector_load %arg14[%parallel_loop3A_420, %parallel_loop3A_421] {strides = array<i32>} : memref<9x512xf32, #tpu.memory_space<vmem>>, vector<1x16xf32>,
      %parallel_loop3A_423 = vector.shape_cast %parallel_loop3A_422 : vector<1x16xf32> to vector<16xf32>
      %parallel_loop3A_424 = arith.index_cast %parallel_loop3A_331 : i32 to index
      %parallel_loop3A_425 = arith.constant 144 : index
      %parallel_loop3A_426 = tpu.vector_load %arg16[%parallel_loop3A_424, %parallel_loop3A_425] {strides = array<i32>} : memref<64x512xf32, #tpu.memory_space<vmem>>, vector<1x16xf32>,
      %parallel_loop3A_427 = vector.shape_cast %parallel_loop3A_426 : vector<1x16xf32> to vector<16xf32>
      %parallel_loop3A_428 = vector.shape_cast %parallel_loop3A_423 : vector<16xf32> to vector<1x16xf32>
      tpu.vector_store %arg16[%parallel_loop3A_424, %parallel_loop3A_425], %parallel_loop3A_428 {add = true, strides = array<i32>} : memref<64x512xf32, #tpu.memory_space<vmem>>, vector<1x16xf32>,
      %parallel_loop3A_429 = arith.index_cast %parallel_loop3A_338 : i32 to index
      %parallel_loop3A_430 = arith.constant 160 : index
      %parallel_loop3A_431 = tpu.vector_load %arg14[%parallel_loop3A_429, %parallel_loop3A_430] {strides = array<i32>} : memref<9x512xf32, #tpu.memory_space<vmem>>, vector<1x16xf32>,
      %parallel_loop3A_432 = vector.shape_cast %parallel_loop3A_431 : vector<1x16xf32> to vector<16xf32>
      %parallel_loop3A_433 = arith.index_cast %parallel_loop3A_331 : i32 to index
      %parallel_loop3A_434 = arith.constant 160 : index
      %parallel_loop3A_435 = tpu.vector_load %arg16[%parallel_loop3A_433, %parallel_loop3A_434] {strides = array<i32>} : memref<64x512xf32, #tpu.memory_space<vmem>>, vector<1x16xf32>,
      %parallel_loop3A_436 = vector.shape_cast %parallel_loop3A_435 : vector<1x16xf32> to vector<16xf32>
      %parallel_loop3A_437 = vector.shape_cast %parallel_loop3A_432 : vector<16xf32> to vector<1x16xf32>
      tpu.vector_store %arg16[%parallel_loop3A_433, %parallel_loop3A_434], %parallel_loop3A_437 {add = true, strides = array<i32>} : memref<64x512xf32, #tpu.memory_space<vmem>>, vector<1x16xf32>,
      %parallel_loop3A_438 = arith.index_cast %parallel_loop3A_338 : i32 to index
      %parallel_loop3A_439 = arith.constant 176 : index
      %parallel_loop3A_440 = tpu.vector_load %arg14[%parallel_loop3A_438, %parallel_loop3A_439] {strides = array<i32>} : memref<9x512xf32, #tpu.memory_space<vmem>>, vector<1x16xf32>,
      %parallel_loop3A_441 = vector.shape_cast %parallel_loop3A_440 : vector<1x16xf32> to vector<16xf32>
      %parallel_loop3A_442 = arith.index_cast %parallel_loop3A_331 : i32 to index
      %parallel_loop3A_443 = arith.constant 176 : index
      %parallel_loop3A_444 = tpu.vector_load %arg16[%parallel_loop3A_442, %parallel_loop3A_443] {strides = array<i32>} : memref<64x512xf32, #tpu.memory_space<vmem>>, vector<1x16xf32>,
      %parallel_loop3A_445 = vector.shape_cast %parallel_loop3A_444 : vector<1x16xf32> to vector<16xf32>
      %parallel_loop3A_446 = vector.shape_cast %parallel_loop3A_441 : vector<16xf32> to vector<1x16xf32>
      tpu.vector_store %arg16[%parallel_loop3A_442, %parallel_loop3A_443], %parallel_loop3A_446 {add = true, strides = array<i32>} : memref<64x512xf32, #tpu.memory_space<vmem>>, vector<1x16xf32>,
      %parallel_loop3A_447 = arith.index_cast %parallel_loop3A_338 : i32 to index
      %parallel_loop3A_448 = arith.constant 192 : index
      %parallel_loop3A_449 = tpu.vector_load %arg14[%parallel_loop3A_447, %parallel_loop3A_448] {strides = array<i32>} : memref<9x512xf32, #tpu.memory_space<vmem>>, vector<1x16xf32>,
      %parallel_loop3A_450 = vector.shape_cast %parallel_loop3A_449 : vector<1x16xf32> to vector<16xf32>
      %parallel_loop3A_451 = arith.index_cast %parallel_loop3A_331 : i32 to index
      %parallel_loop3A_452 = arith.constant 192 : index
      %parallel_loop3A_453 = tpu.vector_load %arg16[%parallel_loop3A_451, %parallel_loop3A_452] {strides = array<i32>} : memref<64x512xf32, #tpu.memory_space<vmem>>, vector<1x16xf32>,
      %parallel_loop3A_454 = vector.shape_cast %parallel_loop3A_453 : vector<1x16xf32> to vector<16xf32>
      %parallel_loop3A_455 = vector.shape_cast %parallel_loop3A_450 : vector<16xf32> to vector<1x16xf32>
      tpu.vector_store %arg16[%parallel_loop3A_451, %parallel_loop3A_452], %parallel_loop3A_455 {add = true, strides = array<i32>} : memref<64x512xf32, #tpu.memory_space<vmem>>, vector<1x16xf32>,
      %parallel_loop3A_456 = arith.index_cast %parallel_loop3A_338 : i32 to index
      %parallel_loop3A_457 = arith.constant 208 : index
      %parallel_loop3A_458 = tpu.vector_load %arg14[%parallel_loop3A_456, %parallel_loop3A_457] {strides = array<i32>} : memref<9x512xf32, #tpu.memory_space<vmem>>, vector<1x16xf32>,
      %parallel_loop3A_459 = vector.shape_cast %parallel_loop3A_458 : vector<1x16xf32> to vector<16xf32>
      %parallel_loop3A_460 = arith.index_cast %parallel_loop3A_331 : i32 to index
      %parallel_loop3A_461 = arith.constant 208 : index
      %parallel_loop3A_462 = tpu.vector_load %arg16[%parallel_loop3A_460, %parallel_loop3A_461] {strides = array<i32>} : memref<64x512xf32, #tpu.memory_space<vmem>>, vector<1x16xf32>,
      %parallel_loop3A_463 = vector.shape_cast %parallel_loop3A_462 : vector<1x16xf32> to vector<16xf32>
      %parallel_loop3A_464 = vector.shape_cast %parallel_loop3A_459 : vector<16xf32> to vector<1x16xf32>
      tpu.vector_store %arg16[%parallel_loop3A_460, %parallel_loop3A_461], %parallel_loop3A_464 {add = true, strides = array<i32>} : memref<64x512xf32, #tpu.memory_space<vmem>>, vector<1x16xf32>,
      %parallel_loop3A_465 = arith.index_cast %parallel_loop3A_338 : i32 to index
      %parallel_loop3A_466 = arith.constant 224 : index
      %parallel_loop3A_467 = tpu.vector_load %arg14[%parallel_loop3A_465, %parallel_loop3A_466] {strides = array<i32>} : memref<9x512xf32, #tpu.memory_space<vmem>>, vector<1x16xf32>,
      %parallel_loop3A_468 = vector.shape_cast %parallel_loop3A_467 : vector<1x16xf32> to vector<16xf32>
      %parallel_loop3A_469 = arith.index_cast %parallel_loop3A_331 : i32 to index
      %parallel_loop3A_470 = arith.constant 224 : index
      %parallel_loop3A_471 = tpu.vector_load %arg16[%parallel_loop3A_469, %parallel_loop3A_470] {strides = array<i32>} : memref<64x512xf32, #tpu.memory_space<vmem>>, vector<1x16xf32>,
      %parallel_loop3A_472 = vector.shape_cast %parallel_loop3A_471 : vector<1x16xf32> to vector<16xf32>
      %parallel_loop3A_473 = vector.shape_cast %parallel_loop3A_468 : vector<16xf32> to vector<1x16xf32>
      tpu.vector_store %arg16[%parallel_loop3A_469, %parallel_loop3A_470], %parallel_loop3A_473 {add = true, strides = array<i32>} : memref<64x512xf32, #tpu.memory_space<vmem>>, vector<1x16xf32>,
      %parallel_loop3A_474 = arith.index_cast %parallel_loop3A_338 : i32 to index
      %parallel_loop3A_475 = arith.constant 240 : index
      %parallel_loop3A_476 = tpu.vector_load %arg14[%parallel_loop3A_474, %parallel_loop3A_475] {strides = array<i32>} : memref<9x512xf32, #tpu.memory_space<vmem>>, vector<1x16xf32>,
      %parallel_loop3A_477 = vector.shape_cast %parallel_loop3A_476 : vector<1x16xf32> to vector<16xf32>
      %parallel_loop3A_478 = arith.index_cast %parallel_loop3A_331 : i32 to index
      %parallel_loop3A_479 = arith.constant 240 : index
      %parallel_loop3A_480 = tpu.vector_load %arg16[%parallel_loop3A_478, %parallel_loop3A_479] {strides = array<i32>} : memref<64x512xf32, #tpu.memory_space<vmem>>, vector<1x16xf32>,
      %parallel_loop3A_481 = vector.shape_cast %parallel_loop3A_480 : vector<1x16xf32> to vector<16xf32>
      %parallel_loop3A_482 = vector.shape_cast %parallel_loop3A_477 : vector<16xf32> to vector<1x16xf32>
      tpu.vector_store %arg16[%parallel_loop3A_478, %parallel_loop3A_479], %parallel_loop3A_482 {add = true, strides = array<i32>} : memref<64x512xf32, #tpu.memory_space<vmem>>, vector<1x16xf32>,
      %parallel_loop3A_483 = arith.index_cast %parallel_loop3A_338 : i32 to index
      %parallel_loop3A_484 = arith.constant 256 : index
      %parallel_loop3A_485 = tpu.vector_load %arg14[%parallel_loop3A_483, %parallel_loop3A_484] {strides = array<i32>} : memref<9x512xf32, #tpu.memory_space<vmem>>, vector<1x16xf32>,
      %parallel_loop3A_486 = vector.shape_cast %parallel_loop3A_485 : vector<1x16xf32> to vector<16xf32>
      %parallel_loop3A_487 = arith.index_cast %parallel_loop3A_331 : i32 to index
      %parallel_loop3A_488 = arith.constant 256 : index
      %parallel_loop3A_489 = tpu.vector_load %arg16[%parallel_loop3A_487, %parallel_loop3A_488] {strides = array<i32>} : memref<64x512xf32, #tpu.memory_space<vmem>>, vector<1x16xf32>,
      %parallel_loop3A_490 = vector.shape_cast %parallel_loop3A_489 : vector<1x16xf32> to vector<16xf32>
      %parallel_loop3A_491 = vector.shape_cast %parallel_loop3A_486 : vector<16xf32> to vector<1x16xf32>
      tpu.vector_store %arg16[%parallel_loop3A_487, %parallel_loop3A_488], %parallel_loop3A_491 {add = true, strides = array<i32>} : memref<64x512xf32, #tpu.memory_space<vmem>>, vector<1x16xf32>,
      %parallel_loop3A_492 = arith.index_cast %parallel_loop3A_338 : i32 to index
      %parallel_loop3A_493 = arith.constant 272 : index
      %parallel_loop3A_494 = tpu.vector_load %arg14[%parallel_loop3A_492, %parallel_loop3A_493] {strides = array<i32>} : memref<9x512xf32, #tpu.memory_space<vmem>>, vector<1x16xf32>,
      %parallel_loop3A_495 = vector.shape_cast %parallel_loop3A_494 : vector<1x16xf32> to vector<16xf32>
      %parallel_loop3A_496 = arith.index_cast %parallel_loop3A_331 : i32 to index
      %parallel_loop3A_497 = arith.constant 272 : index
      %parallel_loop3A_498 = tpu.vector_load %arg16[%parallel_loop3A_496, %parallel_loop3A_497] {strides = array<i32>} : memref<64x512xf32, #tpu.memory_space<vmem>>, vector<1x16xf32>,
      %parallel_loop3A_499 = vector.shape_cast %parallel_loop3A_498 : vector<1x16xf32> to vector<16xf32>
      %parallel_loop3A_500 = vector.shape_cast %parallel_loop3A_495 : vector<16xf32> to vector<1x16xf32>
      tpu.vector_store %arg16[%parallel_loop3A_496, %parallel_loop3A_497], %parallel_loop3A_500 {add = true, strides = array<i32>} : memref<64x512xf32, #tpu.memory_space<vmem>>, vector<1x16xf32>,
      %parallel_loop3A_501 = arith.index_cast %parallel_loop3A_338 : i32 to index
      %parallel_loop3A_502 = arith.constant 288 : index
      %parallel_loop3A_503 = tpu.vector_load %arg14[%parallel_loop3A_501, %parallel_loop3A_502] {strides = array<i32>} : memref<9x512xf32, #tpu.memory_space<vmem>>, vector<1x16xf32>,
      %parallel_loop3A_504 = vector.shape_cast %parallel_loop3A_503 : vector<1x16xf32> to vector<16xf32>
      %parallel_loop3A_505 = arith.index_cast %parallel_loop3A_331 : i32 to index
      %parallel_loop3A_506 = arith.constant 288 : index
      %parallel_loop3A_507 = tpu.vector_load %arg16[%parallel_loop3A_505, %parallel_loop3A_506] {strides = array<i32>} : memref<64x512xf32, #tpu.memory_space<vmem>>, vector<1x16xf32>,
      %parallel_loop3A_508 = vector.shape_cast %parallel_loop3A_507 : vector<1x16xf32> to vector<16xf32>
      %parallel_loop3A_509 = vector.shape_cast %parallel_loop3A_504 : vector<16xf32> to vector<1x16xf32>
      tpu.vector_store %arg16[%parallel_loop3A_505, %parallel_loop3A_506], %parallel_loop3A_509 {add = true, strides = array<i32>} : memref<64x512xf32, #tpu.memory_space<vmem>>, vector<1x16xf32>,
      %parallel_loop3A_510 = arith.index_cast %parallel_loop3A_338 : i32 to index
      %parallel_loop3A_511 = arith.constant 304 : index
      %parallel_loop3A_512 = tpu.vector_load %arg14[%parallel_loop3A_510, %parallel_loop3A_511] {strides = array<i32>} : memref<9x512xf32, #tpu.memory_space<vmem>>, vector<1x16xf32>,
      %parallel_loop3A_513 = vector.shape_cast %parallel_loop3A_512 : vector<1x16xf32> to vector<16xf32>
      %parallel_loop3A_514 = arith.index_cast %parallel_loop3A_331 : i32 to index
      %parallel_loop3A_515 = arith.constant 304 : index
      %parallel_loop3A_516 = tpu.vector_load %arg16[%parallel_loop3A_514, %parallel_loop3A_515] {strides = array<i32>} : memref<64x512xf32, #tpu.memory_space<vmem>>, vector<1x16xf32>,
      %parallel_loop3A_517 = vector.shape_cast %parallel_loop3A_516 : vector<1x16xf32> to vector<16xf32>
      %parallel_loop3A_518 = vector.shape_cast %parallel_loop3A_513 : vector<16xf32> to vector<1x16xf32>
      tpu.vector_store %arg16[%parallel_loop3A_514, %parallel_loop3A_515], %parallel_loop3A_518 {add = true, strides = array<i32>} : memref<64x512xf32, #tpu.memory_space<vmem>>, vector<1x16xf32>,
      %parallel_loop3A_519 = arith.index_cast %parallel_loop3A_338 : i32 to index
      %parallel_loop3A_520 = arith.constant 320 : index
      %parallel_loop3A_521 = tpu.vector_load %arg14[%parallel_loop3A_519, %parallel_loop3A_520] {strides = array<i32>} : memref<9x512xf32, #tpu.memory_space<vmem>>, vector<1x16xf32>,
      %parallel_loop3A_522 = vector.shape_cast %parallel_loop3A_521 : vector<1x16xf32> to vector<16xf32>
      %parallel_loop3A_523 = arith.index_cast %parallel_loop3A_331 : i32 to index
      %parallel_loop3A_524 = arith.constant 320 : index
      %parallel_loop3A_525 = tpu.vector_load %arg16[%parallel_loop3A_523, %parallel_loop3A_524] {strides = array<i32>} : memref<64x512xf32, #tpu.memory_space<vmem>>, vector<1x16xf32>,
      %parallel_loop3A_526 = vector.shape_cast %parallel_loop3A_525 : vector<1x16xf32> to vector<16xf32>
      %parallel_loop3A_527 = vector.shape_cast %parallel_loop3A_522 : vector<16xf32> to vector<1x16xf32>
      tpu.vector_store %arg16[%parallel_loop3A_523, %parallel_loop3A_524], %parallel_loop3A_527 {add = true, strides = array<i32>} : memref<64x512xf32, #tpu.memory_space<vmem>>, vector<1x16xf32>,
      %parallel_loop3A_528 = arith.index_cast %parallel_loop3A_338 : i32 to index
      %parallel_loop3A_529 = arith.constant 336 : index
      %parallel_loop3A_530 = tpu.vector_load %arg14[%parallel_loop3A_528, %parallel_loop3A_529] {strides = array<i32>} : memref<9x512xf32, #tpu.memory_space<vmem>>, vector<1x16xf32>,
      %parallel_loop3A_531 = vector.shape_cast %parallel_loop3A_530 : vector<1x16xf32> to vector<16xf32>
      %parallel_loop3A_532 = arith.index_cast %parallel_loop3A_331 : i32 to index
      %parallel_loop3A_533 = arith.constant 336 : index
      %parallel_loop3A_534 = tpu.vector_load %arg16[%parallel_loop3A_532, %parallel_loop3A_533] {strides = array<i32>} : memref<64x512xf32, #tpu.memory_space<vmem>>, vector<1x16xf32>,
      %parallel_loop3A_535 = vector.shape_cast %parallel_loop3A_534 : vector<1x16xf32> to vector<16xf32>
      %parallel_loop3A_536 = vector.shape_cast %parallel_loop3A_531 : vector<16xf32> to vector<1x16xf32>
      tpu.vector_store %arg16[%parallel_loop3A_532, %parallel_loop3A_533], %parallel_loop3A_536 {add = true, strides = array<i32>} : memref<64x512xf32, #tpu.memory_space<vmem>>, vector<1x16xf32>,
      %parallel_loop3A_537 = arith.index_cast %parallel_loop3A_338 : i32 to index
      %parallel_loop3A_538 = arith.constant 352 : index
      %parallel_loop3A_539 = tpu.vector_load %arg14[%parallel_loop3A_537, %parallel_loop3A_538] {strides = array<i32>} : memref<9x512xf32, #tpu.memory_space<vmem>>, vector<1x16xf32>,
      %parallel_loop3A_540 = vector.shape_cast %parallel_loop3A_539 : vector<1x16xf32> to vector<16xf32>
      %parallel_loop3A_541 = arith.index_cast %parallel_loop3A_331 : i32 to index
      %parallel_loop3A_542 = arith.constant 352 : index
      %parallel_loop3A_543 = tpu.vector_load %arg16[%parallel_loop3A_541, %parallel_loop3A_542] {strides = array<i32>} : memref<64x512xf32, #tpu.memory_space<vmem>>, vector<1x16xf32>,
      %parallel_loop3A_544 = vector.shape_cast %parallel_loop3A_543 : vector<1x16xf32> to vector<16xf32>
      %parallel_loop3A_545 = vector.shape_cast %parallel_loop3A_540 : vector<16xf32> to vector<1x16xf32>
      tpu.vector_store %arg16[%parallel_loop3A_541, %parallel_loop3A_542], %parallel_loop3A_545 {add = true, strides = array<i32>} : memref<64x512xf32, #tpu.memory_space<vmem>>, vector<1x16xf32>,
      %parallel_loop3A_546 = arith.index_cast %parallel_loop3A_338 : i32 to index
      %parallel_loop3A_547 = arith.constant 368 : index
      %parallel_loop3A_548 = tpu.vector_load %arg14[%parallel_loop3A_546, %parallel_loop3A_547] {strides = array<i32>} : memref<9x512xf32, #tpu.memory_space<vmem>>, vector<1x16xf32>,
      %parallel_loop3A_549 = vector.shape_cast %parallel_loop3A_548 : vector<1x16xf32> to vector<16xf32>
      %parallel_loop3A_550 = arith.index_cast %parallel_loop3A_331 : i32 to index
      %parallel_loop3A_551 = arith.constant 368 : index
      %parallel_loop3A_552 = tpu.vector_load %arg16[%parallel_loop3A_550, %parallel_loop3A_551] {strides = array<i32>} : memref<64x512xf32, #tpu.memory_space<vmem>>, vector<1x16xf32>,
      %parallel_loop3A_553 = vector.shape_cast %parallel_loop3A_552 : vector<1x16xf32> to vector<16xf32>
      %parallel_loop3A_554 = vector.shape_cast %parallel_loop3A_549 : vector<16xf32> to vector<1x16xf32>
      tpu.vector_store %arg16[%parallel_loop3A_550, %parallel_loop3A_551], %parallel_loop3A_554 {add = true, strides = array<i32>} : memref<64x512xf32, #tpu.memory_space<vmem>>, vector<1x16xf32>,
      %parallel_loop3A_555 = arith.index_cast %parallel_loop3A_338 : i32 to index
      %parallel_loop3A_556 = arith.constant 384 : index
      %parallel_loop3A_557 = tpu.vector_load %arg14[%parallel_loop3A_555, %parallel_loop3A_556] {strides = array<i32>} : memref<9x512xf32, #tpu.memory_space<vmem>>, vector<1x16xf32>,
      %parallel_loop3A_558 = vector.shape_cast %parallel_loop3A_557 : vector<1x16xf32> to vector<16xf32>
      %parallel_loop3A_559 = arith.index_cast %parallel_loop3A_331 : i32 to index
      %parallel_loop3A_560 = arith.constant 384 : index
      %parallel_loop3A_561 = tpu.vector_load %arg16[%parallel_loop3A_559, %parallel_loop3A_560] {strides = array<i32>} : memref<64x512xf32, #tpu.memory_space<vmem>>, vector<1x16xf32>,
      %parallel_loop3A_562 = vector.shape_cast %parallel_loop3A_561 : vector<1x16xf32> to vector<16xf32>
      %parallel_loop3A_563 = vector.shape_cast %parallel_loop3A_558 : vector<16xf32> to vector<1x16xf32>
      tpu.vector_store %arg16[%parallel_loop3A_559, %parallel_loop3A_560], %parallel_loop3A_563 {add = true, strides = array<i32>} : memref<64x512xf32, #tpu.memory_space<vmem>>, vector<1x16xf32>,
      %parallel_loop3A_564 = arith.index_cast %parallel_loop3A_338 : i32 to index
      %parallel_loop3A_565 = arith.constant 400 : index
      %parallel_loop3A_566 = tpu.vector_load %arg14[%parallel_loop3A_564, %parallel_loop3A_565] {strides = array<i32>} : memref<9x512xf32, #tpu.memory_space<vmem>>, vector<1x16xf32>,
      %parallel_loop3A_567 = vector.shape_cast %parallel_loop3A_566 : vector<1x16xf32> to vector<16xf32>
      %parallel_loop3A_568 = arith.index_cast %parallel_loop3A_331 : i32 to index
      %parallel_loop3A_569 = arith.constant 400 : index
      %parallel_loop3A_570 = tpu.vector_load %arg16[%parallel_loop3A_568, %parallel_loop3A_569] {strides = array<i32>} : memref<64x512xf32, #tpu.memory_space<vmem>>, vector<1x16xf32>,
      %parallel_loop3A_571 = vector.shape_cast %parallel_loop3A_570 : vector<1x16xf32> to vector<16xf32>
      %parallel_loop3A_572 = vector.shape_cast %parallel_loop3A_567 : vector<16xf32> to vector<1x16xf32>
      tpu.vector_store %arg16[%parallel_loop3A_568, %parallel_loop3A_569], %parallel_loop3A_572 {add = true, strides = array<i32>} : memref<64x512xf32, #tpu.memory_space<vmem>>, vector<1x16xf32>,
      %parallel_loop3A_573 = arith.index_cast %parallel_loop3A_338 : i32 to index
      %parallel_loop3A_574 = arith.constant 416 : index
      %parallel_loop3A_575 = tpu.vector_load %arg14[%parallel_loop3A_573, %parallel_loop3A_574] {strides = array<i32>} : memref<9x512xf32, #tpu.memory_space<vmem>>, vector<1x16xf32>,
      %parallel_loop3A_576 = vector.shape_cast %parallel_loop3A_575 : vector<1x16xf32> to vector<16xf32>
      %parallel_loop3A_577 = arith.index_cast %parallel_loop3A_331 : i32 to index
      %parallel_loop3A_578 = arith.constant 416 : index
      %parallel_loop3A_579 = tpu.vector_load %arg16[%parallel_loop3A_577, %parallel_loop3A_578] {strides = array<i32>} : memref<64x512xf32, #tpu.memory_space<vmem>>, vector<1x16xf32>,
      %parallel_loop3A_580 = vector.shape_cast %parallel_loop3A_579 : vector<1x16xf32> to vector<16xf32>
      %parallel_loop3A_581 = vector.shape_cast %parallel_loop3A_576 : vector<16xf32> to vector<1x16xf32>
      tpu.vector_store %arg16[%parallel_loop3A_577, %parallel_loop3A_578], %parallel_loop3A_581 {add = true, strides = array<i32>} : memref<64x512xf32, #tpu.memory_space<vmem>>, vector<1x16xf32>,
      %parallel_loop3A_582 = arith.index_cast %parallel_loop3A_338 : i32 to index
      %parallel_loop3A_583 = arith.constant 432 : index
      %parallel_loop3A_584 = tpu.vector_load %arg14[%parallel_loop3A_582, %parallel_loop3A_583] {strides = array<i32>} : memref<9x512xf32, #tpu.memory_space<vmem>>, vector<1x16xf32>,
      %parallel_loop3A_585 = vector.shape_cast %parallel_loop3A_584 : vector<1x16xf32> to vector<16xf32>
      %parallel_loop3A_586 = arith.index_cast %parallel_loop3A_331 : i32 to index
      %parallel_loop3A_587 = arith.constant 432 : index
      %parallel_loop3A_588 = tpu.vector_load %arg16[%parallel_loop3A_586, %parallel_loop3A_587] {strides = array<i32>} : memref<64x512xf32, #tpu.memory_space<vmem>>, vector<1x16xf32>,
      %parallel_loop3A_589 = vector.shape_cast %parallel_loop3A_588 : vector<1x16xf32> to vector<16xf32>
      %parallel_loop3A_590 = vector.shape_cast %parallel_loop3A_585 : vector<16xf32> to vector<1x16xf32>
      tpu.vector_store %arg16[%parallel_loop3A_586, %parallel_loop3A_587], %parallel_loop3A_590 {add = true, strides = array<i32>} : memref<64x512xf32, #tpu.memory_space<vmem>>, vector<1x16xf32>,
      %parallel_loop3A_591 = arith.index_cast %parallel_loop3A_338 : i32 to index
      %parallel_loop3A_592 = arith.constant 448 : index
      %parallel_loop3A_593 = tpu.vector_load %arg14[%parallel_loop3A_591, %parallel_loop3A_592] {strides = array<i32>} : memref<9x512xf32, #tpu.memory_space<vmem>>, vector<1x16xf32>,
      %parallel_loop3A_594 = vector.shape_cast %parallel_loop3A_593 : vector<1x16xf32> to vector<16xf32>
      %parallel_loop3A_595 = arith.index_cast %parallel_loop3A_331 : i32 to index
      %parallel_loop3A_596 = arith.constant 448 : index
      %parallel_loop3A_597 = tpu.vector_load %arg16[%parallel_loop3A_595, %parallel_loop3A_596] {strides = array<i32>} : memref<64x512xf32, #tpu.memory_space<vmem>>, vector<1x16xf32>,
      %parallel_loop3A_598 = vector.shape_cast %parallel_loop3A_597 : vector<1x16xf32> to vector<16xf32>
      %parallel_loop3A_599 = vector.shape_cast %parallel_loop3A_594 : vector<16xf32> to vector<1x16xf32>
      tpu.vector_store %arg16[%parallel_loop3A_595, %parallel_loop3A_596], %parallel_loop3A_599 {add = true, strides = array<i32>} : memref<64x512xf32, #tpu.memory_space<vmem>>, vector<1x16xf32>,
      %parallel_loop3A_600 = arith.index_cast %parallel_loop3A_338 : i32 to index
      %parallel_loop3A_601 = arith.constant 464 : index
      %parallel_loop3A_602 = tpu.vector_load %arg14[%parallel_loop3A_600, %parallel_loop3A_601] {strides = array<i32>} : memref<9x512xf32, #tpu.memory_space<vmem>>, vector<1x16xf32>,
      %parallel_loop3A_603 = vector.shape_cast %parallel_loop3A_602 : vector<1x16xf32> to vector<16xf32>
      %parallel_loop3A_604 = arith.index_cast %parallel_loop3A_331 : i32 to index
      %parallel_loop3A_605 = arith.constant 464 : index
      %parallel_loop3A_606 = tpu.vector_load %arg16[%parallel_loop3A_604, %parallel_loop3A_605] {strides = array<i32>} : memref<64x512xf32, #tpu.memory_space<vmem>>, vector<1x16xf32>,
      %parallel_loop3A_607 = vector.shape_cast %parallel_loop3A_606 : vector<1x16xf32> to vector<16xf32>
      %parallel_loop3A_608 = vector.shape_cast %parallel_loop3A_603 : vector<16xf32> to vector<1x16xf32>
      tpu.vector_store %arg16[%parallel_loop3A_604, %parallel_loop3A_605], %parallel_loop3A_608 {add = true, strides = array<i32>} : memref<64x512xf32, #tpu.memory_space<vmem>>, vector<1x16xf32>,
      %parallel_loop3A_609 = arith.index_cast %parallel_loop3A_338 : i32 to index
      %parallel_loop3A_610 = arith.constant 480 : index
      %parallel_loop3A_611 = tpu.vector_load %arg14[%parallel_loop3A_609, %parallel_loop3A_610] {strides = array<i32>} : memref<9x512xf32, #tpu.memory_space<vmem>>, vector<1x16xf32>,
      %parallel_loop3A_612 = vector.shape_cast %parallel_loop3A_611 : vector<1x16xf32> to vector<16xf32>
      %parallel_loop3A_613 = arith.index_cast %parallel_loop3A_331 : i32 to index
      %parallel_loop3A_614 = arith.constant 480 : index
      %parallel_loop3A_615 = tpu.vector_load %arg16[%parallel_loop3A_613, %parallel_loop3A_614] {strides = array<i32>} : memref<64x512xf32, #tpu.memory_space<vmem>>, vector<1x16xf32>,
      %parallel_loop3A_616 = vector.shape_cast %parallel_loop3A_615 : vector<1x16xf32> to vector<16xf32>
      %parallel_loop3A_617 = vector.shape_cast %parallel_loop3A_612 : vector<16xf32> to vector<1x16xf32>
      tpu.vector_store %arg16[%parallel_loop3A_613, %parallel_loop3A_614], %parallel_loop3A_617 {add = true, strides = array<i32>} : memref<64x512xf32, #tpu.memory_space<vmem>>, vector<1x16xf32>,
      %parallel_loop3A_618 = arith.index_cast %parallel_loop3A_338 : i32 to index
      %parallel_loop3A_619 = arith.constant 496 : index
      %parallel_loop3A_620 = tpu.vector_load %arg14[%parallel_loop3A_618, %parallel_loop3A_619] {strides = array<i32>} : memref<9x512xf32, #tpu.memory_space<vmem>>, vector<1x16xf32>,
      %parallel_loop3A_621 = vector.shape_cast %parallel_loop3A_620 : vector<1x16xf32> to vector<16xf32>
      %parallel_loop3A_622 = arith.index_cast %parallel_loop3A_331 : i32 to index
      %parallel_loop3A_623 = arith.constant 496 : index
      %parallel_loop3A_624 = tpu.vector_load %arg16[%parallel_loop3A_622, %parallel_loop3A_623] {strides = array<i32>} : memref<64x512xf32, #tpu.memory_space<vmem>>, vector<1x16xf32>,
      %parallel_loop3A_625 = vector.shape_cast %parallel_loop3A_624 : vector<1x16xf32> to vector<16xf32>
      %parallel_loop3A_626 = vector.shape_cast %parallel_loop3A_621 : vector<16xf32> to vector<1x16xf32>
      tpu.vector_store %arg16[%parallel_loop3A_622, %parallel_loop3A_623], %parallel_loop3A_626 {add = true, strides = array<i32>} : memref<64x512xf32, #tpu.memory_space<vmem>>, vector<1x16xf32>,
    } {sc.loop_unroll_factor = 2 : i64, sc.parallel_access}
    %add3A_285 = arith.constant 64 : i32
    %add3A_286 = arith.addi %mul3A_2, %add3A_285 : i32
    %dma_start3A_287 = arith.constant 0 : i32
    %dma_start3A_288 = tpu.memref_slice %arg8[%add3A_286, %dma_start3A_287] : memref<8192x512xf32, #tpu.memory_space<hbm>> -> memref<64x512xf32, #tpu.memory_space<hbm>>
    %dma_start3A_289 = arith.constant 0 : i32
    %dma_start3A_290 = tpu.memref_slice %arg8[%add3A_286, %dma_start3A_289] : memref<8192x512xf32, #tpu.memory_space<hbm>> -> memref<64x512xf32, #tpu.memory_space<hbm>>
    tpu.enqueue_dma source(%arg16 : memref<64x512xf32, #tpu.memory_space<vmem>>) target(%dma_start3A_290 : memref<64x512xf32, #tpu.memory_space<hbm>>) target_semaphore(%arg22 : memref<!tpu.dma_semaphore, #tpu.memory_space<semaphore_mem>>)
    %dma_wait3A_291 = arith.constant 128 : i32
    %dma_wait3A_292 = tpu.memref_slice %arg9[%dma_wait3A_291] : memref<256xi32, #tpu.memory_space<vmem>> -> memref<64xi32, #tpu.memory_space<vmem>>
    %dma_wait3A_293 = arith.constant 0 : i32
    %dma_wait3A_294 = arith.constant 0 : i32
    %dma_wait3A_295 = tpu.memref_slice %arg5[%dma_wait3A_293, %dma_wait3A_294] : memref<32128x512xf32, #tpu.memory_space<hbm>> -> memref<32128x512xf32, #tpu.memory_space<hbm>>
    tpu.wait_indirect_dma semaphore(%arg20 : memref<!tpu.dma_semaphore, #tpu.memory_space<semaphore_mem>>) src(%dma_wait3A_295 : memref<32128x512xf32, #tpu.memory_space<hbm>>) dst(%arg17 : memref<64x512xf32, #tpu.memory_space<vmem>>)
    %parallel_loop3A_296 = arith.constant 0 : i32
    %parallel_loop3A_297 = arith.constant 64 : i32
    %parallel_loop3A_298 = arith.constant 1 : i32
    scf.for %parallel_loop3A_331 = %parallel_loop3A_296 to %parallel_loop3A_297 step %parallel_loop3A_298  : i32 {
      %parallel_loop3A_332 = arith.constant 128 : i32
      %parallel_loop3A_333 = arith.addi %parallel_loop3A_332, %parallel_loop3A_331 : i32
      %parallel_loop3A_334 = arith.index_cast %parallel_loop3A_333 : i32 to index
      %parallel_loop3A_335 = tpu.vector_load %arg10[%parallel_loop3A_334] {strides = array<i32>} : memref<272xi32, #tpu.memory_space<vmem>>, vector<16xi32>,
      %parallel_loop3A_336 = vector.shape_cast %parallel_loop3A_335 : vector<16xi32> to vector<16xi32>
      %parallel_loop3A_337 = vector.extract_strided_slice %parallel_loop3A_336 {offsets = [0], sizes = [1], strides = [1]} : vector<16xi32> to vector<1xi32>
      %parallel_loop3A_338 = vector.extract %parallel_loop3A_337[0] : i32 from vector<1xi32>
      %parallel_loop3A_339 = arith.index_cast %parallel_loop3A_338 : i32 to index
      %parallel_loop3A_340 = arith.constant 0 : index
      %parallel_loop3A_341 = tpu.vector_load %arg14[%parallel_loop3A_339, %parallel_loop3A_340] {strides = array<i32>} : memref<9x512xf32, #tpu.memory_space<vmem>>, vector<1x16xf32>,
      %parallel_loop3A_342 = vector.shape_cast %parallel_loop3A_341 : vector<1x16xf32> to vector<16xf32>
      %parallel_loop3A_343 = arith.index_cast %parallel_loop3A_331 : i32 to index
      %parallel_loop3A_344 = arith.constant 0 : index
      %parallel_loop3A_345 = tpu.vector_load %arg17[%parallel_loop3A_343, %parallel_loop3A_344] {strides = array<i32>} : memref<64x512xf32, #tpu.memory_space<vmem>>, vector<1x16xf32>,
      %parallel_loop3A_346 = vector.shape_cast %parallel_loop3A_345 : vector<1x16xf32> to vector<16xf32>
      %parallel_loop3A_347 = vector.shape_cast %parallel_loop3A_342 : vector<16xf32> to vector<1x16xf32>
      tpu.vector_store %arg17[%parallel_loop3A_343, %parallel_loop3A_344], %parallel_loop3A_347 {add = true, strides = array<i32>} : memref<64x512xf32, #tpu.memory_space<vmem>>, vector<1x16xf32>,
      %parallel_loop3A_348 = arith.index_cast %parallel_loop3A_338 : i32 to index
      %parallel_loop3A_349 = arith.constant 16 : index
      %parallel_loop3A_350 = tpu.vector_load %arg14[%parallel_loop3A_348, %parallel_loop3A_349] {strides = array<i32>} : memref<9x512xf32, #tpu.memory_space<vmem>>, vector<1x16xf32>,
      %parallel_loop3A_351 = vector.shape_cast %parallel_loop3A_350 : vector<1x16xf32> to vector<16xf32>
      %parallel_loop3A_352 = arith.index_cast %parallel_loop3A_331 : i32 to index
      %parallel_loop3A_353 = arith.constant 16 : index
      %parallel_loop3A_354 = tpu.vector_load %arg17[%parallel_loop3A_352, %parallel_loop3A_353] {strides = array<i32>} : memref<64x512xf32, #tpu.memory_space<vmem>>, vector<1x16xf32>,
      %parallel_loop3A_355 = vector.shape_cast %parallel_loop3A_354 : vector<1x16xf32> to vector<16xf32>
      %parallel_loop3A_356 = vector.shape_cast %parallel_loop3A_351 : vector<16xf32> to vector<1x16xf32>
      tpu.vector_store %arg17[%parallel_loop3A_352, %parallel_loop3A_353], %parallel_loop3A_356 {add = true, strides = array<i32>} : memref<64x512xf32, #tpu.memory_space<vmem>>, vector<1x16xf32>,
      %parallel_loop3A_357 = arith.index_cast %parallel_loop3A_338 : i32 to index
      %parallel_loop3A_358 = arith.constant 32 : index
      %parallel_loop3A_359 = tpu.vector_load %arg14[%parallel_loop3A_357, %parallel_loop3A_358] {strides = array<i32>} : memref<9x512xf32, #tpu.memory_space<vmem>>, vector<1x16xf32>,
      %parallel_loop3A_360 = vector.shape_cast %parallel_loop3A_359 : vector<1x16xf32> to vector<16xf32>
      %parallel_loop3A_361 = arith.index_cast %parallel_loop3A_331 : i32 to index
      %parallel_loop3A_362 = arith.constant 32 : index
      %parallel_loop3A_363 = tpu.vector_load %arg17[%parallel_loop3A_361, %parallel_loop3A_362] {strides = array<i32>} : memref<64x512xf32, #tpu.memory_space<vmem>>, vector<1x16xf32>,
      %parallel_loop3A_364 = vector.shape_cast %parallel_loop3A_363 : vector<1x16xf32> to vector<16xf32>
      %parallel_loop3A_365 = vector.shape_cast %parallel_loop3A_360 : vector<16xf32> to vector<1x16xf32>
      tpu.vector_store %arg17[%parallel_loop3A_361, %parallel_loop3A_362], %parallel_loop3A_365 {add = true, strides = array<i32>} : memref<64x512xf32, #tpu.memory_space<vmem>>, vector<1x16xf32>,
      %parallel_loop3A_366 = arith.index_cast %parallel_loop3A_338 : i32 to index
      %parallel_loop3A_367 = arith.constant 48 : index
      %parallel_loop3A_368 = tpu.vector_load %arg14[%parallel_loop3A_366, %parallel_loop3A_367] {strides = array<i32>} : memref<9x512xf32, #tpu.memory_space<vmem>>, vector<1x16xf32>,
      %parallel_loop3A_369 = vector.shape_cast %parallel_loop3A_368 : vector<1x16xf32> to vector<16xf32>
      %parallel_loop3A_370 = arith.index_cast %parallel_loop3A_331 : i32 to index
      %parallel_loop3A_371 = arith.constant 48 : index
      %parallel_loop3A_372 = tpu.vector_load %arg17[%parallel_loop3A_370, %parallel_loop3A_371] {strides = array<i32>} : memref<64x512xf32, #tpu.memory_space<vmem>>, vector<1x16xf32>,
      %parallel_loop3A_373 = vector.shape_cast %parallel_loop3A_372 : vector<1x16xf32> to vector<16xf32>
      %parallel_loop3A_374 = vector.shape_cast %parallel_loop3A_369 : vector<16xf32> to vector<1x16xf32>
      tpu.vector_store %arg17[%parallel_loop3A_370, %parallel_loop3A_371], %parallel_loop3A_374 {add = true, strides = array<i32>} : memref<64x512xf32, #tpu.memory_space<vmem>>, vector<1x16xf32>,
      %parallel_loop3A_375 = arith.index_cast %parallel_loop3A_338 : i32 to index
      %parallel_loop3A_376 = arith.constant 64 : index
      %parallel_loop3A_377 = tpu.vector_load %arg14[%parallel_loop3A_375, %parallel_loop3A_376] {strides = array<i32>} : memref<9x512xf32, #tpu.memory_space<vmem>>, vector<1x16xf32>,
      %parallel_loop3A_378 = vector.shape_cast %parallel_loop3A_377 : vector<1x16xf32> to vector<16xf32>
      %parallel_loop3A_379 = arith.index_cast %parallel_loop3A_331 : i32 to index
      %parallel_loop3A_380 = arith.constant 64 : index
      %parallel_loop3A_381 = tpu.vector_load %arg17[%parallel_loop3A_379, %parallel_loop3A_380] {strides = array<i32>} : memref<64x512xf32, #tpu.memory_space<vmem>>, vector<1x16xf32>,
      %parallel_loop3A_382 = vector.shape_cast %parallel_loop3A_381 : vector<1x16xf32> to vector<16xf32>
      %parallel_loop3A_383 = vector.shape_cast %parallel_loop3A_378 : vector<16xf32> to vector<1x16xf32>
      tpu.vector_store %arg17[%parallel_loop3A_379, %parallel_loop3A_380], %parallel_loop3A_383 {add = true, strides = array<i32>} : memref<64x512xf32, #tpu.memory_space<vmem>>, vector<1x16xf32>,
      %parallel_loop3A_384 = arith.index_cast %parallel_loop3A_338 : i32 to index
      %parallel_loop3A_385 = arith.constant 80 : index
      %parallel_loop3A_386 = tpu.vector_load %arg14[%parallel_loop3A_384, %parallel_loop3A_385] {strides = array<i32>} : memref<9x512xf32, #tpu.memory_space<vmem>>, vector<1x16xf32>,
      %parallel_loop3A_387 = vector.shape_cast %parallel_loop3A_386 : vector<1x16xf32> to vector<16xf32>
      %parallel_loop3A_388 = arith.index_cast %parallel_loop3A_331 : i32 to index
      %parallel_loop3A_389 = arith.constant 80 : index
      %parallel_loop3A_390 = tpu.vector_load %arg17[%parallel_loop3A_388, %parallel_loop3A_389] {strides = array<i32>} : memref<64x512xf32, #tpu.memory_space<vmem>>, vector<1x16xf32>,
      %parallel_loop3A_391 = vector.shape_cast %parallel_loop3A_390 : vector<1x16xf32> to vector<16xf32>
      %parallel_loop3A_392 = vector.shape_cast %parallel_loop3A_387 : vector<16xf32> to vector<1x16xf32>
      tpu.vector_store %arg17[%parallel_loop3A_388, %parallel_loop3A_389], %parallel_loop3A_392 {add = true, strides = array<i32>} : memref<64x512xf32, #tpu.memory_space<vmem>>, vector<1x16xf32>,
      %parallel_loop3A_393 = arith.index_cast %parallel_loop3A_338 : i32 to index
      %parallel_loop3A_394 = arith.constant 96 : index
      %parallel_loop3A_395 = tpu.vector_load %arg14[%parallel_loop3A_393, %parallel_loop3A_394] {strides = array<i32>} : memref<9x512xf32, #tpu.memory_space<vmem>>, vector<1x16xf32>,
      %parallel_loop3A_396 = vector.shape_cast %parallel_loop3A_395 : vector<1x16xf32> to vector<16xf32>
      %parallel_loop3A_397 = arith.index_cast %parallel_loop3A_331 : i32 to index
      %parallel_loop3A_398 = arith.constant 96 : index
      %parallel_loop3A_399 = tpu.vector_load %arg17[%parallel_loop3A_397, %parallel_loop3A_398] {strides = array<i32>} : memref<64x512xf32, #tpu.memory_space<vmem>>, vector<1x16xf32>,
      %parallel_loop3A_400 = vector.shape_cast %parallel_loop3A_399 : vector<1x16xf32> to vector<16xf32>
      %parallel_loop3A_401 = vector.shape_cast %parallel_loop3A_396 : vector<16xf32> to vector<1x16xf32>
      tpu.vector_store %arg17[%parallel_loop3A_397, %parallel_loop3A_398], %parallel_loop3A_401 {add = true, strides = array<i32>} : memref<64x512xf32, #tpu.memory_space<vmem>>, vector<1x16xf32>,
      %parallel_loop3A_402 = arith.index_cast %parallel_loop3A_338 : i32 to index
      %parallel_loop3A_403 = arith.constant 112 : index
      %parallel_loop3A_404 = tpu.vector_load %arg14[%parallel_loop3A_402, %parallel_loop3A_403] {strides = array<i32>} : memref<9x512xf32, #tpu.memory_space<vmem>>, vector<1x16xf32>,
      %parallel_loop3A_405 = vector.shape_cast %parallel_loop3A_404 : vector<1x16xf32> to vector<16xf32>
      %parallel_loop3A_406 = arith.index_cast %parallel_loop3A_331 : i32 to index
      %parallel_loop3A_407 = arith.constant 112 : index
      %parallel_loop3A_408 = tpu.vector_load %arg17[%parallel_loop3A_406, %parallel_loop3A_407] {strides = array<i32>} : memref<64x512xf32, #tpu.memory_space<vmem>>, vector<1x16xf32>,
      %parallel_loop3A_409 = vector.shape_cast %parallel_loop3A_408 : vector<1x16xf32> to vector<16xf32>
      %parallel_loop3A_410 = vector.shape_cast %parallel_loop3A_405 : vector<16xf32> to vector<1x16xf32>
      tpu.vector_store %arg17[%parallel_loop3A_406, %parallel_loop3A_407], %parallel_loop3A_410 {add = true, strides = array<i32>} : memref<64x512xf32, #tpu.memory_space<vmem>>, vector<1x16xf32>,
      %parallel_loop3A_411 = arith.index_cast %parallel_loop3A_338 : i32 to index
      %parallel_loop3A_412 = arith.constant 128 : index
      %parallel_loop3A_413 = tpu.vector_load %arg14[%parallel_loop3A_411, %parallel_loop3A_412] {strides = array<i32>} : memref<9x512xf32, #tpu.memory_space<vmem>>, vector<1x16xf32>,
      %parallel_loop3A_414 = vector.shape_cast %parallel_loop3A_413 : vector<1x16xf32> to vector<16xf32>
      %parallel_loop3A_415 = arith.index_cast %parallel_loop3A_331 : i32 to index
      %parallel_loop3A_416 = arith.constant 128 : index
      %parallel_loop3A_417 = tpu.vector_load %arg17[%parallel_loop3A_415, %parallel_loop3A_416] {strides = array<i32>} : memref<64x512xf32, #tpu.memory_space<vmem>>, vector<1x16xf32>,
      %parallel_loop3A_418 = vector.shape_cast %parallel_loop3A_417 : vector<1x16xf32> to vector<16xf32>
      %parallel_loop3A_419 = vector.shape_cast %parallel_loop3A_414 : vector<16xf32> to vector<1x16xf32>
      tpu.vector_store %arg17[%parallel_loop3A_415, %parallel_loop3A_416], %parallel_loop3A_419 {add = true, strides = array<i32>} : memref<64x512xf32, #tpu.memory_space<vmem>>, vector<1x16xf32>,
      %parallel_loop3A_420 = arith.index_cast %parallel_loop3A_338 : i32 to index
      %parallel_loop3A_421 = arith.constant 144 : index
      %parallel_loop3A_422 = tpu.vector_load %arg14[%parallel_loop3A_420, %parallel_loop3A_421] {strides = array<i32>} : memref<9x512xf32, #tpu.memory_space<vmem>>, vector<1x16xf32>,
      %parallel_loop3A_423 = vector.shape_cast %parallel_loop3A_422 : vector<1x16xf32> to vector<16xf32>
      %parallel_loop3A_424 = arith.index_cast %parallel_loop3A_331 : i32 to index
      %parallel_loop3A_425 = arith.constant 144 : index
      %parallel_loop3A_426 = tpu.vector_load %arg17[%parallel_loop3A_424, %parallel_loop3A_425] {strides = array<i32>} : memref<64x512xf32, #tpu.memory_space<vmem>>, vector<1x16xf32>,
      %parallel_loop3A_427 = vector.shape_cast %parallel_loop3A_426 : vector<1x16xf32> to vector<16xf32>
      %parallel_loop3A_428 = vector.shape_cast %parallel_loop3A_423 : vector<16xf32> to vector<1x16xf32>
      tpu.vector_store %arg17[%parallel_loop3A_424, %parallel_loop3A_425], %parallel_loop3A_428 {add = true, strides = array<i32>} : memref<64x512xf32, #tpu.memory_space<vmem>>, vector<1x16xf32>,
      %parallel_loop3A_429 = arith.index_cast %parallel_loop3A_338 : i32 to index
      %parallel_loop3A_430 = arith.constant 160 : index
      %parallel_loop3A_431 = tpu.vector_load %arg14[%parallel_loop3A_429, %parallel_loop3A_430] {strides = array<i32>} : memref<9x512xf32, #tpu.memory_space<vmem>>, vector<1x16xf32>,
      %parallel_loop3A_432 = vector.shape_cast %parallel_loop3A_431 : vector<1x16xf32> to vector<16xf32>
      %parallel_loop3A_433 = arith.index_cast %parallel_loop3A_331 : i32 to index
      %parallel_loop3A_434 = arith.constant 160 : index
      %parallel_loop3A_435 = tpu.vector_load %arg17[%parallel_loop3A_433, %parallel_loop3A_434] {strides = array<i32>} : memref<64x512xf32, #tpu.memory_space<vmem>>, vector<1x16xf32>,
      %parallel_loop3A_436 = vector.shape_cast %parallel_loop3A_435 : vector<1x16xf32> to vector<16xf32>
      %parallel_loop3A_437 = vector.shape_cast %parallel_loop3A_432 : vector<16xf32> to vector<1x16xf32>
      tpu.vector_store %arg17[%parallel_loop3A_433, %parallel_loop3A_434], %parallel_loop3A_437 {add = true, strides = array<i32>} : memref<64x512xf32, #tpu.memory_space<vmem>>, vector<1x16xf32>,
      %parallel_loop3A_438 = arith.index_cast %parallel_loop3A_338 : i32 to index
      %parallel_loop3A_439 = arith.constant 176 : index
      %parallel_loop3A_440 = tpu.vector_load %arg14[%parallel_loop3A_438, %parallel_loop3A_439] {strides = array<i32>} : memref<9x512xf32, #tpu.memory_space<vmem>>, vector<1x16xf32>,
      %parallel_loop3A_441 = vector.shape_cast %parallel_loop3A_440 : vector<1x16xf32> to vector<16xf32>
      %parallel_loop3A_442 = arith.index_cast %parallel_loop3A_331 : i32 to index
      %parallel_loop3A_443 = arith.constant 176 : index
      %parallel_loop3A_444 = tpu.vector_load %arg17[%parallel_loop3A_442, %parallel_loop3A_443] {strides = array<i32>} : memref<64x512xf32, #tpu.memory_space<vmem>>, vector<1x16xf32>,
      %parallel_loop3A_445 = vector.shape_cast %parallel_loop3A_444 : vector<1x16xf32> to vector<16xf32>
      %parallel_loop3A_446 = vector.shape_cast %parallel_loop3A_441 : vector<16xf32> to vector<1x16xf32>
      tpu.vector_store %arg17[%parallel_loop3A_442, %parallel_loop3A_443], %parallel_loop3A_446 {add = true, strides = array<i32>} : memref<64x512xf32, #tpu.memory_space<vmem>>, vector<1x16xf32>,
      %parallel_loop3A_447 = arith.index_cast %parallel_loop3A_338 : i32 to index
      %parallel_loop3A_448 = arith.constant 192 : index
      %parallel_loop3A_449 = tpu.vector_load %arg14[%parallel_loop3A_447, %parallel_loop3A_448] {strides = array<i32>} : memref<9x512xf32, #tpu.memory_space<vmem>>, vector<1x16xf32>,
      %parallel_loop3A_450 = vector.shape_cast %parallel_loop3A_449 : vector<1x16xf32> to vector<16xf32>
      %parallel_loop3A_451 = arith.index_cast %parallel_loop3A_331 : i32 to index
      %parallel_loop3A_452 = arith.constant 192 : index
      %parallel_loop3A_453 = tpu.vector_load %arg17[%parallel_loop3A_451, %parallel_loop3A_452] {strides = array<i32>} : memref<64x512xf32, #tpu.memory_space<vmem>>, vector<1x16xf32>,
      %parallel_loop3A_454 = vector.shape_cast %parallel_loop3A_453 : vector<1x16xf32> to vector<16xf32>
      %parallel_loop3A_455 = vector.shape_cast %parallel_loop3A_450 : vector<16xf32> to vector<1x16xf32>
      tpu.vector_store %arg17[%parallel_loop3A_451, %parallel_loop3A_452], %parallel_loop3A_455 {add = true, strides = array<i32>} : memref<64x512xf32, #tpu.memory_space<vmem>>, vector<1x16xf32>,
      %parallel_loop3A_456 = arith.index_cast %parallel_loop3A_338 : i32 to index
      %parallel_loop3A_457 = arith.constant 208 : index
      %parallel_loop3A_458 = tpu.vector_load %arg14[%parallel_loop3A_456, %parallel_loop3A_457] {strides = array<i32>} : memref<9x512xf32, #tpu.memory_space<vmem>>, vector<1x16xf32>,
      %parallel_loop3A_459 = vector.shape_cast %parallel_loop3A_458 : vector<1x16xf32> to vector<16xf32>
      %parallel_loop3A_460 = arith.index_cast %parallel_loop3A_331 : i32 to index
      %parallel_loop3A_461 = arith.constant 208 : index
      %parallel_loop3A_462 = tpu.vector_load %arg17[%parallel_loop3A_460, %parallel_loop3A_461] {strides = array<i32>} : memref<64x512xf32, #tpu.memory_space<vmem>>, vector<1x16xf32>,
      %parallel_loop3A_463 = vector.shape_cast %parallel_loop3A_462 : vector<1x16xf32> to vector<16xf32>
      %parallel_loop3A_464 = vector.shape_cast %parallel_loop3A_459 : vector<16xf32> to vector<1x16xf32>
      tpu.vector_store %arg17[%parallel_loop3A_460, %parallel_loop3A_461], %parallel_loop3A_464 {add = true, strides = array<i32>} : memref<64x512xf32, #tpu.memory_space<vmem>>, vector<1x16xf32>,
      %parallel_loop3A_465 = arith.index_cast %parallel_loop3A_338 : i32 to index
      %parallel_loop3A_466 = arith.constant 224 : index
      %parallel_loop3A_467 = tpu.vector_load %arg14[%parallel_loop3A_465, %parallel_loop3A_466] {strides = array<i32>} : memref<9x512xf32, #tpu.memory_space<vmem>>, vector<1x16xf32>,
      %parallel_loop3A_468 = vector.shape_cast %parallel_loop3A_467 : vector<1x16xf32> to vector<16xf32>
      %parallel_loop3A_469 = arith.index_cast %parallel_loop3A_331 : i32 to index
      %parallel_loop3A_470 = arith.constant 224 : index
      %parallel_loop3A_471 = tpu.vector_load %arg17[%parallel_loop3A_469, %parallel_loop3A_470] {strides = array<i32>} : memref<64x512xf32, #tpu.memory_space<vmem>>, vector<1x16xf32>,
      %parallel_loop3A_472 = vector.shape_cast %parallel_loop3A_471 : vector<1x16xf32> to vector<16xf32>
      %parallel_loop3A_473 = vector.shape_cast %parallel_loop3A_468 : vector<16xf32> to vector<1x16xf32>
      tpu.vector_store %arg17[%parallel_loop3A_469, %parallel_loop3A_470], %parallel_loop3A_473 {add = true, strides = array<i32>} : memref<64x512xf32, #tpu.memory_space<vmem>>, vector<1x16xf32>,
      %parallel_loop3A_474 = arith.index_cast %parallel_loop3A_338 : i32 to index
      %parallel_loop3A_475 = arith.constant 240 : index
      %parallel_loop3A_476 = tpu.vector_load %arg14[%parallel_loop3A_474, %parallel_loop3A_475] {strides = array<i32>} : memref<9x512xf32, #tpu.memory_space<vmem>>, vector<1x16xf32>,
      %parallel_loop3A_477 = vector.shape_cast %parallel_loop3A_476 : vector<1x16xf32> to vector<16xf32>
      %parallel_loop3A_478 = arith.index_cast %parallel_loop3A_331 : i32 to index
      %parallel_loop3A_479 = arith.constant 240 : index
      %parallel_loop3A_480 = tpu.vector_load %arg17[%parallel_loop3A_478, %parallel_loop3A_479] {strides = array<i32>} : memref<64x512xf32, #tpu.memory_space<vmem>>, vector<1x16xf32>,
      %parallel_loop3A_481 = vector.shape_cast %parallel_loop3A_480 : vector<1x16xf32> to vector<16xf32>
      %parallel_loop3A_482 = vector.shape_cast %parallel_loop3A_477 : vector<16xf32> to vector<1x16xf32>
      tpu.vector_store %arg17[%parallel_loop3A_478, %parallel_loop3A_479], %parallel_loop3A_482 {add = true, strides = array<i32>} : memref<64x512xf32, #tpu.memory_space<vmem>>, vector<1x16xf32>,
      %parallel_loop3A_483 = arith.index_cast %parallel_loop3A_338 : i32 to index
      %parallel_loop3A_484 = arith.constant 256 : index
      %parallel_loop3A_485 = tpu.vector_load %arg14[%parallel_loop3A_483, %parallel_loop3A_484] {strides = array<i32>} : memref<9x512xf32, #tpu.memory_space<vmem>>, vector<1x16xf32>,
      %parallel_loop3A_486 = vector.shape_cast %parallel_loop3A_485 : vector<1x16xf32> to vector<16xf32>
      %parallel_loop3A_487 = arith.index_cast %parallel_loop3A_331 : i32 to index
      %parallel_loop3A_488 = arith.constant 256 : index
      %parallel_loop3A_489 = tpu.vector_load %arg17[%parallel_loop3A_487, %parallel_loop3A_488] {strides = array<i32>} : memref<64x512xf32, #tpu.memory_space<vmem>>, vector<1x16xf32>,
      %parallel_loop3A_490 = vector.shape_cast %parallel_loop3A_489 : vector<1x16xf32> to vector<16xf32>
      %parallel_loop3A_491 = vector.shape_cast %parallel_loop3A_486 : vector<16xf32> to vector<1x16xf32>
      tpu.vector_store %arg17[%parallel_loop3A_487, %parallel_loop3A_488], %parallel_loop3A_491 {add = true, strides = array<i32>} : memref<64x512xf32, #tpu.memory_space<vmem>>, vector<1x16xf32>,
      %parallel_loop3A_492 = arith.index_cast %parallel_loop3A_338 : i32 to index
      %parallel_loop3A_493 = arith.constant 272 : index
      %parallel_loop3A_494 = tpu.vector_load %arg14[%parallel_loop3A_492, %parallel_loop3A_493] {strides = array<i32>} : memref<9x512xf32, #tpu.memory_space<vmem>>, vector<1x16xf32>,
      %parallel_loop3A_495 = vector.shape_cast %parallel_loop3A_494 : vector<1x16xf32> to vector<16xf32>
      %parallel_loop3A_496 = arith.index_cast %parallel_loop3A_331 : i32 to index
      %parallel_loop3A_497 = arith.constant 272 : index
      %parallel_loop3A_498 = tpu.vector_load %arg17[%parallel_loop3A_496, %parallel_loop3A_497] {strides = array<i32>} : memref<64x512xf32, #tpu.memory_space<vmem>>, vector<1x16xf32>,
      %parallel_loop3A_499 = vector.shape_cast %parallel_loop3A_498 : vector<1x16xf32> to vector<16xf32>
      %parallel_loop3A_500 = vector.shape_cast %parallel_loop3A_495 : vector<16xf32> to vector<1x16xf32>
      tpu.vector_store %arg17[%parallel_loop3A_496, %parallel_loop3A_497], %parallel_loop3A_500 {add = true, strides = array<i32>} : memref<64x512xf32, #tpu.memory_space<vmem>>, vector<1x16xf32>,
      %parallel_loop3A_501 = arith.index_cast %parallel_loop3A_338 : i32 to index
      %parallel_loop3A_502 = arith.constant 288 : index
      %parallel_loop3A_503 = tpu.vector_load %arg14[%parallel_loop3A_501, %parallel_loop3A_502] {strides = array<i32>} : memref<9x512xf32, #tpu.memory_space<vmem>>, vector<1x16xf32>,
      %parallel_loop3A_504 = vector.shape_cast %parallel_loop3A_503 : vector<1x16xf32> to vector<16xf32>
      %parallel_loop3A_505 = arith.index_cast %parallel_loop3A_331 : i32 to index
      %parallel_loop3A_506 = arith.constant 288 : index
      %parallel_loop3A_507 = tpu.vector_load %arg17[%parallel_loop3A_505, %parallel_loop3A_506] {strides = array<i32>} : memref<64x512xf32, #tpu.memory_space<vmem>>, vector<1x16xf32>,
      %parallel_loop3A_508 = vector.shape_cast %parallel_loop3A_507 : vector<1x16xf32> to vector<16xf32>
      %parallel_loop3A_509 = vector.shape_cast %parallel_loop3A_504 : vector<16xf32> to vector<1x16xf32>
      tpu.vector_store %arg17[%parallel_loop3A_505, %parallel_loop3A_506], %parallel_loop3A_509 {add = true, strides = array<i32>} : memref<64x512xf32, #tpu.memory_space<vmem>>, vector<1x16xf32>,
      %parallel_loop3A_510 = arith.index_cast %parallel_loop3A_338 : i32 to index
      %parallel_loop3A_511 = arith.constant 304 : index
      %parallel_loop3A_512 = tpu.vector_load %arg14[%parallel_loop3A_510, %parallel_loop3A_511] {strides = array<i32>} : memref<9x512xf32, #tpu.memory_space<vmem>>, vector<1x16xf32>,
      %parallel_loop3A_513 = vector.shape_cast %parallel_loop3A_512 : vector<1x16xf32> to vector<16xf32>
      %parallel_loop3A_514 = arith.index_cast %parallel_loop3A_331 : i32 to index
      %parallel_loop3A_515 = arith.constant 304 : index
      %parallel_loop3A_516 = tpu.vector_load %arg17[%parallel_loop3A_514, %parallel_loop3A_515] {strides = array<i32>} : memref<64x512xf32, #tpu.memory_space<vmem>>, vector<1x16xf32>,
      %parallel_loop3A_517 = vector.shape_cast %parallel_loop3A_516 : vector<1x16xf32> to vector<16xf32>
      %parallel_loop3A_518 = vector.shape_cast %parallel_loop3A_513 : vector<16xf32> to vector<1x16xf32>
      tpu.vector_store %arg17[%parallel_loop3A_514, %parallel_loop3A_515], %parallel_loop3A_518 {add = true, strides = array<i32>} : memref<64x512xf32, #tpu.memory_space<vmem>>, vector<1x16xf32>,
      %parallel_loop3A_519 = arith.index_cast %parallel_loop3A_338 : i32 to index
      %parallel_loop3A_520 = arith.constant 320 : index
      %parallel_loop3A_521 = tpu.vector_load %arg14[%parallel_loop3A_519, %parallel_loop3A_520] {strides = array<i32>} : memref<9x512xf32, #tpu.memory_space<vmem>>, vector<1x16xf32>,
      %parallel_loop3A_522 = vector.shape_cast %parallel_loop3A_521 : vector<1x16xf32> to vector<16xf32>
      %parallel_loop3A_523 = arith.index_cast %parallel_loop3A_331 : i32 to index
      %parallel_loop3A_524 = arith.constant 320 : index
      %parallel_loop3A_525 = tpu.vector_load %arg17[%parallel_loop3A_523, %parallel_loop3A_524] {strides = array<i32>} : memref<64x512xf32, #tpu.memory_space<vmem>>, vector<1x16xf32>,
      %parallel_loop3A_526 = vector.shape_cast %parallel_loop3A_525 : vector<1x16xf32> to vector<16xf32>
      %parallel_loop3A_527 = vector.shape_cast %parallel_loop3A_522 : vector<16xf32> to vector<1x16xf32>
      tpu.vector_store %arg17[%parallel_loop3A_523, %parallel_loop3A_524], %parallel_loop3A_527 {add = true, strides = array<i32>} : memref<64x512xf32, #tpu.memory_space<vmem>>, vector<1x16xf32>,
      %parallel_loop3A_528 = arith.index_cast %parallel_loop3A_338 : i32 to index
      %parallel_loop3A_529 = arith.constant 336 : index
      %parallel_loop3A_530 = tpu.vector_load %arg14[%parallel_loop3A_528, %parallel_loop3A_529] {strides = array<i32>} : memref<9x512xf32, #tpu.memory_space<vmem>>, vector<1x16xf32>,
      %parallel_loop3A_531 = vector.shape_cast %parallel_loop3A_530 : vector<1x16xf32> to vector<16xf32>
      %parallel_loop3A_532 = arith.index_cast %parallel_loop3A_331 : i32 to index
      %parallel_loop3A_533 = arith.constant 336 : index
      %parallel_loop3A_534 = tpu.vector_load %arg17[%parallel_loop3A_532, %parallel_loop3A_533] {strides = array<i32>} : memref<64x512xf32, #tpu.memory_space<vmem>>, vector<1x16xf32>,
      %parallel_loop3A_535 = vector.shape_cast %parallel_loop3A_534 : vector<1x16xf32> to vector<16xf32>
      %parallel_loop3A_536 = vector.shape_cast %parallel_loop3A_531 : vector<16xf32> to vector<1x16xf32>
      tpu.vector_store %arg17[%parallel_loop3A_532, %parallel_loop3A_533], %parallel_loop3A_536 {add = true, strides = array<i32>} : memref<64x512xf32, #tpu.memory_space<vmem>>, vector<1x16xf32>,
      %parallel_loop3A_537 = arith.index_cast %parallel_loop3A_338 : i32 to index
      %parallel_loop3A_538 = arith.constant 352 : index
      %parallel_loop3A_539 = tpu.vector_load %arg14[%parallel_loop3A_537, %parallel_loop3A_538] {strides = array<i32>} : memref<9x512xf32, #tpu.memory_space<vmem>>, vector<1x16xf32>,
      %parallel_loop3A_540 = vector.shape_cast %parallel_loop3A_539 : vector<1x16xf32> to vector<16xf32>
      %parallel_loop3A_541 = arith.index_cast %parallel_loop3A_331 : i32 to index
      %parallel_loop3A_542 = arith.constant 352 : index
      %parallel_loop3A_543 = tpu.vector_load %arg17[%parallel_loop3A_541, %parallel_loop3A_542] {strides = array<i32>} : memref<64x512xf32, #tpu.memory_space<vmem>>, vector<1x16xf32>,
      %parallel_loop3A_544 = vector.shape_cast %parallel_loop3A_543 : vector<1x16xf32> to vector<16xf32>
      %parallel_loop3A_545 = vector.shape_cast %parallel_loop3A_540 : vector<16xf32> to vector<1x16xf32>
      tpu.vector_store %arg17[%parallel_loop3A_541, %parallel_loop3A_542], %parallel_loop3A_545 {add = true, strides = array<i32>} : memref<64x512xf32, #tpu.memory_space<vmem>>, vector<1x16xf32>,
      %parallel_loop3A_546 = arith.index_cast %parallel_loop3A_338 : i32 to index
      %parallel_loop3A_547 = arith.constant 368 : index
      %parallel_loop3A_548 = tpu.vector_load %arg14[%parallel_loop3A_546, %parallel_loop3A_547] {strides = array<i32>} : memref<9x512xf32, #tpu.memory_space<vmem>>, vector<1x16xf32>,
      %parallel_loop3A_549 = vector.shape_cast %parallel_loop3A_548 : vector<1x16xf32> to vector<16xf32>
      %parallel_loop3A_550 = arith.index_cast %parallel_loop3A_331 : i32 to index
      %parallel_loop3A_551 = arith.constant 368 : index
      %parallel_loop3A_552 = tpu.vector_load %arg17[%parallel_loop3A_550, %parallel_loop3A_551] {strides = array<i32>} : memref<64x512xf32, #tpu.memory_space<vmem>>, vector<1x16xf32>,
      %parallel_loop3A_553 = vector.shape_cast %parallel_loop3A_552 : vector<1x16xf32> to vector<16xf32>
      %parallel_loop3A_554 = vector.shape_cast %parallel_loop3A_549 : vector<16xf32> to vector<1x16xf32>
      tpu.vector_store %arg17[%parallel_loop3A_550, %parallel_loop3A_551], %parallel_loop3A_554 {add = true, strides = array<i32>} : memref<64x512xf32, #tpu.memory_space<vmem>>, vector<1x16xf32>,
      %parallel_loop3A_555 = arith.index_cast %parallel_loop3A_338 : i32 to index
      %parallel_loop3A_556 = arith.constant 384 : index
      %parallel_loop3A_557 = tpu.vector_load %arg14[%parallel_loop3A_555, %parallel_loop3A_556] {strides = array<i32>} : memref<9x512xf32, #tpu.memory_space<vmem>>, vector<1x16xf32>,
      %parallel_loop3A_558 = vector.shape_cast %parallel_loop3A_557 : vector<1x16xf32> to vector<16xf32>
      %parallel_loop3A_559 = arith.index_cast %parallel_loop3A_331 : i32 to index
      %parallel_loop3A_560 = arith.constant 384 : index
      %parallel_loop3A_561 = tpu.vector_load %arg17[%parallel_loop3A_559, %parallel_loop3A_560] {strides = array<i32>} : memref<64x512xf32, #tpu.memory_space<vmem>>, vector<1x16xf32>,
      %parallel_loop3A_562 = vector.shape_cast %parallel_loop3A_561 : vector<1x16xf32> to vector<16xf32>
      %parallel_loop3A_563 = vector.shape_cast %parallel_loop3A_558 : vector<16xf32> to vector<1x16xf32>
      tpu.vector_store %arg17[%parallel_loop3A_559, %parallel_loop3A_560], %parallel_loop3A_563 {add = true, strides = array<i32>} : memref<64x512xf32, #tpu.memory_space<vmem>>, vector<1x16xf32>,
      %parallel_loop3A_564 = arith.index_cast %parallel_loop3A_338 : i32 to index
      %parallel_loop3A_565 = arith.constant 400 : index
      %parallel_loop3A_566 = tpu.vector_load %arg14[%parallel_loop3A_564, %parallel_loop3A_565] {strides = array<i32>} : memref<9x512xf32, #tpu.memory_space<vmem>>, vector<1x16xf32>,
      %parallel_loop3A_567 = vector.shape_cast %parallel_loop3A_566 : vector<1x16xf32> to vector<16xf32>
      %parallel_loop3A_568 = arith.index_cast %parallel_loop3A_331 : i32 to index
      %parallel_loop3A_569 = arith.constant 400 : index
      %parallel_loop3A_570 = tpu.vector_load %arg17[%parallel_loop3A_568, %parallel_loop3A_569] {strides = array<i32>} : memref<64x512xf32, #tpu.memory_space<vmem>>, vector<1x16xf32>,
      %parallel_loop3A_571 = vector.shape_cast %parallel_loop3A_570 : vector<1x16xf32> to vector<16xf32>
      %parallel_loop3A_572 = vector.shape_cast %parallel_loop3A_567 : vector<16xf32> to vector<1x16xf32>
      tpu.vector_store %arg17[%parallel_loop3A_568, %parallel_loop3A_569], %parallel_loop3A_572 {add = true, strides = array<i32>} : memref<64x512xf32, #tpu.memory_space<vmem>>, vector<1x16xf32>,
      %parallel_loop3A_573 = arith.index_cast %parallel_loop3A_338 : i32 to index
      %parallel_loop3A_574 = arith.constant 416 : index
      %parallel_loop3A_575 = tpu.vector_load %arg14[%parallel_loop3A_573, %parallel_loop3A_574] {strides = array<i32>} : memref<9x512xf32, #tpu.memory_space<vmem>>, vector<1x16xf32>,
      %parallel_loop3A_576 = vector.shape_cast %parallel_loop3A_575 : vector<1x16xf32> to vector<16xf32>
      %parallel_loop3A_577 = arith.index_cast %parallel_loop3A_331 : i32 to index
      %parallel_loop3A_578 = arith.constant 416 : index
      %parallel_loop3A_579 = tpu.vector_load %arg17[%parallel_loop3A_577, %parallel_loop3A_578] {strides = array<i32>} : memref<64x512xf32, #tpu.memory_space<vmem>>, vector<1x16xf32>,
      %parallel_loop3A_580 = vector.shape_cast %parallel_loop3A_579 : vector<1x16xf32> to vector<16xf32>
      %parallel_loop3A_581 = vector.shape_cast %parallel_loop3A_576 : vector<16xf32> to vector<1x16xf32>
      tpu.vector_store %arg17[%parallel_loop3A_577, %parallel_loop3A_578], %parallel_loop3A_581 {add = true, strides = array<i32>} : memref<64x512xf32, #tpu.memory_space<vmem>>, vector<1x16xf32>,
      %parallel_loop3A_582 = arith.index_cast %parallel_loop3A_338 : i32 to index
      %parallel_loop3A_583 = arith.constant 432 : index
      %parallel_loop3A_584 = tpu.vector_load %arg14[%parallel_loop3A_582, %parallel_loop3A_583] {strides = array<i32>} : memref<9x512xf32, #tpu.memory_space<vmem>>, vector<1x16xf32>,
      %parallel_loop3A_585 = vector.shape_cast %parallel_loop3A_584 : vector<1x16xf32> to vector<16xf32>
      %parallel_loop3A_586 = arith.index_cast %parallel_loop3A_331 : i32 to index
      %parallel_loop3A_587 = arith.constant 432 : index
      %parallel_loop3A_588 = tpu.vector_load %arg17[%parallel_loop3A_586, %parallel_loop3A_587] {strides = array<i32>} : memref<64x512xf32, #tpu.memory_space<vmem>>, vector<1x16xf32>,
      %parallel_loop3A_589 = vector.shape_cast %parallel_loop3A_588 : vector<1x16xf32> to vector<16xf32>
      %parallel_loop3A_590 = vector.shape_cast %parallel_loop3A_585 : vector<16xf32> to vector<1x16xf32>
      tpu.vector_store %arg17[%parallel_loop3A_586, %parallel_loop3A_587], %parallel_loop3A_590 {add = true, strides = array<i32>} : memref<64x512xf32, #tpu.memory_space<vmem>>, vector<1x16xf32>,
      %parallel_loop3A_591 = arith.index_cast %parallel_loop3A_338 : i32 to index
      %parallel_loop3A_592 = arith.constant 448 : index
      %parallel_loop3A_593 = tpu.vector_load %arg14[%parallel_loop3A_591, %parallel_loop3A_592] {strides = array<i32>} : memref<9x512xf32, #tpu.memory_space<vmem>>, vector<1x16xf32>,
      %parallel_loop3A_594 = vector.shape_cast %parallel_loop3A_593 : vector<1x16xf32> to vector<16xf32>
      %parallel_loop3A_595 = arith.index_cast %parallel_loop3A_331 : i32 to index
      %parallel_loop3A_596 = arith.constant 448 : index
      %parallel_loop3A_597 = tpu.vector_load %arg17[%parallel_loop3A_595, %parallel_loop3A_596] {strides = array<i32>} : memref<64x512xf32, #tpu.memory_space<vmem>>, vector<1x16xf32>,
      %parallel_loop3A_598 = vector.shape_cast %parallel_loop3A_597 : vector<1x16xf32> to vector<16xf32>
      %parallel_loop3A_599 = vector.shape_cast %parallel_loop3A_594 : vector<16xf32> to vector<1x16xf32>
      tpu.vector_store %arg17[%parallel_loop3A_595, %parallel_loop3A_596], %parallel_loop3A_599 {add = true, strides = array<i32>} : memref<64x512xf32, #tpu.memory_space<vmem>>, vector<1x16xf32>,
      %parallel_loop3A_600 = arith.index_cast %parallel_loop3A_338 : i32 to index
      %parallel_loop3A_601 = arith.constant 464 : index
      %parallel_loop3A_602 = tpu.vector_load %arg14[%parallel_loop3A_600, %parallel_loop3A_601] {strides = array<i32>} : memref<9x512xf32, #tpu.memory_space<vmem>>, vector<1x16xf32>,
      %parallel_loop3A_603 = vector.shape_cast %parallel_loop3A_602 : vector<1x16xf32> to vector<16xf32>
      %parallel_loop3A_604 = arith.index_cast %parallel_loop3A_331 : i32 to index
      %parallel_loop3A_605 = arith.constant 464 : index
      %parallel_loop3A_606 = tpu.vector_load %arg17[%parallel_loop3A_604, %parallel_loop3A_605] {strides = array<i32>} : memref<64x512xf32, #tpu.memory_space<vmem>>, vector<1x16xf32>,
      %parallel_loop3A_607 = vector.shape_cast %parallel_loop3A_606 : vector<1x16xf32> to vector<16xf32>
      %parallel_loop3A_608 = vector.shape_cast %parallel_loop3A_603 : vector<16xf32> to vector<1x16xf32>
      tpu.vector_store %arg17[%parallel_loop3A_604, %parallel_loop3A_605], %parallel_loop3A_608 {add = true, strides = array<i32>} : memref<64x512xf32, #tpu.memory_space<vmem>>, vector<1x16xf32>,
      %parallel_loop3A_609 = arith.index_cast %parallel_loop3A_338 : i32 to index
      %parallel_loop3A_610 = arith.constant 480 : index
      %parallel_loop3A_611 = tpu.vector_load %arg14[%parallel_loop3A_609, %parallel_loop3A_610] {strides = array<i32>} : memref<9x512xf32, #tpu.memory_space<vmem>>, vector<1x16xf32>,
      %parallel_loop3A_612 = vector.shape_cast %parallel_loop3A_611 : vector<1x16xf32> to vector<16xf32>
      %parallel_loop3A_613 = arith.index_cast %parallel_loop3A_331 : i32 to index
      %parallel_loop3A_614 = arith.constant 480 : index
      %parallel_loop3A_615 = tpu.vector_load %arg17[%parallel_loop3A_613, %parallel_loop3A_614] {strides = array<i32>} : memref<64x512xf32, #tpu.memory_space<vmem>>, vector<1x16xf32>,
      %parallel_loop3A_616 = vector.shape_cast %parallel_loop3A_615 : vector<1x16xf32> to vector<16xf32>
      %parallel_loop3A_617 = vector.shape_cast %parallel_loop3A_612 : vector<16xf32> to vector<1x16xf32>
      tpu.vector_store %arg17[%parallel_loop3A_613, %parallel_loop3A_614], %parallel_loop3A_617 {add = true, strides = array<i32>} : memref<64x512xf32, #tpu.memory_space<vmem>>, vector<1x16xf32>,
      %parallel_loop3A_618 = arith.index_cast %parallel_loop3A_338 : i32 to index
      %parallel_loop3A_619 = arith.constant 496 : index
      %parallel_loop3A_620 = tpu.vector_load %arg14[%parallel_loop3A_618, %parallel_loop3A_619] {strides = array<i32>} : memref<9x512xf32, #tpu.memory_space<vmem>>, vector<1x16xf32>,
      %parallel_loop3A_621 = vector.shape_cast %parallel_loop3A_620 : vector<1x16xf32> to vector<16xf32>
      %parallel_loop3A_622 = arith.index_cast %parallel_loop3A_331 : i32 to index
      %parallel_loop3A_623 = arith.constant 496 : index
      %parallel_loop3A_624 = tpu.vector_load %arg17[%parallel_loop3A_622, %parallel_loop3A_623] {strides = array<i32>} : memref<64x512xf32, #tpu.memory_space<vmem>>, vector<1x16xf32>,
      %parallel_loop3A_625 = vector.shape_cast %parallel_loop3A_624 : vector<1x16xf32> to vector<16xf32>
      %parallel_loop3A_626 = vector.shape_cast %parallel_loop3A_621 : vector<16xf32> to vector<1x16xf32>
      tpu.vector_store %arg17[%parallel_loop3A_622, %parallel_loop3A_623], %parallel_loop3A_626 {add = true, strides = array<i32>} : memref<64x512xf32, #tpu.memory_space<vmem>>, vector<1x16xf32>,
    } {sc.loop_unroll_factor = 2 : i64, sc.parallel_access}
    %add3A_299 = arith.constant 128 : i32
    %add3A_300 = arith.addi %mul3A_2, %add3A_299 : i32
    %dma_start3A_301 = arith.constant 0 : i32
    %dma_start3A_302 = tpu.memref_slice %arg8[%add3A_300, %dma_start3A_301] : memref<8192x512xf32, #tpu.memory_space<hbm>> -> memref<64x512xf32, #tpu.memory_space<hbm>>
    %dma_start3A_303 = arith.constant 0 : i32
    %dma_start3A_304 = tpu.memref_slice %arg8[%add3A_300, %dma_start3A_303] : memref<8192x512xf32, #tpu.memory_space<hbm>> -> memref<64x512xf32, #tpu.memory_space<hbm>>
    tpu.enqueue_dma source(%arg17 : memref<64x512xf32, #tpu.memory_space<vmem>>) target(%dma_start3A_304 : memref<64x512xf32, #tpu.memory_space<hbm>>) target_semaphore(%arg23 : memref<!tpu.dma_semaphore, #tpu.memory_space<semaphore_mem>>)
    %dma_wait3A_305 = arith.constant 192 : i32
    %dma_wait3A_306 = tpu.memref_slice %arg9[%dma_wait3A_305] : memref<256xi32, #tpu.memory_space<vmem>> -> memref<64xi32, #tpu.memory_space<vmem>>
    %dma_wait3A_307 = arith.constant 0 : i32
    %dma_wait3A_308 = arith.constant 0 : i32
    %dma_wait3A_309 = tpu.memref_slice %arg5[%dma_wait3A_307, %dma_wait3A_308] : memref<32128x512xf32, #tpu.memory_space<hbm>> -> memref<32128x512xf32, #tpu.memory_space<hbm>>
    tpu.wait_indirect_dma semaphore(%arg18 : memref<!tpu.dma_semaphore, #tpu.memory_space<semaphore_mem>>) src(%dma_wait3A_309 : memref<32128x512xf32, #tpu.memory_space<hbm>>) dst(%arg15 : memref<64x512xf32, #tpu.memory_space<vmem>>)
    %parallel_loop3A_310 = arith.constant 0 : i32
    %parallel_loop3A_311 = arith.constant 64 : i32
    %parallel_loop3A_312 = arith.constant 1 : i32
    scf.for %parallel_loop3A_331 = %parallel_loop3A_310 to %parallel_loop3A_311 step %parallel_loop3A_312  : i32 {
      %parallel_loop3A_332 = arith.constant 192 : i32
      %parallel_loop3A_333 = arith.addi %parallel_loop3A_332, %parallel_loop3A_331 : i32
      %parallel_loop3A_334 = arith.index_cast %parallel_loop3A_333 : i32 to index
      %parallel_loop3A_335 = tpu.vector_load %arg10[%parallel_loop3A_334] {strides = array<i32>} : memref<272xi32, #tpu.memory_space<vmem>>, vector<16xi32>,
      %parallel_loop3A_336 = vector.shape_cast %parallel_loop3A_335 : vector<16xi32> to vector<16xi32>
      %parallel_loop3A_337 = vector.extract_strided_slice %parallel_loop3A_336 {offsets = [0], sizes = [1], strides = [1]} : vector<16xi32> to vector<1xi32>
      %parallel_loop3A_338 = vector.extract %parallel_loop3A_337[0] : i32 from vector<1xi32>
      %parallel_loop3A_339 = arith.index_cast %parallel_loop3A_338 : i32 to index
      %parallel_loop3A_340 = arith.constant 0 : index
      %parallel_loop3A_341 = tpu.vector_load %arg14[%parallel_loop3A_339, %parallel_loop3A_340] {strides = array<i32>} : memref<9x512xf32, #tpu.memory_space<vmem>>, vector<1x16xf32>,
      %parallel_loop3A_342 = vector.shape_cast %parallel_loop3A_341 : vector<1x16xf32> to vector<16xf32>
      %parallel_loop3A_343 = arith.index_cast %parallel_loop3A_331 : i32 to index
      %parallel_loop3A_344 = arith.constant 0 : index
      %parallel_loop3A_345 = tpu.vector_load %arg15[%parallel_loop3A_343, %parallel_loop3A_344] {strides = array<i32>} : memref<64x512xf32, #tpu.memory_space<vmem>>, vector<1x16xf32>,
      %parallel_loop3A_346 = vector.shape_cast %parallel_loop3A_345 : vector<1x16xf32> to vector<16xf32>
      %parallel_loop3A_347 = vector.shape_cast %parallel_loop3A_342 : vector<16xf32> to vector<1x16xf32>
      tpu.vector_store %arg15[%parallel_loop3A_343, %parallel_loop3A_344], %parallel_loop3A_347 {add = true, strides = array<i32>} : memref<64x512xf32, #tpu.memory_space<vmem>>, vector<1x16xf32>,
      %parallel_loop3A_348 = arith.index_cast %parallel_loop3A_338 : i32 to index
      %parallel_loop3A_349 = arith.constant 16 : index
      %parallel_loop3A_350 = tpu.vector_load %arg14[%parallel_loop3A_348, %parallel_loop3A_349] {strides = array<i32>} : memref<9x512xf32, #tpu.memory_space<vmem>>, vector<1x16xf32>,
      %parallel_loop3A_351 = vector.shape_cast %parallel_loop3A_350 : vector<1x16xf32> to vector<16xf32>
      %parallel_loop3A_352 = arith.index_cast %parallel_loop3A_331 : i32 to index
      %parallel_loop3A_353 = arith.constant 16 : index
      %parallel_loop3A_354 = tpu.vector_load %arg15[%parallel_loop3A_352, %parallel_loop3A_353] {strides = array<i32>} : memref<64x512xf32, #tpu.memory_space<vmem>>, vector<1x16xf32>,
      %parallel_loop3A_355 = vector.shape_cast %parallel_loop3A_354 : vector<1x16xf32> to vector<16xf32>
      %parallel_loop3A_356 = vector.shape_cast %parallel_loop3A_351 : vector<16xf32> to vector<1x16xf32>
      tpu.vector_store %arg15[%parallel_loop3A_352, %parallel_loop3A_353], %parallel_loop3A_356 {add = true, strides = array<i32>} : memref<64x512xf32, #tpu.memory_space<vmem>>, vector<1x16xf32>,
      %parallel_loop3A_357 = arith.index_cast %parallel_loop3A_338 : i32 to index
      %parallel_loop3A_358 = arith.constant 32 : index
      %parallel_loop3A_359 = tpu.vector_load %arg14[%parallel_loop3A_357, %parallel_loop3A_358] {strides = array<i32>} : memref<9x512xf32, #tpu.memory_space<vmem>>, vector<1x16xf32>,
      %parallel_loop3A_360 = vector.shape_cast %parallel_loop3A_359 : vector<1x16xf32> to vector<16xf32>
      %parallel_loop3A_361 = arith.index_cast %parallel_loop3A_331 : i32 to index
      %parallel_loop3A_362 = arith.constant 32 : index
      %parallel_loop3A_363 = tpu.vector_load %arg15[%parallel_loop3A_361, %parallel_loop3A_362] {strides = array<i32>} : memref<64x512xf32, #tpu.memory_space<vmem>>, vector<1x16xf32>,
      %parallel_loop3A_364 = vector.shape_cast %parallel_loop3A_363 : vector<1x16xf32> to vector<16xf32>
      %parallel_loop3A_365 = vector.shape_cast %parallel_loop3A_360 : vector<16xf32> to vector<1x16xf32>
      tpu.vector_store %arg15[%parallel_loop3A_361, %parallel_loop3A_362], %parallel_loop3A_365 {add = true, strides = array<i32>} : memref<64x512xf32, #tpu.memory_space<vmem>>, vector<1x16xf32>,
      %parallel_loop3A_366 = arith.index_cast %parallel_loop3A_338 : i32 to index
      %parallel_loop3A_367 = arith.constant 48 : index
      %parallel_loop3A_368 = tpu.vector_load %arg14[%parallel_loop3A_366, %parallel_loop3A_367] {strides = array<i32>} : memref<9x512xf32, #tpu.memory_space<vmem>>, vector<1x16xf32>,
      %parallel_loop3A_369 = vector.shape_cast %parallel_loop3A_368 : vector<1x16xf32> to vector<16xf32>
      %parallel_loop3A_370 = arith.index_cast %parallel_loop3A_331 : i32 to index
      %parallel_loop3A_371 = arith.constant 48 : index
      %parallel_loop3A_372 = tpu.vector_load %arg15[%parallel_loop3A_370, %parallel_loop3A_371] {strides = array<i32>} : memref<64x512xf32, #tpu.memory_space<vmem>>, vector<1x16xf32>,
      %parallel_loop3A_373 = vector.shape_cast %parallel_loop3A_372 : vector<1x16xf32> to vector<16xf32>
      %parallel_loop3A_374 = vector.shape_cast %parallel_loop3A_369 : vector<16xf32> to vector<1x16xf32>
      tpu.vector_store %arg15[%parallel_loop3A_370, %parallel_loop3A_371], %parallel_loop3A_374 {add = true, strides = array<i32>} : memref<64x512xf32, #tpu.memory_space<vmem>>, vector<1x16xf32>,
      %parallel_loop3A_375 = arith.index_cast %parallel_loop3A_338 : i32 to index
      %parallel_loop3A_376 = arith.constant 64 : index
      %parallel_loop3A_377 = tpu.vector_load %arg14[%parallel_loop3A_375, %parallel_loop3A_376] {strides = array<i32>} : memref<9x512xf32, #tpu.memory_space<vmem>>, vector<1x16xf32>,
      %parallel_loop3A_378 = vector.shape_cast %parallel_loop3A_377 : vector<1x16xf32> to vector<16xf32>
      %parallel_loop3A_379 = arith.index_cast %parallel_loop3A_331 : i32 to index
      %parallel_loop3A_380 = arith.constant 64 : index
      %parallel_loop3A_381 = tpu.vector_load %arg15[%parallel_loop3A_379, %parallel_loop3A_380] {strides = array<i32>} : memref<64x512xf32, #tpu.memory_space<vmem>>, vector<1x16xf32>,
      %parallel_loop3A_382 = vector.shape_cast %parallel_loop3A_381 : vector<1x16xf32> to vector<16xf32>
      %parallel_loop3A_383 = vector.shape_cast %parallel_loop3A_378 : vector<16xf32> to vector<1x16xf32>
      tpu.vector_store %arg15[%parallel_loop3A_379, %parallel_loop3A_380], %parallel_loop3A_383 {add = true, strides = array<i32>} : memref<64x512xf32, #tpu.memory_space<vmem>>, vector<1x16xf32>,
      %parallel_loop3A_384 = arith.index_cast %parallel_loop3A_338 : i32 to index
      %parallel_loop3A_385 = arith.constant 80 : index
      %parallel_loop3A_386 = tpu.vector_load %arg14[%parallel_loop3A_384, %parallel_loop3A_385] {strides = array<i32>} : memref<9x512xf32, #tpu.memory_space<vmem>>, vector<1x16xf32>,
      %parallel_loop3A_387 = vector.shape_cast %parallel_loop3A_386 : vector<1x16xf32> to vector<16xf32>
      %parallel_loop3A_388 = arith.index_cast %parallel_loop3A_331 : i32 to index
      %parallel_loop3A_389 = arith.constant 80 : index
      %parallel_loop3A_390 = tpu.vector_load %arg15[%parallel_loop3A_388, %parallel_loop3A_389] {strides = array<i32>} : memref<64x512xf32, #tpu.memory_space<vmem>>, vector<1x16xf32>,
      %parallel_loop3A_391 = vector.shape_cast %parallel_loop3A_390 : vector<1x16xf32> to vector<16xf32>
      %parallel_loop3A_392 = vector.shape_cast %parallel_loop3A_387 : vector<16xf32> to vector<1x16xf32>
      tpu.vector_store %arg15[%parallel_loop3A_388, %parallel_loop3A_389], %parallel_loop3A_392 {add = true, strides = array<i32>} : memref<64x512xf32, #tpu.memory_space<vmem>>, vector<1x16xf32>,
      %parallel_loop3A_393 = arith.index_cast %parallel_loop3A_338 : i32 to index
      %parallel_loop3A_394 = arith.constant 96 : index
      %parallel_loop3A_395 = tpu.vector_load %arg14[%parallel_loop3A_393, %parallel_loop3A_394] {strides = array<i32>} : memref<9x512xf32, #tpu.memory_space<vmem>>, vector<1x16xf32>,
      %parallel_loop3A_396 = vector.shape_cast %parallel_loop3A_395 : vector<1x16xf32> to vector<16xf32>
      %parallel_loop3A_397 = arith.index_cast %parallel_loop3A_331 : i32 to index
      %parallel_loop3A_398 = arith.constant 96 : index
      %parallel_loop3A_399 = tpu.vector_load %arg15[%parallel_loop3A_397, %parallel_loop3A_398] {strides = array<i32>} : memref<64x512xf32, #tpu.memory_space<vmem>>, vector<1x16xf32>,
      %parallel_loop3A_400 = vector.shape_cast %parallel_loop3A_399 : vector<1x16xf32> to vector<16xf32>
      %parallel_loop3A_401 = vector.shape_cast %parallel_loop3A_396 : vector<16xf32> to vector<1x16xf32>
      tpu.vector_store %arg15[%parallel_loop3A_397, %parallel_loop3A_398], %parallel_loop3A_401 {add = true, strides = array<i32>} : memref<64x512xf32, #tpu.memory_space<vmem>>, vector<1x16xf32>,
      %parallel_loop3A_402 = arith.index_cast %parallel_loop3A_338 : i32 to index
      %parallel_loop3A_403 = arith.constant 112 : index
      %parallel_loop3A_404 = tpu.vector_load %arg14[%parallel_loop3A_402, %parallel_loop3A_403] {strides = array<i32>} : memref<9x512xf32, #tpu.memory_space<vmem>>, vector<1x16xf32>,
      %parallel_loop3A_405 = vector.shape_cast %parallel_loop3A_404 : vector<1x16xf32> to vector<16xf32>
      %parallel_loop3A_406 = arith.index_cast %parallel_loop3A_331 : i32 to index
      %parallel_loop3A_407 = arith.constant 112 : index
      %parallel_loop3A_408 = tpu.vector_load %arg15[%parallel_loop3A_406, %parallel_loop3A_407] {strides = array<i32>} : memref<64x512xf32, #tpu.memory_space<vmem>>, vector<1x16xf32>,
      %parallel_loop3A_409 = vector.shape_cast %parallel_loop3A_408 : vector<1x16xf32> to vector<16xf32>
      %parallel_loop3A_410 = vector.shape_cast %parallel_loop3A_405 : vector<16xf32> to vector<1x16xf32>
      tpu.vector_store %arg15[%parallel_loop3A_406, %parallel_loop3A_407], %parallel_loop3A_410 {add = true, strides = array<i32>} : memref<64x512xf32, #tpu.memory_space<vmem>>, vector<1x16xf32>,
      %parallel_loop3A_411 = arith.index_cast %parallel_loop3A_338 : i32 to index
      %parallel_loop3A_412 = arith.constant 128 : index
      %parallel_loop3A_413 = tpu.vector_load %arg14[%parallel_loop3A_411, %parallel_loop3A_412] {strides = array<i32>} : memref<9x512xf32, #tpu.memory_space<vmem>>, vector<1x16xf32>,
      %parallel_loop3A_414 = vector.shape_cast %parallel_loop3A_413 : vector<1x16xf32> to vector<16xf32>
      %parallel_loop3A_415 = arith.index_cast %parallel_loop3A_331 : i32 to index
      %parallel_loop3A_416 = arith.constant 128 : index
      %parallel_loop3A_417 = tpu.vector_load %arg15[%parallel_loop3A_415, %parallel_loop3A_416] {strides = array<i32>} : memref<64x512xf32, #tpu.memory_space<vmem>>, vector<1x16xf32>,
      %parallel_loop3A_418 = vector.shape_cast %parallel_loop3A_417 : vector<1x16xf32> to vector<16xf32>
      %parallel_loop3A_419 = vector.shape_cast %parallel_loop3A_414 : vector<16xf32> to vector<1x16xf32>
      tpu.vector_store %arg15[%parallel_loop3A_415, %parallel_loop3A_416], %parallel_loop3A_419 {add = true, strides = array<i32>} : memref<64x512xf32, #tpu.memory_space<vmem>>, vector<1x16xf32>,
      %parallel_loop3A_420 = arith.index_cast %parallel_loop3A_338 : i32 to index
      %parallel_loop3A_421 = arith.constant 144 : index
      %parallel_loop3A_422 = tpu.vector_load %arg14[%parallel_loop3A_420, %parallel_loop3A_421] {strides = array<i32>} : memref<9x512xf32, #tpu.memory_space<vmem>>, vector<1x16xf32>,
      %parallel_loop3A_423 = vector.shape_cast %parallel_loop3A_422 : vector<1x16xf32> to vector<16xf32>
      %parallel_loop3A_424 = arith.index_cast %parallel_loop3A_331 : i32 to index
      %parallel_loop3A_425 = arith.constant 144 : index
      %parallel_loop3A_426 = tpu.vector_load %arg15[%parallel_loop3A_424, %parallel_loop3A_425] {strides = array<i32>} : memref<64x512xf32, #tpu.memory_space<vmem>>, vector<1x16xf32>,
      %parallel_loop3A_427 = vector.shape_cast %parallel_loop3A_426 : vector<1x16xf32> to vector<16xf32>
      %parallel_loop3A_428 = vector.shape_cast %parallel_loop3A_423 : vector<16xf32> to vector<1x16xf32>
      tpu.vector_store %arg15[%parallel_loop3A_424, %parallel_loop3A_425], %parallel_loop3A_428 {add = true, strides = array<i32>} : memref<64x512xf32, #tpu.memory_space<vmem>>, vector<1x16xf32>,
      %parallel_loop3A_429 = arith.index_cast %parallel_loop3A_338 : i32 to index
      %parallel_loop3A_430 = arith.constant 160 : index
      %parallel_loop3A_431 = tpu.vector_load %arg14[%parallel_loop3A_429, %parallel_loop3A_430] {strides = array<i32>} : memref<9x512xf32, #tpu.memory_space<vmem>>, vector<1x16xf32>,
      %parallel_loop3A_432 = vector.shape_cast %parallel_loop3A_431 : vector<1x16xf32> to vector<16xf32>
      %parallel_loop3A_433 = arith.index_cast %parallel_loop3A_331 : i32 to index
      %parallel_loop3A_434 = arith.constant 160 : index
      %parallel_loop3A_435 = tpu.vector_load %arg15[%parallel_loop3A_433, %parallel_loop3A_434] {strides = array<i32>} : memref<64x512xf32, #tpu.memory_space<vmem>>, vector<1x16xf32>,
      %parallel_loop3A_436 = vector.shape_cast %parallel_loop3A_435 : vector<1x16xf32> to vector<16xf32>
      %parallel_loop3A_437 = vector.shape_cast %parallel_loop3A_432 : vector<16xf32> to vector<1x16xf32>
      tpu.vector_store %arg15[%parallel_loop3A_433, %parallel_loop3A_434], %parallel_loop3A_437 {add = true, strides = array<i32>} : memref<64x512xf32, #tpu.memory_space<vmem>>, vector<1x16xf32>,
      %parallel_loop3A_438 = arith.index_cast %parallel_loop3A_338 : i32 to index
      %parallel_loop3A_439 = arith.constant 176 : index
      %parallel_loop3A_440 = tpu.vector_load %arg14[%parallel_loop3A_438, %parallel_loop3A_439] {strides = array<i32>} : memref<9x512xf32, #tpu.memory_space<vmem>>, vector<1x16xf32>,
      %parallel_loop3A_441 = vector.shape_cast %parallel_loop3A_440 : vector<1x16xf32> to vector<16xf32>
      %parallel_loop3A_442 = arith.index_cast %parallel_loop3A_331 : i32 to index
      %parallel_loop3A_443 = arith.constant 176 : index
      %parallel_loop3A_444 = tpu.vector_load %arg15[%parallel_loop3A_442, %parallel_loop3A_443] {strides = array<i32>} : memref<64x512xf32, #tpu.memory_space<vmem>>, vector<1x16xf32>,
      %parallel_loop3A_445 = vector.shape_cast %parallel_loop3A_444 : vector<1x16xf32> to vector<16xf32>
      %parallel_loop3A_446 = vector.shape_cast %parallel_loop3A_441 : vector<16xf32> to vector<1x16xf32>
      tpu.vector_store %arg15[%parallel_loop3A_442, %parallel_loop3A_443], %parallel_loop3A_446 {add = true, strides = array<i32>} : memref<64x512xf32, #tpu.memory_space<vmem>>, vector<1x16xf32>,
      %parallel_loop3A_447 = arith.index_cast %parallel_loop3A_338 : i32 to index
      %parallel_loop3A_448 = arith.constant 192 : index
      %parallel_loop3A_449 = tpu.vector_load %arg14[%parallel_loop3A_447, %parallel_loop3A_448] {strides = array<i32>} : memref<9x512xf32, #tpu.memory_space<vmem>>, vector<1x16xf32>,
      %parallel_loop3A_450 = vector.shape_cast %parallel_loop3A_449 : vector<1x16xf32> to vector<16xf32>
      %parallel_loop3A_451 = arith.index_cast %parallel_loop3A_331 : i32 to index
      %parallel_loop3A_452 = arith.constant 192 : index
      %parallel_loop3A_453 = tpu.vector_load %arg15[%parallel_loop3A_451, %parallel_loop3A_452] {strides = array<i32>} : memref<64x512xf32, #tpu.memory_space<vmem>>, vector<1x16xf32>,
      %parallel_loop3A_454 = vector.shape_cast %parallel_loop3A_453 : vector<1x16xf32> to vector<16xf32>
      %parallel_loop3A_455 = vector.shape_cast %parallel_loop3A_450 : vector<16xf32> to vector<1x16xf32>
      tpu.vector_store %arg15[%parallel_loop3A_451, %parallel_loop3A_452], %parallel_loop3A_455 {add = true, strides = array<i32>} : memref<64x512xf32, #tpu.memory_space<vmem>>, vector<1x16xf32>,
      %parallel_loop3A_456 = arith.index_cast %parallel_loop3A_338 : i32 to index
      %parallel_loop3A_457 = arith.constant 208 : index
      %parallel_loop3A_458 = tpu.vector_load %arg14[%parallel_loop3A_456, %parallel_loop3A_457] {strides = array<i32>} : memref<9x512xf32, #tpu.memory_space<vmem>>, vector<1x16xf32>,
      %parallel_loop3A_459 = vector.shape_cast %parallel_loop3A_458 : vector<1x16xf32> to vector<16xf32>
      %parallel_loop3A_460 = arith.index_cast %parallel_loop3A_331 : i32 to index
      %parallel_loop3A_461 = arith.constant 208 : index
      %parallel_loop3A_462 = tpu.vector_load %arg15[%parallel_loop3A_460, %parallel_loop3A_461] {strides = array<i32>} : memref<64x512xf32, #tpu.memory_space<vmem>>, vector<1x16xf32>,
      %parallel_loop3A_463 = vector.shape_cast %parallel_loop3A_462 : vector<1x16xf32> to vector<16xf32>
      %parallel_loop3A_464 = vector.shape_cast %parallel_loop3A_459 : vector<16xf32> to vector<1x16xf32>
      tpu.vector_store %arg15[%parallel_loop3A_460, %parallel_loop3A_461], %parallel_loop3A_464 {add = true, strides = array<i32>} : memref<64x512xf32, #tpu.memory_space<vmem>>, vector<1x16xf32>,
      %parallel_loop3A_465 = arith.index_cast %parallel_loop3A_338 : i32 to index
      %parallel_loop3A_466 = arith.constant 224 : index
      %parallel_loop3A_467 = tpu.vector_load %arg14[%parallel_loop3A_465, %parallel_loop3A_466] {strides = array<i32>} : memref<9x512xf32, #tpu.memory_space<vmem>>, vector<1x16xf32>,
      %parallel_loop3A_468 = vector.shape_cast %parallel_loop3A_467 : vector<1x16xf32> to vector<16xf32>
      %parallel_loop3A_469 = arith.index_cast %parallel_loop3A_331 : i32 to index
      %parallel_loop3A_470 = arith.constant 224 : index
      %parallel_loop3A_471 = tpu.vector_load %arg15[%parallel_loop3A_469, %parallel_loop3A_470] {strides = array<i32>} : memref<64x512xf32, #tpu.memory_space<vmem>>, vector<1x16xf32>,
      %parallel_loop3A_472 = vector.shape_cast %parallel_loop3A_471 : vector<1x16xf32> to vector<16xf32>
      %parallel_loop3A_473 = vector.shape_cast %parallel_loop3A_468 : vector<16xf32> to vector<1x16xf32>
      tpu.vector_store %arg15[%parallel_loop3A_469, %parallel_loop3A_470], %parallel_loop3A_473 {add = true, strides = array<i32>} : memref<64x512xf32, #tpu.memory_space<vmem>>, vector<1x16xf32>,
      %parallel_loop3A_474 = arith.index_cast %parallel_loop3A_338 : i32 to index
      %parallel_loop3A_475 = arith.constant 240 : index
      %parallel_loop3A_476 = tpu.vector_load %arg14[%parallel_loop3A_474, %parallel_loop3A_475] {strides = array<i32>} : memref<9x512xf32, #tpu.memory_space<vmem>>, vector<1x16xf32>,
      %parallel_loop3A_477 = vector.shape_cast %parallel_loop3A_476 : vector<1x16xf32> to vector<16xf32>
      %parallel_loop3A_478 = arith.index_cast %parallel_loop3A_331 : i32 to index
      %parallel_loop3A_479 = arith.constant 240 : index
      %parallel_loop3A_480 = tpu.vector_load %arg15[%parallel_loop3A_478, %parallel_loop3A_479] {strides = array<i32>} : memref<64x512xf32, #tpu.memory_space<vmem>>, vector<1x16xf32>,
      %parallel_loop3A_481 = vector.shape_cast %parallel_loop3A_480 : vector<1x16xf32> to vector<16xf32>
      %parallel_loop3A_482 = vector.shape_cast %parallel_loop3A_477 : vector<16xf32> to vector<1x16xf32>
      tpu.vector_store %arg15[%parallel_loop3A_478, %parallel_loop3A_479], %parallel_loop3A_482 {add = true, strides = array<i32>} : memref<64x512xf32, #tpu.memory_space<vmem>>, vector<1x16xf32>,
      %parallel_loop3A_483 = arith.index_cast %parallel_loop3A_338 : i32 to index
      %parallel_loop3A_484 = arith.constant 256 : index
      %parallel_loop3A_485 = tpu.vector_load %arg14[%parallel_loop3A_483, %parallel_loop3A_484] {strides = array<i32>} : memref<9x512xf32, #tpu.memory_space<vmem>>, vector<1x16xf32>,
      %parallel_loop3A_486 = vector.shape_cast %parallel_loop3A_485 : vector<1x16xf32> to vector<16xf32>
      %parallel_loop3A_487 = arith.index_cast %parallel_loop3A_331 : i32 to index
      %parallel_loop3A_488 = arith.constant 256 : index
      %parallel_loop3A_489 = tpu.vector_load %arg15[%parallel_loop3A_487, %parallel_loop3A_488] {strides = array<i32>} : memref<64x512xf32, #tpu.memory_space<vmem>>, vector<1x16xf32>,
      %parallel_loop3A_490 = vector.shape_cast %parallel_loop3A_489 : vector<1x16xf32> to vector<16xf32>
      %parallel_loop3A_491 = vector.shape_cast %parallel_loop3A_486 : vector<16xf32> to vector<1x16xf32>
      tpu.vector_store %arg15[%parallel_loop3A_487, %parallel_loop3A_488], %parallel_loop3A_491 {add = true, strides = array<i32>} : memref<64x512xf32, #tpu.memory_space<vmem>>, vector<1x16xf32>,
      %parallel_loop3A_492 = arith.index_cast %parallel_loop3A_338 : i32 to index
      %parallel_loop3A_493 = arith.constant 272 : index
      %parallel_loop3A_494 = tpu.vector_load %arg14[%parallel_loop3A_492, %parallel_loop3A_493] {strides = array<i32>} : memref<9x512xf32, #tpu.memory_space<vmem>>, vector<1x16xf32>,
      %parallel_loop3A_495 = vector.shape_cast %parallel_loop3A_494 : vector<1x16xf32> to vector<16xf32>
      %parallel_loop3A_496 = arith.index_cast %parallel_loop3A_331 : i32 to index
      %parallel_loop3A_497 = arith.constant 272 : index
      %parallel_loop3A_498 = tpu.vector_load %arg15[%parallel_loop3A_496, %parallel_loop3A_497] {strides = array<i32>} : memref<64x512xf32, #tpu.memory_space<vmem>>, vector<1x16xf32>,
      %parallel_loop3A_499 = vector.shape_cast %parallel_loop3A_498 : vector<1x16xf32> to vector<16xf32>
      %parallel_loop3A_500 = vector.shape_cast %parallel_loop3A_495 : vector<16xf32> to vector<1x16xf32>
      tpu.vector_store %arg15[%parallel_loop3A_496, %parallel_loop3A_497], %parallel_loop3A_500 {add = true, strides = array<i32>} : memref<64x512xf32, #tpu.memory_space<vmem>>, vector<1x16xf32>,
      %parallel_loop3A_501 = arith.index_cast %parallel_loop3A_338 : i32 to index
      %parallel_loop3A_502 = arith.constant 288 : index
      %parallel_loop3A_503 = tpu.vector_load %arg14[%parallel_loop3A_501, %parallel_loop3A_502] {strides = array<i32>} : memref<9x512xf32, #tpu.memory_space<vmem>>, vector<1x16xf32>,
      %parallel_loop3A_504 = vector.shape_cast %parallel_loop3A_503 : vector<1x16xf32> to vector<16xf32>
      %parallel_loop3A_505 = arith.index_cast %parallel_loop3A_331 : i32 to index
      %parallel_loop3A_506 = arith.constant 288 : index
      %parallel_loop3A_507 = tpu.vector_load %arg15[%parallel_loop3A_505, %parallel_loop3A_506] {strides = array<i32>} : memref<64x512xf32, #tpu.memory_space<vmem>>, vector<1x16xf32>,
      %parallel_loop3A_508 = vector.shape_cast %parallel_loop3A_507 : vector<1x16xf32> to vector<16xf32>
      %parallel_loop3A_509 = vector.shape_cast %parallel_loop3A_504 : vector<16xf32> to vector<1x16xf32>
      tpu.vector_store %arg15[%parallel_loop3A_505, %parallel_loop3A_506], %parallel_loop3A_509 {add = true, strides = array<i32>} : memref<64x512xf32, #tpu.memory_space<vmem>>, vector<1x16xf32>,
      %parallel_loop3A_510 = arith.index_cast %parallel_loop3A_338 : i32 to index
      %parallel_loop3A_511 = arith.constant 304 : index
      %parallel_loop3A_512 = tpu.vector_load %arg14[%parallel_loop3A_510, %parallel_loop3A_511] {strides = array<i32>} : memref<9x512xf32, #tpu.memory_space<vmem>>, vector<1x16xf32>,
      %parallel_loop3A_513 = vector.shape_cast %parallel_loop3A_512 : vector<1x16xf32> to vector<16xf32>
      %parallel_loop3A_514 = arith.index_cast %parallel_loop3A_331 : i32 to index
      %parallel_loop3A_515 = arith.constant 304 : index
      %parallel_loop3A_516 = tpu.vector_load %arg15[%parallel_loop3A_514, %parallel_loop3A_515] {strides = array<i32>} : memref<64x512xf32, #tpu.memory_space<vmem>>, vector<1x16xf32>,
      %parallel_loop3A_517 = vector.shape_cast %parallel_loop3A_516 : vector<1x16xf32> to vector<16xf32>
      %parallel_loop3A_518 = vector.shape_cast %parallel_loop3A_513 : vector<16xf32> to vector<1x16xf32>
      tpu.vector_store %arg15[%parallel_loop3A_514, %parallel_loop3A_515], %parallel_loop3A_518 {add = true, strides = array<i32>} : memref<64x512xf32, #tpu.memory_space<vmem>>, vector<1x16xf32>,
      %parallel_loop3A_519 = arith.index_cast %parallel_loop3A_338 : i32 to index
      %parallel_loop3A_520 = arith.constant 320 : index
      %parallel_loop3A_521 = tpu.vector_load %arg14[%parallel_loop3A_519, %parallel_loop3A_520] {strides = array<i32>} : memref<9x512xf32, #tpu.memory_space<vmem>>, vector<1x16xf32>,
      %parallel_loop3A_522 = vector.shape_cast %parallel_loop3A_521 : vector<1x16xf32> to vector<16xf32>
      %parallel_loop3A_523 = arith.index_cast %parallel_loop3A_331 : i32 to index
      %parallel_loop3A_524 = arith.constant 320 : index
      %parallel_loop3A_525 = tpu.vector_load %arg15[%parallel_loop3A_523, %parallel_loop3A_524] {strides = array<i32>} : memref<64x512xf32, #tpu.memory_space<vmem>>, vector<1x16xf32>,
      %parallel_loop3A_526 = vector.shape_cast %parallel_loop3A_525 : vector<1x16xf32> to vector<16xf32>
      %parallel_loop3A_527 = vector.shape_cast %parallel_loop3A_522 : vector<16xf32> to vector<1x16xf32>
      tpu.vector_store %arg15[%parallel_loop3A_523, %parallel_loop3A_524], %parallel_loop3A_527 {add = true, strides = array<i32>} : memref<64x512xf32, #tpu.memory_space<vmem>>, vector<1x16xf32>,
      %parallel_loop3A_528 = arith.index_cast %parallel_loop3A_338 : i32 to index
      %parallel_loop3A_529 = arith.constant 336 : index
      %parallel_loop3A_530 = tpu.vector_load %arg14[%parallel_loop3A_528, %parallel_loop3A_529] {strides = array<i32>} : memref<9x512xf32, #tpu.memory_space<vmem>>, vector<1x16xf32>,
      %parallel_loop3A_531 = vector.shape_cast %parallel_loop3A_530 : vector<1x16xf32> to vector<16xf32>
      %parallel_loop3A_532 = arith.index_cast %parallel_loop3A_331 : i32 to index
      %parallel_loop3A_533 = arith.constant 336 : index
      %parallel_loop3A_534 = tpu.vector_load %arg15[%parallel_loop3A_532, %parallel_loop3A_533] {strides = array<i32>} : memref<64x512xf32, #tpu.memory_space<vmem>>, vector<1x16xf32>,
      %parallel_loop3A_535 = vector.shape_cast %parallel_loop3A_534 : vector<1x16xf32> to vector<16xf32>
      %parallel_loop3A_536 = vector.shape_cast %parallel_loop3A_531 : vector<16xf32> to vector<1x16xf32>
      tpu.vector_store %arg15[%parallel_loop3A_532, %parallel_loop3A_533], %parallel_loop3A_536 {add = true, strides = array<i32>} : memref<64x512xf32, #tpu.memory_space<vmem>>, vector<1x16xf32>,
      %parallel_loop3A_537 = arith.index_cast %parallel_loop3A_338 : i32 to index
      %parallel_loop3A_538 = arith.constant 352 : index
      %parallel_loop3A_539 = tpu.vector_load %arg14[%parallel_loop3A_537, %parallel_loop3A_538] {strides = array<i32>} : memref<9x512xf32, #tpu.memory_space<vmem>>, vector<1x16xf32>,
      %parallel_loop3A_540 = vector.shape_cast %parallel_loop3A_539 : vector<1x16xf32> to vector<16xf32>
      %parallel_loop3A_541 = arith.index_cast %parallel_loop3A_331 : i32 to index
      %parallel_loop3A_542 = arith.constant 352 : index
      %parallel_loop3A_543 = tpu.vector_load %arg15[%parallel_loop3A_541, %parallel_loop3A_542] {strides = array<i32>} : memref<64x512xf32, #tpu.memory_space<vmem>>, vector<1x16xf32>,
      %parallel_loop3A_544 = vector.shape_cast %parallel_loop3A_543 : vector<1x16xf32> to vector<16xf32>
      %parallel_loop3A_545 = vector.shape_cast %parallel_loop3A_540 : vector<16xf32> to vector<1x16xf32>
      tpu.vector_store %arg15[%parallel_loop3A_541, %parallel_loop3A_542], %parallel_loop3A_545 {add = true, strides = array<i32>} : memref<64x512xf32, #tpu.memory_space<vmem>>, vector<1x16xf32>,
      %parallel_loop3A_546 = arith.index_cast %parallel_loop3A_338 : i32 to index
      %parallel_loop3A_547 = arith.constant 368 : index
      %parallel_loop3A_548 = tpu.vector_load %arg14[%parallel_loop3A_546, %parallel_loop3A_547] {strides = array<i32>} : memref<9x512xf32, #tpu.memory_space<vmem>>, vector<1x16xf32>,
      %parallel_loop3A_549 = vector.shape_cast %parallel_loop3A_548 : vector<1x16xf32> to vector<16xf32>
      %parallel_loop3A_550 = arith.index_cast %parallel_loop3A_331 : i32 to index
      %parallel_loop3A_551 = arith.constant 368 : index
      %parallel_loop3A_552 = tpu.vector_load %arg15[%parallel_loop3A_550, %parallel_loop3A_551] {strides = array<i32>} : memref<64x512xf32, #tpu.memory_space<vmem>>, vector<1x16xf32>,
      %parallel_loop3A_553 = vector.shape_cast %parallel_loop3A_552 : vector<1x16xf32> to vector<16xf32>
      %parallel_loop3A_554 = vector.shape_cast %parallel_loop3A_549 : vector<16xf32> to vector<1x16xf32>
      tpu.vector_store %arg15[%parallel_loop3A_550, %parallel_loop3A_551], %parallel_loop3A_554 {add = true, strides = array<i32>} : memref<64x512xf32, #tpu.memory_space<vmem>>, vector<1x16xf32>,
      %parallel_loop3A_555 = arith.index_cast %parallel_loop3A_338 : i32 to index
      %parallel_loop3A_556 = arith.constant 384 : index
      %parallel_loop3A_557 = tpu.vector_load %arg14[%parallel_loop3A_555, %parallel_loop3A_556] {strides = array<i32>} : memref<9x512xf32, #tpu.memory_space<vmem>>, vector<1x16xf32>,
      %parallel_loop3A_558 = vector.shape_cast %parallel_loop3A_557 : vector<1x16xf32> to vector<16xf32>
      %parallel_loop3A_559 = arith.index_cast %parallel_loop3A_331 : i32 to index
      %parallel_loop3A_560 = arith.constant 384 : index
      %parallel_loop3A_561 = tpu.vector_load %arg15[%parallel_loop3A_559, %parallel_loop3A_560] {strides = array<i32>} : memref<64x512xf32, #tpu.memory_space<vmem>>, vector<1x16xf32>,
      %parallel_loop3A_562 = vector.shape_cast %parallel_loop3A_561 : vector<1x16xf32> to vector<16xf32>
      %parallel_loop3A_563 = vector.shape_cast %parallel_loop3A_558 : vector<16xf32> to vector<1x16xf32>
      tpu.vector_store %arg15[%parallel_loop3A_559, %parallel_loop3A_560], %parallel_loop3A_563 {add = true, strides = array<i32>} : memref<64x512xf32, #tpu.memory_space<vmem>>, vector<1x16xf32>,
      %parallel_loop3A_564 = arith.index_cast %parallel_loop3A_338 : i32 to index
      %parallel_loop3A_565 = arith.constant 400 : index
      %parallel_loop3A_566 = tpu.vector_load %arg14[%parallel_loop3A_564, %parallel_loop3A_565] {strides = array<i32>} : memref<9x512xf32, #tpu.memory_space<vmem>>, vector<1x16xf32>,
      %parallel_loop3A_567 = vector.shape_cast %parallel_loop3A_566 : vector<1x16xf32> to vector<16xf32>
      %parallel_loop3A_568 = arith.index_cast %parallel_loop3A_331 : i32 to index
      %parallel_loop3A_569 = arith.constant 400 : index
      %parallel_loop3A_570 = tpu.vector_load %arg15[%parallel_loop3A_568, %parallel_loop3A_569] {strides = array<i32>} : memref<64x512xf32, #tpu.memory_space<vmem>>, vector<1x16xf32>,
      %parallel_loop3A_571 = vector.shape_cast %parallel_loop3A_570 : vector<1x16xf32> to vector<16xf32>
      %parallel_loop3A_572 = vector.shape_cast %parallel_loop3A_567 : vector<16xf32> to vector<1x16xf32>
      tpu.vector_store %arg15[%parallel_loop3A_568, %parallel_loop3A_569], %parallel_loop3A_572 {add = true, strides = array<i32>} : memref<64x512xf32, #tpu.memory_space<vmem>>, vector<1x16xf32>,
      %parallel_loop3A_573 = arith.index_cast %parallel_loop3A_338 : i32 to index
      %parallel_loop3A_574 = arith.constant 416 : index
      %parallel_loop3A_575 = tpu.vector_load %arg14[%parallel_loop3A_573, %parallel_loop3A_574] {strides = array<i32>} : memref<9x512xf32, #tpu.memory_space<vmem>>, vector<1x16xf32>,
      %parallel_loop3A_576 = vector.shape_cast %parallel_loop3A_575 : vector<1x16xf32> to vector<16xf32>
      %parallel_loop3A_577 = arith.index_cast %parallel_loop3A_331 : i32 to index
      %parallel_loop3A_578 = arith.constant 416 : index
      %parallel_loop3A_579 = tpu.vector_load %arg15[%parallel_loop3A_577, %parallel_loop3A_578] {strides = array<i32>} : memref<64x512xf32, #tpu.memory_space<vmem>>, vector<1x16xf32>,
      %parallel_loop3A_580 = vector.shape_cast %parallel_loop3A_579 : vector<1x16xf32> to vector<16xf32>
      %parallel_loop3A_581 = vector.shape_cast %parallel_loop3A_576 : vector<16xf32> to vector<1x16xf32>
      tpu.vector_store %arg15[%parallel_loop3A_577, %parallel_loop3A_578], %parallel_loop3A_581 {add = true, strides = array<i32>} : memref<64x512xf32, #tpu.memory_space<vmem>>, vector<1x16xf32>,
      %parallel_loop3A_582 = arith.index_cast %parallel_loop3A_338 : i32 to index
      %parallel_loop3A_583 = arith.constant 432 : index
      %parallel_loop3A_584 = tpu.vector_load %arg14[%parallel_loop3A_582, %parallel_loop3A_583] {strides = array<i32>} : memref<9x512xf32, #tpu.memory_space<vmem>>, vector<1x16xf32>,
      %parallel_loop3A_585 = vector.shape_cast %parallel_loop3A_584 : vector<1x16xf32> to vector<16xf32>
      %parallel_loop3A_586 = arith.index_cast %parallel_loop3A_331 : i32 to index
      %parallel_loop3A_587 = arith.constant 432 : index
      %parallel_loop3A_588 = tpu.vector_load %arg15[%parallel_loop3A_586, %parallel_loop3A_587] {strides = array<i32>} : memref<64x512xf32, #tpu.memory_space<vmem>>, vector<1x16xf32>,
      %parallel_loop3A_589 = vector.shape_cast %parallel_loop3A_588 : vector<1x16xf32> to vector<16xf32>
      %parallel_loop3A_590 = vector.shape_cast %parallel_loop3A_585 : vector<16xf32> to vector<1x16xf32>
      tpu.vector_store %arg15[%parallel_loop3A_586, %parallel_loop3A_587], %parallel_loop3A_590 {add = true, strides = array<i32>} : memref<64x512xf32, #tpu.memory_space<vmem>>, vector<1x16xf32>,
      %parallel_loop3A_591 = arith.index_cast %parallel_loop3A_338 : i32 to index
      %parallel_loop3A_592 = arith.constant 448 : index
      %parallel_loop3A_593 = tpu.vector_load %arg14[%parallel_loop3A_591, %parallel_loop3A_592] {strides = array<i32>} : memref<9x512xf32, #tpu.memory_space<vmem>>, vector<1x16xf32>,
      %parallel_loop3A_594 = vector.shape_cast %parallel_loop3A_593 : vector<1x16xf32> to vector<16xf32>
      %parallel_loop3A_595 = arith.index_cast %parallel_loop3A_331 : i32 to index
      %parallel_loop3A_596 = arith.constant 448 : index
      %parallel_loop3A_597 = tpu.vector_load %arg15[%parallel_loop3A_595, %parallel_loop3A_596] {strides = array<i32>} : memref<64x512xf32, #tpu.memory_space<vmem>>, vector<1x16xf32>,
      %parallel_loop3A_598 = vector.shape_cast %parallel_loop3A_597 : vector<1x16xf32> to vector<16xf32>
      %parallel_loop3A_599 = vector.shape_cast %parallel_loop3A_594 : vector<16xf32> to vector<1x16xf32>
      tpu.vector_store %arg15[%parallel_loop3A_595, %parallel_loop3A_596], %parallel_loop3A_599 {add = true, strides = array<i32>} : memref<64x512xf32, #tpu.memory_space<vmem>>, vector<1x16xf32>,
      %parallel_loop3A_600 = arith.index_cast %parallel_loop3A_338 : i32 to index
      %parallel_loop3A_601 = arith.constant 464 : index
      %parallel_loop3A_602 = tpu.vector_load %arg14[%parallel_loop3A_600, %parallel_loop3A_601] {strides = array<i32>} : memref<9x512xf32, #tpu.memory_space<vmem>>, vector<1x16xf32>,
      %parallel_loop3A_603 = vector.shape_cast %parallel_loop3A_602 : vector<1x16xf32> to vector<16xf32>
      %parallel_loop3A_604 = arith.index_cast %parallel_loop3A_331 : i32 to index
      %parallel_loop3A_605 = arith.constant 464 : index
      %parallel_loop3A_606 = tpu.vector_load %arg15[%parallel_loop3A_604, %parallel_loop3A_605] {strides = array<i32>} : memref<64x512xf32, #tpu.memory_space<vmem>>, vector<1x16xf32>,
      %parallel_loop3A_607 = vector.shape_cast %parallel_loop3A_606 : vector<1x16xf32> to vector<16xf32>
      %parallel_loop3A_608 = vector.shape_cast %parallel_loop3A_603 : vector<16xf32> to vector<1x16xf32>
      tpu.vector_store %arg15[%parallel_loop3A_604, %parallel_loop3A_605], %parallel_loop3A_608 {add = true, strides = array<i32>} : memref<64x512xf32, #tpu.memory_space<vmem>>, vector<1x16xf32>,
      %parallel_loop3A_609 = arith.index_cast %parallel_loop3A_338 : i32 to index
      %parallel_loop3A_610 = arith.constant 480 : index
      %parallel_loop3A_611 = tpu.vector_load %arg14[%parallel_loop3A_609, %parallel_loop3A_610] {strides = array<i32>} : memref<9x512xf32, #tpu.memory_space<vmem>>, vector<1x16xf32>,
      %parallel_loop3A_612 = vector.shape_cast %parallel_loop3A_611 : vector<1x16xf32> to vector<16xf32>
      %parallel_loop3A_613 = arith.index_cast %parallel_loop3A_331 : i32 to index
      %parallel_loop3A_614 = arith.constant 480 : index
      %parallel_loop3A_615 = tpu.vector_load %arg15[%parallel_loop3A_613, %parallel_loop3A_614] {strides = array<i32>} : memref<64x512xf32, #tpu.memory_space<vmem>>, vector<1x16xf32>,
      %parallel_loop3A_616 = vector.shape_cast %parallel_loop3A_615 : vector<1x16xf32> to vector<16xf32>
      %parallel_loop3A_617 = vector.shape_cast %parallel_loop3A_612 : vector<16xf32> to vector<1x16xf32>
      tpu.vector_store %arg15[%parallel_loop3A_613, %parallel_loop3A_614], %parallel_loop3A_617 {add = true, strides = array<i32>} : memref<64x512xf32, #tpu.memory_space<vmem>>, vector<1x16xf32>,
      %parallel_loop3A_618 = arith.index_cast %parallel_loop3A_338 : i32 to index
      %parallel_loop3A_619 = arith.constant 496 : index
      %parallel_loop3A_620 = tpu.vector_load %arg14[%parallel_loop3A_618, %parallel_loop3A_619] {strides = array<i32>} : memref<9x512xf32, #tpu.memory_space<vmem>>, vector<1x16xf32>,
      %parallel_loop3A_621 = vector.shape_cast %parallel_loop3A_620 : vector<1x16xf32> to vector<16xf32>
      %parallel_loop3A_622 = arith.index_cast %parallel_loop3A_331 : i32 to index
      %parallel_loop3A_623 = arith.constant 496 : index
      %parallel_loop3A_624 = tpu.vector_load %arg15[%parallel_loop3A_622, %parallel_loop3A_623] {strides = array<i32>} : memref<64x512xf32, #tpu.memory_space<vmem>>, vector<1x16xf32>,
      %parallel_loop3A_625 = vector.shape_cast %parallel_loop3A_624 : vector<1x16xf32> to vector<16xf32>
      %parallel_loop3A_626 = vector.shape_cast %parallel_loop3A_621 : vector<16xf32> to vector<1x16xf32>
      tpu.vector_store %arg15[%parallel_loop3A_622, %parallel_loop3A_623], %parallel_loop3A_626 {add = true, strides = array<i32>} : memref<64x512xf32, #tpu.memory_space<vmem>>, vector<1x16xf32>,
    } {sc.loop_unroll_factor = 2 : i64, sc.parallel_access}
    %add3A_313 = arith.constant 192 : i32
    %add3A_314 = arith.addi %mul3A_2, %add3A_313 : i32
    %dma_start3A_315 = arith.constant 0 : i32
    %dma_start3A_316 = tpu.memref_slice %arg8[%add3A_314, %dma_start3A_315] : memref<8192x512xf32, #tpu.memory_space<hbm>> -> memref<64x512xf32, #tpu.memory_space<hbm>>
    %dma_start3A_317 = arith.constant 0 : i32
    %dma_start3A_318 = tpu.memref_slice %arg8[%add3A_314, %dma_start3A_317] : memref<8192x512xf32, #tpu.memory_space<hbm>> -> memref<64x512xf32, #tpu.memory_space<hbm>>
    tpu.enqueue_dma source(%arg15 : memref<64x512xf32, #tpu.memory_space<vmem>>) target(%dma_start3A_318 : memref<64x512xf32, #tpu.memory_space<hbm>>) target_semaphore(%arg21 : memref<!tpu.dma_semaphore, #tpu.memory_space<semaphore_mem>>)
    %dma_wait3A_319 = arith.constant 0 : i32
    %dma_wait3A_320 = tpu.memref_slice %arg8[%add3A_314, %dma_wait3A_319] : memref<8192x512xf32, #tpu.memory_space<hbm>> -> memref<64x512xf32, #tpu.memory_space<hbm>>
    %dma_wait3A_321 = arith.constant 0 : i32
    %dma_wait3A_322 = tpu.memref_slice %arg8[%add3A_314, %dma_wait3A_321] : memref<8192x512xf32, #tpu.memory_space<hbm>> -> memref<64x512xf32, #tpu.memory_space<hbm>>
    tpu.wait_dma2 semaphore(%arg21 : memref<!tpu.dma_semaphore, #tpu.memory_space<semaphore_mem>>) src(%arg15 : memref<64x512xf32, #tpu.memory_space<vmem>>) dst(%dma_wait3A_322 : memref<64x512xf32, #tpu.memory_space<hbm>>)
    %dma_wait3A_323 = arith.constant 0 : i32
    %dma_wait3A_324 = tpu.memref_slice %arg8[%add3A_286, %dma_wait3A_323] : memref<8192x512xf32, #tpu.memory_space<hbm>> -> memref<64x512xf32, #tpu.memory_space<hbm>>
    %dma_wait3A_325 = arith.constant 0 : i32
    %dma_wait3A_326 = tpu.memref_slice %arg8[%add3A_286, %dma_wait3A_325] : memref<8192x512xf32, #tpu.memory_space<hbm>> -> memref<64x512xf32, #tpu.memory_space<hbm>>
    tpu.wait_dma2 semaphore(%arg22 : memref<!tpu.dma_semaphore, #tpu.memory_space<semaphore_mem>>) src(%arg16 : memref<64x512xf32, #tpu.memory_space<vmem>>) dst(%dma_wait3A_326 : memref<64x512xf32, #tpu.memory_space<hbm>>)
    %dma_wait3A_327 = arith.constant 0 : i32
    %dma_wait3A_328 = tpu.memref_slice %arg8[%add3A_300, %dma_wait3A_327] : memref<8192x512xf32, #tpu.memory_space<hbm>> -> memref<64x512xf32, #tpu.memory_space<hbm>>
    %dma_wait3A_329 = arith.constant 0 : i32
    %dma_wait3A_330 = tpu.memref_slice %arg8[%add3A_300, %dma_wait3A_329] : memref<8192x512xf32, #tpu.memory_space<hbm>> -> memref<64x512xf32, #tpu.memory_space<hbm>>
    tpu.wait_dma2 semaphore(%arg23 : memref<!tpu.dma_semaphore, #tpu.memory_space<semaphore_mem>>) src(%arg17 : memref<64x512xf32, #tpu.memory_space<vmem>>) dst(%dma_wait3A_330 : memref<64x512xf32, #tpu.memory_space<hbm>>)
    return
  }
}

</mosaic_0001>

<sc_bundles>
// kernel: kernel.3.cloned.1.call-start
scs
__scs_entry_jumppad:
0x0: {  	(pc) =	sbr.rel $0x88, $3  }
0x1: {  	(tag) =	ssettag $0x0;
	lr =	simm.s32 $0x1  }
0x2: {  	[smem:$0x3F9B] =	sst lr;
	_ =	strace $0xD0000000  }
0x3: {  	_ = 	snop  }
0x4: {  	_ = 	snop  }
0x5: {  	_ = 	snop  }
0x6: {  	_ = 	snop  }
0x7: {  	_ = 	snop  }
__scs_overlays_trampoline_lowered:
0x8: {  	[smem:$0x3FAA] =	sst s0  }
0x9: {  	[smem:$0x3FAB] =	sst s1  }
0xa: {  	[smem:$0x3FAC] =	sst s2  }
0xb: {  	[smem:$0x3FAD] =	sst s3  }
0xc: {  	[smem:$0x3FAE] =	sst s4  }
0xd: {  	[smem:$0x3FAF] =	sst s5  }
0xe: {  	[smem:$0x3FB0] =	sst s6  }
0xf: {  	[smem:$0x3FB1] =	sst s7  }
0x10: {  	[smem:$0x3FB2] =	sst s8  }
0x11: {  	[smem:$0x3FB3] =	sst s9;
	s0 =	simm.s32 @!p0 $0x0  }
0x12: {  	s1 =	sld [smem:$0x3F99];
	s0 =	simm.s32 @p0 $0x1  }
0x13: {  	[smem:$0x3FB4] =	sst s0;
	s0 =	simm.s32 @!p1 $0x0  }
0x14: {  	s2 =	sld [smem:$0x3F98];
	s0 =	simm.s32 @p1 $0x1  }
0x15: {  	[smem:$0x3FB5] =	sst s0;
	s0 =	simm.s32 @!p2 $0x0  }
0x16: {  	s3 =	sld [smem:$0x3FDB];
	s0 =	simm.s32 @p2 $0x1  }
0x17: {  	s4 =	simm.s32 $0x1BF5;
	[smem:$0x3FB7] =	sst s0  }
0x18: {  	s0 =	sld [smem:$0x3F9A];
	_ =	swait.ge [sflag:s4], $0x0  }
0x19: {  	s7 =	sld [smem:$0x3F9B]  }
0x1a: {  	s8 =	sadd.s32 $0xFFFFE003, lr  }
0x1b: {  	s9 =	sadd.s32 $0xFFFFFEF7, lr;
	s5 =	simm.s32 $0xFFFFFFFF;
	p2 =	slt.u32 s8, $0xFFFFF086  }
0x1c: {  	p1 =	slt.u32 s9, $0xF7A;
	s5 =	simm.s32 @!p2 $0x0  }
0x1d: {  	s5 =	simm.s32 @p1 $0x1;
	p0 =	seq.s32 s7, s2  }
0x1e: {  	s7 =	smul.u32 @!p0 $0xF7A, s2;
	p2 =	seq.s32 @!p0 s5, $0x0  }
0x1f: {  	s9 =	smul.u32 $0xF7A, s1;
	s8 =	simm.s32 @!p0 $0x1BF5;
	p2 =	por !p2, p0  }
0x20: {  	[sflag:s8] =	ssyncset.s32 @!p0 $0xFFFFF086;
	s6 =	sadd.s32 @!p0 s3, s7;
	s7 =	simm.s32 @!p0 $0x108  }
0x21: {  	s3 =	sadd.s32 s3, s9;
	s6 =	sadd.s32 @!p0 $0x88, s6;
	s7 =	simm.s32 @p2 $0x1082  }
0x22: {  	[simem:s7], [sflag:s8] =	dma.local @!p0 [hbm:s6], $0xF7A  }
0x23: {  	s9 =	sor.u32 $0xD0000000, s2;
	s6 =	simm.s32 $0x108;
	_ =	swait.ge @!p0 [sflag:s8], $0x0  }
0x24: {  	s3 =	sadd.s32 $0x88, s3;
	s6 =	simm.s32 @!p1 $0x1082;
	[sflag:s4] =	ssyncset.s32 $0xFFFFF086  }
0x25: {  	[simem:s6], [sflag:s4] =	dma.local [hbm:s3], $0xF7A  }
0x26: {  	[smem:$0x3F9B] =	sst s1;
	(tag) =	ssettag s2;
	_ =	strace s9  }
0x27: {  	s1 =	sld [smem:$0x3FAB]  }
0x28: {  	s2 =	sld [smem:$0x3FAC]  }
0x29: {  	s4 =	sld [smem:$0x3FAE]  }
0x2a: {  	p0 =	seq.s32 s5, $0x0;
	s5 =	sld [smem:$0x3FAF]  }
0x2b: {  	s6 =	sld [smem:$0x3FB0]  }
0x2c: {  	s7 =	sld [smem:$0x3FB1]  }
0x2d: {  	s3 =	simm.s32 $0x108;
	s8 =	sld [smem:$0x3FB2]  }
0x2e: {  	s3 =	simm.s32 @!p0 $0x1082;
	s9 =	sld [smem:$0x3FB3]  }
0x2f: {  	lr =	sadd.s32 s0, s3;
	s0 =	sld [smem:$0x3FAA]  }
0x30: {  	s3 =	sld [smem:$0x3FAD]  }
0x31: {  	[smem:$0x3FB6] =	sst s10  }
0x32: {  	s10 =	sld [smem:$0x3FB4];
	_ =	sdelay $0x3  }
0x33: {  	p0 =	seq.s32 s10, $0x1;
	s10 =	sld [smem:$0x3FB6];
	_ =	sdelay $0x3  }
0x34: {  	[smem:$0x3FB6] =	sst s10  }
0x35: {  	s10 =	sld [smem:$0x3FB5];
	_ =	sdelay $0x3  }
0x36: {  	p1 =	seq.s32 s10, $0x1;
	s10 =	sld [smem:$0x3FB6];
	_ =	sdelay $0x3  }
0x37: {  	[smem:$0x3FB6] =	sst s10  }
0x38: {  	s10 =	sld [smem:$0x3FB7]  }
0x39: {  	_ = 	snop;
	(pc) =	sbr.ind lr, $3  }
0x3a: {  	_ = 	snop  }
0x3b: {  	_ = 	snop  }
0x3c: {  	p2 =	seq.s32 s10, $0x1;
	s10 =	sld [smem:$0x3FB6]  }
0x3d: {  	_ =	shalt  }
0x3e: {  	_ =	shalt  }
0x3f: {  	_ =	shalt  }
0x40: {  	_ =	shalt  }
0x41: {  	_ =	shalt  }
0x42: {  	_ =	shalt  }
0x43: {  	_ =	shalt  }
0x44: {  	_ =	shalt  }
0x45: {  	_ =	shalt  }
0x46: {  	_ =	shalt  }
0x47: {  	_ =	shalt  }
0x48: {  	_ =	shalt  }
0x49: {  	_ =	shalt  }
0x4a: {  	_ =	shalt  }
0x4b: {  	_ =	shalt  }
0x4c: {  	_ =	shalt  }
0x4d: {  	_ =	shalt  }
0x4e: {  	_ =	shalt  }
0x4f: {  	_ =	shalt  }
0x50: {  	_ =	shalt  }
0x51: {  	_ =	shalt  }
0x52: {  	_ =	shalt  }
0x53: {  	_ =	shalt  }
0x54: {  	_ =	shalt  }
0x55: {  	_ =	shalt  }
0x56: {  	_ =	shalt  }
0x57: {  	_ =	shalt  }
0x58: {  	_ =	shalt  }
0x59: {  	_ =	shalt  }
0x5a: {  	_ =	shalt  }
0x5b: {  	_ =	shalt  }
0x5c: {  	_ =	shalt  }
0x5d: {  	_ =	shalt  }
0x5e: {  	_ =	shalt  }
0x5f: {  	_ =	shalt  }
0x60: {  	_ =	shalt  }
0x61: {  	_ =	shalt  }
0x62: {  	_ =	shalt  }
0x63: {  	_ =	shalt  }
0x64: {  	_ =	shalt  }
0x65: {  	_ =	shalt  }
0x66: {  	_ =	shalt  }
0x67: {  	_ =	shalt  }
0x68: {  	_ =	shalt  }
0x69: {  	_ =	shalt  }
0x6a: {  	_ =	shalt  }
0x6b: {  	_ =	shalt  }
0x6c: {  	_ =	shalt  }
0x6d: {  	_ =	shalt  }
0x6e: {  	_ =	shalt  }
0x6f: {  	_ =	shalt  }
0x70: {  	_ =	shalt  }
0x71: {  	_ =	shalt  }
0x72: {  	_ =	shalt  }
0x73: {  	_ =	shalt  }
0x74: {  	_ =	shalt  }
0x75: {  	_ =	shalt  }
0x76: {  	_ =	shalt  }
0x77: {  	_ =	shalt  }
0x78: {  	_ =	shalt  }
0x79: {  	_ =	shalt  }
0x7a: {  	_ =	shalt  }
0x7b: {  	_ =	shalt  }
0x7c: {  	_ =	shalt  }
0x7d: {  	_ =	shalt  }
0x7e: {  	_ =	shalt  }
0x7f: {  	_ =	shalt  }
0x80: {  	_ =	shalt  }
0x81: {  	_ =	shalt  }
0x82: {  	_ =	shalt  }
0x83: {  	_ =	shalt  }
0x84: {  	_ =	shalt  }
0x85: {  	_ =	shalt  }
0x86: {  	_ =	shalt  }
0x87: {  	_ =	shalt  }
.Lfunc_end0:
.L_simem_size_0:
called_computation_lowered:
.L_overlay_start_0:
0x88: {  	s2 =	sld [smem:$0x3FD9]  }
0x89: {  	s3 =	sld [smem:$0x3FFE];
	_ =	sdelay $0x1  }
0x8a: {  	s1 =	srdreg.scid  }
0x8b: {  	s0 =	sand.u32 $0x1, s1  }
0x8c: {  	s17 =	sshll.u32 s0, $0xA;
	s2 =	sadd.s32 s3, s2  }
0x8d: {  	s2 =	sadd.s32 s2, s17  }
0x8e: {  	[smem:$0x3FC2] =	sst s2  }
0x8f: {  	_ = 	snop  }
0x90: {  	s2 =	sld [smem:$0x3FC6]  }
0x91: {  	s18 =	sld [smem:$0x3FC5]  }
0x92: {  	s4 =	sld [smem:$0x3FC4]  }
0x93: {  	s5 =	sld [smem:$0x3FD0];
	(tm) =	ssettm $0x1  }
0x94: {  	s6 =	sld [smem:$0x3FFB];
	_ =	sdelay $0x3  }
0x95: {  	_ =	strace s6  }
0x96: {  	s6 =	sld [smem:$0x3FFC];
	_ =	sdelay $0x3  }
0x97: {  	_ =	strace s6  }
0x98: {  	s6 =	sld [smem:$0x3FFD];
	_ =	sdelay $0x3  }
0x99: {  	_ =	strace s6  }
0x9a: {  	_ =	strace $0x8FFFFFFF  }
0x9b: {  	s19 =	sld [smem:$0x3FDB];
	_ =	sdelay $0x1  }
0x9c: {  	s7 =	simm.s32 $_scs_section_size  }
0x9d: {  	s8 =	simm.s32 $_size__tile_overlayer_lowered;
	s9 =	simm.s32 $_tile_overlayer_lowered  }
0x9e: {  	s22 =	simm.s32 $0x1BFF;
	s21 =	sshll.u32 s9, $0x1;
	s6 =	sadd.s32 s7, s19  }
0x9f: {  	s10 =	simm.s32 $0x0;
	s20 =	sshll.u32 s8, $0x1;
	s8 =	sadd.s32 s21, s6  }
0xa0: {  	[timem:s10], [sflag:s22] =	dma.local [hbm:s8], s20  }
0xa1: {  	_ =	swait.ge [sflag:s22], s20  }
0xa2: {  	s7 =	ssub.s32 $0x0, s20;
	[sflag:s22] =	ssyncset.done $0x0  }
0xa3: {  	[sflag:s22] =	ssyncadd.s32 s7;
	_ =	sdelay $0x1  }
0xa4: {  	s23 =	simm.s32 $0x1B8B  }
0xa5: {  	_ =	swait.ge [sflag:s23], $0x1  }
0xa6: {  	[sflag:s23] =	ssyncset.done $0x0  }
0xa7: {  	s25 =	simm.s32 $0x1B8E;
	s24 =	sld [smem:$0x3FFE];
	[sflag:s23] =	ssyncadd.s32 $0xFFFFFFFF  }
0xa8: {  	s26 =	simm.s32 $execute0_lowered;
	[smem:$0x3FD2] =	sst s25  }
0xa9: {  	s8 =	sshll.u32 s26, $0x1;
	_ =	strace $0x80000046;
	[dreg:$0x1] =	wrdreg $0xFFFFFFFF  }
0xaa: {  	s28 =	simm.s32 $_size_execute0_lowered;
	s6 =	sadd.s32 s6, s8;
	[dreg:$0x0] =	wrdreg $0x0  }
0xab: {  	s8 =	sshll.u32 s28, $0x1;
	[dreg:$0x2] =	wrdreg s6  }
0xac: {  	[dreg:$0x3] =	wrdreg s8  }
0xad: {  	[dreg:$0x4] =	wrdreg $0xC0  }
0xae: {  	_ =	task [dreg:s10], $0x5FFFF  }
0xaf: {  	[dreg:$0x1] =	wrdreg $0xFFFFFFFF  }
0xb0: {  	[dreg:$0x0] =	wrdreg $0x60  }
0xb1: {  	[dreg:$0x2] =	wrdreg s24  }
0xb2: {  	[dreg:$0x3] =	wrdreg s2  }
0xb3: {  	[dreg:$0x4] =	wrdreg s18  }
0xb4: {  	[dreg:$0x5] =	wrdreg s4  }
0xb5: {  	[dreg:$0x6] =	wrdreg s5  }
0xb6: {  	[dreg:$0x7] =	wrdreg $0x9  }
0xb7: {  	_ =	task.clear_ibuf [dreg:s10], $0x8FFFF;
	_ =	strace $0x90000046  }
0xb8: {  	s29 =	simm.s32 $0x9;
	_ =	strace $0x80000048  }
0xb9: {  	_ =	swait.ge [sflag:s29], $0x1  }
0xba: {  	[sflag:s29] =	ssyncadd.s32 $0xFFFFFFFF  }
0xbb: {  	_ =	strace $0x90000048  }
0xbc: {  	_ =	sfence  }
0xbd: {  	s30 =	sld [smem:$0x0];
	_ =	sdelay $0x2  }
0xbe: {  	s31 =	sshll.u32 s1, $0xD;
	s1 =	sshrl.u32 s1, $0x2  }
0xbf: {  	s3 =	sand.u32 $0x4000, s31;
	s1 =	sadd.s32 s1, s30  }
0xc0: {  	s0 =	sor.u32 s3, s0;
	s1 =	sshll.u32 s1, $0x11  }
0xc1: {  	s0 =	sor.u32 s1, s0  }
0xc2: {  	s0 =	sadd.s32 $0x8F2B, s0  }
0xc3: {  	[sflag:s0] =	ssyncadd.remote.s32 $0x1  }
0xc4: {  	_ =	sfence.sel $0xFFFF  }
0xc5: {  	[dreg:$0x0] =	wrdreg $0xFFFFFFFF;
	(pc) =	sbr.abs _section_cstart, $3  }
0xc6: {  	[dreg:$0x1] =	wrdreg $0xFFFFFFFF  }
0xc7: {  	_ =	task.clear_ibuf [dreg:s10], $0x2FFFF;
	_ =	strace $0x9FFFFFFF  }
0xc8: {  	(tm) =	ssettm $0x7FFFFFFF  }
0xc9: {  	_ =	shalt  }
tec
execute0_lowered:
.L_overlay_start_1:
0x0: {  	(tag) =	ssettag $0x1  }
0x1: {  	s0 =	rddreg [dreg:$0x0]  }
0x2: {  	s15 =	rddreg [dreg:$0x1]  }
0x3: {  	s1 =	rddreg [dreg:$0x4]  }
0x4: {  	s2 =	srdreg.scid;
	s3 =	stileid.u32  }
0x5: {  	s6 =	simm.s32 $0x0;
	s17 =	simm.s32 $0x3380;
	s18 =	simm.s32 $0x3B80  }
0x6: {  	s19 =	simm.s32 $0x4380;
	s2 =	sand.u32 $0x1, s2;
	s3 =	sshll.u32 s3, $0x9  }
0x7: {  	[smem:$0x7FF] =	sst s6;
	s16 =	sadd.s32 $0x100, s15;
	s4 =	sshll.u32 s2, $0x8  }
0x8: {  	s2 =	ssub.s32 $0x2, s2;
	_ =	strace $0x80000047;
	s3 =	sor.u32 s4, s3  }
0x9: {  	s5 =	sshrl.u32 s2, $0x1;
	s4 =	sshrl.u32 s3, $0x3;
	s3 =	sshll.u32 s3, $0x6  }
0xa: {  	[dreg:$0xe] =	wrdreg s16;
	s2 =	ssub.s32 s2, s5;
	s1 =	sadd.s32 s1, s3  }
0xb: {  	s0 =	sadd.s32 s4, s0;
	s30 =	smax.u32 s2, $0x1;
	[dreg:$0xf] =	wrdreg s1  }
0xc: {  	s20 =	simm.s32 $0x4B80;
	s4 =	sadd.s32 $0x400, s0;
	[dreg:$0x15] =	wrdreg s30  }
0xd: {  	s21 =	simm.s32 $0x5380;
	s25 =	sadd.s32 $0x800, s0;
	[dreg:$0xd] =	wrdreg s4  }
0xe: {  	s22 =	simm.s32 $0x5B80;
	s0 =	sadd.s32 $0xC00, s0;
	[dreg:$0x10] =	wrdreg s25  }
0xf: {  	s31 =	simm.s32 $0x6380;
	s26 =	sadd.s32 $0x1000, s1;
	[dreg:$0x11] =	wrdreg s0  }
0x10: {  	v2 =	vlaneseq.u32;
	s5 =	simm.s32 $0x6;
	s28 =	sadd.s32 $0x2000, s1;
	[dreg:$0x12] =	wrdreg s26  }
0x11: {  	vm0 =	vmmov $0xffff;
	v1 =	vshrl.u32 v2, $0x3;
	s3 =	simm.s32 $0x4;
	s29 =	sadd.s32 $0x3000, s1;
	[dreg:$0x13] =	wrdreg s28  }
0x12: {  	v0 =	vand.u32 $0x7, v2;
	v2 =	vor.u32 $0x8, v2;
	v1 =	vmul.u32 $0x8, v1;
	s1 =	simm.s32 $0x0;
	[dreg:$0x14] =	wrdreg s29;
	s4 =	simm.s32 $0x5  }
.LBB2_1:
0x13: {  	[dreg:$0x16] =	wrdreg s1  }
0x14: {  	s0 =	rddreg [dreg:$0xd];
	s1 =	simm.s32 $0x7  }
0x15: {  	[tilespmem:s6], [sflag:$0x7] =	stream.linear.gather [hbm4b:s0+s6], $0x100, $0x38;
	[tilespmem:$0x1B380] =	vst v63  }
0x16: {  	_ =	swait.ge [sflag:s1], $0x100  }
0x17: {  	[sflag:s1] =	ssyncset.done $0x0  }
0x18: {  	[sflag:s1] =	ssyncadd.s32 $0xFFFFFF00  }
0x19: {  	v3 =	vld [tilespmem:$0x0];
	_ =	sdelay $0x4  }
0x1a: {  	v4 =	vshll.u32 v3, $0x2  }
0x1b: {  	v3 =	vand.u32 $0x7, v3;
	v4 =	vand.u32 $0xFFFFFFE0, v4  }
0x1c: {  	v3 =	vor.u32 v3, v4  }
0x1d: {  	v4 =	vperm.xlane v3, v0;
	_ =	sdelay $0x1  }
0x1e: {  	v4 =	vadd.s32 v1, v4;
	_ =	sdelay $0x1  }
0x1f: {  	v3 =	vperm.xlane v3, v2;
	_ =	sdelay $0x1  }
0x20: {  	v3 =	vadd.s32 v1, v3  }
0x21: {  	[tilespmem:s17], [sflag:$0x1] =	stream.indirect_vreg.gather [hbm4b:s15+s6], $0x80, v4, vm0, $0xb8;
	[tilespmem:$0x1B380] =	vst v63  }
0x22: {  	_ = 	snop  }
0x23: {  	[tilespmem:s18], [sflag:$0x1] =	stream.indirect_vreg.gather [hbm4b:s16+s6], $0x80, v4, vm0, $0xb8;
	[tilespmem:$0x1B380] =	vst v63  }
0x24: {  	_ = 	snop  }
0x25: {  	[tilespmem:s19], [sflag:$0x1] =	stream.indirect_vreg.gather [hbm4b:s15+s6], $0x80, v3, vm0, $0xb8;
	[tilespmem:$0x1B380] =	vst v63  }
0x26: {  	_ = 	snop  }
0x27: {  	[tilespmem:s20], [sflag:$0x1] =	stream.indirect_vreg.gather [hbm4b:s16+s6], $0x80, v3, vm0, $0xb8;
	[tilespmem:$0x1B380] =	vst v63  }
0x28: {  	v3 =	vld [tilespmem:$0x10];
	_ =	sdelay $0x4  }
0x29: {  	v4 =	vshll.u32 v3, $0x2  }
0x2a: {  	v3 =	vand.u32 $0x7, v3;
	v4 =	vand.u32 $0xFFFFFFE0, v4  }
0x2b: {  	v3 =	vor.u32 v3, v4  }
0x2c: {  	v4 =	vperm.xlane v3, v0;
	_ =	sdelay $0x1  }
0x2d: {  	v4 =	vadd.s32 v1, v4;
	_ =	sdelay $0x1  }
0x2e: {  	v3 =	vperm.xlane v3, v2;
	_ =	sdelay $0x1  }
0x2f: {  	v3 =	vadd.s32 v1, v3  }
0x30: {  	[tilespmem:s21], [sflag:$0x1] =	stream.indirect_vreg.gather [hbm4b:s15+s6], $0x80, v4, vm0, $0xb8;
	[tilespmem:$0x1B380] =	vst v63  }
0x31: {  	_ = 	snop  }
0x32: {  	[tilespmem:s22], [sflag:$0x1] =	stream.indirect_vreg.gather [hbm4b:s16+s6], $0x80, v4, vm0, $0xb8;
	[tilespmem:$0x1B380] =	vst v63  }
0x33: {  	_ = 	snop  }
0x34: {  	[tilespmem:s31], [sflag:$0x1] =	stream.indirect_vreg.gather [hbm4b:s15+s6], $0x80, v3, vm0, $0xb8;
	[tilespmem:$0x1B380] =	vst v63  }
0x35: {  	s25 =	simm.s32 $0x6B80  }
0x36: {  	[tilespmem:s25], [sflag:$0x1] =	stream.indirect_vreg.gather [hbm4b:s16+s6], $0x80, v3, vm0, $0xb8;
	[tilespmem:$0x1B380] =	vst v63  }
0x37: {  	v3 =	vld [tilespmem:$0x20];
	_ =	sdelay $0x4  }
0x38: {  	v4 =	vshll.u32 v3, $0x2  }
0x39: {  	v3 =	vand.u32 $0x7, v3;
	v4 =	vand.u32 $0xFFFFFFE0, v4  }
0x3a: {  	v3 =	vor.u32 v3, v4  }
0x3b: {  	v4 =	vperm.xlane v3, v0;
	_ =	sdelay $0x1  }
0x3c: {  	v4 =	vadd.s32 v1, v4;
	_ =	sdelay $0x1  }
0x3d: {  	v3 =	vperm.xlane v3, v2;
	_ =	sdelay $0x1  }
0x3e: {  	s26 =	simm.s32 $0x7380;
	v3 =	vadd.s32 v1, v3  }
0x3f: {  	[tilespmem:s26], [sflag:$0x1] =	stream.indirect_vreg.gather [hbm4b:s15+s6], $0x80, v4, vm0, $0xb8;
	[tilespmem:$0x1B380] =	vst v63  }
0x40: {  	s28 =	simm.s32 $0x7B80  }
0x41: {  	[tilespmem:s28], [sflag:$0x1] =	stream.indirect_vreg.gather [hbm4b:s16+s6], $0x80, v4, vm0, $0xb8;
	[tilespmem:$0x1B380] =	vst v63  }
0x42: {  	s29 =	simm.s32 $0x8380  }
0x43: {  	[tilespmem:s29], [sflag:$0x1] =	stream.indirect_vreg.gather [hbm4b:s15+s6], $0x80, v3, vm0, $0xb8;
	[tilespmem:$0x1B380] =	vst v63  }
0x44: {  	s30 =	simm.s32 $0x8B80  }
0x45: {  	[tilespmem:s30], [sflag:$0x1] =	stream.indirect_vreg.gather [hbm4b:s16+s6], $0x80, v3, vm0, $0xb8;
	[tilespmem:$0x1B380] =	vst v63  }
0x46: {  	v3 =	vld [tilespmem:$0x30];
	_ =	sdelay $0x4  }
0x47: {  	v4 =	vshll.u32 v3, $0x2  }
0x48: {  	v3 =	vand.u32 $0x7, v3;
	v4 =	vand.u32 $0xFFFFFFE0, v4  }
0x49: {  	v3 =	vor.u32 v3, v4  }
0x4a: {  	v4 =	vperm.xlane v3, v0;
	_ =	sdelay $0x1  }
0x4b: {  	v4 =	vadd.s32 v1, v4;
	_ =	sdelay $0x1  }
0x4c: {  	v3 =	vperm.xlane v3, v2;
	_ =	sdelay $0x1  }
0x4d: {  	s2 =	simm.s32 $0x9380;
	v3 =	vadd.s32 v1, v3  }
0x4e: {  	[tilespmem:s2], [sflag:$0x1] =	stream.indirect_vreg.gather [hbm4b:s15+s6], $0x80, v4, vm0, $0xb8;
	[tilespmem:$0x1B380] =	vst v63  }
0x4f: {  	s7 =	simm.s32 $0x9B80  }
0x50: {  	[tilespmem:s7], [sflag:$0x1] =	stream.indirect_vreg.gather [hbm4b:s16+s6], $0x80, v4, vm0, $0xb8;
	[tilespmem:$0x1B380] =	vst v63  }
0x51: {  	s8 =	simm.s32 $0xA380  }
0x52: {  	[tilespmem:s8], [sflag:$0x1] =	stream.indirect_vreg.gather [hbm4b:s15+s6], $0x80, v3, vm0, $0xb8;
	[tilespmem:$0x1B380] =	vst v63  }
0x53: {  	s9 =	simm.s32 $0xAB80  }
0x54: {  	[tilespmem:s9], [sflag:$0x1] =	stream.indirect_vreg.gather [hbm4b:s16+s6], $0x80, v3, vm0, $0xb8;
	[tilespmem:$0x1B380] =	vst v63  }
0x55: {  	v3 =	vld [tilespmem:$0x40];
	_ =	sdelay $0x4  }
0x56: {  	v4 =	vshll.u32 v3, $0x2  }
0x57: {  	v3 =	vand.u32 $0x7, v3;
	v4 =	vand.u32 $0xFFFFFFE0, v4  }
0x58: {  	v3 =	vor.u32 v3, v4  }
0x59: {  	v4 =	vperm.xlane v3, v0;
	_ =	sdelay $0x1  }
0x5a: {  	v4 =	vadd.s32 v1, v4;
	_ =	sdelay $0x1  }
0x5b: {  	v3 =	vperm.xlane v3, v2;
	_ =	sdelay $0x1  }
0x5c: {  	s10 =	simm.s32 $0xB380;
	v3 =	vadd.s32 v1, v3  }
0x5d: {  	[tilespmem:s10], [sflag:$0x2] =	stream.indirect_vreg.gather [hbm4b:s15+s6], $0x80, v4, vm0, $0xb8;
	[tilespmem:$0x1B380] =	vst v63  }
0x5e: {  	s11 =	simm.s32 $0xBB80  }
0x5f: {  	[tilespmem:s11], [sflag:$0x2] =	stream.indirect_vreg.gather [hbm4b:s16+s6], $0x80, v4, vm0, $0xb8;
	[tilespmem:$0x1B380] =	vst v63  }
0x60: {  	s12 =	simm.s32 $0xC380  }
0x61: {  	[tilespmem:s12], [sflag:$0x2] =	stream.indirect_vreg.gather [hbm4b:s15+s6], $0x80, v3, vm0, $0xb8;
	[tilespmem:$0x1B380] =	vst v63  }
0x62: {  	s13 =	simm.s32 $0xCB80  }
0x63: {  	[tilespmem:s13], [sflag:$0x2] =	stream.indirect_vreg.gather [hbm4b:s16+s6], $0x80, v3, vm0, $0xb8;
	[tilespmem:$0x1B380] =	vst v63  }
0x64: {  	v3 =	vld [tilespmem:$0x50];
	_ =	sdelay $0x4  }
0x65: {  	v4 =	vshll.u32 v3, $0x2  }
0x66: {  	v3 =	vand.u32 $0x7, v3;
	v4 =	vand.u32 $0xFFFFFFE0, v4  }
0x67: {  	v3 =	vor.u32 v3, v4  }
0x68: {  	v4 =	vperm.xlane v3, v0;
	_ =	sdelay $0x1  }
0x69: {  	v4 =	vadd.s32 v1, v4;
	_ =	sdelay $0x1  }
0x6a: {  	v3 =	vperm.xlane v3, v2;
	_ =	sdelay $0x1  }
0x6b: {  	s14 =	simm.s32 $0xD380;
	v3 =	vadd.s32 v1, v3  }
0x6c: {  	[tilespmem:s14], [sflag:$0x2] =	stream.indirect_vreg.gather [hbm4b:s15+s6], $0x80, v4, vm0, $0xb8;
	[tilespmem:$0x1B380] =	vst v63  }
0x6d: {  	s23 =	simm.s32 $0xDB80  }
0x6e: {  	[tilespmem:s23], [sflag:$0x2] =	stream.indirect_vreg.gather [hbm4b:s16+s6], $0x80, v4, vm0, $0xb8;
	[tilespmem:$0x1B380] =	vst v63  }
0x6f: {  	s24 =	simm.s32 $0xE380  }
0x70: {  	[tilespmem:s24], [sflag:$0x2] =	stream.indirect_vreg.gather [hbm4b:s15+s6], $0x80, v3, vm0, $0xb8;
	[tilespmem:$0x1B380] =	vst v63  }
0x71: {  	s25 =	simm.s32 $0xEB80  }
0x72: {  	[tilespmem:s25], [sflag:$0x2] =	stream.indirect_vreg.gather [hbm4b:s16+s6], $0x80, v3, vm0, $0xb8;
	[tilespmem:$0x1B380] =	vst v63  }
0x73: {  	v3 =	vld [tilespmem:$0x60];
	_ =	sdelay $0x4  }
0x74: {  	v4 =	vshll.u32 v3, $0x2  }
0x75: {  	v3 =	vand.u32 $0x7, v3;
	v4 =	vand.u32 $0xFFFFFFE0, v4  }
0x76: {  	v3 =	vor.u32 v3, v4  }
0x77: {  	v4 =	vperm.xlane v3, v0;
	_ =	sdelay $0x1  }
0x78: {  	v4 =	vadd.s32 v1, v4;
	_ =	sdelay $0x1  }
0x79: {  	v3 =	vperm.xlane v3, v2;
	_ =	sdelay $0x1  }
0x7a: {  	s26 =	simm.s32 $0xF380;
	v3 =	vadd.s32 v1, v3  }
0x7b: {  	[tilespmem:s26], [sflag:$0x2] =	stream.indirect_vreg.gather [hbm4b:s15+s6], $0x80, v4, vm0, $0xb8;
	[tilespmem:$0x1B380] =	vst v63  }
0x7c: {  	s28 =	simm.s32 $0xFB80  }
0x7d: {  	[tilespmem:s28], [sflag:$0x2] =	stream.indirect_vreg.gather [hbm4b:s16+s6], $0x80, v4, vm0, $0xb8;
	[tilespmem:$0x1B380] =	vst v63  }
0x7e: {  	s29 =	simm.s32 $0x10380  }
0x7f: {  	[tilespmem:s29], [sflag:$0x2] =	stream.indirect_vreg.gather [hbm4b:s15+s6], $0x80, v3, vm0, $0xb8;
	[tilespmem:$0x1B380] =	vst v63  }
0x80: {  	s30 =	simm.s32 $0x10B80  }
0x81: {  	[tilespmem:s30], [sflag:$0x2] =	stream.indirect_vreg.gather [hbm4b:s16+s6], $0x80, v3, vm0, $0xb8;
	[tilespmem:$0x1B380] =	vst v63  }
0x82: {  	v3 =	vld [tilespmem:$0x70];
	_ =	sdelay $0x4  }
0x83: {  	v4 =	vshll.u32 v3, $0x2  }
0x84: {  	v3 =	vand.u32 $0x7, v3;
	v4 =	vand.u32 $0xFFFFFFE0, v4  }
0x85: {  	v3 =	vor.u32 v3, v4  }
0x86: {  	v4 =	vperm.xlane v3, v0;
	_ =	sdelay $0x1  }
0x87: {  	v4 =	vadd.s32 v1, v4;
	_ =	sdelay $0x1  }
0x88: {  	v3 =	vperm.xlane v3, v2;
	_ =	sdelay $0x1  }
0x89: {  	s2 =	simm.s32 $0x11380;
	v3 =	vadd.s32 v1, v3  }
0x8a: {  	[tilespmem:s2], [sflag:$0x2] =	stream.indirect_vreg.gather [hbm4b:s15+s6], $0x80, v4, vm0, $0xb8;
	[tilespmem:$0x1B380] =	vst v63  }
0x8b: {  	s7 =	simm.s32 $0x11B80  }
0x8c: {  	[tilespmem:s7], [sflag:$0x2] =	stream.indirect_vreg.gather [hbm4b:s16+s6], $0x80, v4, vm0, $0xb8;
	[tilespmem:$0x1B380] =	vst v63  }
0x8d: {  	s8 =	simm.s32 $0x12380  }
0x8e: {  	[tilespmem:s8], [sflag:$0x2] =	stream.indirect_vreg.gather [hbm4b:s15+s6], $0x80, v3, vm0, $0xb8;
	[tilespmem:$0x1B380] =	vst v63  }
0x8f: {  	s9 =	simm.s32 $0x12B80  }
0x90: {  	[tilespmem:s9], [sflag:$0x2] =	stream.indirect_vreg.gather [hbm4b:s16+s6], $0x80, v3, vm0, $0xb8;
	[tilespmem:$0x1B380] =	vst v63  }
0x91: {  	s10 =	rddreg [dreg:$0x2];
	s2 =	simm.s32 $0x380  }
0x92: {  	[tilespmem:s2], [sflag:$0x4] =	stream.linear.gather [hbm4b:s10+s6], $0x800, $0x38;
	[tilespmem:$0x1B380] =	vst v63  }
0x93: {  	s11 =	rddreg [dreg:$0x3];
	s12 =	simm.s32 $0xB80  }
0x94: {  	[tilespmem:s12], [sflag:$0x5] =	stream.linear.gather [hbm4b:s11+s6], $0x800, $0x38;
	[tilespmem:$0x1B380] =	vst v63  }
0x95: {  	s13 =	rddreg [dreg:$0x10];
	s14 =	simm.s32 $0x100  }
0x96: {  	[tilespmem:s14], [sflag:$0x6] =	stream.linear.gather [hbm4b:s13+s6], $0x100, $0x38;
	[tilespmem:$0x1B380] =	vst v63  }
0x97: {  	s23 =	rddreg [dreg:$0x11];
	s24 =	simm.s32 $0x280  }
0x98: {  	[tilespmem:s24], [sflag:$0x7] =	stream.linear.gather [hbm4b:s23+s6], $0x100, $0x38;
	[tilespmem:$0x1B380] =	vst v63  }
0x99: {  	_ =	swait.ge [sflag:s1], $0x100  }
0x9a: {  	[sflag:s1] =	ssyncset.done $0x0  }
0x9b: {  	[sflag:s1] =	ssyncadd.s32 $0xFFFFFF00  }
0x9c: {  	_ =	swait.ge [sflag:s3], $0x800  }
0x9d: {  	[sflag:s3] =	ssyncset.done $0x0  }
0x9e: {  	[sflag:s3] =	ssyncadd.s32 $0xFFFFF800  }
0x9f: {  	_ =	swait.ge [sflag:s4], $0x800  }
0xa0: {  	[sflag:s4] =	ssyncset.done $0x0  }
0xa1: {  	[sflag:s4] =	ssyncadd.s32 $0xFFFFF800  }
0xa2: {  	s25 =	simm.s32 $0x0;
	_ =	swait.ge [sflag:s5], $0x100  }
0xa3: {  	s0 =	sand.u32 $0xFFFFFE00, s25;
	s26 =	sand.u32 $0x70, s6;
	[sflag:s5] =	ssyncset.done $0x0  }
0xa4: {  	s28 =	sor.u32 s26, s0;
	[sflag:s5] =	ssyncadd.s32 $0xFFFFFF00  }
0xa5: {  	v3 =	vld [tilespmem:s28+$0xB80];
	_ =	sdelay $0x1  }
0xa6: {  	v4 =	vld [tilespmem:s28+$0x380];
	_ =	sdelay $0x2  }
0xa7: {  	v3 =	vmul.f32 $4.419417310e-02, v3  }
0xa8: {  	s29 =	simm.s32 $0x0  }
0xa9: {  	s0 =	sand.u32 $0x3FFFFC00, s29;
	v3 =	vadd.f32 v3, v4  }
0xaa: {  	s0 =	sor.u32 s26, s0  }
0xab: {  	[tilespmem:s0+$0x1380] =	vst v3  }
0xac: {  	v3 =	vld [tilespmem:s28+$0xC00];
	_ =	sdelay $0x1  }
0xad: {  	v4 =	vld [tilespmem:s28+$0x380];
	_ =	sdelay $0x2  }
0xae: {  	v3 =	vmul.f32 $4.419417310e-02, v3;
	_ =	sdelay $0x1  }
0xaf: {  	v3 =	vadd.f32 v3, v4;
	_ =	sdelay $0x1  }
0xb0: {  	[tilespmem:s0+$0x1400] =	vst v3  }
0xb1: {  	v3 =	vld [tilespmem:s28+$0xC80];
	_ =	sdelay $0x1  }
0xb2: {  	v4 =	vld [tilespmem:s28+$0x380];
	_ =	sdelay $0x2  }
0xb3: {  	v3 =	vmul.f32 $4.419417310e-02, v3;
	_ =	sdelay $0x1  }
0xb4: {  	v3 =	vadd.f32 v3, v4;
	_ =	sdelay $0x1  }
0xb5: {  	[tilespmem:s0+$0x1480] =	vst v3  }
0xb6: {  	v3 =	vld [tilespmem:s28+$0xB80];
	_ =	sdelay $0x1  }
0xb7: {  	v4 =	vld [tilespmem:s28+$0x400];
	_ =	sdelay $0x2  }
0xb8: {  	v3 =	vmul.f32 $4.419417310e-02, v3;
	_ =	sdelay $0x1  }
0xb9: {  	v3 =	vadd.f32 v3, v4;
	_ =	sdelay $0x1  }
0xba: {  	[tilespmem:s0+$0x1500] =	vst v3  }
0xbb: {  	v3 =	vld [tilespmem:s28+$0xC00];
	_ =	sdelay $0x1  }
0xbc: {  	v4 =	vld [tilespmem:s28+$0x400];
	_ =	sdelay $0x2  }
0xbd: {  	v3 =	vmul.f32 $4.419417310e-02, v3;
	_ =	sdelay $0x1  }
0xbe: {  	v3 =	vadd.f32 v3, v4;
	_ =	sdelay $0x1  }
0xbf: {  	[tilespmem:s0+$0x1580] =	vst v3  }
0xc0: {  	v3 =	vld [tilespmem:s28+$0xC80];
	_ =	sdelay $0x1  }
0xc1: {  	v4 =	vld [tilespmem:s28+$0x400];
	_ =	sdelay $0x2  }
0xc2: {  	v3 =	vmul.f32 $4.419417310e-02, v3;
	_ =	sdelay $0x1  }
0xc3: {  	v3 =	vadd.f32 v3, v4;
	_ =	sdelay $0x1  }
0xc4: {  	[tilespmem:s0+$0x1600] =	vst v3  }
0xc5: {  	v3 =	vld [tilespmem:s28+$0xB80];
	_ =	sdelay $0x1  }
0xc6: {  	v4 =	vld [tilespmem:s28+$0x480];
	_ =	sdelay $0x2  }
0xc7: {  	v3 =	vmul.f32 $4.419417310e-02, v3;
	_ =	sdelay $0x1  }
0xc8: {  	v3 =	vadd.f32 v3, v4;
	_ =	sdelay $0x1  }
0xc9: {  	[tilespmem:s0+$0x1680] =	vst v3  }
0xca: {  	v3 =	vld [tilespmem:s28+$0xC00];
	_ =	sdelay $0x1  }
0xcb: {  	v4 =	vld [tilespmem:s28+$0x480];
	_ =	sdelay $0x2  }
0xcc: {  	v3 =	vmul.f32 $4.419417310e-02, v3;
	_ =	sdelay $0x1  }
0xcd: {  	v3 =	vadd.f32 v3, v4;
	_ =	sdelay $0x1  }
0xce: {  	[tilespmem:s0+$0x1700] =	vst v3  }
0xcf: {  	v3 =	vld [tilespmem:s28+$0xC80];
	_ =	sdelay $0x1  }
0xd0: {  	v4 =	vld [tilespmem:s28+$0x480];
	_ =	sdelay $0x2  }
0xd1: {  	v3 =	vmul.f32 $4.419417310e-02, v3  }
0xd2: {  	s30 =	simm.s32 $0x40;
	s2 =	simm.s32 $0x1;
	s1 =	simm.s32 $0x10  }
0xd3: {  	s3 =	simm.s32 $0x2;
	s4 =	sand.u32 $0xFFFFFE00, s30;
	s5 =	sand.u32 $0x70, s1;
	v3 =	vadd.f32 v3, v4  }
.LBB2_2:
0xd4: {  	p0 =	sne.s32 s3, $0x1F  }
0xd5: {  	s4 =	sor.u32 s5, s4;
	[tilespmem:s0+$0x2380] =	vst v3;
	s0 =	smov.u32 s3;
	s3 =	sadd.s32 $0x1, s3  }
0xd6: {  	v3 =	vld [tilespmem:s4+$0xB80];
	_ =	sdelay $0x1  }
0xd7: {  	v4 =	vld [tilespmem:s4+$0x380];
	_ =	sdelay $0x2  }
0xd8: {  	v3 =	vmul.f32 $4.419417310e-02, v3  }
0xd9: {  	s6 =	sshll.u32 s2, $0x7;
	s2 =	smov.u32 s0  }
0xda: {  	s0 =	sand.u32 $0x3FFFFC00, s6;
	v3 =	vadd.f32 v3, v4  }
0xdb: {  	s0 =	sor.u32 s5, s0  }
0xdc: {  	[tilespmem:s0+$0x1380] =	vst v3  }
0xdd: {  	v3 =	vld [tilespmem:s4+$0xC00];
	_ =	sdelay $0x1  }
0xde: {  	v4 =	vld [tilespmem:s4+$0x380];
	_ =	sdelay $0x2  }
0xdf: {  	v3 =	vmul.f32 $4.419417310e-02, v3;
	_ =	sdelay $0x1  }
0xe0: {  	v3 =	vadd.f32 v3, v4;
	_ =	sdelay $0x1  }
0xe1: {  	[tilespmem:s0+$0x1400] =	vst v3  }
0xe2: {  	v3 =	vld [tilespmem:s4+$0xC80];
	_ =	sdelay $0x1  }
0xe3: {  	v4 =	vld [tilespmem:s4+$0x380];
	_ =	sdelay $0x2  }
0xe4: {  	v3 =	vmul.f32 $4.419417310e-02, v3;
	_ =	sdelay $0x1  }
0xe5: {  	v3 =	vadd.f32 v3, v4;
	_ =	sdelay $0x1  }
0xe6: {  	[tilespmem:s0+$0x1480] =	vst v3  }
0xe7: {  	v3 =	vld [tilespmem:s4+$0xB80];
	_ =	sdelay $0x1  }
0xe8: {  	v4 =	vld [tilespmem:s4+$0x400];
	_ =	sdelay $0x2  }
0xe9: {  	v3 =	vmul.f32 $4.419417310e-02, v3;
	_ =	sdelay $0x1  }
0xea: {  	v3 =	vadd.f32 v3, v4;
	_ =	sdelay $0x1  }
0xeb: {  	[tilespmem:s0+$0x1500] =	vst v3  }
0xec: {  	v3 =	vld [tilespmem:s4+$0xC00];
	_ =	sdelay $0x1  }
0xed: {  	v4 =	vld [tilespmem:s4+$0x400];
	_ =	sdelay $0x2  }
0xee: {  	v3 =	vmul.f32 $4.419417310e-02, v3;
	_ =	sdelay $0x1  }
0xef: {  	v3 =	vadd.f32 v3, v4;
	_ =	sdelay $0x1  }
0xf0: {  	[tilespmem:s0+$0x1580] =	vst v3  }
0xf1: {  	v3 =	vld [tilespmem:s4+$0xC80]  }
0xf2: {  	v4 =	vld [tilespmem:s4+$0x400];
	_ =	sdelay $0x3  }
0xf3: {  	v3 =	vmul.f32 $4.419417310e-02, v3;
	_ =	sdelay $0x1  }
0xf4: {  	v3 =	vadd.f32 v3, v4;
	_ =	sdelay $0x1  }
0xf5: {  	[tilespmem:s0+$0x1600] =	vst v3  }
0xf6: {  	v3 =	vld [tilespmem:s4+$0xB80]  }
0xf7: {  	v4 =	vld [tilespmem:s4+$0x480];
	_ =	sdelay $0x3  }
0xf8: {  	v3 =	vmul.f32 $4.419417310e-02, v3;
	_ =	sdelay $0x1  }
0xf9: {  	v3 =	vadd.f32 v3, v4;
	_ =	sdelay $0x1  }
0xfa: {  	[tilespmem:s0+$0x1680] =	vst v3  }
0xfb: {  	v3 =	vld [tilespmem:s4+$0xC00]  }
0xfc: {  	v4 =	vld [tilespmem:s4+$0x480];
	_ =	sdelay $0x3  }
0xfd: {  	v3 =	vmul.f32 $4.419417310e-02, v3;
	_ =	sdelay $0x1  }
0xfe: {  	v3 =	vadd.f32 v3, v4;
	_ =	sdelay $0x1  }
0xff: {  	[tilespmem:s0+$0x1700] =	vst v3  }
0x100: {  	v3 =	vld [tilespmem:s4+$0xC80]  }
0x101: {  	v4 =	vld [tilespmem:s4+$0x480];
	_ =	sdelay $0x2  }
.Ltmp0:
0x102: {  	(pc) =	sbr.rel @p0 .LBB2_2-.Ltmp0, $3  }
0x103: {  	v3 =	vmul.f32 $4.419417310e-02, v3;
	_ =	sdelay $0x1  }
0x104: {  	s1 =	sadd.s32 $0x10, s1;
	s4 =	sshll.u32 s2, $0x6;
	v3 =	vadd.f32 v3, v4  }
0x105: {  	s5 =	sand.u32 $0x70, s1;
	s4 =	sand.u32 $0xFFFFFE00, s4  }
0x106: {  	s1 =	sor.u32 s5, s4;
	[tilespmem:s0+$0x2380] =	vst v3  }
0x107: {  	v3 =	vld [tilespmem:s1+$0xB80];
	_ =	sdelay $0x1  }
0x108: {  	v4 =	vld [tilespmem:s1+$0x380];
	_ =	sdelay $0x2  }
0x109: {  	v3 =	vmul.f32 $4.419417310e-02, v3  }
0x10a: {  	s12 =	sshll.u32 s2, $0x7  }
0x10b: {  	s0 =	sand.u32 $0x3FFFFC00, s12;
	v3 =	vadd.f32 v3, v4  }
0x10c: {  	s0 =	sor.u32 s5, s0  }
0x10d: {  	[tilespmem:s0+$0x1380] =	vst v3  }
0x10e: {  	v3 =	vld [tilespmem:s1+$0xC00];
	_ =	sdelay $0x1  }
0x10f: {  	v4 =	vld [tilespmem:s1+$0x380];
	_ =	sdelay $0x2  }
0x110: {  	v3 =	vmul.f32 $4.419417310e-02, v3;
	_ =	sdelay $0x1  }
0x111: {  	v3 =	vadd.f32 v3, v4;
	_ =	sdelay $0x1  }
0x112: {  	[tilespmem:s0+$0x1400] =	vst v3  }
0x113: {  	v3 =	vld [tilespmem:s1+$0xC80];
	_ =	sdelay $0x1  }
0x114: {  	v4 =	vld [tilespmem:s1+$0x380];
	_ =	sdelay $0x2  }
0x115: {  	v3 =	vmul.f32 $4.419417310e-02, v3;
	_ =	sdelay $0x1  }
0x116: {  	v3 =	vadd.f32 v3, v4;
	_ =	sdelay $0x1  }
0x117: {  	[tilespmem:s0+$0x1480] =	vst v3  }
0x118: {  	v3 =	vld [tilespmem:s1+$0xB80];
	_ =	sdelay $0x1  }
0x119: {  	v4 =	vld [tilespmem:s1+$0x400];
	_ =	sdelay $0x2  }
0x11a: {  	v3 =	vmul.f32 $4.419417310e-02, v3;
	_ =	sdelay $0x1  }
0x11b: {  	v3 =	vadd.f32 v3, v4;
	_ =	sdelay $0x1  }
0x11c: {  	[tilespmem:s0+$0x1500] =	vst v3  }
0x11d: {  	v3 =	vld [tilespmem:s1+$0xC00];
	_ =	sdelay $0x1  }
0x11e: {  	v4 =	vld [tilespmem:s1+$0x400];
	_ =	sdelay $0x2  }
0x11f: {  	v3 =	vmul.f32 $4.419417310e-02, v3;
	_ =	sdelay $0x1  }
0x120: {  	v3 =	vadd.f32 v3, v4;
	_ =	sdelay $0x1  }
0x121: {  	[tilespmem:s0+$0x1580] =	vst v3  }
0x122: {  	v3 =	vld [tilespmem:s1+$0xC80];
	_ =	sdelay $0x1  }
0x123: {  	v4 =	vld [tilespmem:s1+$0x400];
	_ =	sdelay $0x2  }
0x124: {  	v3 =	vmul.f32 $4.419417310e-02, v3;
	_ =	sdelay $0x1  }
0x125: {  	v3 =	vadd.f32 v3, v4;
	_ =	sdelay $0x1  }
0x126: {  	[tilespmem:s0+$0x1600] =	vst v3  }
0x127: {  	v3 =	vld [tilespmem:s1+$0xB80];
	_ =	sdelay $0x1  }
0x128: {  	v4 =	vld [tilespmem:s1+$0x480];
	_ =	sdelay $0x2  }
0x129: {  	v3 =	vmul.f32 $4.419417310e-02, v3;
	_ =	sdelay $0x1  }
0x12a: {  	v3 =	vadd.f32 v3, v4;
	_ =	sdelay $0x1  }
0x12b: {  	[tilespmem:s0+$0x1680] =	vst v3  }
0x12c: {  	v3 =	vld [tilespmem:s1+$0xC00];
	_ =	sdelay $0x1  }
0x12d: {  	v4 =	vld [tilespmem:s1+$0x480];
	_ =	sdelay $0x2  }
0x12e: {  	v3 =	vmul.f32 $4.419417310e-02, v3;
	_ =	sdelay $0x1  }
0x12f: {  	v3 =	vadd.f32 v3, v4;
	_ =	sdelay $0x1  }
0x130: {  	[tilespmem:s0+$0x1700] =	vst v3  }
0x131: {  	v3 =	vld [tilespmem:s1+$0xC80];
	_ =	sdelay $0x1  }
0x132: {  	v4 =	vld [tilespmem:s1+$0x480];
	_ =	sdelay $0x2  }
0x133: {  	v3 =	vmul.f32 $4.419417310e-02, v3;
	_ =	sdelay $0x1  }
0x134: {  	v3 =	vadd.f32 v3, v4;
	_ =	sdelay $0x1  }
0x135: {  	[tilespmem:s0+$0x2380] =	vst v3  }
0x136: {  	v3 =	vld [tilespmem:$0x100]  }
0x137: {  	v4 =	vld [tilespmem:$0x280]  }
0x138: {  	v5 =	vld [tilespmem:$0x110]  }
0x139: {  	v6 =	vld [tilespmem:$0x290]  }
0x13a: {  	v7 =	vld [tilespmem:$0x120]  }
0x13b: {  	v8 =	vld [tilespmem:$0x2A0]  }
0x13c: {  	v9 =	vld [tilespmem:$0x130]  }
0x13d: {  	v10 =	vld [tilespmem:$0x2B0]  }
0x13e: {  	v11 =	vld [tilespmem:$0x140]  }
0x13f: {  	v12 =	vld [tilespmem:$0x2C0]  }
0x140: {  	v13 =	vld [tilespmem:$0x150]  }
0x141: {  	v14 =	vld [tilespmem:$0x2D0]  }
0x142: {  	v15 =	vld [tilespmem:$0x160]  }
0x143: {  	v16 =	vld [tilespmem:$0x2E0]  }
0x144: {  	v17 =	vld [tilespmem:$0x170]  }
0x145: {  	v18 =	vld [tilespmem:$0x2F0]  }
0x146: {  	v19 =	vld [tilespmem:$0x180]  }
0x147: {  	v20 =	vld [tilespmem:$0x300]  }
0x148: {  	v21 =	vld [tilespmem:$0x190]  }
0x149: {  	v22 =	vld [tilespmem:$0x310]  }
0x14a: {  	v23 =	vld [tilespmem:$0x1A0];
	v3 =	vmul.u32 $0x3, v3  }
0x14b: {  	v24 =	vld [tilespmem:$0x320];
	v5 =	vmul.u32 $0x3, v5  }
0x14c: {  	v53 =	vld [tilespmem:$0x80];
	v3 =	vadd.s32 v4, v3;
	v4 =	vmul.u32 $0x3, v7  }
0x14d: {  	v54 =	vld [tilespmem:$0x1C0];
	[tilespmem:$0x100] =	vst v3;
	v3 =	vadd.s32 v6, v5;
	v5 =	vmul.u32 $0x3, v9  }
0x14e: {  	v56 =	vld [tilespmem:$0x340];
	[tilespmem:$0x110] =	vst v3;
	v3 =	vadd.s32 v8, v4;
	v4 =	vmul.u32 $0x3, v11  }
0x14f: {  	v57 =	vld [tilespmem:$0x1D0];
	[tilespmem:$0x120] =	vst v3;
	v3 =	vadd.s32 v10, v5;
	v5 =	vmul.u32 $0x3, v13  }
0x150: {  	v7 =	vld [tilespmem:$0x1B0];
	[tilespmem:$0x130] =	vst v3;
	v3 =	vadd.s32 v12, v4;
	v4 =	vmul.u32 $0x3, v15  }
0x151: {  	v58 =	vld [tilespmem:$0x350];
	v55 =	vmul.u32 $0x3, v17;
	[tilespmem:$0x140] =	vst v3;
	v3 =	vadd.s32 v14, v5;
	v5 =	vmul.u32 $0x3, v19  }
0x152: {  	v60 =	vshll.u32 v53, $0x2;
	v6 =	vld [tilespmem:$0x330];
	[tilespmem:$0x150] =	vst v3;
	v3 =	vadd.s32 v16, v4  }
0x153: {  	v59 =	vld [tilespmem:$0x1E0];
	v4 =	vadd.s32 v18, v55;
	[tilespmem:$0x160] =	vst v3;
	v3 =	vadd.s32 v20, v5;
	v5 =	vmul.u32 $0x3, v21  }
0x154: {  	v61 =	vld [tilespmem:$0x1F0];
	v8 =	vand.u32 $0x7, v53;
	v14 =	vand.u32 $0xFFFFFFE0, v60;
	[tilespmem:$0x170] =	vst v4;
	v4 =	vmul.u32 $0x3, v23  }
0x155: {  	v62 =	vld [tilespmem:$0x360];
	[tilespmem:$0x180] =	vst v3;
	v3 =	vadd.s32 v22, v5;
	v5 =	vmul.u32 $0x3, v7;
	v7 =	vor.u32 v8, v14  }
0x156: {  	v63 =	vld [tilespmem:$0x370];
	[tilespmem:$0x190] =	vst v3;
	v3 =	vadd.s32 v24, v4;
	v4 =	vmul.u32 $0x3, v54;
	v14 =	vperm.xlane v7, v0  }
0x157: {  	[tilespmem:$0x1A0] =	vst v3;
	v3 =	vadd.s32 v6, v5;
	v5 =	vmul.u32 $0x3, v57  }
0x158: {  	[tilespmem:$0x1B0] =	vst v3;
	v3 =	vadd.s32 v56, v4;
	v4 =	vmul.u32 $0x3, v59;
	v6 =	vadd.s32 v1, v14  }
0x159: {  	[tilespmem:$0x1C0] =	vst v3;
	v3 =	vadd.s32 v58, v5;
	v5 =	vmul.u32 $0x3, v61  }
0x15a: {  	[tilespmem:$0x1D0] =	vst v3;
	v3 =	vadd.s32 v62, v4;
	v4 =	vperm.xlane v7, v2  }
0x15b: {  	[tilespmem:$0x1E0] =	vst v3;
	v3 =	vadd.s32 v63, v5  }
0x15c: {  	s23 =	simm.s32 $0x0;
	s13 =	simm.s32 $0x13380;
	[tilespmem:$0x1F0] =	vst v3;
	v3 =	vadd.s32 v1, v4  }
0x15d: {  	[tilespmem:s13], [sflag:$0x3] =	stream.indirect_vreg.gather [hbm4b:s15+s23], $0x80, v6, vm0, $0xb8;
	[tilespmem:$0x1B380] =	vst v63  }
0x15e: {  	s14 =	simm.s32 $0x13B80  }
0x15f: {  	[tilespmem:s14], [sflag:$0x3] =	stream.indirect_vreg.gather [hbm4b:s16+s23], $0x80, v6, vm0, $0xb8;
	[tilespmem:$0x1B380] =	vst v63  }
0x160: {  	s24 =	simm.s32 $0x14380  }
0x161: {  	[tilespmem:s24], [sflag:$0x3] =	stream.indirect_vreg.gather [hbm4b:s15+s23], $0x80, v3, vm0, $0xb8;
	[tilespmem:$0x1B380] =	vst v63  }
0x162: {  	s25 =	simm.s32 $0x14B80  }
0x163: {  	[tilespmem:s25], [sflag:$0x3] =	stream.indirect_vreg.gather [hbm4b:s16+s23], $0x80, v3, vm0, $0xb8;
	[tilespmem:$0x1B380] =	vst v63  }
0x164: {  	v3 =	vld [tilespmem:$0x90];
	_ =	sdelay $0x4  }
0x165: {  	v4 =	vshll.u32 v3, $0x2  }
0x166: {  	v3 =	vand.u32 $0x7, v3;
	v4 =	vand.u32 $0xFFFFFFE0, v4  }
0x167: {  	v3 =	vor.u32 v3, v4  }
0x168: {  	v4 =	vperm.xlane v3, v0;
	_ =	sdelay $0x1  }
0x169: {  	v4 =	vadd.s32 v1, v4;
	_ =	sdelay $0x1  }
0x16a: {  	v3 =	vperm.xlane v3, v2;
	_ =	sdelay $0x1  }
0x16b: {  	s26 =	simm.s32 $0x15380;
	v3 =	vadd.s32 v1, v3  }
0x16c: {  	[tilespmem:s26], [sflag:$0x3] =	stream.indirect_vreg.gather [hbm4b:s15+s23], $0x80, v4, vm0, $0xb8;
	[tilespmem:$0x1B380] =	vst v63  }
0x16d: {  	s1 =	simm.s32 $0x15B80  }
0x16e: {  	[tilespmem:s1], [sflag:$0x3] =	stream.indirect_vreg.gather [hbm4b:s16+s23], $0x80, v4, vm0, $0xb8;
	[tilespmem:$0x1B380] =	vst v63  }
0x16f: {  	s2 =	simm.s32 $0x16380  }
0x170: {  	[tilespmem:s2], [sflag:$0x3] =	stream.indirect_vreg.gather [hbm4b:s15+s23], $0x80, v3, vm0, $0xb8;
	[tilespmem:$0x1B380] =	vst v63  }
0x171: {  	s3 =	simm.s32 $0x16B80  }
0x172: {  	[tilespmem:s3], [sflag:$0x3] =	stream.indirect_vreg.gather [hbm4b:s16+s23], $0x80, v3, vm0, $0xb8;
	[tilespmem:$0x1B380] =	vst v63  }
0x173: {  	v3 =	vld [tilespmem:$0xA0];
	_ =	sdelay $0x4  }
0x174: {  	v4 =	vshll.u32 v3, $0x2  }
0x175: {  	v3 =	vand.u32 $0x7, v3;
	v4 =	vand.u32 $0xFFFFFFE0, v4  }
0x176: {  	v3 =	vor.u32 v3, v4  }
0x177: {  	v4 =	vperm.xlane v3, v0;
	_ =	sdelay $0x1  }
0x178: {  	v4 =	vadd.s32 v1, v4;
	_ =	sdelay $0x1  }
0x179: {  	v3 =	vperm.xlane v3, v2;
	_ =	sdelay $0x1  }
0x17a: {  	s4 =	simm.s32 $0x17380;
	v3 =	vadd.s32 v1, v3  }
0x17b: {  	[tilespmem:s4], [sflag:$0x3] =	stream.indirect_vreg.gather [hbm4b:s15+s23], $0x80, v4, vm0, $0xb8;
	[tilespmem:$0x1B380] =	vst v63  }
0x17c: {  	s5 =	simm.s32 $0x17B80  }
0x17d: {  	[tilespmem:s5], [sflag:$0x3] =	stream.indirect_vreg.gather [hbm4b:s16+s23], $0x80, v4, vm0, $0xb8;
	[tilespmem:$0x1B380] =	vst v63  }
0x17e: {  	s6 =	simm.s32 $0x18380  }
0x17f: {  	[tilespmem:s6], [sflag:$0x3] =	stream.indirect_vreg.gather [hbm4b:s15+s23], $0x80, v3, vm0, $0xb8;
	[tilespmem:$0x1B380] =	vst v63  }
0x180: {  	s7 =	simm.s32 $0x18B80  }
0x181: {  	[tilespmem:s7], [sflag:$0x3] =	stream.indirect_vreg.gather [hbm4b:s16+s23], $0x80, v3, vm0, $0xb8;
	[tilespmem:$0x1B380] =	vst v63  }
0x182: {  	v3 =	vld [tilespmem:$0xB0];
	_ =	sdelay $0x4  }
0x183: {  	v4 =	vshll.u32 v3, $0x2  }
0x184: {  	v3 =	vand.u32 $0x7, v3;
	v4 =	vand.u32 $0xFFFFFFE0, v4  }
0x185: {  	v3 =	vor.u32 v3, v4  }
0x186: {  	v4 =	vperm.xlane v3, v0;
	_ =	sdelay $0x1  }
0x187: {  	v4 =	vadd.s32 v1, v4;
	_ =	sdelay $0x1  }
0x188: {  	v3 =	vperm.xlane v3, v2;
	_ =	sdelay $0x1  }
0x189: {  	s8 =	simm.s32 $0x19380;
	v3 =	vadd.s32 v1, v3  }
0x18a: {  	[tilespmem:s8], [sflag:$0x3] =	stream.indirect_vreg.gather [hbm4b:s15+s23], $0x80, v4, vm0, $0xb8;
	[tilespmem:$0x1B380] =	vst v63  }
0x18b: {  	s9 =	simm.s32 $0x19B80  }
0x18c: {  	[tilespmem:s9], [sflag:$0x3] =	stream.indirect_vreg.gather [hbm4b:s16+s23], $0x80, v4, vm0, $0xb8;
	[tilespmem:$0x1B380] =	vst v63  }
0x18d: {  	s10 =	simm.s32 $0x1A380  }
0x18e: {  	[tilespmem:s10], [sflag:$0x3] =	stream.indirect_vreg.gather [hbm4b:s15+s23], $0x80, v3, vm0, $0xb8;
	[tilespmem:$0x1B380] =	vst v63  }
0x18f: {  	s11 =	simm.s32 $0x1AB80;
	s12 =	simm.s32 $0x1  }
0x190: {  	[tilespmem:s11], [sflag:$0x3] =	stream.indirect_vreg.gather [hbm4b:s16+s23], $0x80, v3, vm0, $0xb8;
	[tilespmem:$0x1B380] =	vst v63  }
0x191: {  	_ =	swait.ge [sflag:s12], $0x8000  }
0x192: {  	[sflag:s12] =	ssyncset.done $0x0  }
0x193: {  	s13 =	simm.s32 $0x101;
	[sflag:s12] =	ssyncadd.s32 $0xFFFF8000  }
0x194: {  	v3 =	vld [tilespmem:s13+$0x0];
	_ =	sdelay $0x4  }
0x195: {  	(v2sf) =	vpush v3, $0x0;
	_ =	sdelay $0x3  }
0x196: {  	v3 =	vld [tilespmem:s13+$0xFFFFFFFF];
	_ =	sdelay $0x4  }
0x197: {  	(v2sf) =	vpush v3, $0x0;
	_ =	sdelay $0x5  }
0x198: {  	s14 =	spop (v2sf)  }
0x199: {  	s24 =	sshll.u32 s14, $0x9;
	s0 =	sshll.u32 s14, $0x7  }
0x19a: {  	s1 =	sand.u32 $0xFFFFF000, s24;
	s0 =	sand.u32 $0x380, s0  }
0x19b: {  	s3 =	sor.u32 s0, s1  }
0x19c: {  	v3 =	vld [tilespmem:s3+$0x1380];
	_ =	sdelay $0x2  }
0x19d: {  	s25 =	sand.u32 $0x7000, s23;
	s26 =	sand.u32 $0x300, s23  }
0x19e: {  	s0 =	sor.u32 s26, s25  }
0x19f: {  	s2 =	spop (v2sf);
	[tilespmem:s0+$0x3400] =	vst.add.f32.msk $0xffff, v3  }
0x1a0: {  	s4 =	sshll.u32 s2, $0x9;
	s1 =	sshll.u32 s2, $0x7;
	v3 =	vld [tilespmem:s3+$0x1390]  }
0x1a1: {  	s2 =	sand.u32 $0xFFFFF000, s4;
	s1 =	sand.u32 $0x380, s1  }
0x1a2: {  	s24 =	sor.u32 s1, s2  }
0x1a3: {  	v4 =	vld [tilespmem:s24+$0x1380];
	_ =	sdelay $0x1  }
0x1a4: {  	[tilespmem:s0+$0x3410] =	vst.add.f32.msk $0xffff, v3  }
0x1a5: {  	v3 =	vld [tilespmem:s3+$0x13A0];
	_ =	sdelay $0x1  }
0x1a6: {  	[tilespmem:s0+$0x3380] =	vst.add.f32.msk $0xffff, v4  }
0x1a7: {  	v4 =	vld [tilespmem:s24+$0x1390];
	_ =	sdelay $0x1  }
0x1a8: {  	[tilespmem:s0+$0x3420] =	vst.add.f32.msk $0xffff, v3  }
0x1a9: {  	v3 =	vld [tilespmem:s3+$0x13B0];
	_ =	sdelay $0x1  }
0x1aa: {  	[tilespmem:s0+$0x3390] =	vst.add.f32.msk $0xffff, v4  }
0x1ab: {  	v4 =	vld [tilespmem:s24+$0x13A0];
	_ =	sdelay $0x1  }
0x1ac: {  	[tilespmem:s0+$0x3430] =	vst.add.f32.msk $0xffff, v3  }
0x1ad: {  	v3 =	vld [tilespmem:s3+$0x13C0];
	_ =	sdelay $0x1  }
0x1ae: {  	[tilespmem:s0+$0x33A0] =	vst.add.f32.msk $0xffff, v4  }
0x1af: {  	v4 =	vld [tilespmem:s24+$0x13B0];
	_ =	sdelay $0x1  }
0x1b0: {  	[tilespmem:s0+$0x3440] =	vst.add.f32.msk $0xffff, v3  }
0x1b1: {  	v3 =	vld [tilespmem:s3+$0x13D0];
	_ =	sdelay $0x1  }
0x1b2: {  	[tilespmem:s0+$0x33B0] =	vst.add.f32.msk $0xffff, v4  }
0x1b3: {  	v4 =	vld [tilespmem:s24+$0x13C0];
	_ =	sdelay $0x1  }
0x1b4: {  	[tilespmem:s0+$0x3450] =	vst.add.f32.msk $0xffff, v3  }
0x1b5: {  	v3 =	vld [tilespmem:s3+$0x13E0];
	_ =	sdelay $0x1  }
0x1b6: {  	[tilespmem:s0+$0x33C0] =	vst.add.f32.msk $0xffff, v4  }
0x1b7: {  	v4 =	vld [tilespmem:s24+$0x13D0];
	_ =	sdelay $0x1  }
0x1b8: {  	[tilespmem:s0+$0x3460] =	vst.add.f32.msk $0xffff, v3  }
0x1b9: {  	v3 =	vld [tilespmem:s3+$0x13F0];
	_ =	sdelay $0x1  }
0x1ba: {  	[tilespmem:s0+$0x33D0] =	vst.add.f32.msk $0xffff, v4  }
0x1bb: {  	v4 =	vld [tilespmem:s24+$0x13E0];
	_ =	sdelay $0x1  }
0x1bc: {  	[tilespmem:s0+$0x3470] =	vst.add.f32.msk $0xffff, v3  }
0x1bd: {  	v3 =	vld [tilespmem:s3+$0x1780];
	_ =	sdelay $0x1  }
0x1be: {  	[tilespmem:s0+$0x33E0] =	vst.add.f32.msk $0xffff, v4  }
0x1bf: {  	v4 =	vld [tilespmem:s24+$0x13F0];
	_ =	sdelay $0x1  }
0x1c0: {  	[tilespmem:s0+$0x3800] =	vst.add.f32.msk $0xffff, v3  }
0x1c1: {  	s5 =	simm.s32 $0x103;
	v3 =	vld [tilespmem:s3+$0x1790]  }
0x1c2: {  	v5 =	vld [tilespmem:s5+$0x0]  }
0x1c3: {  	[tilespmem:s0+$0x33F0] =	vst.add.f32.msk $0xffff, v4  }
0x1c4: {  	v4 =	vld [tilespmem:s24+$0x1780]  }
0x1c5: {  	v6 =	vld [tilespmem:s5+$0xFFFFFFFF]  }
0x1c6: {  	[tilespmem:s0+$0x3810] =	vst.add.f32.msk $0xffff, v3  }
0x1c7: {  	(v2sf) =	vpush v5, $0x0;
	v3 =	vld [tilespmem:s3+$0x17A0];
	_ =	sdelay $0x1  }
0x1c8: {  	[tilespmem:s0+$0x3780] =	vst.add.f32.msk $0xffff, v4  }
0x1c9: {  	(v2sf) =	vpush v6, $0x0;
	v4 =	vld [tilespmem:s24+$0x1790];
	_ =	sdelay $0x1  }
0x1ca: {  	[tilespmem:s0+$0x3820] =	vst.add.f32.msk $0xffff, v3  }
0x1cb: {  	v3 =	vld [tilespmem:s3+$0x17B0];
	_ =	sdelay $0x1  }
0x1cc: {  	[tilespmem:s0+$0x3790] =	vst.add.f32.msk $0xffff, v4  }
0x1cd: {  	v4 =	vld [tilespmem:s24+$0x17A0];
	_ =	sdelay $0x1  }
0x1ce: {  	[tilespmem:s0+$0x3830] =	vst.add.f32.msk $0xffff, v3  }
0x1cf: {  	v3 =	vld [tilespmem:s3+$0x17C0];
	_ =	sdelay $0x1  }
0x1d0: {  	[tilespmem:s0+$0x37A0] =	vst.add.f32.msk $0xffff, v4  }
0x1d1: {  	s6 =	spop (v2sf);
	v4 =	vld [tilespmem:s24+$0x17B0]  }
0x1d2: {  	s7 =	sshll.u32 s6, $0x9;
	s1 =	sshll.u32 s6, $0x7  }
0x1d3: {  	s2 =	sand.u32 $0xFFFFF000, s7;
	s1 =	sand.u32 $0x380, s1;
	[tilespmem:s0+$0x3840] =	vst.add.f32.msk $0xffff, v3  }
0x1d4: {  	s25 =	sor.u32 s1, s2;
	s8 =	spop (v2sf);
	v3 =	vld [tilespmem:s3+$0x17D0]  }
0x1d5: {  	v5 =	vld [tilespmem:s25+$0x1380];
	s9 =	sshll.u32 s8, $0x9;
	s1 =	sshll.u32 s8, $0x7  }
0x1d6: {  	s2 =	sand.u32 $0xFFFFF000, s9;
	s1 =	sand.u32 $0x380, s1;
	[tilespmem:s0+$0x37B0] =	vst.add.f32.msk $0xffff, v4  }
0x1d7: {  	s26 =	sor.u32 s1, s2;
	v4 =	vld [tilespmem:s24+$0x17C0]  }
0x1d8: {  	s29 =	simm.s32 $0x100;
	s30 =	simm.s32 $0x400;
	v6 =	vld [tilespmem:s26+$0x1380]  }
0x1d9: {  	s10 =	sand.u32 $0x7000, s30;
	s11 =	sand.u32 $0x300, s29;
	[tilespmem:s0+$0x3850] =	vst.add.f32.msk $0xffff, v3  }
0x1da: {  	s28 =	sor.u32 s11, s10;
	v3 =	vld [tilespmem:s3+$0x17E0]  }
0x1db: {  	[tilespmem:s28+$0x3400] =	vst.add.f32.msk $0xffff, v5  }
0x1dc: {  	[tilespmem:s0+$0x37C0] =	vst.add.f32.msk $0xffff, v4  }
0x1dd: {  	v4 =	vld [tilespmem:s24+$0x17D0]  }
0x1de: {  	[tilespmem:s28+$0x3380] =	vst.add.f32.msk $0xffff, v6  }
0x1df: {  	[tilespmem:s0+$0x3860] =	vst.add.f32.msk $0xffff, v3  }
0x1e0: {  	v3 =	vld [tilespmem:s3+$0x17F0]  }
0x1e1: {  	v5 =	vld [tilespmem:s26+$0x1390]  }
0x1e2: {  	[tilespmem:s0+$0x37D0] =	vst.add.f32.msk $0xffff, v4  }
0x1e3: {  	v4 =	vld [tilespmem:s24+$0x17E0];
	_ =	sdelay $0x1  }
0x1e4: {  	[tilespmem:s0+$0x3870] =	vst.add.f32.msk $0xffff, v3  }
0x1e5: {  	v3 =	vld [tilespmem:s3+$0x1B80]  }
0x1e6: {  	[tilespmem:s28+$0x3390] =	vst.add.f32.msk $0xffff, v5  }
0x1e7: {  	[tilespmem:s0+$0x37E0] =	vst.add.f32.msk $0xffff, v4  }
0x1e8: {  	v4 =	vld [tilespmem:s24+$0x17F0]  }
0x1e9: {  	v5 =	vld [tilespmem:s26+$0x13A0]  }
0x1ea: {  	[tilespmem:s0+$0x3C00] =	vst.add.f32.msk $0xffff, v3  }
0x1eb: {  	v3 =	vld [tilespmem:s3+$0x1B90];
	_ =	sdelay $0x1  }
0x1ec: {  	[tilespmem:s0+$0x37F0] =	vst.add.f32.msk $0xffff, v4  }
0x1ed: {  	v4 =	vld [tilespmem:s24+$0x1B80]  }
0x1ee: {  	[tilespmem:s28+$0x33A0] =	vst.add.f32.msk $0xffff, v5  }
0x1ef: {  	[tilespmem:s0+$0x3C10] =	vst.add.f32.msk $0xffff, v3  }
0x1f0: {  	v3 =	vld [tilespmem:s3+$0x1BA0]  }
0x1f1: {  	v5 =	vld [tilespmem:s26+$0x13B0]  }
0x1f2: {  	[tilespmem:s0+$0x3B80] =	vst.add.f32.msk $0xffff, v4  }
0x1f3: {  	v4 =	vld [tilespmem:s24+$0x1B90];
	_ =	sdelay $0x1  }
0x1f4: {  	[tilespmem:s0+$0x3C20] =	vst.add.f32.msk $0xffff, v3  }
0x1f5: {  	v3 =	vld [tilespmem:s3+$0x1BB0]  }
0x1f6: {  	[tilespmem:s28+$0x33B0] =	vst.add.f32.msk $0xffff, v5  }
0x1f7: {  	[tilespmem:s0+$0x3B90] =	vst.add.f32.msk $0xffff, v4  }
0x1f8: {  	v4 =	vld [tilespmem:s24+$0x1BA0]  }
0x1f9: {  	v5 =	vld [tilespmem:s26+$0x13C0]  }
0x1fa: {  	[tilespmem:s0+$0x3C30] =	vst.add.f32.msk $0xffff, v3  }
0x1fb: {  	v3 =	vld [tilespmem:s3+$0x1BC0];
	_ =	sdelay $0x1  }
0x1fc: {  	[tilespmem:s0+$0x3BA0] =	vst.add.f32.msk $0xffff, v4  }
0x1fd: {  	v4 =	vld [tilespmem:s24+$0x1BB0]  }
0x1fe: {  	[tilespmem:s28+$0x33C0] =	vst.add.f32.msk $0xffff, v5  }
0x1ff: {  	[tilespmem:s0+$0x3C40] =	vst.add.f32.msk $0xffff, v3  }
0x200: {  	v3 =	vld [tilespmem:s3+$0x1BD0]  }
0x201: {  	v5 =	vld [tilespmem:s26+$0x13D0]  }
0x202: {  	[tilespmem:s0+$0x3BB0] =	vst.add.f32.msk $0xffff, v4  }
0x203: {  	v4 =	vld [tilespmem:s24+$0x1BC0];
	_ =	sdelay $0x1  }
0x204: {  	[tilespmem:s0+$0x3C50] =	vst.add.f32.msk $0xffff, v3  }
0x205: {  	v3 =	vld [tilespmem:s3+$0x1BE0]  }
0x206: {  	[tilespmem:s28+$0x33D0] =	vst.add.f32.msk $0xffff, v5  }
0x207: {  	[tilespmem:s0+$0x3BC0] =	vst.add.f32.msk $0xffff, v4  }
0x208: {  	v4 =	vld [tilespmem:s25+$0x1390]  }
0x209: {  	v5 =	vld [tilespmem:s26+$0x13E0]  }
0x20a: {  	[tilespmem:s0+$0x3C60] =	vst.add.f32.msk $0xffff, v3  }
0x20b: {  	v3 =	vld [tilespmem:s3+$0x1BF0];
	_ =	sdelay $0x1  }
0x20c: {  	[tilespmem:s28+$0x3410] =	vst.add.f32.msk $0xffff, v4  }
0x20d: {  	v4 =	vld [tilespmem:s25+$0x13A0]  }
0x20e: {  	[tilespmem:s28+$0x33E0] =	vst.add.f32.msk $0xffff, v5  }
0x20f: {  	[tilespmem:s0+$0x3C70] =	vst.add.f32.msk $0xffff, v3  }
0x210: {  	s12 =	sand.u32 $0x3, s23;
	v3 =	vld [tilespmem:s3+$0x1F80]  }
0x211: {  	s1 =	sshll.u32 s12, $0x8;
	v5 =	vld [tilespmem:s26+$0x13F0]  }
0x212: {  	s1 =	sadd.s32 $0x0, s1;
	[tilespmem:s28+$0x3420] =	vst.add.f32.msk $0xffff, v4  }
0x213: {  	s13 =	sadd.s32 $0x80, s1;
	v4 =	vld [tilespmem:s25+$0x13B0]  }
0x214: {  	s14 =	sor.u32 $0xC00, s13  }
0x215: {  	[tilespmem:s14+$0x3380] =	vst.add.f32.msk $0xffff, v3  }
0x216: {  	v3 =	vld [tilespmem:s3+$0x1F90]  }
0x217: {  	[tilespmem:s28+$0x33F0] =	vst.add.f32.msk $0xffff, v5  }
0x218: {  	[tilespmem:s28+$0x3430] =	vst.add.f32.msk $0xffff, v4  }
0x219: {  	v4 =	vld [tilespmem:s25+$0x13C0]  }
0x21a: {  	s5 =	sor.u32 $0xC10, s13;
	v5 =	vld [tilespmem:s26+$0x1780]  }
0x21b: {  	[tilespmem:s5+$0x3380] =	vst.add.f32.msk $0xffff, v3  }
0x21c: {  	v3 =	vld [tilespmem:s3+$0x1FA0];
	_ =	sdelay $0x1  }
0x21d: {  	[tilespmem:s28+$0x3440] =	vst.add.f32.msk $0xffff, v4  }
0x21e: {  	v4 =	vld [tilespmem:s25+$0x13D0]  }
0x21f: {  	s6 =	sor.u32 $0xC20, s13;
	[tilespmem:s28+$0x3780] =	vst.add.f32.msk $0xffff, v5  }
0x220: {  	[tilespmem:s6+$0x3380] =	vst.add.f32.msk $0xffff, v3  }
0x221: {  	v3 =	vld [tilespmem:s3+$0x1FB0]  }
0x222: {  	v5 =	vld [tilespmem:s26+$0x1790]  }
0x223: {  	[tilespmem:s28+$0x3450] =	vst.add.f32.msk $0xffff, v4  }
0x224: {  	v4 =	vld [tilespmem:s25+$0x13E0]  }
0x225: {  	s7 =	sor.u32 $0xC30, s13  }
0x226: {  	[tilespmem:s7+$0x3380] =	vst.add.f32.msk $0xffff, v3  }
0x227: {  	v3 =	vld [tilespmem:s3+$0x1FC0]  }
0x228: {  	[tilespmem:s28+$0x3790] =	vst.add.f32.msk $0xffff, v5  }
0x229: {  	[tilespmem:s28+$0x3460] =	vst.add.f32.msk $0xffff, v4  }
0x22a: {  	v4 =	vld [tilespmem:s25+$0x13F0]  }
0x22b: {  	s8 =	sor.u32 $0xC40, s13;
	v5 =	vld [tilespmem:s26+$0x17A0]  }
0x22c: {  	[tilespmem:s8+$0x3380] =	vst.add.f32.msk $0xffff, v3  }
0x22d: {  	v3 =	vld [tilespmem:s3+$0x1FD0];
	_ =	sdelay $0x1  }
0x22e: {  	[tilespmem:s28+$0x3470] =	vst.add.f32.msk $0xffff, v4  }
0x22f: {  	v4 =	vld [tilespmem:s25+$0x1780]  }
0x230: {  	s9 =	sor.u32 $0xC50, s13;
	[tilespmem:s28+$0x37A0] =	vst.add.f32.msk $0xffff, v5  }
0x231: {  	[tilespmem:s9+$0x3380] =	vst.add.f32.msk $0xffff, v3  }
0x232: {  	v3 =	vld [tilespmem:s3+$0x1FE0]  }
0x233: {  	v5 =	vld [tilespmem:s26+$0x17B0]  }
0x234: {  	[tilespmem:s28+$0x3800] =	vst.add.f32.msk $0xffff, v4  }
0x235: {  	v4 =	vld [tilespmem:s25+$0x1790]  }
0x236: {  	s10 =	sor.u32 $0xC60, s13  }
0x237: {  	[tilespmem:s10+$0x3380] =	vst.add.f32.msk $0xffff, v3  }
0x238: {  	v3 =	vld [tilespmem:s3+$0x1FF0]  }
0x239: {  	[tilespmem:s28+$0x37B0] =	vst.add.f32.msk $0xffff, v5  }
0x23a: {  	[tilespmem:s28+$0x3810] =	vst.add.f32.msk $0xffff, v4  }
0x23b: {  	v4 =	vld [tilespmem:s25+$0x17A0]  }
0x23c: {  	s2 =	sor.u32 $0xC70, s13;
	v5 =	vld [tilespmem:s26+$0x17C0]  }
0x23d: {  	[tilespmem:s2+$0x3380] =	vst.add.f32.msk $0xffff, v3  }
0x23e: {  	v3 =	vld [tilespmem:s24+$0x1BD0];
	_ =	sdelay $0x1  }
0x23f: {  	[tilespmem:s28+$0x3820] =	vst.add.f32.msk $0xffff, v4  }
0x240: {  	v4 =	vld [tilespmem:s25+$0x17B0]  }
0x241: {  	[tilespmem:s28+$0x37C0] =	vst.add.f32.msk $0xffff, v5  }
0x242: {  	[tilespmem:s0+$0x3BD0] =	vst.add.f32.msk $0xffff, v3  }
0x243: {  	v3 =	vld [tilespmem:s24+$0x1BE0]  }
0x244: {  	v5 =	vld [tilespmem:s26+$0x17D0]  }
0x245: {  	[tilespmem:s28+$0x3830] =	vst.add.f32.msk $0xffff, v4  }
0x246: {  	v4 =	vld [tilespmem:s25+$0x17C0];
	_ =	sdelay $0x1  }
0x247: {  	[tilespmem:s0+$0x3BE0] =	vst.add.f32.msk $0xffff, v3  }
0x248: {  	v3 =	vld [tilespmem:s24+$0x1BF0]  }
0x249: {  	[tilespmem:s28+$0x37D0] =	vst.add.f32.msk $0xffff, v5  }
0x24a: {  	[tilespmem:s28+$0x3840] =	vst.add.f32.msk $0xffff, v4  }
0x24b: {  	v4 =	vld [tilespmem:s25+$0x17D0]  }
0x24c: {  	v5 =	vld [tilespmem:s26+$0x17E0]  }
0x24d: {  	[tilespmem:s0+$0x3BF0] =	vst.add.f32.msk $0xffff, v3  }
0x24e: {  	v3 =	vld [tilespmem:s24+$0x1F80];
	_ =	sdelay $0x1  }
0x24f: {  	[tilespmem:s28+$0x3850] =	vst.add.f32.msk $0xffff, v4  }
0x250: {  	v4 =	vld [tilespmem:s25+$0x17E0]  }
0x251: {  	s11 =	sor.u32 $0xC00, s1;
	[tilespmem:s28+$0x37E0] =	vst.add.f32.msk $0xffff, v5  }
0x252: {  	[tilespmem:s11+$0x3380] =	vst.add.f32.msk $0xffff, v3  }
0x253: {  	v3 =	vld [tilespmem:s24+$0x1F90]  }
0x254: {  	v5 =	vld [tilespmem:s26+$0x17F0]  }
0x255: {  	[tilespmem:s28+$0x3860] =	vst.add.f32.msk $0xffff, v4  }
0x256: {  	v4 =	vld [tilespmem:s25+$0x17F0]  }
0x257: {  	s12 =	sor.u32 $0xC10, s1  }
0x258: {  	[tilespmem:s12+$0x3380] =	vst.add.f32.msk $0xffff, v3  }
0x259: {  	v3 =	vld [tilespmem:s24+$0x1FA0]  }
0x25a: {  	[tilespmem:s28+$0x37F0] =	vst.add.f32.msk $0xffff, v5  }
0x25b: {  	[tilespmem:s28+$0x3870] =	vst.add.f32.msk $0xffff, v4  }
0x25c: {  	v4 =	vld [tilespmem:s25+$0x1B80]  }
0x25d: {  	s13 =	sor.u32 $0xC20, s1;
	v5 =	vld [tilespmem:s26+$0x1B80]  }
0x25e: {  	[tilespmem:s13+$0x3380] =	vst.add.f32.msk $0xffff, v3  }
0x25f: {  	v3 =	vld [tilespmem:s24+$0x1FB0];
	_ =	sdelay $0x1  }
0x260: {  	[tilespmem:s28+$0x3C00] =	vst.add.f32.msk $0xffff, v4  }
0x261: {  	v4 =	vld [tilespmem:s25+$0x1B90]  }
0x262: {  	[tilespmem:s28+$0x3B80] =	vst.add.f32.msk $0xffff, v5;
	s14 =	sor.u32 $0xC30, s1;
	s6 =	simm.s32 $0x2  }
0x263: {  	s8 =	sor.u32 $0xC50, s1;
	s9 =	simm.s32 $0x105;
	s10 =	sor.u32 $0xC60, s1;
	[tilespmem:s14+$0x3380] =	vst.add.f32.msk $0xffff, v3  }
0x264: {  	s3 =	sor.u32 $0xC70, s1;
	s0 =	simm.s32 $0x400;
	s11 =	sor.u32 $0xC40, s1;
	v3 =	vld [tilespmem:s24+$0x1FC0]  }
.LBB2_4:
0x265: {  	v5 =	vld [tilespmem:s9+$0x0];
	s6 =	sadd.s32 $0x2, s6  }
0x266: {  	p0 =	slt.u32 s6, $0x3E;
	[tilespmem:s28+$0x3C10] =	vst.add.f32.msk $0xffff, v4  }
0x267: {  	v4 =	vld [tilespmem:s25+$0x1BA0]  }
0x268: {  	v6 =	vld [tilespmem:s9+$0xFFFFFFFF]  }
0x269: {  	v7 =	vld [tilespmem:s26+$0x1B90]  }
0x26a: {  	(v2sf) =	vpush v5, $0x0;
	[tilespmem:s11+$0x3380] =	vst.add.f32.msk $0xffff, v3  }
0x26b: {  	v3 =	vld [tilespmem:s24+$0x1FD0]  }
0x26c: {  	[tilespmem:s28+$0x3C20] =	vst.add.f32.msk $0xffff, v4  }
0x26d: {  	(v2sf) =	vpush v6, $0x0;
	v4 =	vld [tilespmem:s25+$0x1BB0]  }
0x26e: {  	[tilespmem:s28+$0x3B90] =	vst.add.f32.msk $0xffff, v7  }
0x26f: {  	v5 =	vld [tilespmem:s26+$0x1BA0]  }
0x270: {  	[tilespmem:s8+$0x3380] =	vst.add.f32.msk $0xffff, v3  }
0x271: {  	v3 =	vld [tilespmem:s24+$0x1FE0]  }
0x272: {  	[tilespmem:s28+$0x3C30] =	vst.add.f32.msk $0xffff, v4  }
0x273: {  	v4 =	vld [tilespmem:s25+$0x1BC0]  }
0x274: {  	[tilespmem:s28+$0x3BA0] =	vst.add.f32.msk $0xffff, v5  }
0x275: {  	v5 =	vld [tilespmem:s26+$0x1BB0]  }
0x276: {  	[tilespmem:s10+$0x3380] =	vst.add.f32.msk $0xffff, v3  }
0x277: {  	v3 =	vld [tilespmem:s24+$0x1FF0];
	s24 =	smov.u32 s26  }
0x278: {  	[tilespmem:s28+$0x3C40] =	vst.add.f32.msk $0xffff, v4  }
0x279: {  	s1 =	spop (v2sf);
	v4 =	vld [tilespmem:s25+$0x1BD0]  }
0x27a: {  	s2 =	sshll.u32 s1, $0x9;
	s1 =	sshll.u32 s1, $0x7;
	[tilespmem:s28+$0x3BB0] =	vst.add.f32.msk $0xffff, v5  }
0x27b: {  	s2 =	sand.u32 $0xFFFFF000, s2;
	s1 =	sand.u32 $0x380, s1;
	v5 =	vld [tilespmem:s24+$0x1BC0]  }
0x27c: {  	s4 =	sor.u32 s1, s2;
	s1 =	spop (v2sf);
	[tilespmem:s3+$0x3380] =	vst.add.f32.msk $0xffff, v3  }
0x27d: {  	s2 =	sshll.u32 s1, $0x9;
	s1 =	sshll.u32 s1, $0x7;
	v3 =	vld [tilespmem:s4+$0x1380]  }
0x27e: {  	s2 =	sand.u32 $0xFFFFF000, s2;
	s1 =	sand.u32 $0x380, s1;
	[tilespmem:s28+$0x3C50] =	vst.add.f32.msk $0xffff, v4  }
0x27f: {  	s29 =	sadd.s32 $0x100, s29;
	s30 =	sadd.s32 $0x400, s30;
	s26 =	sor.u32 s1, s2;
	v4 =	vld [tilespmem:s25+$0x1BE0]  }
0x280: {  	s1 =	sand.u32 $0x7000, s30;
	s2 =	sand.u32 $0x300, s29;
	v6 =	vld [tilespmem:s26+$0x1380]  }
0x281: {  	s13 =	sor.u32 s2, s1;
	[tilespmem:s28+$0x3BC0] =	vst.add.f32.msk $0xffff, v5  }
0x282: {  	[tilespmem:s13+$0x3400] =	vst.add.f32.msk $0xffff, v3  }
0x283: {  	v3 =	vld [tilespmem:s4+$0x1390]  }
0x284: {  	[tilespmem:s28+$0x3C60] =	vst.add.f32.msk $0xffff, v4  }
0x285: {  	v4 =	vld [tilespmem:s25+$0x1BF0]  }
0x286: {  	[tilespmem:s13+$0x3380] =	vst.add.f32.msk $0xffff, v6  }
0x287: {  	v5 =	vld [tilespmem:s26+$0x1390]  }
0x288: {  	[tilespmem:s13+$0x3410] =	vst.add.f32.msk $0xffff, v3  }
0x289: {  	v3 =	vld [tilespmem:s4+$0x13A0]  }
0x28a: {  	s23 =	sadd.s32 $0x1, s23;
	[tilespmem:s28+$0x3C70] =	vst.add.f32.msk $0xffff, v4  }
0x28b: {  	s1 =	sand.u32 $0x3, s23;
	v4 =	vld [tilespmem:s25+$0x1F80]  }
0x28c: {  	s1 =	sshll.u32 s1, $0x8;
	[tilespmem:s13+$0x3390] =	vst.add.f32.msk $0xffff, v5  }
0x28d: {  	s3 =	sadd.s32 s1, s0;
	s0 =	smov.u32 s30;
	v5 =	vld [tilespmem:s26+$0x13A0]  }
0x28e: {  	s1 =	sor.u32 $0xC00, s3;
	s14 =	sor.u32 $0xC10, s3;
	s5 =	sadd.s32 $0x80, s3;
	[tilespmem:s13+$0x3420] =	vst.add.f32.msk $0xffff, v3  }
0x28f: {  	s2 =	sor.u32 $0xC20, s3;
	s12 =	sor.u32 $0xC30, s3;
	s7 =	sor.u32 $0xC00, s5;
	v3 =	vld [tilespmem:s4+$0x13B0]  }
0x290: {  	s11 =	sor.u32 $0xC40, s3;
	s8 =	sor.u32 $0xC50, s3;
	s10 =	sor.u32 $0xC60, s3;
	[tilespmem:s7+$0x3380] =	vst.add.f32.msk $0xffff, v4  }
0x291: {  	s3 =	sor.u32 $0xC70, s3;
	v4 =	vld [tilespmem:s25+$0x1F90]  }
0x292: {  	[tilespmem:s13+$0x33A0] =	vst.add.f32.msk $0xffff, v5  }
0x293: {  	v5 =	vld [tilespmem:s26+$0x13B0]  }
0x294: {  	[tilespmem:s13+$0x3430] =	vst.add.f32.msk $0xffff, v3  }
0x295: {  	s7 =	sor.u32 $0xC10, s5;
	v3 =	vld [tilespmem:s4+$0x13C0]  }
0x296: {  	[tilespmem:s7+$0x3380] =	vst.add.f32.msk $0xffff, v4  }
0x297: {  	v4 =	vld [tilespmem:s25+$0x1FA0]  }
0x298: {  	[tilespmem:s13+$0x33B0] =	vst.add.f32.msk $0xffff, v5  }
0x299: {  	v5 =	vld [tilespmem:s26+$0x13C0]  }
0x29a: {  	[tilespmem:s13+$0x3440] =	vst.add.f32.msk $0xffff, v3  }
0x29b: {  	s7 =	sor.u32 $0xC20, s5;
	v3 =	vld [tilespmem:s4+$0x13D0]  }
0x29c: {  	[tilespmem:s7+$0x3380] =	vst.add.f32.msk $0xffff, v4  }
0x29d: {  	v4 =	vld [tilespmem:s25+$0x1FB0]  }
0x29e: {  	[tilespmem:s13+$0x33C0] =	vst.add.f32.msk $0xffff, v5  }
0x29f: {  	v5 =	vld [tilespmem:s26+$0x13D0]  }
0x2a0: {  	[tilespmem:s13+$0x3450] =	vst.add.f32.msk $0xffff, v3  }
0x2a1: {  	s7 =	sor.u32 $0xC30, s5;
	v3 =	vld [tilespmem:s4+$0x13E0]  }
0x2a2: {  	[tilespmem:s7+$0x3380] =	vst.add.f32.msk $0xffff, v4  }
0x2a3: {  	v4 =	vld [tilespmem:s25+$0x1FC0]  }
0x2a4: {  	[tilespmem:s13+$0x33D0] =	vst.add.f32.msk $0xffff, v5  }
0x2a5: {  	v5 =	vld [tilespmem:s26+$0x13E0]  }
0x2a6: {  	[tilespmem:s13+$0x3460] =	vst.add.f32.msk $0xffff, v3  }
0x2a7: {  	s7 =	sor.u32 $0xC40, s5;
	v3 =	vld [tilespmem:s4+$0x13F0]  }
0x2a8: {  	[tilespmem:s7+$0x3380] =	vst.add.f32.msk $0xffff, v4  }
0x2a9: {  	v4 =	vld [tilespmem:s25+$0x1FD0]  }
0x2aa: {  	[tilespmem:s13+$0x33E0] =	vst.add.f32.msk $0xffff, v5  }
0x2ab: {  	v5 =	vld [tilespmem:s26+$0x13F0]  }
0x2ac: {  	[tilespmem:s13+$0x3470] =	vst.add.f32.msk $0xffff, v3  }
0x2ad: {  	s7 =	sor.u32 $0xC50, s5;
	v3 =	vld [tilespmem:s4+$0x1780]  }
0x2ae: {  	[tilespmem:s7+$0x3380] =	vst.add.f32.msk $0xffff, v4  }
0x2af: {  	v4 =	vld [tilespmem:s25+$0x1FE0]  }
0x2b0: {  	[tilespmem:s13+$0x33F0] =	vst.add.f32.msk $0xffff, v5  }
0x2b1: {  	v5 =	vld [tilespmem:s26+$0x1780]  }
0x2b2: {  	[tilespmem:s13+$0x3800] =	vst.add.f32.msk $0xffff, v3  }
0x2b3: {  	s7 =	sor.u32 $0xC60, s5;
	v3 =	vld [tilespmem:s4+$0x1790]  }
0x2b4: {  	[tilespmem:s7+$0x3380] =	vst.add.f32.msk $0xffff, v4  }
0x2b5: {  	v4 =	vld [tilespmem:s25+$0x1FF0];
	s25 =	smov.u32 s4  }
0x2b6: {  	[tilespmem:s13+$0x3780] =	vst.add.f32.msk $0xffff, v5  }
0x2b7: {  	v5 =	vld [tilespmem:s26+$0x1790]  }
0x2b8: {  	[tilespmem:s13+$0x3810] =	vst.add.f32.msk $0xffff, v3  }
0x2b9: {  	s4 =	sor.u32 $0xC70, s5;
	v3 =	vld [tilespmem:s25+$0x17A0]  }
0x2ba: {  	[tilespmem:s4+$0x3380] =	vst.add.f32.msk $0xffff, v4  }
0x2bb: {  	v4 =	vld [tilespmem:s24+$0x1BD0]  }
0x2bc: {  	[tilespmem:s13+$0x3790] =	vst.add.f32.msk $0xffff, v5  }
0x2bd: {  	v5 =	vld [tilespmem:s26+$0x17A0]  }
0x2be: {  	[tilespmem:s13+$0x3820] =	vst.add.f32.msk $0xffff, v3  }
0x2bf: {  	v3 =	vld [tilespmem:s25+$0x17B0]  }
0x2c0: {  	[tilespmem:s28+$0x3BD0] =	vst.add.f32.msk $0xffff, v4  }
0x2c1: {  	v4 =	vld [tilespmem:s24+$0x1BE0]  }
0x2c2: {  	[tilespmem:s13+$0x37A0] =	vst.add.f32.msk $0xffff, v5  }
0x2c3: {  	v5 =	vld [tilespmem:s26+$0x17B0]  }
0x2c4: {  	[tilespmem:s13+$0x3830] =	vst.add.f32.msk $0xffff, v3  }
0x2c5: {  	v3 =	vld [tilespmem:s25+$0x17C0]  }
0x2c6: {  	[tilespmem:s28+$0x3BE0] =	vst.add.f32.msk $0xffff, v4  }
0x2c7: {  	v4 =	vld [tilespmem:s24+$0x1BF0]  }
0x2c8: {  	[tilespmem:s13+$0x37B0] =	vst.add.f32.msk $0xffff, v5  }
0x2c9: {  	v5 =	vld [tilespmem:s26+$0x17C0]  }
0x2ca: {  	[tilespmem:s13+$0x3840] =	vst.add.f32.msk $0xffff, v3  }
0x2cb: {  	v3 =	vld [tilespmem:s25+$0x17D0]  }
0x2cc: {  	[tilespmem:s28+$0x3BF0] =	vst.add.f32.msk $0xffff, v4;
	s28 =	smov.u32 s13  }
0x2cd: {  	v4 =	vld [tilespmem:s24+$0x1F80]  }
0x2ce: {  	[tilespmem:s28+$0x37C0] =	vst.add.f32.msk $0xffff, v5  }
0x2cf: {  	v5 =	vld [tilespmem:s26+$0x17D0]  }
0x2d0: {  	[tilespmem:s28+$0x3850] =	vst.add.f32.msk $0xffff, v3  }
0x2d1: {  	v3 =	vld [tilespmem:s25+$0x17E0]  }
0x2d2: {  	[tilespmem:s1+$0x3380] =	vst.add.f32.msk $0xffff, v4  }
0x2d3: {  	v4 =	vld [tilespmem:s24+$0x1F90]  }
0x2d4: {  	[tilespmem:s28+$0x37D0] =	vst.add.f32.msk $0xffff, v5  }
0x2d5: {  	v5 =	vld [tilespmem:s26+$0x17E0]  }
0x2d6: {  	[tilespmem:s28+$0x3860] =	vst.add.f32.msk $0xffff, v3  }
0x2d7: {  	v3 =	vld [tilespmem:s25+$0x17F0]  }
0x2d8: {  	[tilespmem:s14+$0x3380] =	vst.add.f32.msk $0xffff, v4  }
0x2d9: {  	v4 =	vld [tilespmem:s24+$0x1FA0]  }
0x2da: {  	[tilespmem:s28+$0x37E0] =	vst.add.f32.msk $0xffff, v5  }
0x2db: {  	v5 =	vld [tilespmem:s26+$0x17F0]  }
0x2dc: {  	[tilespmem:s28+$0x3870] =	vst.add.f32.msk $0xffff, v3  }
0x2dd: {  	v3 =	vld [tilespmem:s25+$0x1B80]  }
0x2de: {  	[tilespmem:s2+$0x3380] =	vst.add.f32.msk $0xffff, v4  }
0x2df: {  	v6 =	vld [tilespmem:s24+$0x1FB0]  }
0x2e0: {  	[tilespmem:s28+$0x37F0] =	vst.add.f32.msk $0xffff, v5  }
0x2e1: {  	v5 =	vld [tilespmem:s26+$0x1B80]  }
.Ltmp1:
0x2e2: {  	[tilespmem:s28+$0x3C00] =	vst.add.f32.msk $0xffff, v3;
	(pc) =	sbr.rel @p0 .LBB2_4-.Ltmp1, $4  }
0x2e3: {  	v4 =	vld [tilespmem:s25+$0x1B90]  }
0x2e4: {  	[tilespmem:s12+$0x3380] =	vst.add.f32.msk $0xffff, v6  }
0x2e5: {  	v3 =	vld [tilespmem:s24+$0x1FC0]  }
0x2e6: {  	s9 =	sadd.s32 $0x2, s9;
	[tilespmem:s28+$0x3B80] =	vst.add.f32.msk $0xffff, v5  }
0x2e7: {  	v5 =	vld [tilespmem:s26+$0x1B90];
	_ =	sdelay $0x2  }
0x2e8: {  	[tilespmem:s28+$0x3C10] =	vst.add.f32.msk $0xffff, v4  }
0x2e9: {  	v4 =	vld [tilespmem:s25+$0x1BA0]  }
0x2ea: {  	[tilespmem:s28+$0x3B90] =	vst.add.f32.msk $0xffff, v5  }
0x2eb: {  	v5 =	vld [tilespmem:s26+$0x1BA0];
	_ =	sdelay $0x2  }
0x2ec: {  	[tilespmem:s28+$0x3C20] =	vst.add.f32.msk $0xffff, v4  }
0x2ed: {  	v4 =	vld [tilespmem:s25+$0x1BB0]  }
0x2ee: {  	[tilespmem:s28+$0x3BA0] =	vst.add.f32.msk $0xffff, v5  }
0x2ef: {  	v5 =	vld [tilespmem:s26+$0x1BB0];
	_ =	sdelay $0x2  }
0x2f0: {  	[tilespmem:s28+$0x3C30] =	vst.add.f32.msk $0xffff, v4  }
0x2f1: {  	v4 =	vld [tilespmem:s25+$0x1BC0]  }
0x2f2: {  	[tilespmem:s28+$0x3BB0] =	vst.add.f32.msk $0xffff, v5  }
0x2f3: {  	v5 =	vld [tilespmem:s26+$0x1BC0];
	_ =	sdelay $0x2  }
0x2f4: {  	[tilespmem:s28+$0x3C40] =	vst.add.f32.msk $0xffff, v4  }
0x2f5: {  	v4 =	vld [tilespmem:s25+$0x1BD0]  }
0x2f6: {  	[tilespmem:s28+$0x3BC0] =	vst.add.f32.msk $0xffff, v5  }
0x2f7: {  	v5 =	vld [tilespmem:s26+$0x1BD0];
	_ =	sdelay $0x2  }
0x2f8: {  	[tilespmem:s28+$0x3C50] =	vst.add.f32.msk $0xffff, v4  }
0x2f9: {  	v4 =	vld [tilespmem:s25+$0x1BE0]  }
0x2fa: {  	[tilespmem:s28+$0x3BD0] =	vst.add.f32.msk $0xffff, v5  }
0x2fb: {  	v5 =	vld [tilespmem:s26+$0x1BE0];
	_ =	sdelay $0x2  }
0x2fc: {  	[tilespmem:s28+$0x3C60] =	vst.add.f32.msk $0xffff, v4  }
0x2fd: {  	v4 =	vld [tilespmem:s25+$0x1BF0]  }
0x2fe: {  	[tilespmem:s28+$0x3BE0] =	vst.add.f32.msk $0xffff, v5  }
0x2ff: {  	v5 =	vld [tilespmem:s26+$0x1BF0];
	_ =	sdelay $0x2  }
0x300: {  	s1 =	sadd.s32 $0x1, s23;
	[tilespmem:s28+$0x3C70] =	vst.add.f32.msk $0xffff, v4  }
0x301: {  	s1 =	sand.u32 $0x3, s1;
	v4 =	vld [tilespmem:s25+$0x1F80]  }
0x302: {  	s1 =	sshll.u32 s1, $0x8;
	[tilespmem:s28+$0x3BF0] =	vst.add.f32.msk $0xffff, v5  }
0x303: {  	s0 =	sadd.s32 s1, s0;
	v5 =	vld [tilespmem:s26+$0x1F80]  }
0x304: {  	s1 =	sadd.s32 $0x80, s0  }
0x305: {  	s2 =	sor.u32 $0xC00, s1  }
0x306: {  	[tilespmem:s2+$0x3380] =	vst.add.f32.msk $0xffff, v4  }
0x307: {  	s14 =	sor.u32 $0xC00, s0;
	v4 =	vld [tilespmem:s25+$0x1F90]  }
0x308: {  	[tilespmem:s14+$0x3380] =	vst.add.f32.msk $0xffff, v5  }
0x309: {  	v5 =	vld [tilespmem:s26+$0x1F90];
	_ =	sdelay $0x1  }
0x30a: {  	s23 =	sor.u32 $0xC10, s1  }
0x30b: {  	[tilespmem:s23+$0x3380] =	vst.add.f32.msk $0xffff, v4  }
0x30c: {  	s4 =	sor.u32 $0xC10, s0;
	v4 =	vld [tilespmem:s25+$0x1FA0]  }
0x30d: {  	[tilespmem:s4+$0x3380] =	vst.add.f32.msk $0xffff, v5  }
0x30e: {  	v5 =	vld [tilespmem:s26+$0x1FA0];
	_ =	sdelay $0x1  }
0x30f: {  	s5 =	sor.u32 $0xC20, s1  }
0x310: {  	[tilespmem:s5+$0x3380] =	vst.add.f32.msk $0xffff, v4  }
0x311: {  	s6 =	sor.u32 $0xC20, s0;
	v4 =	vld [tilespmem:s25+$0x1FB0]  }
0x312: {  	[tilespmem:s6+$0x3380] =	vst.add.f32.msk $0xffff, v5  }
0x313: {  	v5 =	vld [tilespmem:s26+$0x1FB0];
	_ =	sdelay $0x1  }
0x314: {  	s7 =	sor.u32 $0xC30, s1  }
0x315: {  	[tilespmem:s7+$0x3380] =	vst.add.f32.msk $0xffff, v4  }
0x316: {  	s9 =	sor.u32 $0xC30, s0;
	v4 =	vld [tilespmem:s25+$0x1FC0]  }
0x317: {  	[tilespmem:s9+$0x3380] =	vst.add.f32.msk $0xffff, v5  }
0x318: {  	v5 =	vld [tilespmem:s26+$0x1FC0]  }
0x319: {  	[tilespmem:s11+$0x3380] =	vst.add.f32.msk $0xffff, v3  }
0x31a: {  	v3 =	vld [tilespmem:s24+$0x1FD0];
	s12 =	sor.u32 $0xC40, s1  }
0x31b: {  	[tilespmem:s12+$0x3380] =	vst.add.f32.msk $0xffff, v4  }
0x31c: {  	s13 =	sor.u32 $0xC40, s0;
	v4 =	vld [tilespmem:s25+$0x1FD0]  }
0x31d: {  	[tilespmem:s13+$0x3380] =	vst.add.f32.msk $0xffff, v5  }
0x31e: {  	v5 =	vld [tilespmem:s26+$0x1FD0]  }
0x31f: {  	[tilespmem:s8+$0x3380] =	vst.add.f32.msk $0xffff, v3  }
0x320: {  	v3 =	vld [tilespmem:s24+$0x1FE0];
	s14 =	sor.u32 $0xC50, s1  }
0x321: {  	[tilespmem:s14+$0x3380] =	vst.add.f32.msk $0xffff, v4  }
0x322: {  	s23 =	sor.u32 $0xC50, s0;
	v4 =	vld [tilespmem:s25+$0x1FE0]  }
0x323: {  	[tilespmem:s23+$0x3380] =	vst.add.f32.msk $0xffff, v5  }
0x324: {  	v5 =	vld [tilespmem:s26+$0x1FE0]  }
0x325: {  	[tilespmem:s10+$0x3380] =	vst.add.f32.msk $0xffff, v3  }
0x326: {  	v3 =	vld [tilespmem:s24+$0x1FF0];
	s4 =	sor.u32 $0xC60, s1  }
0x327: {  	[tilespmem:s4+$0x3380] =	vst.add.f32.msk $0xffff, v4  }
0x328: {  	s5 =	sor.u32 $0xC60, s0;
	v4 =	vld [tilespmem:s25+$0x1FF0]  }
0x329: {  	[tilespmem:s5+$0x3380] =	vst.add.f32.msk $0xffff, v5  }
0x32a: {  	v5 =	vld [tilespmem:s26+$0x1FF0];
	_ =	sdelay $0x2  }
0x32b: {  	[tilespmem:s3+$0x3380] =	vst.add.f32.msk $0xffff, v3;
	s1 =	sor.u32 $0xC70, s1  }
0x32c: {  	s0 =	sor.u32 $0xC70, s0;
	[tilespmem:s1+$0x3380] =	vst.add.f32.msk $0xffff, v4  }
0x32d: {  	[tilespmem:s0+$0x3380] =	vst.add.f32.msk $0xffff, v5  }
0x32e: {  	s6 =	simm.s32 $0x4;
	s23 =	simm.s32 $0x0;
	s0 =	rddreg [dreg:$0xf]  }
0x32f: {  	[hbm4b:s0+s23] =	stream.linear.scatter [tilespmem:s17], [sflag:$0x4], $0x8000, $0x38;
	[tilespmem:$0x1B380] =	vst v63  }
0x330: {  	_ =	swait.ge [sflag:s6], $0x8000  }
0x331: {  	[sflag:s6] =	ssyncset.done $0x0  }
0x332: {  	[sflag:s6] =	ssyncadd.s32 $0xFFFF8000  }
0x333: {  	v3 =	vld [tilespmem:$0xC0];
	_ =	sdelay $0x4  }
0x334: {  	v4 =	vshll.u32 v3, $0x2  }
0x335: {  	v3 =	vand.u32 $0x7, v3;
	v4 =	vand.u32 $0xFFFFFFE0, v4  }
0x336: {  	v3 =	vor.u32 v3, v4  }
0x337: {  	v4 =	vperm.xlane v3, v0;
	_ =	sdelay $0x1  }
0x338: {  	v4 =	vadd.s32 v1, v4;
	_ =	sdelay $0x1  }
0x339: {  	v3 =	vperm.xlane v3, v2;
	_ =	sdelay $0x1  }
0x33a: {  	v3 =	vadd.s32 v1, v3  }
0x33b: {  	[tilespmem:s17], [sflag:$0x1] =	stream.indirect_vreg.gather [hbm4b:s15+s23], $0x80, v4, vm0, $0xb8;
	[tilespmem:$0x1B380] =	vst v63  }
0x33c: {  	_ = 	snop  }
0x33d: {  	[tilespmem:s18], [sflag:$0x1] =	stream.indirect_vreg.gather [hbm4b:s16+s23], $0x80, v4, vm0, $0xb8;
	[tilespmem:$0x1B380] =	vst v63  }
0x33e: {  	_ = 	snop  }
0x33f: {  	[tilespmem:s19], [sflag:$0x1] =	stream.indirect_vreg.gather [hbm4b:s15+s23], $0x80, v3, vm0, $0xb8;
	[tilespmem:$0x1B380] =	vst v63  }
0x340: {  	_ = 	snop  }
0x341: {  	[tilespmem:s20], [sflag:$0x1] =	stream.indirect_vreg.gather [hbm4b:s16+s23], $0x80, v3, vm0, $0xb8;
	[tilespmem:$0x1B380] =	vst v63  }
0x342: {  	v3 =	vld [tilespmem:$0xD0];
	_ =	sdelay $0x4  }
0x343: {  	v4 =	vshll.u32 v3, $0x2  }
0x344: {  	v3 =	vand.u32 $0x7, v3;
	v4 =	vand.u32 $0xFFFFFFE0, v4  }
0x345: {  	v3 =	vor.u32 v3, v4  }
0x346: {  	v4 =	vperm.xlane v3, v0;
	_ =	sdelay $0x1  }
0x347: {  	v4 =	vadd.s32 v1, v4;
	_ =	sdelay $0x1  }
0x348: {  	v3 =	vperm.xlane v3, v2;
	_ =	sdelay $0x1  }
0x349: {  	v3 =	vadd.s32 v1, v3  }
0x34a: {  	[tilespmem:s21], [sflag:$0x1] =	stream.indirect_vreg.gather [hbm4b:s15+s23], $0x80, v4, vm0, $0xb8;
	[tilespmem:$0x1B380] =	vst v63  }
0x34b: {  	_ = 	snop  }
0x34c: {  	[tilespmem:s22], [sflag:$0x1] =	stream.indirect_vreg.gather [hbm4b:s16+s23], $0x80, v4, vm0, $0xb8;
	[tilespmem:$0x1B380] =	vst v63  }
0x34d: {  	_ = 	snop  }
0x34e: {  	[tilespmem:s31], [sflag:$0x1] =	stream.indirect_vreg.gather [hbm4b:s15+s23], $0x80, v3, vm0, $0xb8;
	[tilespmem:$0x1B380] =	vst v63  }
0x34f: {  	s7 =	simm.s32 $0x6B80  }
0x350: {  	[tilespmem:s7], [sflag:$0x1] =	stream.indirect_vreg.gather [hbm4b:s16+s23], $0x80, v3, vm0, $0xb8;
	[tilespmem:$0x1B380] =	vst v63  }
0x351: {  	v3 =	vld [tilespmem:$0xE0];
	_ =	sdelay $0x4  }
0x352: {  	v4 =	vshll.u32 v3, $0x2  }
0x353: {  	v3 =	vand.u32 $0x7, v3;
	v4 =	vand.u32 $0xFFFFFFE0, v4  }
0x354: {  	v3 =	vor.u32 v3, v4  }
0x355: {  	v4 =	vperm.xlane v3, v0;
	_ =	sdelay $0x1  }
0x356: {  	v4 =	vadd.s32 v1, v4;
	_ =	sdelay $0x1  }
0x357: {  	v3 =	vperm.xlane v3, v2;
	_ =	sdelay $0x1  }
0x358: {  	s8 =	simm.s32 $0x7380;
	v3 =	vadd.s32 v1, v3  }
0x359: {  	[tilespmem:s8], [sflag:$0x1] =	stream.indirect_vreg.gather [hbm4b:s15+s23], $0x80, v4, vm0, $0xb8;
	[tilespmem:$0x1B380] =	vst v63  }
0x35a: {  	s9 =	simm.s32 $0x7B80  }
0x35b: {  	[tilespmem:s9], [sflag:$0x1] =	stream.indirect_vreg.gather [hbm4b:s16+s23], $0x80, v4, vm0, $0xb8;
	[tilespmem:$0x1B380] =	vst v63  }
0x35c: {  	s10 =	simm.s32 $0x8380  }
0x35d: {  	[tilespmem:s10], [sflag:$0x1] =	stream.indirect_vreg.gather [hbm4b:s15+s23], $0x80, v3, vm0, $0xb8;
	[tilespmem:$0x1B380] =	vst v63  }
0x35e: {  	s11 =	simm.s32 $0x8B80  }
0x35f: {  	[tilespmem:s11], [sflag:$0x1] =	stream.indirect_vreg.gather [hbm4b:s16+s23], $0x80, v3, vm0, $0xb8;
	[tilespmem:$0x1B380] =	vst v63  }
0x360: {  	v3 =	vld [tilespmem:$0xF0];
	_ =	sdelay $0x4  }
0x361: {  	v4 =	vshll.u32 v3, $0x2  }
0x362: {  	v3 =	vand.u32 $0x7, v3;
	v4 =	vand.u32 $0xFFFFFFE0, v4  }
0x363: {  	v3 =	vor.u32 v3, v4  }
0x364: {  	v4 =	vperm.xlane v3, v0;
	_ =	sdelay $0x1  }
0x365: {  	v4 =	vadd.s32 v1, v4;
	_ =	sdelay $0x1  }
0x366: {  	v3 =	vperm.xlane v3, v2;
	_ =	sdelay $0x1  }
0x367: {  	s12 =	simm.s32 $0x9380;
	v3 =	vadd.s32 v1, v3  }
0x368: {  	[tilespmem:s12], [sflag:$0x1] =	stream.indirect_vreg.gather [hbm4b:s15+s23], $0x80, v4, vm0, $0xb8;
	[tilespmem:$0x1B380] =	vst v63  }
0x369: {  	s13 =	simm.s32 $0x9B80  }
0x36a: {  	[tilespmem:s13], [sflag:$0x1] =	stream.indirect_vreg.gather [hbm4b:s16+s23], $0x80, v4, vm0, $0xb8;
	[tilespmem:$0x1B380] =	vst v63  }
0x36b: {  	s14 =	simm.s32 $0xA380  }
0x36c: {  	[tilespmem:s14], [sflag:$0x1] =	stream.indirect_vreg.gather [hbm4b:s15+s23], $0x80, v3, vm0, $0xb8;
	[tilespmem:$0x1B380] =	vst v63  }
0x36d: {  	s17 =	simm.s32 $0xAB80;
	s18 =	simm.s32 $0x2  }
0x36e: {  	[tilespmem:s17], [sflag:$0x1] =	stream.indirect_vreg.gather [hbm4b:s16+s23], $0x80, v3, vm0, $0xb8;
	[tilespmem:$0x1B380] =	vst v63  }
0x36f: {  	_ =	swait.ge [sflag:s18], $0x8000  }
0x370: {  	[sflag:s18] =	ssyncset.done $0x0  }
0x371: {  	s19 =	simm.s32 $0x141;
	[sflag:s18] =	ssyncadd.s32 $0xFFFF8000  }
0x372: {  	v3 =	vld [tilespmem:s19+$0x0];
	_ =	sdelay $0x4  }
0x373: {  	(v2sf) =	vpush v3, $0x0;
	_ =	sdelay $0x3  }
0x374: {  	v3 =	vld [tilespmem:s19+$0xFFFFFFFF];
	_ =	sdelay $0x4  }
0x375: {  	(v2sf) =	vpush v3, $0x0;
	_ =	sdelay $0x5  }
0x376: {  	s20 =	spop (v2sf)  }
0x377: {  	s21 =	sshll.u32 s20, $0x9;
	s0 =	sshll.u32 s20, $0x7  }
0x378: {  	s1 =	sand.u32 $0xFFFFF000, s21;
	s0 =	sand.u32 $0x380, s0  }
0x379: {  	s22 =	sor.u32 s0, s1  }
0x37a: {  	v3 =	vld [tilespmem:s22+$0x1380];
	_ =	sdelay $0x2  }
0x37b: {  	s26 =	sand.u32 $0x7000, s23;
	s31 =	sand.u32 $0x300, s23  }
0x37c: {  	s0 =	sor.u32 s31, s26  }
0x37d: {  	s2 =	spop (v2sf);
	[tilespmem:s0+$0xB400] =	vst.add.f32.msk $0xffff, v3  }
0x37e: {  	s4 =	sshll.u32 s2, $0x9;
	s1 =	sshll.u32 s2, $0x7;
	v3 =	vld [tilespmem:s22+$0x1390]  }
0x37f: {  	s2 =	sand.u32 $0xFFFFF000, s4;
	s1 =	sand.u32 $0x380, s1  }
0x380: {  	s24 =	sor.u32 s1, s2  }
0x381: {  	v4 =	vld [tilespmem:s24+$0x1380];
	_ =	sdelay $0x1  }
0x382: {  	[tilespmem:s0+$0xB410] =	vst.add.f32.msk $0xffff, v3  }
0x383: {  	v3 =	vld [tilespmem:s22+$0x13A0];
	_ =	sdelay $0x1  }
0x384: {  	[tilespmem:s0+$0xB380] =	vst.add.f32.msk $0xffff, v4  }
0x385: {  	v4 =	vld [tilespmem:s24+$0x1390];
	_ =	sdelay $0x1  }
0x386: {  	[tilespmem:s0+$0xB420] =	vst.add.f32.msk $0xffff, v3  }
0x387: {  	v3 =	vld [tilespmem:s22+$0x13B0];
	_ =	sdelay $0x1  }
0x388: {  	[tilespmem:s0+$0xB390] =	vst.add.f32.msk $0xffff, v4  }
0x389: {  	v4 =	vld [tilespmem:s24+$0x13A0];
	_ =	sdelay $0x1  }
0x38a: {  	[tilespmem:s0+$0xB430] =	vst.add.f32.msk $0xffff, v3  }
0x38b: {  	v3 =	vld [tilespmem:s22+$0x13C0];
	_ =	sdelay $0x1  }
0x38c: {  	[tilespmem:s0+$0xB3A0] =	vst.add.f32.msk $0xffff, v4  }
0x38d: {  	v4 =	vld [tilespmem:s24+$0x13B0];
	_ =	sdelay $0x1  }
0x38e: {  	[tilespmem:s0+$0xB440] =	vst.add.f32.msk $0xffff, v3  }
0x38f: {  	v3 =	vld [tilespmem:s22+$0x13D0];
	_ =	sdelay $0x1  }
0x390: {  	[tilespmem:s0+$0xB3B0] =	vst.add.f32.msk $0xffff, v4  }
0x391: {  	v4 =	vld [tilespmem:s24+$0x13C0];
	_ =	sdelay $0x1  }
0x392: {  	[tilespmem:s0+$0xB450] =	vst.add.f32.msk $0xffff, v3  }
0x393: {  	v3 =	vld [tilespmem:s22+$0x13E0];
	_ =	sdelay $0x1  }
0x394: {  	[tilespmem:s0+$0xB3C0] =	vst.add.f32.msk $0xffff, v4  }
0x395: {  	v4 =	vld [tilespmem:s24+$0x13D0];
	_ =	sdelay $0x1  }
0x396: {  	[tilespmem:s0+$0xB460] =	vst.add.f32.msk $0xffff, v3  }
0x397: {  	v3 =	vld [tilespmem:s22+$0x13F0];
	_ =	sdelay $0x1  }
0x398: {  	[tilespmem:s0+$0xB3D0] =	vst.add.f32.msk $0xffff, v4  }
0x399: {  	v4 =	vld [tilespmem:s24+$0x13E0];
	_ =	sdelay $0x1  }
0x39a: {  	[tilespmem:s0+$0xB470] =	vst.add.f32.msk $0xffff, v3  }
0x39b: {  	v3 =	vld [tilespmem:s22+$0x1780];
	_ =	sdelay $0x1  }
0x39c: {  	[tilespmem:s0+$0xB3E0] =	vst.add.f32.msk $0xffff, v4  }
0x39d: {  	v4 =	vld [tilespmem:s24+$0x13F0];
	_ =	sdelay $0x1  }
0x39e: {  	[tilespmem:s0+$0xB800] =	vst.add.f32.msk $0xffff, v3  }
0x39f: {  	s5 =	simm.s32 $0x143;
	v3 =	vld [tilespmem:s22+$0x1790]  }
0x3a0: {  	v5 =	vld [tilespmem:s5+$0x0]  }
0x3a1: {  	[tilespmem:s0+$0xB3F0] =	vst.add.f32.msk $0xffff, v4  }
0x3a2: {  	v4 =	vld [tilespmem:s24+$0x1780]  }
0x3a3: {  	v6 =	vld [tilespmem:s5+$0xFFFFFFFF]  }
0x3a4: {  	[tilespmem:s0+$0xB810] =	vst.add.f32.msk $0xffff, v3  }
0x3a5: {  	(v2sf) =	vpush v5, $0x0;
	v3 =	vld [tilespmem:s22+$0x17A0];
	_ =	sdelay $0x1  }
0x3a6: {  	[tilespmem:s0+$0xB780] =	vst.add.f32.msk $0xffff, v4  }
0x3a7: {  	(v2sf) =	vpush v6, $0x0;
	v4 =	vld [tilespmem:s24+$0x1790];
	_ =	sdelay $0x1  }
0x3a8: {  	[tilespmem:s0+$0xB820] =	vst.add.f32.msk $0xffff, v3  }
0x3a9: {  	v3 =	vld [tilespmem:s22+$0x17B0];
	_ =	sdelay $0x1  }
0x3aa: {  	[tilespmem:s0+$0xB790] =	vst.add.f32.msk $0xffff, v4  }
0x3ab: {  	v4 =	vld [tilespmem:s24+$0x17A0];
	_ =	sdelay $0x1  }
0x3ac: {  	[tilespmem:s0+$0xB830] =	vst.add.f32.msk $0xffff, v3  }
0x3ad: {  	v3 =	vld [tilespmem:s22+$0x17C0];
	_ =	sdelay $0x1  }
0x3ae: {  	[tilespmem:s0+$0xB7A0] =	vst.add.f32.msk $0xffff, v4  }
0x3af: {  	s6 =	spop (v2sf);
	v4 =	vld [tilespmem:s24+$0x17B0]  }
0x3b0: {  	s7 =	sshll.u32 s6, $0x9;
	s1 =	sshll.u32 s6, $0x7  }
0x3b1: {  	s2 =	sand.u32 $0xFFFFF000, s7;
	s1 =	sand.u32 $0x380, s1;
	[tilespmem:s0+$0xB840] =	vst.add.f32.msk $0xffff, v3  }
0x3b2: {  	s25 =	sor.u32 s1, s2;
	s8 =	spop (v2sf);
	v3 =	vld [tilespmem:s22+$0x17D0]  }
0x3b3: {  	v5 =	vld [tilespmem:s25+$0x1380];
	s9 =	sshll.u32 s8, $0x9;
	s1 =	sshll.u32 s8, $0x7  }
0x3b4: {  	s2 =	sand.u32 $0xFFFFF000, s9;
	s1 =	sand.u32 $0x380, s1;
	[tilespmem:s0+$0xB7B0] =	vst.add.f32.msk $0xffff, v4  }
0x3b5: {  	s26 =	sor.u32 s1, s2;
	v4 =	vld [tilespmem:s24+$0x17C0]  }
0x3b6: {  	s29 =	simm.s32 $0x100;
	s30 =	simm.s32 $0x400;
	v6 =	vld [tilespmem:s26+$0x1380]  }
0x3b7: {  	s10 =	sand.u32 $0x7000, s30;
	s11 =	sand.u32 $0x300, s29;
	[tilespmem:s0+$0xB850] =	vst.add.f32.msk $0xffff, v3  }
0x3b8: {  	s28 =	sor.u32 s11, s10;
	v3 =	vld [tilespmem:s22+$0x17E0]  }
0x3b9: {  	[tilespmem:s28+$0xB400] =	vst.add.f32.msk $0xffff, v5  }
0x3ba: {  	[tilespmem:s0+$0xB7C0] =	vst.add.f32.msk $0xffff, v4  }
0x3bb: {  	v4 =	vld [tilespmem:s24+$0x17D0]  }
0x3bc: {  	[tilespmem:s28+$0xB380] =	vst.add.f32.msk $0xffff, v6  }
0x3bd: {  	[tilespmem:s0+$0xB860] =	vst.add.f32.msk $0xffff, v3  }
0x3be: {  	v3 =	vld [tilespmem:s22+$0x17F0]  }
0x3bf: {  	v5 =	vld [tilespmem:s26+$0x1390]  }
0x3c0: {  	[tilespmem:s0+$0xB7D0] =	vst.add.f32.msk $0xffff, v4  }
0x3c1: {  	v4 =	vld [tilespmem:s24+$0x17E0];
	_ =	sdelay $0x1  }
0x3c2: {  	[tilespmem:s0+$0xB870] =	vst.add.f32.msk $0xffff, v3  }
0x3c3: {  	v3 =	vld [tilespmem:s22+$0x1B80]  }
0x3c4: {  	[tilespmem:s28+$0xB390] =	vst.add.f32.msk $0xffff, v5  }
0x3c5: {  	[tilespmem:s0+$0xB7E0] =	vst.add.f32.msk $0xffff, v4  }
0x3c6: {  	v4 =	vld [tilespmem:s24+$0x17F0]  }
0x3c7: {  	v5 =	vld [tilespmem:s26+$0x13A0]  }
0x3c8: {  	[tilespmem:s0+$0xBC00] =	vst.add.f32.msk $0xffff, v3  }
0x3c9: {  	v3 =	vld [tilespmem:s22+$0x1B90];
	_ =	sdelay $0x1  }
0x3ca: {  	[tilespmem:s0+$0xB7F0] =	vst.add.f32.msk $0xffff, v4  }
0x3cb: {  	v4 =	vld [tilespmem:s24+$0x1B80]  }
0x3cc: {  	[tilespmem:s28+$0xB3A0] =	vst.add.f32.msk $0xffff, v5  }
0x3cd: {  	[tilespmem:s0+$0xBC10] =	vst.add.f32.msk $0xffff, v3  }
0x3ce: {  	v3 =	vld [tilespmem:s22+$0x1BA0]  }
0x3cf: {  	v5 =	vld [tilespmem:s26+$0x13B0]  }
0x3d0: {  	[tilespmem:s0+$0xBB80] =	vst.add.f32.msk $0xffff, v4  }
0x3d1: {  	v4 =	vld [tilespmem:s24+$0x1B90];
	_ =	sdelay $0x1  }
0x3d2: {  	[tilespmem:s0+$0xBC20] =	vst.add.f32.msk $0xffff, v3  }
0x3d3: {  	v3 =	vld [tilespmem:s22+$0x1BB0]  }
0x3d4: {  	[tilespmem:s28+$0xB3B0] =	vst.add.f32.msk $0xffff, v5  }
0x3d5: {  	[tilespmem:s0+$0xBB90] =	vst.add.f32.msk $0xffff, v4  }
0x3d6: {  	v4 =	vld [tilespmem:s24+$0x1BA0]  }
0x3d7: {  	v5 =	vld [tilespmem:s26+$0x13C0]  }
0x3d8: {  	[tilespmem:s0+$0xBC30] =	vst.add.f32.msk $0xffff, v3  }
0x3d9: {  	v3 =	vld [tilespmem:s22+$0x1BC0];
	_ =	sdelay $0x1  }
0x3da: {  	[tilespmem:s0+$0xBBA0] =	vst.add.f32.msk $0xffff, v4  }
0x3db: {  	v4 =	vld [tilespmem:s24+$0x1BB0]  }
0x3dc: {  	[tilespmem:s28+$0xB3C0] =	vst.add.f32.msk $0xffff, v5  }
0x3dd: {  	[tilespmem:s0+$0xBC40] =	vst.add.f32.msk $0xffff, v3  }
0x3de: {  	v3 =	vld [tilespmem:s22+$0x1BD0]  }
0x3df: {  	v5 =	vld [tilespmem:s26+$0x13D0]  }
0x3e0: {  	[tilespmem:s0+$0xBBB0] =	vst.add.f32.msk $0xffff, v4  }
0x3e1: {  	v4 =	vld [tilespmem:s24+$0x1BC0];
	_ =	sdelay $0x1  }
0x3e2: {  	[tilespmem:s0+$0xBC50] =	vst.add.f32.msk $0xffff, v3  }
0x3e3: {  	v3 =	vld [tilespmem:s22+$0x1BE0]  }
0x3e4: {  	[tilespmem:s28+$0xB3D0] =	vst.add.f32.msk $0xffff, v5  }
0x3e5: {  	[tilespmem:s0+$0xBBC0] =	vst.add.f32.msk $0xffff, v4  }
0x3e6: {  	v4 =	vld [tilespmem:s25+$0x1390]  }
0x3e7: {  	v5 =	vld [tilespmem:s26+$0x13E0]  }
0x3e8: {  	[tilespmem:s0+$0xBC60] =	vst.add.f32.msk $0xffff, v3  }
0x3e9: {  	v3 =	vld [tilespmem:s22+$0x1BF0];
	_ =	sdelay $0x1  }
0x3ea: {  	[tilespmem:s28+$0xB410] =	vst.add.f32.msk $0xffff, v4  }
0x3eb: {  	v4 =	vld [tilespmem:s25+$0x13A0]  }
0x3ec: {  	[tilespmem:s28+$0xB3E0] =	vst.add.f32.msk $0xffff, v5  }
0x3ed: {  	[tilespmem:s0+$0xBC70] =	vst.add.f32.msk $0xffff, v3  }
0x3ee: {  	s12 =	sand.u32 $0x3, s23;
	v3 =	vld [tilespmem:s22+$0x1F80]  }
0x3ef: {  	s1 =	sshll.u32 s12, $0x8;
	v5 =	vld [tilespmem:s26+$0x13F0]  }
0x3f0: {  	s1 =	sadd.s32 $0x0, s1;
	[tilespmem:s28+$0xB420] =	vst.add.f32.msk $0xffff, v4  }
0x3f1: {  	s13 =	sadd.s32 $0x80, s1;
	v4 =	vld [tilespmem:s25+$0x13B0]  }
0x3f2: {  	s4 =	sor.u32 $0xC00, s13  }
0x3f3: {  	[tilespmem:s4+$0xB380] =	vst.add.f32.msk $0xffff, v3  }
0x3f4: {  	v3 =	vld [tilespmem:s22+$0x1F90]  }
0x3f5: {  	[tilespmem:s28+$0xB3F0] =	vst.add.f32.msk $0xffff, v5  }
0x3f6: {  	[tilespmem:s28+$0xB430] =	vst.add.f32.msk $0xffff, v4  }
0x3f7: {  	v4 =	vld [tilespmem:s25+$0x13C0]  }
0x3f8: {  	s14 =	sor.u32 $0xC10, s13;
	v5 =	vld [tilespmem:s26+$0x1780]  }
0x3f9: {  	[tilespmem:s14+$0xB380] =	vst.add.f32.msk $0xffff, v3  }
0x3fa: {  	v3 =	vld [tilespmem:s22+$0x1FA0];
	_ =	sdelay $0x1  }
0x3fb: {  	[tilespmem:s28+$0xB440] =	vst.add.f32.msk $0xffff, v4  }
0x3fc: {  	v4 =	vld [tilespmem:s25+$0x13D0]  }
0x3fd: {  	s15 =	sor.u32 $0xC20, s13;
	[tilespmem:s28+$0xB780] =	vst.add.f32.msk $0xffff, v5  }
0x3fe: {  	[tilespmem:s15+$0xB380] =	vst.add.f32.msk $0xffff, v3  }
0x3ff: {  	v3 =	vld [tilespmem:s22+$0x1FB0]  }
0x400: {  	v5 =	vld [tilespmem:s26+$0x1790]  }
0x401: {  	[tilespmem:s28+$0xB450] =	vst.add.f32.msk $0xffff, v4  }
0x402: {  	v4 =	vld [tilespmem:s25+$0x13E0]  }
0x403: {  	s16 =	sor.u32 $0xC30, s13  }
0x404: {  	[tilespmem:s16+$0xB380] =	vst.add.f32.msk $0xffff, v3  }
0x405: {  	v3 =	vld [tilespmem:s22+$0x1FC0]  }
0x406: {  	[tilespmem:s28+$0xB790] =	vst.add.f32.msk $0xffff, v5  }
0x407: {  	[tilespmem:s28+$0xB460] =	vst.add.f32.msk $0xffff, v4  }
0x408: {  	v4 =	vld [tilespmem:s25+$0x13F0]  }
0x409: {  	s17 =	sor.u32 $0xC40, s13;
	v5 =	vld [tilespmem:s26+$0x17A0]  }
0x40a: {  	[tilespmem:s17+$0xB380] =	vst.add.f32.msk $0xffff, v3  }
0x40b: {  	v3 =	vld [tilespmem:s22+$0x1FD0];
	_ =	sdelay $0x1  }
0x40c: {  	[tilespmem:s28+$0xB470] =	vst.add.f32.msk $0xffff, v4  }
0x40d: {  	v4 =	vld [tilespmem:s25+$0x1780]  }
0x40e: {  	s18 =	sor.u32 $0xC50, s13;
	[tilespmem:s28+$0xB7A0] =	vst.add.f32.msk $0xffff, v5  }
0x40f: {  	[tilespmem:s18+$0xB380] =	vst.add.f32.msk $0xffff, v3  }
0x410: {  	v3 =	vld [tilespmem:s22+$0x1FE0]  }
0x411: {  	v5 =	vld [tilespmem:s26+$0x17B0]  }
0x412: {  	[tilespmem:s28+$0xB800] =	vst.add.f32.msk $0xffff, v4  }
0x413: {  	v4 =	vld [tilespmem:s25+$0x1790]  }
0x414: {  	s19 =	sor.u32 $0xC60, s13  }
0x415: {  	[tilespmem:s19+$0xB380] =	vst.add.f32.msk $0xffff, v3  }
0x416: {  	v3 =	vld [tilespmem:s22+$0x1FF0]  }
0x417: {  	[tilespmem:s28+$0xB7B0] =	vst.add.f32.msk $0xffff, v5  }
0x418: {  	[tilespmem:s28+$0xB810] =	vst.add.f32.msk $0xffff, v4  }
0x419: {  	v4 =	vld [tilespmem:s25+$0x17A0]  }
0x41a: {  	s2 =	sor.u32 $0xC70, s13;
	v5 =	vld [tilespmem:s26+$0x17C0]  }
0x41b: {  	[tilespmem:s2+$0xB380] =	vst.add.f32.msk $0xffff, v3  }
0x41c: {  	v3 =	vld [tilespmem:s24+$0x1BD0];
	_ =	sdelay $0x1  }
0x41d: {  	[tilespmem:s28+$0xB820] =	vst.add.f32.msk $0xffff, v4  }
0x41e: {  	v4 =	vld [tilespmem:s25+$0x17B0]  }
0x41f: {  	[tilespmem:s28+$0xB7C0] =	vst.add.f32.msk $0xffff, v5  }
0x420: {  	[tilespmem:s0+$0xBBD0] =	vst.add.f32.msk $0xffff, v3  }
0x421: {  	v3 =	vld [tilespmem:s24+$0x1BE0]  }
0x422: {  	v5 =	vld [tilespmem:s26+$0x17D0]  }
0x423: {  	[tilespmem:s28+$0xB830] =	vst.add.f32.msk $0xffff, v4  }
0x424: {  	v4 =	vld [tilespmem:s25+$0x17C0];
	_ =	sdelay $0x1  }
0x425: {  	[tilespmem:s0+$0xBBE0] =	vst.add.f32.msk $0xffff, v3  }
0x426: {  	v3 =	vld [tilespmem:s24+$0x1BF0]  }
0x427: {  	[tilespmem:s28+$0xB7D0] =	vst.add.f32.msk $0xffff, v5  }
0x428: {  	[tilespmem:s28+$0xB840] =	vst.add.f32.msk $0xffff, v4  }
0x429: {  	v4 =	vld [tilespmem:s25+$0x17D0]  }
0x42a: {  	v5 =	vld [tilespmem:s26+$0x17E0]  }
0x42b: {  	[tilespmem:s0+$0xBBF0] =	vst.add.f32.msk $0xffff, v3  }
0x42c: {  	v3 =	vld [tilespmem:s24+$0x1F80];
	_ =	sdelay $0x1  }
0x42d: {  	[tilespmem:s28+$0xB850] =	vst.add.f32.msk $0xffff, v4  }
0x42e: {  	v4 =	vld [tilespmem:s25+$0x17E0]  }
0x42f: {  	s20 =	sor.u32 $0xC00, s1;
	[tilespmem:s28+$0xB7E0] =	vst.add.f32.msk $0xffff, v5  }
0x430: {  	[tilespmem:s20+$0xB380] =	vst.add.f32.msk $0xffff, v3  }
0x431: {  	v3 =	vld [tilespmem:s24+$0x1F90]  }
0x432: {  	v5 =	vld [tilespmem:s26+$0x17F0]  }
0x433: {  	[tilespmem:s28+$0xB860] =	vst.add.f32.msk $0xffff, v4  }
0x434: {  	v4 =	vld [tilespmem:s25+$0x17F0]  }
0x435: {  	s21 =	sor.u32 $0xC10, s1  }
0x436: {  	[tilespmem:s21+$0xB380] =	vst.add.f32.msk $0xffff, v3  }
0x437: {  	v3 =	vld [tilespmem:s24+$0x1FA0]  }
0x438: {  	[tilespmem:s28+$0xB7F0] =	vst.add.f32.msk $0xffff, v5  }
0x439: {  	[tilespmem:s28+$0xB870] =	vst.add.f32.msk $0xffff, v4  }
0x43a: {  	v4 =	vld [tilespmem:s25+$0x1B80]  }
0x43b: {  	v5 =	vld [tilespmem:s26+$0x1B80];
	s22 =	sor.u32 $0xC20, s1  }
0x43c: {  	[tilespmem:s22+$0xB380] =	vst.add.f32.msk $0xffff, v3  }
0x43d: {  	v3 =	vld [tilespmem:s24+$0x1FB0];
	_ =	sdelay $0x1  }
0x43e: {  	[tilespmem:s28+$0xBC00] =	vst.add.f32.msk $0xffff, v4  }
0x43f: {  	v4 =	vld [tilespmem:s25+$0x1B90]  }
0x440: {  	s6 =	simm.s32 $0x2;
	s31 =	sor.u32 $0xC30, s1;
	[tilespmem:s28+$0xBB80] =	vst.add.f32.msk $0xffff, v5  }
0x441: {  	s9 =	simm.s32 $0x145;
	s11 =	sor.u32 $0xC40, s1;
	s8 =	sor.u32 $0xC50, s1;
	[tilespmem:s31+$0xB380] =	vst.add.f32.msk $0xffff, v3  }
0x442: {  	s10 =	sor.u32 $0xC60, s1;
	s3 =	sor.u32 $0xC70, s1;
	s0 =	simm.s32 $0x400;
	v3 =	vld [tilespmem:s24+$0x1FC0]  }
.LBB2_6:
0x443: {  	v5 =	vld [tilespmem:s9+$0x0];
	s6 =	sadd.s32 $0x2, s6  }
0x444: {  	p0 =	slt.u32 s6, $0x3E;
	[tilespmem:s28+$0xBC10] =	vst.add.f32.msk $0xffff, v4  }
0x445: {  	v4 =	vld [tilespmem:s25+$0x1BA0]  }
0x446: {  	v6 =	vld [tilespmem:s9+$0xFFFFFFFF]  }
0x447: {  	v7 =	vld [tilespmem:s26+$0x1B90]  }
0x448: {  	(v2sf) =	vpush v5, $0x0;
	[tilespmem:s11+$0xB380] =	vst.add.f32.msk $0xffff, v3  }
0x449: {  	v3 =	vld [tilespmem:s24+$0x1FD0]  }
0x44a: {  	[tilespmem:s28+$0xBC20] =	vst.add.f32.msk $0xffff, v4  }
0x44b: {  	(v2sf) =	vpush v6, $0x0;
	v4 =	vld [tilespmem:s25+$0x1BB0]  }
0x44c: {  	[tilespmem:s28+$0xBB90] =	vst.add.f32.msk $0xffff, v7  }
0x44d: {  	v5 =	vld [tilespmem:s26+$0x1BA0]  }
0x44e: {  	[tilespmem:s8+$0xB380] =	vst.add.f32.msk $0xffff, v3  }
0x44f: {  	v3 =	vld [tilespmem:s24+$0x1FE0]  }
0x450: {  	[tilespmem:s28+$0xBC30] =	vst.add.f32.msk $0xffff, v4  }
0x451: {  	v4 =	vld [tilespmem:s25+$0x1BC0]  }
0x452: {  	[tilespmem:s28+$0xBBA0] =	vst.add.f32.msk $0xffff, v5  }
0x453: {  	v5 =	vld [tilespmem:s26+$0x1BB0]  }
0x454: {  	[tilespmem:s10+$0xB380] =	vst.add.f32.msk $0xffff, v3  }
0x455: {  	v3 =	vld [tilespmem:s24+$0x1FF0];
	s24 =	smov.u32 s26  }
0x456: {  	[tilespmem:s28+$0xBC40] =	vst.add.f32.msk $0xffff, v4  }
0x457: {  	s1 =	spop (v2sf);
	v4 =	vld [tilespmem:s25+$0x1BD0]  }
0x458: {  	s2 =	sshll.u32 s1, $0x9;
	s1 =	sshll.u32 s1, $0x7;
	[tilespmem:s28+$0xBBB0] =	vst.add.f32.msk $0xffff, v5  }
0x459: {  	s2 =	sand.u32 $0xFFFFF000, s2;
	s1 =	sand.u32 $0x380, s1;
	v5 =	vld [tilespmem:s24+$0x1BC0]  }
0x45a: {  	s4 =	sor.u32 s1, s2;
	s1 =	spop (v2sf);
	[tilespmem:s3+$0xB380] =	vst.add.f32.msk $0xffff, v3  }
0x45b: {  	s2 =	sshll.u32 s1, $0x9;
	s1 =	sshll.u32 s1, $0x7;
	v3 =	vld [tilespmem:s4+$0x1380]  }
0x45c: {  	s2 =	sand.u32 $0xFFFFF000, s2;
	s1 =	sand.u32 $0x380, s1;
	[tilespmem:s28+$0xBC50] =	vst.add.f32.msk $0xffff, v4  }
0x45d: {  	s29 =	sadd.s32 $0x100, s29;
	s30 =	sadd.s32 $0x400, s30;
	s26 =	sor.u32 s1, s2;
	v4 =	vld [tilespmem:s25+$0x1BE0]  }
0x45e: {  	s1 =	sand.u32 $0x7000, s30;
	s2 =	sand.u32 $0x300, s29;
	v6 =	vld [tilespmem:s26+$0x1380]  }
0x45f: {  	s13 =	sor.u32 s2, s1;
	[tilespmem:s28+$0xBBC0] =	vst.add.f32.msk $0xffff, v5  }
0x460: {  	[tilespmem:s13+$0xB400] =	vst.add.f32.msk $0xffff, v3  }
0x461: {  	v3 =	vld [tilespmem:s4+$0x1390]  }
0x462: {  	[tilespmem:s28+$0xBC60] =	vst.add.f32.msk $0xffff, v4  }
0x463: {  	v4 =	vld [tilespmem:s25+$0x1BF0]  }
0x464: {  	[tilespmem:s13+$0xB380] =	vst.add.f32.msk $0xffff, v6  }
0x465: {  	v5 =	vld [tilespmem:s26+$0x1390]  }
0x466: {  	[tilespmem:s13+$0xB410] =	vst.add.f32.msk $0xffff, v3  }
0x467: {  	v3 =	vld [tilespmem:s4+$0x13A0]  }
0x468: {  	s23 =	sadd.s32 $0x1, s23;
	[tilespmem:s28+$0xBC70] =	vst.add.f32.msk $0xffff, v4  }
0x469: {  	s1 =	sand.u32 $0x3, s23;
	v4 =	vld [tilespmem:s25+$0x1F80]  }
0x46a: {  	s1 =	sshll.u32 s1, $0x8;
	[tilespmem:s13+$0xB390] =	vst.add.f32.msk $0xffff, v5  }
0x46b: {  	s3 =	sadd.s32 s1, s0;
	s0 =	smov.u32 s30;
	v5 =	vld [tilespmem:s26+$0x13A0]  }
0x46c: {  	s1 =	sor.u32 $0xC00, s3;
	s14 =	sor.u32 $0xC10, s3;
	s5 =	sadd.s32 $0x80, s3;
	[tilespmem:s13+$0xB420] =	vst.add.f32.msk $0xffff, v3  }
0x46d: {  	s2 =	sor.u32 $0xC20, s3;
	s12 =	sor.u32 $0xC30, s3;
	s7 =	sor.u32 $0xC00, s5;
	v3 =	vld [tilespmem:s4+$0x13B0]  }
0x46e: {  	s11 =	sor.u32 $0xC40, s3;
	s8 =	sor.u32 $0xC50, s3;
	s10 =	sor.u32 $0xC60, s3;
	[tilespmem:s7+$0xB380] =	vst.add.f32.msk $0xffff, v4  }
0x46f: {  	s3 =	sor.u32 $0xC70, s3;
	v4 =	vld [tilespmem:s25+$0x1F90]  }
0x470: {  	[tilespmem:s13+$0xB3A0] =	vst.add.f32.msk $0xffff, v5  }
0x471: {  	v5 =	vld [tilespmem:s26+$0x13B0]  }
0x472: {  	[tilespmem:s13+$0xB430] =	vst.add.f32.msk $0xffff, v3  }
0x473: {  	s7 =	sor.u32 $0xC10, s5;
	v3 =	vld [tilespmem:s4+$0x13C0]  }
0x474: {  	[tilespmem:s7+$0xB380] =	vst.add.f32.msk $0xffff, v4  }
0x475: {  	v4 =	vld [tilespmem:s25+$0x1FA0]  }
0x476: {  	[tilespmem:s13+$0xB3B0] =	vst.add.f32.msk $0xffff, v5  }
0x477: {  	v5 =	vld [tilespmem:s26+$0x13C0]  }
0x478: {  	[tilespmem:s13+$0xB440] =	vst.add.f32.msk $0xffff, v3  }
0x479: {  	s7 =	sor.u32 $0xC20, s5;
	v3 =	vld [tilespmem:s4+$0x13D0]  }
0x47a: {  	[tilespmem:s7+$0xB380] =	vst.add.f32.msk $0xffff, v4  }
0x47b: {  	v4 =	vld [tilespmem:s25+$0x1FB0]  }
0x47c: {  	[tilespmem:s13+$0xB3C0] =	vst.add.f32.msk $0xffff, v5  }
0x47d: {  	v5 =	vld [tilespmem:s26+$0x13D0]  }
0x47e: {  	[tilespmem:s13+$0xB450] =	vst.add.f32.msk $0xffff, v3  }
0x47f: {  	s7 =	sor.u32 $0xC30, s5;
	v3 =	vld [tilespmem:s4+$0x13E0]  }
0x480: {  	[tilespmem:s7+$0xB380] =	vst.add.f32.msk $0xffff, v4  }
0x481: {  	v4 =	vld [tilespmem:s25+$0x1FC0]  }
0x482: {  	[tilespmem:s13+$0xB3D0] =	vst.add.f32.msk $0xffff, v5  }
0x483: {  	v5 =	vld [tilespmem:s26+$0x13E0]  }
0x484: {  	[tilespmem:s13+$0xB460] =	vst.add.f32.msk $0xffff, v3  }
0x485: {  	s7 =	sor.u32 $0xC40, s5;
	v3 =	vld [tilespmem:s4+$0x13F0]  }
0x486: {  	[tilespmem:s7+$0xB380] =	vst.add.f32.msk $0xffff, v4  }
0x487: {  	v4 =	vld [tilespmem:s25+$0x1FD0]  }
0x488: {  	[tilespmem:s13+$0xB3E0] =	vst.add.f32.msk $0xffff, v5  }
0x489: {  	v5 =	vld [tilespmem:s26+$0x13F0]  }
0x48a: {  	[tilespmem:s13+$0xB470] =	vst.add.f32.msk $0xffff, v3  }
0x48b: {  	s7 =	sor.u32 $0xC50, s5;
	v3 =	vld [tilespmem:s4+$0x1780]  }
0x48c: {  	[tilespmem:s7+$0xB380] =	vst.add.f32.msk $0xffff, v4  }
0x48d: {  	v4 =	vld [tilespmem:s25+$0x1FE0]  }
0x48e: {  	[tilespmem:s13+$0xB3F0] =	vst.add.f32.msk $0xffff, v5  }
0x48f: {  	v5 =	vld [tilespmem:s26+$0x1780]  }
0x490: {  	[tilespmem:s13+$0xB800] =	vst.add.f32.msk $0xffff, v3  }
0x491: {  	s7 =	sor.u32 $0xC60, s5;
	v3 =	vld [tilespmem:s4+$0x1790]  }
0x492: {  	[tilespmem:s7+$0xB380] =	vst.add.f32.msk $0xffff, v4  }
0x493: {  	v4 =	vld [tilespmem:s25+$0x1FF0];
	s25 =	smov.u32 s4  }
0x494: {  	[tilespmem:s13+$0xB780] =	vst.add.f32.msk $0xffff, v5  }
0x495: {  	v5 =	vld [tilespmem:s26+$0x1790]  }
0x496: {  	[tilespmem:s13+$0xB810] =	vst.add.f32.msk $0xffff, v3  }
0x497: {  	s4 =	sor.u32 $0xC70, s5;
	v3 =	vld [tilespmem:s25+$0x17A0]  }
0x498: {  	[tilespmem:s4+$0xB380] =	vst.add.f32.msk $0xffff, v4  }
0x499: {  	v4 =	vld [tilespmem:s24+$0x1BD0]  }
0x49a: {  	[tilespmem:s13+$0xB790] =	vst.add.f32.msk $0xffff, v5  }
0x49b: {  	v5 =	vld [tilespmem:s26+$0x17A0]  }
0x49c: {  	[tilespmem:s13+$0xB820] =	vst.add.f32.msk $0xffff, v3  }
0x49d: {  	v3 =	vld [tilespmem:s25+$0x17B0]  }
0x49e: {  	[tilespmem:s28+$0xBBD0] =	vst.add.f32.msk $0xffff, v4  }
0x49f: {  	v4 =	vld [tilespmem:s24+$0x1BE0]  }
0x4a0: {  	[tilespmem:s13+$0xB7A0] =	vst.add.f32.msk $0xffff, v5  }
0x4a1: {  	v5 =	vld [tilespmem:s26+$0x17B0]  }
0x4a2: {  	[tilespmem:s13+$0xB830] =	vst.add.f32.msk $0xffff, v3  }
0x4a3: {  	v3 =	vld [tilespmem:s25+$0x17C0]  }
0x4a4: {  	[tilespmem:s28+$0xBBE0] =	vst.add.f32.msk $0xffff, v4  }
0x4a5: {  	v4 =	vld [tilespmem:s24+$0x1BF0]  }
0x4a6: {  	[tilespmem:s13+$0xB7B0] =	vst.add.f32.msk $0xffff, v5  }
0x4a7: {  	v5 =	vld [tilespmem:s26+$0x17C0]  }
0x4a8: {  	[tilespmem:s13+$0xB840] =	vst.add.f32.msk $0xffff, v3  }
0x4a9: {  	v3 =	vld [tilespmem:s25+$0x17D0]  }
0x4aa: {  	[tilespmem:s28+$0xBBF0] =	vst.add.f32.msk $0xffff, v4;
	s28 =	smov.u32 s13  }
0x4ab: {  	v4 =	vld [tilespmem:s24+$0x1F80]  }
0x4ac: {  	[tilespmem:s28+$0xB7C0] =	vst.add.f32.msk $0xffff, v5  }
0x4ad: {  	v5 =	vld [tilespmem:s26+$0x17D0]  }
0x4ae: {  	[tilespmem:s28+$0xB850] =	vst.add.f32.msk $0xffff, v3  }
0x4af: {  	v3 =	vld [tilespmem:s25+$0x17E0]  }
0x4b0: {  	[tilespmem:s1+$0xB380] =	vst.add.f32.msk $0xffff, v4  }
0x4b1: {  	v4 =	vld [tilespmem:s24+$0x1F90]  }
0x4b2: {  	[tilespmem:s28+$0xB7D0] =	vst.add.f32.msk $0xffff, v5  }
0x4b3: {  	v5 =	vld [tilespmem:s26+$0x17E0]  }
0x4b4: {  	[tilespmem:s28+$0xB860] =	vst.add.f32.msk $0xffff, v3  }
0x4b5: {  	v3 =	vld [tilespmem:s25+$0x17F0]  }
0x4b6: {  	[tilespmem:s14+$0xB380] =	vst.add.f32.msk $0xffff, v4  }
0x4b7: {  	v4 =	vld [tilespmem:s24+$0x1FA0]  }
0x4b8: {  	[tilespmem:s28+$0xB7E0] =	vst.add.f32.msk $0xffff, v5  }
0x4b9: {  	v5 =	vld [tilespmem:s26+$0x17F0]  }
0x4ba: {  	[tilespmem:s28+$0xB870] =	vst.add.f32.msk $0xffff, v3  }
0x4bb: {  	v3 =	vld [tilespmem:s25+$0x1B80]  }
0x4bc: {  	[tilespmem:s2+$0xB380] =	vst.add.f32.msk $0xffff, v4  }
0x4bd: {  	v6 =	vld [tilespmem:s24+$0x1FB0]  }
0x4be: {  	[tilespmem:s28+$0xB7F0] =	vst.add.f32.msk $0xffff, v5  }
0x4bf: {  	v5 =	vld [tilespmem:s26+$0x1B80]  }
.Ltmp2:
0x4c0: {  	[tilespmem:s28+$0xBC00] =	vst.add.f32.msk $0xffff, v3;
	(pc) =	sbr.rel @p0 .LBB2_6-.Ltmp2, $4  }
0x4c1: {  	v4 =	vld [tilespmem:s25+$0x1B90]  }
0x4c2: {  	[tilespmem:s12+$0xB380] =	vst.add.f32.msk $0xffff, v6  }
0x4c3: {  	v3 =	vld [tilespmem:s24+$0x1FC0]  }
0x4c4: {  	s9 =	sadd.s32 $0x2, s9;
	[tilespmem:s28+$0xBB80] =	vst.add.f32.msk $0xffff, v5  }
0x4c5: {  	v5 =	vld [tilespmem:s26+$0x1B90];
	_ =	sdelay $0x2  }
0x4c6: {  	[tilespmem:s28+$0xBC10] =	vst.add.f32.msk $0xffff, v4  }
0x4c7: {  	v4 =	vld [tilespmem:s25+$0x1BA0]  }
0x4c8: {  	[tilespmem:s28+$0xBB90] =	vst.add.f32.msk $0xffff, v5  }
0x4c9: {  	v5 =	vld [tilespmem:s26+$0x1BA0];
	_ =	sdelay $0x2  }
0x4ca: {  	[tilespmem:s28+$0xBC20] =	vst.add.f32.msk $0xffff, v4  }
0x4cb: {  	v4 =	vld [tilespmem:s25+$0x1BB0]  }
0x4cc: {  	[tilespmem:s28+$0xBBA0] =	vst.add.f32.msk $0xffff, v5  }
0x4cd: {  	v5 =	vld [tilespmem:s26+$0x1BB0];
	_ =	sdelay $0x2  }
0x4ce: {  	[tilespmem:s28+$0xBC30] =	vst.add.f32.msk $0xffff, v4  }
0x4cf: {  	v4 =	vld [tilespmem:s25+$0x1BC0]  }
0x4d0: {  	[tilespmem:s28+$0xBBB0] =	vst.add.f32.msk $0xffff, v5  }
0x4d1: {  	v5 =	vld [tilespmem:s26+$0x1BC0];
	_ =	sdelay $0x2  }
0x4d2: {  	[tilespmem:s28+$0xBC40] =	vst.add.f32.msk $0xffff, v4  }
0x4d3: {  	v4 =	vld [tilespmem:s25+$0x1BD0]  }
0x4d4: {  	[tilespmem:s28+$0xBBC0] =	vst.add.f32.msk $0xffff, v5  }
0x4d5: {  	v5 =	vld [tilespmem:s26+$0x1BD0];
	_ =	sdelay $0x2  }
0x4d6: {  	[tilespmem:s28+$0xBC50] =	vst.add.f32.msk $0xffff, v4  }
0x4d7: {  	v4 =	vld [tilespmem:s25+$0x1BE0]  }
0x4d8: {  	[tilespmem:s28+$0xBBD0] =	vst.add.f32.msk $0xffff, v5  }
0x4d9: {  	v5 =	vld [tilespmem:s26+$0x1BE0];
	_ =	sdelay $0x2  }
0x4da: {  	[tilespmem:s28+$0xBC60] =	vst.add.f32.msk $0xffff, v4  }
0x4db: {  	v4 =	vld [tilespmem:s25+$0x1BF0]  }
0x4dc: {  	[tilespmem:s28+$0xBBE0] =	vst.add.f32.msk $0xffff, v5  }
0x4dd: {  	v5 =	vld [tilespmem:s26+$0x1BF0];
	_ =	sdelay $0x2  }
0x4de: {  	s1 =	sadd.s32 $0x1, s23;
	[tilespmem:s28+$0xBC70] =	vst.add.f32.msk $0xffff, v4  }
0x4df: {  	s1 =	sand.u32 $0x3, s1;
	v4 =	vld [tilespmem:s25+$0x1F80]  }
0x4e0: {  	s1 =	sshll.u32 s1, $0x8;
	[tilespmem:s28+$0xBBF0] =	vst.add.f32.msk $0xffff, v5  }
0x4e1: {  	s0 =	sadd.s32 s1, s0;
	v5 =	vld [tilespmem:s26+$0x1F80]  }
0x4e2: {  	s1 =	sadd.s32 $0x80, s0  }
0x4e3: {  	s2 =	sor.u32 $0xC00, s1  }
0x4e4: {  	[tilespmem:s2+$0xB380] =	vst.add.f32.msk $0xffff, v4  }
0x4e5: {  	s20 =	sor.u32 $0xC00, s0;
	v4 =	vld [tilespmem:s25+$0x1F90]  }
0x4e6: {  	[tilespmem:s20+$0xB380] =	vst.add.f32.msk $0xffff, v5  }
0x4e7: {  	v5 =	vld [tilespmem:s26+$0x1F90];
	_ =	sdelay $0x1  }
0x4e8: {  	s21 =	sor.u32 $0xC10, s1  }
0x4e9: {  	[tilespmem:s21+$0xB380] =	vst.add.f32.msk $0xffff, v4  }
0x4ea: {  	s22 =	sor.u32 $0xC10, s0;
	v4 =	vld [tilespmem:s25+$0x1FA0]  }
0x4eb: {  	[tilespmem:s22+$0xB380] =	vst.add.f32.msk $0xffff, v5  }
0x4ec: {  	v5 =	vld [tilespmem:s26+$0x1FA0];
	_ =	sdelay $0x1  }
0x4ed: {  	s23 =	sor.u32 $0xC20, s1  }
0x4ee: {  	[tilespmem:s23+$0xB380] =	vst.add.f32.msk $0xffff, v4  }
0x4ef: {  	s31 =	sor.u32 $0xC20, s0;
	v4 =	vld [tilespmem:s25+$0x1FB0]  }
0x4f0: {  	[tilespmem:s31+$0xB380] =	vst.add.f32.msk $0xffff, v5  }
0x4f1: {  	v5 =	vld [tilespmem:s26+$0x1FB0];
	_ =	sdelay $0x1  }
0x4f2: {  	s4 =	sor.u32 $0xC30, s1  }
0x4f3: {  	[tilespmem:s4+$0xB380] =	vst.add.f32.msk $0xffff, v4  }
0x4f4: {  	s5 =	sor.u32 $0xC30, s0;
	v4 =	vld [tilespmem:s25+$0x1FC0]  }
0x4f5: {  	[tilespmem:s5+$0xB380] =	vst.add.f32.msk $0xffff, v5  }
0x4f6: {  	v5 =	vld [tilespmem:s26+$0x1FC0]  }
0x4f7: {  	[tilespmem:s11+$0xB380] =	vst.add.f32.msk $0xffff, v3  }
0x4f8: {  	v3 =	vld [tilespmem:s24+$0x1FD0];
	s6 =	sor.u32 $0xC40, s1  }
0x4f9: {  	[tilespmem:s6+$0xB380] =	vst.add.f32.msk $0xffff, v4  }
0x4fa: {  	s7 =	sor.u32 $0xC40, s0;
	v4 =	vld [tilespmem:s25+$0x1FD0]  }
0x4fb: {  	[tilespmem:s7+$0xB380] =	vst.add.f32.msk $0xffff, v5  }
0x4fc: {  	v5 =	vld [tilespmem:s26+$0x1FD0]  }
0x4fd: {  	[tilespmem:s8+$0xB380] =	vst.add.f32.msk $0xffff, v3  }
0x4fe: {  	s9 =	sor.u32 $0xC50, s1;
	v3 =	vld [tilespmem:s24+$0x1FE0]  }
0x4ff: {  	[tilespmem:s9+$0xB380] =	vst.add.f32.msk $0xffff, v4  }
0x500: {  	s11 =	sor.u32 $0xC50, s0;
	v4 =	vld [tilespmem:s25+$0x1FE0]  }
0x501: {  	[tilespmem:s11+$0xB380] =	vst.add.f32.msk $0xffff, v5  }
0x502: {  	v5 =	vld [tilespmem:s26+$0x1FE0]  }
0x503: {  	[tilespmem:s10+$0xB380] =	vst.add.f32.msk $0xffff, v3  }
0x504: {  	s12 =	sor.u32 $0xC60, s1;
	v3 =	vld [tilespmem:s24+$0x1FF0]  }
0x505: {  	[tilespmem:s12+$0xB380] =	vst.add.f32.msk $0xffff, v4  }
0x506: {  	s13 =	sor.u32 $0xC60, s0;
	v4 =	vld [tilespmem:s25+$0x1FF0]  }
0x507: {  	[tilespmem:s13+$0xB380] =	vst.add.f32.msk $0xffff, v5  }
0x508: {  	v5 =	vld [tilespmem:s26+$0x1FF0];
	_ =	sdelay $0x2  }
0x509: {  	s1 =	sor.u32 $0xC70, s1;
	[tilespmem:s3+$0xB380] =	vst.add.f32.msk $0xffff, v3  }
0x50a: {  	s0 =	sor.u32 $0xC70, s0;
	[tilespmem:s1+$0xB380] =	vst.add.f32.msk $0xffff, v4  }
0x50b: {  	s18 =	simm.s32 $0x0;
	[tilespmem:s0+$0xB380] =	vst.add.f32.msk $0xffff, v5  }
0x50c: {  	s14 =	simm.s32 $0xB380;
	s15 =	simm.s32 $0x3;
	s0 =	rddreg [dreg:$0x12]  }
0x50d: {  	[hbm4b:s0+s18] =	stream.linear.scatter [tilespmem:s14], [sflag:$0x5], $0x8000, $0x38;
	[tilespmem:$0x1B380] =	vst v63  }
0x50e: {  	_ =	swait.ge [sflag:s15], $0x8000  }
0x50f: {  	[sflag:s15] =	ssyncset.done $0x0  }
0x510: {  	s16 =	simm.s32 $0x181;
	[sflag:s15] =	ssyncadd.s32 $0xFFFF8000  }
0x511: {  	v3 =	vld [tilespmem:s16+$0x0];
	_ =	sdelay $0x1  }
0x512: {  	v4 =	vld [tilespmem:s16+$0xFFFFFFFF];
	_ =	sdelay $0x2  }
0x513: {  	(v2sf) =	vpush v3, $0x0;
	_ =	sdelay $0x1  }
0x514: {  	(v2sf) =	vpush v4, $0x0;
	_ =	sdelay $0xc  }
0x515: {  	s17 =	spop (v2sf)  }
0x516: {  	s19 =	sshll.u32 s17, $0x9;
	s0 =	sshll.u32 s17, $0x7  }
0x517: {  	s20 =	spop (v2sf);
	s1 =	sand.u32 $0xFFFFF000, s19;
	s0 =	sand.u32 $0x380, s0  }
0x518: {  	s21 =	sshll.u32 s20, $0x9;
	s3 =	sor.u32 s0, s1;
	s0 =	sshll.u32 s20, $0x7  }
0x519: {  	s1 =	sand.u32 $0xFFFFF000, s21;
	v3 =	vld [tilespmem:s3+$0x1380];
	s0 =	sand.u32 $0x380, s0  }
0x51a: {  	s23 =	sor.u32 s0, s1  }
0x51b: {  	s22 =	sand.u32 $0x7000, s18;
	s4 =	sand.u32 $0x300, s18;
	v4 =	vld [tilespmem:s23+$0x1380]  }
0x51c: {  	s24 =	sor.u32 s4, s22  }
0x51d: {  	s0 =	sadd.s32 $0x13380, s24  }
0x51e: {  	[tilespmem:s0+$0x80] =	vst.add.f32.msk $0xffff, v3  }
0x51f: {  	v3 =	vld [tilespmem:s3+$0x1390]  }
0x520: {  	[tilespmem:s24+$0x13380] =	vst.add.f32.msk $0xffff, v4  }
0x521: {  	v4 =	vld [tilespmem:s23+$0x1390];
	_ =	sdelay $0x2  }
0x522: {  	[tilespmem:s0+$0x90] =	vst.add.f32.msk $0xffff, v3  }
0x523: {  	s25 =	sor.u32 $0x10, s0;
	v3 =	vld [tilespmem:s3+$0x13A0]  }
0x524: {  	[tilespmem:s25+$0x0] =	vst.add.f32.msk $0xffff, v4  }
0x525: {  	v4 =	vld [tilespmem:s23+$0x13A0];
	_ =	sdelay $0x2  }
0x526: {  	[tilespmem:s0+$0xA0] =	vst.add.f32.msk $0xffff, v3  }
0x527: {  	s26 =	sor.u32 $0x20, s0;
	v3 =	vld [tilespmem:s3+$0x13B0]  }
0x528: {  	[tilespmem:s26+$0x0] =	vst.add.f32.msk $0xffff, v4  }
0x529: {  	v4 =	vld [tilespmem:s23+$0x13B0];
	_ =	sdelay $0x2  }
0x52a: {  	[tilespmem:s0+$0xB0] =	vst.add.f32.msk $0xffff, v3  }
0x52b: {  	s31 =	sor.u32 $0x30, s0;
	v3 =	vld [tilespmem:s3+$0x13C0]  }
0x52c: {  	[tilespmem:s31+$0x0] =	vst.add.f32.msk $0xffff, v4  }
0x52d: {  	v4 =	vld [tilespmem:s23+$0x13C0];
	_ =	sdelay $0x2  }
0x52e: {  	[tilespmem:s0+$0xC0] =	vst.add.f32.msk $0xffff, v3  }
0x52f: {  	s2 =	sor.u32 $0x40, s0;
	v3 =	vld [tilespmem:s3+$0x13D0]  }
0x530: {  	[tilespmem:s2+$0x0] =	vst.add.f32.msk $0xffff, v4  }
0x531: {  	v4 =	vld [tilespmem:s23+$0x13D0];
	_ =	sdelay $0x2  }
0x532: {  	[tilespmem:s0+$0xD0] =	vst.add.f32.msk $0xffff, v3  }
0x533: {  	s4 =	sor.u32 $0x50, s0;
	v3 =	vld [tilespmem:s3+$0x13E0]  }
0x534: {  	[tilespmem:s4+$0x0] =	vst.add.f32.msk $0xffff, v4  }
0x535: {  	v4 =	vld [tilespmem:s23+$0x13E0];
	_ =	sdelay $0x2  }
0x536: {  	[tilespmem:s0+$0xE0] =	vst.add.f32.msk $0xffff, v3  }
0x537: {  	s5 =	sor.u32 $0x60, s0;
	v3 =	vld [tilespmem:s3+$0x13F0]  }
0x538: {  	[tilespmem:s5+$0x0] =	vst.add.f32.msk $0xffff, v4  }
0x539: {  	v4 =	vld [tilespmem:s23+$0x13F0];
	_ =	sdelay $0x2  }
0x53a: {  	[tilespmem:s0+$0xF0] =	vst.add.f32.msk $0xffff, v3  }
0x53b: {  	s6 =	sor.u32 $0x70, s0;
	v3 =	vld [tilespmem:s3+$0x1780]  }
0x53c: {  	[tilespmem:s6+$0x0] =	vst.add.f32.msk $0xffff, v4  }
0x53d: {  	v4 =	vld [tilespmem:s23+$0x1780];
	_ =	sdelay $0x2  }
0x53e: {  	[tilespmem:s0+$0x480] =	vst.add.f32.msk $0xffff, v3  }
0x53f: {  	v3 =	vld [tilespmem:s3+$0x1790]  }
0x540: {  	[tilespmem:s0+$0x400] =	vst.add.f32.msk $0xffff, v4  }
0x541: {  	v4 =	vld [tilespmem:s23+$0x1790];
	_ =	sdelay $0x2  }
0x542: {  	[tilespmem:s0+$0x490] =	vst.add.f32.msk $0xffff, v3  }
0x543: {  	v3 =	vld [tilespmem:s3+$0x17A0]  }
0x544: {  	[tilespmem:s0+$0x410] =	vst.add.f32.msk $0xffff, v4  }
0x545: {  	v4 =	vld [tilespmem:s23+$0x17A0];
	_ =	sdelay $0x2  }
0x546: {  	[tilespmem:s0+$0x4A0] =	vst.add.f32.msk $0xffff, v3  }
0x547: {  	v3 =	vld [tilespmem:s3+$0x17B0]  }
0x548: {  	[tilespmem:s0+$0x420] =	vst.add.f32.msk $0xffff, v4  }
0x549: {  	v4 =	vld [tilespmem:s23+$0x17B0];
	_ =	sdelay $0x2  }
0x54a: {  	[tilespmem:s0+$0x4B0] =	vst.add.f32.msk $0xffff, v3  }
0x54b: {  	v3 =	vld [tilespmem:s3+$0x17C0]  }
0x54c: {  	[tilespmem:s0+$0x430] =	vst.add.f32.msk $0xffff, v4  }
0x54d: {  	v4 =	vld [tilespmem:s23+$0x17C0];
	_ =	sdelay $0x2  }
0x54e: {  	[tilespmem:s0+$0x4C0] =	vst.add.f32.msk $0xffff, v3  }
0x54f: {  	v3 =	vld [tilespmem:s3+$0x17D0]  }
0x550: {  	[tilespmem:s0+$0x440] =	vst.add.f32.msk $0xffff, v4  }
0x551: {  	v4 =	vld [tilespmem:s23+$0x17D0];
	_ =	sdelay $0x2  }
0x552: {  	[tilespmem:s0+$0x4D0] =	vst.add.f32.msk $0xffff, v3  }
0x553: {  	v3 =	vld [tilespmem:s3+$0x17E0]  }
0x554: {  	[tilespmem:s0+$0x450] =	vst.add.f32.msk $0xffff, v4  }
0x555: {  	v4 =	vld [tilespmem:s23+$0x17E0];
	_ =	sdelay $0x2  }
0x556: {  	[tilespmem:s0+$0x4E0] =	vst.add.f32.msk $0xffff, v3  }
0x557: {  	v3 =	vld [tilespmem:s3+$0x17F0]  }
0x558: {  	[tilespmem:s0+$0x460] =	vst.add.f32.msk $0xffff, v4  }
0x559: {  	v4 =	vld [tilespmem:s23+$0x17F0];
	_ =	sdelay $0x2  }
0x55a: {  	[tilespmem:s0+$0x4F0] =	vst.add.f32.msk $0xffff, v3  }
0x55b: {  	v3 =	vld [tilespmem:s3+$0x1B80]  }
0x55c: {  	[tilespmem:s0+$0x470] =	vst.add.f32.msk $0xffff, v4  }
0x55d: {  	v4 =	vld [tilespmem:s23+$0x1B80];
	_ =	sdelay $0x2  }
0x55e: {  	[tilespmem:s0+$0x880] =	vst.add.f32.msk $0xffff, v3  }
0x55f: {  	s7 =	sor.u32 $0x800, s0;
	v3 =	vld [tilespmem:s3+$0x1B90]  }
0x560: {  	s8 =	simm.s32 $0x183;
	[tilespmem:s7+$0x0] =	vst.add.f32.msk $0xffff, v4  }
0x561: {  	v4 =	vld [tilespmem:s8+$0x0]  }
0x562: {  	v5 =	vld [tilespmem:s8+$0xFFFFFFFF]  }
0x563: {  	v6 =	vld [tilespmem:s23+$0x1B90]  }
0x564: {  	[tilespmem:s0+$0x890] =	vst.add.f32.msk $0xffff, v3  }
0x565: {  	v3 =	vld [tilespmem:s3+$0x1BA0]  }
0x566: {  	(v2sf) =	vpush v4, $0x0  }
0x567: {  	s9 =	sor.u32 $0x810, s0  }
0x568: {  	(v2sf) =	vpush v5, $0x0;
	[tilespmem:s9+$0x0] =	vst.add.f32.msk $0xffff, v6  }
0x569: {  	v4 =	vld [tilespmem:s23+$0x1BA0]  }
0x56a: {  	[tilespmem:s0+$0x8A0] =	vst.add.f32.msk $0xffff, v3  }
0x56b: {  	v3 =	vld [tilespmem:s3+$0x1BB0];
	_ =	sdelay $0x1  }
0x56c: {  	s10 =	sor.u32 $0x820, s0  }
0x56d: {  	[tilespmem:s10+$0x0] =	vst.add.f32.msk $0xffff, v4  }
0x56e: {  	v4 =	vld [tilespmem:s23+$0x1BB0]  }
0x56f: {  	[tilespmem:s0+$0x8B0] =	vst.add.f32.msk $0xffff, v3  }
0x570: {  	v3 =	vld [tilespmem:s3+$0x1BC0];
	_ =	sdelay $0x1  }
0x571: {  	s11 =	sor.u32 $0x830, s0  }
0x572: {  	[tilespmem:s11+$0x0] =	vst.add.f32.msk $0xffff, v4  }
0x573: {  	v4 =	vld [tilespmem:s23+$0x1BC0];
	s12 =	spop (v2sf)  }
0x574: {  	s13 =	sshll.u32 s12, $0x9;
	s2 =	sshll.u32 s12, $0x7;
	[tilespmem:s0+$0x8C0] =	vst.add.f32.msk $0xffff, v3  }
0x575: {  	s15 =	spop (v2sf);
	s14 =	sand.u32 $0xFFFFF000, s13;
	s2 =	sand.u32 $0x380, s2;
	v3 =	vld [tilespmem:s3+$0x1BD0]  }
0x576: {  	s17 =	sshll.u32 s15, $0x9;
	s1 =	sshll.u32 s15, $0x7;
	s25 =	sor.u32 s2, s14  }
0x577: {  	s16 =	sor.u32 $0x840, s0;
	s4 =	sand.u32 $0xFFFFF000, s17;
	s1 =	sand.u32 $0x380, s1;
	v5 =	vld [tilespmem:s25+$0x1380]  }
0x578: {  	s29 =	simm.s32 $0x100;
	s30 =	simm.s32 $0x400;
	s26 =	sor.u32 s1, s4;
	[tilespmem:s16+$0x0] =	vst.add.f32.msk $0xffff, v4  }
0x579: {  	s5 =	sand.u32 $0x7000, s30;
	s6 =	sand.u32 $0x300, s29;
	v4 =	vld [tilespmem:s26+$0x1380]  }
0x57a: {  	s19 =	sor.u32 s6, s5;
	[tilespmem:s0+$0x8D0] =	vst.add.f32.msk $0xffff, v3  }
0x57b: {  	s28 =	sadd.s32 $0x13380, s19;
	v3 =	vld [tilespmem:s3+$0x1BE0]  }
0x57c: {  	[tilespmem:s28+$0x80] =	vst.add.f32.msk $0xffff, v5  }
0x57d: {  	v5 =	vld [tilespmem:s25+$0x1390]  }
0x57e: {  	[tilespmem:s19+$0x13380] =	vst.add.f32.msk $0xffff, v4  }
0x57f: {  	v4 =	vld [tilespmem:s26+$0x1390]  }
0x580: {  	[tilespmem:s0+$0x8E0] =	vst.add.f32.msk $0xffff, v3  }
0x581: {  	v3 =	vld [tilespmem:s3+$0x1BF0]  }
0x582: {  	[tilespmem:s28+$0x90] =	vst.add.f32.msk $0xffff, v5  }
0x583: {  	s20 =	sor.u32 $0x10, s28;
	v5 =	vld [tilespmem:s25+$0x13A0]  }
0x584: {  	[tilespmem:s20+$0x0] =	vst.add.f32.msk $0xffff, v4  }
0x585: {  	v4 =	vld [tilespmem:s26+$0x13A0]  }
0x586: {  	[tilespmem:s0+$0x8F0] =	vst.add.f32.msk $0xffff, v3  }
0x587: {  	s21 =	sand.u32 $0x3, s18;
	v3 =	vld [tilespmem:s3+$0x1F80]  }
0x588: {  	s22 =	sshll.u32 s21, $0x8;
	[tilespmem:s28+$0xA0] =	vst.add.f32.msk $0xffff, v5  }
0x589: {  	s5 =	sor.u32 $0x20, s28;
	s1 =	sadd.s32 $0x0, s22;
	v5 =	vld [tilespmem:s25+$0x13B0]  }
0x58a: {  	s24 =	sadd.s32 $0x80, s1;
	[tilespmem:s5+$0x0] =	vst.add.f32.msk $0xffff, v4  }
0x58b: {  	s31 =	sor.u32 $0xC00, s24;
	v4 =	vld [tilespmem:s26+$0x13B0]  }
0x58c: {  	[tilespmem:s31+$0x13380] =	vst.add.f32.msk $0xffff, v3  }
0x58d: {  	v3 =	vld [tilespmem:s3+$0x1F90]  }
0x58e: {  	[tilespmem:s28+$0xB0] =	vst.add.f32.msk $0xffff, v5  }
0x58f: {  	s7 =	sor.u32 $0x30, s28;
	v5 =	vld [tilespmem:s25+$0x13C0]  }
0x590: {  	[tilespmem:s7+$0x0] =	vst.add.f32.msk $0xffff, v4  }
0x591: {  	s6 =	sor.u32 $0xC10, s24;
	v4 =	vld [tilespmem:s26+$0x13C0]  }
0x592: {  	[tilespmem:s6+$0x13380] =	vst.add.f32.msk $0xffff, v3  }
0x593: {  	v3 =	vld [tilespmem:s3+$0x1FA0]  }
0x594: {  	[tilespmem:s28+$0xC0] =	vst.add.f32.msk $0xffff, v5  }
0x595: {  	s9 =	sor.u32 $0x40, s28;
	v5 =	vld [tilespmem:s25+$0x13D0]  }
0x596: {  	[tilespmem:s9+$0x0] =	vst.add.f32.msk $0xffff, v4  }
0x597: {  	s8 =	sor.u32 $0xC20, s24;
	v4 =	vld [tilespmem:s26+$0x13D0]  }
0x598: {  	[tilespmem:s8+$0x13380] =	vst.add.f32.msk $0xffff, v3  }
0x599: {  	v3 =	vld [tilespmem:s3+$0x1FB0]  }
0x59a: {  	[tilespmem:s28+$0xD0] =	vst.add.f32.msk $0xffff, v5  }
0x59b: {  	s11 =	sor.u32 $0x50, s28;
	v5 =	vld [tilespmem:s25+$0x13E0]  }
0x59c: {  	[tilespmem:s11+$0x0] =	vst.add.f32.msk $0xffff, v4  }
0x59d: {  	s10 =	sor.u32 $0xC30, s24;
	v4 =	vld [tilespmem:s26+$0x13E0]  }
0x59e: {  	[tilespmem:s10+$0x13380] =	vst.add.f32.msk $0xffff, v3  }
0x59f: {  	v3 =	vld [tilespmem:s3+$0x1FC0]  }
0x5a0: {  	[tilespmem:s28+$0xE0] =	vst.add.f32.msk $0xffff, v5  }
0x5a1: {  	s13 =	sor.u32 $0x60, s28;
	v5 =	vld [tilespmem:s25+$0x13F0]  }
0x5a2: {  	[tilespmem:s13+$0x0] =	vst.add.f32.msk $0xffff, v4  }
0x5a3: {  	s12 =	sor.u32 $0xC40, s24;
	v4 =	vld [tilespmem:s26+$0x13F0]  }
0x5a4: {  	[tilespmem:s12+$0x13380] =	vst.add.f32.msk $0xffff, v3  }
0x5a5: {  	v3 =	vld [tilespmem:s3+$0x1FD0]  }
0x5a6: {  	[tilespmem:s28+$0xF0] =	vst.add.f32.msk $0xffff, v5  }
0x5a7: {  	s15 =	sor.u32 $0x70, s28;
	v5 =	vld [tilespmem:s25+$0x1780]  }
0x5a8: {  	[tilespmem:s15+$0x0] =	vst.add.f32.msk $0xffff, v4  }
0x5a9: {  	s14 =	sor.u32 $0xC50, s24;
	v4 =	vld [tilespmem:s26+$0x1780]  }
0x5aa: {  	[tilespmem:s14+$0x13380] =	vst.add.f32.msk $0xffff, v3  }
0x5ab: {  	v3 =	vld [tilespmem:s3+$0x1FE0]  }
0x5ac: {  	[tilespmem:s28+$0x480] =	vst.add.f32.msk $0xffff, v5  }
0x5ad: {  	v5 =	vld [tilespmem:s25+$0x1790]  }
0x5ae: {  	[tilespmem:s28+$0x400] =	vst.add.f32.msk $0xffff, v4  }
0x5af: {  	s16 =	sor.u32 $0xC60, s24;
	v4 =	vld [tilespmem:s26+$0x1790]  }
0x5b0: {  	[tilespmem:s16+$0x13380] =	vst.add.f32.msk $0xffff, v3  }
0x5b1: {  	v3 =	vld [tilespmem:s3+$0x1FF0]  }
0x5b2: {  	[tilespmem:s28+$0x490] =	vst.add.f32.msk $0xffff, v5  }
0x5b3: {  	v5 =	vld [tilespmem:s25+$0x17A0]  }
0x5b4: {  	[tilespmem:s28+$0x410] =	vst.add.f32.msk $0xffff, v4  }
0x5b5: {  	s2 =	sor.u32 $0xC70, s24;
	v4 =	vld [tilespmem:s26+$0x17A0]  }
0x5b6: {  	[tilespmem:s2+$0x13380] =	vst.add.f32.msk $0xffff, v3  }
0x5b7: {  	v3 =	vld [tilespmem:s23+$0x1BD0]  }
0x5b8: {  	[tilespmem:s28+$0x4A0] =	vst.add.f32.msk $0xffff, v5  }
0x5b9: {  	v5 =	vld [tilespmem:s25+$0x17B0]  }
0x5ba: {  	[tilespmem:s28+$0x420] =	vst.add.f32.msk $0xffff, v4  }
0x5bb: {  	s17 =	sor.u32 $0x850, s0;
	v4 =	vld [tilespmem:s26+$0x17B0]  }
0x5bc: {  	[tilespmem:s17+$0x0] =	vst.add.f32.msk $0xffff, v3  }
0x5bd: {  	v3 =	vld [tilespmem:s23+$0x1BE0]  }
0x5be: {  	[tilespmem:s28+$0x4B0] =	vst.add.f32.msk $0xffff, v5  }
0x5bf: {  	v5 =	vld [tilespmem:s25+$0x17C0]  }
0x5c0: {  	[tilespmem:s28+$0x430] =	vst.add.f32.msk $0xffff, v4  }
0x5c1: {  	s19 =	sor.u32 $0x860, s0;
	v4 =	vld [tilespmem:s26+$0x17C0]  }
0x5c2: {  	[tilespmem:s19+$0x0] =	vst.add.f32.msk $0xffff, v3  }
0x5c3: {  	v3 =	vld [tilespmem:s23+$0x1BF0]  }
0x5c4: {  	[tilespmem:s28+$0x4C0] =	vst.add.f32.msk $0xffff, v5  }
0x5c5: {  	v5 =	vld [tilespmem:s25+$0x17D0]  }
0x5c6: {  	[tilespmem:s28+$0x440] =	vst.add.f32.msk $0xffff, v4  }
0x5c7: {  	s0 =	sor.u32 $0x870, s0;
	v4 =	vld [tilespmem:s26+$0x17D0]  }
0x5c8: {  	[tilespmem:s0+$0x0] =	vst.add.f32.msk $0xffff, v3  }
0x5c9: {  	v3 =	vld [tilespmem:s23+$0x1F80]  }
0x5ca: {  	[tilespmem:s28+$0x4D0] =	vst.add.f32.msk $0xffff, v5  }
0x5cb: {  	v5 =	vld [tilespmem:s25+$0x17E0]  }
0x5cc: {  	[tilespmem:s28+$0x450] =	vst.add.f32.msk $0xffff, v4  }
0x5cd: {  	s20 =	sor.u32 $0xC00, s1;
	v4 =	vld [tilespmem:s26+$0x17E0]  }
0x5ce: {  	[tilespmem:s20+$0x13380] =	vst.add.f32.msk $0xffff, v3  }
0x5cf: {  	v3 =	vld [tilespmem:s23+$0x1F90]  }
0x5d0: {  	[tilespmem:s28+$0x4E0] =	vst.add.f32.msk $0xffff, v5  }
0x5d1: {  	v5 =	vld [tilespmem:s25+$0x17F0]  }
0x5d2: {  	[tilespmem:s28+$0x460] =	vst.add.f32.msk $0xffff, v4  }
0x5d3: {  	s21 =	sor.u32 $0xC10, s1;
	v4 =	vld [tilespmem:s26+$0x17F0]  }
0x5d4: {  	[tilespmem:s21+$0x13380] =	vst.add.f32.msk $0xffff, v3  }
0x5d5: {  	v3 =	vld [tilespmem:s23+$0x1FA0]  }
0x5d6: {  	[tilespmem:s28+$0x4F0] =	vst.add.f32.msk $0xffff, v5  }
0x5d7: {  	v5 =	vld [tilespmem:s25+$0x1B80]  }
0x5d8: {  	[tilespmem:s28+$0x470] =	vst.add.f32.msk $0xffff, v4  }
0x5d9: {  	s22 =	sor.u32 $0xC20, s1;
	v6 =	vld [tilespmem:s26+$0x1B80]  }
0x5da: {  	[tilespmem:s22+$0x13380] =	vst.add.f32.msk $0xffff, v3  }
0x5db: {  	v3 =	vld [tilespmem:s23+$0x1FB0]  }
0x5dc: {  	s4 =	sor.u32 $0x860, s28  }
0x5dd: {  	s24 =	sor.u32 $0x800, s28;
	s31 =	sor.u32 $0xC30, s1;
	s6 =	simm.s32 $0x2;
	[tilespmem:s28+$0x880] =	vst.add.f32.msk $0xffff, v5  }
0x5de: {  	s8 =	sor.u32 $0xC50, s1;
	s11 =	simm.s32 $0x185;
	s10 =	sor.u32 $0xC70, s1;
	v4 =	vld [tilespmem:s25+$0x1B90]  }
0x5df: {  	s13 =	sor.u32 $0x830, s28;
	s12 =	sor.u32 $0xC60, s1;
	s14 =	sor.u32 $0x820, s28;
	[tilespmem:s24+$0x0] =	vst.add.f32.msk $0xffff, v6  }
0x5e0: {  	s3 =	sor.u32 $0x870, s28;
	s17 =	sor.u32 $0x850, s28;
	s19 =	sor.u32 $0x840, s28;
	[tilespmem:s31+$0x13380] =	vst.add.f32.msk $0xffff, v3  }
0x5e1: {  	s20 =	sor.u32 $0x810, s28;
	s21 =	sor.u32 $0xC40, s1;
	s24 =	simm.s32 $0x400;
	v3 =	vld [tilespmem:s23+$0x1FC0]  }
.LBB2_8:
0x5e2: {  	v5 =	vld [tilespmem:s11+$0x0]  }
0x5e3: {  	[tilespmem:s28+$0x890] =	vst.add.f32.msk $0xffff, v4  }
0x5e4: {  	v4 =	vld [tilespmem:s25+$0x1BA0]  }
0x5e5: {  	v6 =	vld [tilespmem:s11+$0xFFFFFFFF]  }
0x5e6: {  	v7 =	vld [tilespmem:s26+$0x1B90]  }
0x5e7: {  	[tilespmem:s21+$0x13380] =	vst.add.f32.msk $0xffff, v3;
	(v2sf) =	vpush v5, $0x0  }
0x5e8: {  	v3 =	vld [tilespmem:s23+$0x1FD0]  }
0x5e9: {  	[tilespmem:s28+$0x8A0] =	vst.add.f32.msk $0xffff, v4  }
0x5ea: {  	v4 =	vld [tilespmem:s25+$0x1BB0]  }
0x5eb: {  	[tilespmem:s20+$0x0] =	vst.add.f32.msk $0xffff, v7;
	(v2sf) =	vpush v6, $0x0  }
0x5ec: {  	v5 =	vld [tilespmem:s26+$0x1BA0]  }
0x5ed: {  	[tilespmem:s8+$0x13380] =	vst.add.f32.msk $0xffff, v3  }
0x5ee: {  	v3 =	vld [tilespmem:s23+$0x1FE0]  }
0x5ef: {  	[tilespmem:s28+$0x8B0] =	vst.add.f32.msk $0xffff, v4  }
0x5f0: {  	v4 =	vld [tilespmem:s25+$0x1BC0]  }
0x5f1: {  	[tilespmem:s14+$0x0] =	vst.add.f32.msk $0xffff, v5  }
0x5f2: {  	v5 =	vld [tilespmem:s26+$0x1BB0]  }
0x5f3: {  	[tilespmem:s12+$0x13380] =	vst.add.f32.msk $0xffff, v3  }
0x5f4: {  	v3 =	vld [tilespmem:s23+$0x1FF0]  }
0x5f5: {  	[tilespmem:s28+$0x8C0] =	vst.add.f32.msk $0xffff, v4  }
0x5f6: {  	s0 =	spop (v2sf);
	v4 =	vld [tilespmem:s25+$0x1BD0]  }
0x5f7: {  	s23 =	smov.u32 s26;
	[tilespmem:s13+$0x0] =	vst.add.f32.msk $0xffff, v5;
	s1 =	sshll.u32 s0, $0x9;
	s0 =	sshll.u32 s0, $0x7  }
0x5f8: {  	v5 =	vld [tilespmem:s23+$0x1BC0];
	s1 =	sand.u32 $0xFFFFF000, s1;
	s0 =	sand.u32 $0x380, s0  }
0x5f9: {  	[dreg:$0x7] =	wrdreg s4;
	[tilespmem:s10+$0x13380] =	vst.add.f32.msk $0xffff, v3;
	s4 =	sor.u32 s0, s1  }
0x5fa: {  	s29 =	sadd.s32 $0x100, s29;
	s30 =	sadd.s32 $0x400, s30;
	s7 =	spop (v2sf);
	v3 =	vld [tilespmem:s4+$0x1380]  }
0x5fb: {  	s2 =	sand.u32 $0x7000, s30;
	s8 =	sshll.u32 s7, $0x9;
	s0 =	sshll.u32 s7, $0x7;
	[tilespmem:s28+$0x8D0] =	vst.add.f32.msk $0xffff, v4  }
0x5fc: {  	s5 =	sand.u32 $0x300, s29;
	s1 =	sand.u32 $0xFFFFF000, s8;
	s0 =	sand.u32 $0x380, s0;
	v4 =	vld [tilespmem:s25+$0x1BE0]  }
0x5fd: {  	s9 =	sor.u32 s5, s2;
	[tilespmem:s19+$0x0] =	vst.add.f32.msk $0xffff, v5;
	s26 =	sor.u32 s0, s1  }
0x5fe: {  	s10 =	sadd.s32 $0x13380, s9;
	v5 =	vld [tilespmem:s26+$0x1380]  }
0x5ff: {  	[tilespmem:s10+$0x80] =	vst.add.f32.msk $0xffff, v3  }
0x600: {  	v3 =	vld [tilespmem:s4+$0x1390]  }
0x601: {  	[tilespmem:s28+$0x8E0] =	vst.add.f32.msk $0xffff, v4  }
0x602: {  	v4 =	vld [tilespmem:s25+$0x1BF0]  }
0x603: {  	[dreg:$0x8] =	wrdreg s3;
	s12 =	sor.u32 $0x10, s10;
	[tilespmem:s9+$0x13380] =	vst.add.f32.msk $0xffff, v5  }
0x604: {  	s3 =	sor.u32 $0x20, s10;
	s2 =	sor.u32 $0x40, s10;
	s15 =	sor.u32 $0x50, s10;
	v5 =	vld [tilespmem:s26+$0x1390]  }
0x605: {  	s31 =	sor.u32 $0x60, s10;
	s7 =	sor.u32 $0x70, s10;
	s14 =	sor.u32 $0x800, s10;
	[tilespmem:s10+$0x90] =	vst.add.f32.msk $0xffff, v3  }
0x606: {  	s20 =	sor.u32 $0x810, s10;
	s13 =	sor.u32 $0x830, s10;
	s9 =	sor.u32 $0x870, s10;
	v3 =	vld [tilespmem:s4+$0x13A0]  }
0x607: {  	s19 =	sor.u32 $0x840, s10;
	[dreg:$0xb] =	wrdreg s9;
	s9 =	sadd.s32 $0x1, s18;
	[tilespmem:s28+$0x8F0] =	vst.add.f32.msk $0xffff, v4  }
0x608: {  	s5 =	sor.u32 $0x850, s10;
	[dreg:$0x6] =	wrdreg s14;
	s16 =	sand.u32 $0x3, s9;
	v4 =	vld [tilespmem:s25+$0x1F80]  }
0x609: {  	s14 =	sor.u32 $0x820, s10;
	s0 =	sor.u32 $0x30, s10;
	s8 =	sshll.u32 s16, $0x8;
	[tilespmem:s12+$0x0] =	vst.add.f32.msk $0xffff, v5  }
0x60a: {  	s1 =	sor.u32 $0x860, s10;
	v5 =	vld [tilespmem:s26+$0x13A0];
	s28 =	smov.u32 s10;
	s10 =	sadd.s32 s8, s24  }
0x60b: {  	[tilespmem:s28+$0xA0] =	vst.add.f32.msk $0xffff, v3;
	s16 =	sadd.s32 $0x80, s10;
	s18 =	sor.u32 $0xC20, s10  }
0x60c: {  	v3 =	vld [tilespmem:s4+$0x13B0];
	[dreg:$0xa] =	wrdreg s18;
	s18 =	sor.u32 $0xC00, s16  }
0x60d: {  	[tilespmem:s18+$0x13380] =	vst.add.f32.msk $0xffff, v4  }
0x60e: {  	v4 =	vld [tilespmem:s25+$0x1F90]  }
0x60f: {  	[tilespmem:s3+$0x0] =	vst.add.f32.msk $0xffff, v5  }
0x610: {  	v5 =	vld [tilespmem:s26+$0x13B0]  }
0x611: {  	[tilespmem:s28+$0xB0] =	vst.add.f32.msk $0xffff, v3  }
0x612: {  	s18 =	smov.u32 s9;
	s9 =	sor.u32 $0xC10, s16;
	v3 =	vld [tilespmem:s4+$0x13C0]  }
0x613: {  	[tilespmem:s9+$0x13380] =	vst.add.f32.msk $0xffff, v4  }
0x614: {  	v4 =	vld [tilespmem:s25+$0x1FA0]  }
0x615: {  	[tilespmem:s0+$0x0] =	vst.add.f32.msk $0xffff, v5  }
0x616: {  	v5 =	vld [tilespmem:s26+$0x13C0]  }
0x617: {  	[tilespmem:s28+$0xC0] =	vst.add.f32.msk $0xffff, v3  }
0x618: {  	s3 =	sor.u32 $0xC20, s16;
	v3 =	vld [tilespmem:s4+$0x13D0]  }
0x619: {  	[tilespmem:s3+$0x13380] =	vst.add.f32.msk $0xffff, v4  }
0x61a: {  	v4 =	vld [tilespmem:s25+$0x1FB0]  }
0x61b: {  	[tilespmem:s2+$0x0] =	vst.add.f32.msk $0xffff, v5  }
0x61c: {  	v5 =	vld [tilespmem:s26+$0x13D0]  }
0x61d: {  	[tilespmem:s28+$0xD0] =	vst.add.f32.msk $0xffff, v3  }
0x61e: {  	s9 =	sor.u32 $0xC30, s16;
	v3 =	vld [tilespmem:s4+$0x13E0]  }
0x61f: {  	[tilespmem:s9+$0x13380] =	vst.add.f32.msk $0xffff, v4  }
0x620: {  	v4 =	vld [tilespmem:s25+$0x1FC0]  }
0x621: {  	[tilespmem:s15+$0x0] =	vst.add.f32.msk $0xffff, v5  }
0x622: {  	v5 =	vld [tilespmem:s26+$0x13E0]  }
0x623: {  	[tilespmem:s28+$0xE0] =	vst.add.f32.msk $0xffff, v3  }
0x624: {  	s15 =	sor.u32 $0xC40, s16;
	v3 =	vld [tilespmem:s4+$0x13F0]  }
0x625: {  	[tilespmem:s15+$0x13380] =	vst.add.f32.msk $0xffff, v4  }
0x626: {  	v4 =	vld [tilespmem:s25+$0x1FD0]  }
0x627: {  	[tilespmem:s31+$0x0] =	vst.add.f32.msk $0xffff, v5  }
0x628: {  	v5 =	vld [tilespmem:s26+$0x13F0]  }
0x629: {  	[tilespmem:s28+$0xF0] =	vst.add.f32.msk $0xffff, v3  }
0x62a: {  	s2 =	sor.u32 $0xC50, s16;
	v3 =	vld [tilespmem:s4+$0x1780]  }
0x62b: {  	[tilespmem:s2+$0x13380] =	vst.add.f32.msk $0xffff, v4  }
0x62c: {  	v4 =	vld [tilespmem:s25+$0x1FE0]  }
0x62d: {  	[tilespmem:s7+$0x0] =	vst.add.f32.msk $0xffff, v5  }
0x62e: {  	v5 =	vld [tilespmem:s26+$0x1780]  }
0x62f: {  	[tilespmem:s28+$0x480] =	vst.add.f32.msk $0xffff, v3  }
0x630: {  	s3 =	sor.u32 $0xC60, s16;
	v3 =	vld [tilespmem:s4+$0x1790]  }
0x631: {  	[tilespmem:s3+$0x13380] =	vst.add.f32.msk $0xffff, v4  }
0x632: {  	v4 =	vld [tilespmem:s25+$0x1FF0]  }
0x633: {  	[tilespmem:s28+$0x400] =	vst.add.f32.msk $0xffff, v5  }
0x634: {  	v5 =	vld [tilespmem:s26+$0x1790]  }
0x635: {  	s25 =	smov.u32 s4;
	[tilespmem:s28+$0x490] =	vst.add.f32.msk $0xffff, v3  }
0x636: {  	s4 =	sor.u32 $0xC70, s16;
	v3 =	vld [tilespmem:s25+$0x17A0]  }
0x637: {  	[tilespmem:s4+$0x13380] =	vst.add.f32.msk $0xffff, v4  }
0x638: {  	v4 =	vld [tilespmem:s23+$0x1BD0]  }
0x639: {  	[tilespmem:s28+$0x410] =	vst.add.f32.msk $0xffff, v5  }
0x63a: {  	v5 =	vld [tilespmem:s26+$0x17A0]  }
0x63b: {  	[tilespmem:s28+$0x4A0] =	vst.add.f32.msk $0xffff, v3  }
0x63c: {  	v3 =	vld [tilespmem:s25+$0x17B0]  }
0x63d: {  	[tilespmem:s17+$0x0] =	vst.add.f32.msk $0xffff, v4  }
0x63e: {  	v4 =	vld [tilespmem:s23+$0x1BE0]  }
0x63f: {  	[tilespmem:s28+$0x420] =	vst.add.f32.msk $0xffff, v5  }
0x640: {  	v5 =	vld [tilespmem:s26+$0x17B0]  }
0x641: {  	[tilespmem:s28+$0x4B0] =	vst.add.f32.msk $0xffff, v3  }
0x642: {  	s17 =	smov.u32 s5;
	s5 =	rddreg [dreg:$0x7];
	v3 =	vld [tilespmem:s25+$0x17C0]  }
0x643: {  	[tilespmem:s5+$0x0] =	vst.add.f32.msk $0xffff, v4  }
0x644: {  	v4 =	vld [tilespmem:s23+$0x1BF0]  }
0x645: {  	[tilespmem:s28+$0x430] =	vst.add.f32.msk $0xffff, v5  }
0x646: {  	v5 =	vld [tilespmem:s26+$0x17C0]  }
0x647: {  	[tilespmem:s28+$0x4C0] =	vst.add.f32.msk $0xffff, v3  }
0x648: {  	s7 =	rddreg [dreg:$0x8];
	v3 =	vld [tilespmem:s25+$0x17D0]  }
0x649: {  	[tilespmem:s7+$0x0] =	vst.add.f32.msk $0xffff, v4  }
0x64a: {  	v4 =	vld [tilespmem:s23+$0x1F80]  }
0x64b: {  	[tilespmem:s28+$0x440] =	vst.add.f32.msk $0xffff, v5  }
0x64c: {  	v5 =	vld [tilespmem:s26+$0x17D0]  }
0x64d: {  	[tilespmem:s28+$0x4D0] =	vst.add.f32.msk $0xffff, v3  }
0x64e: {  	s22 =	sor.u32 $0xC00, s10;
	v3 =	vld [tilespmem:s25+$0x17E0]  }
0x64f: {  	[tilespmem:s22+$0x13380] =	vst.add.f32.msk $0xffff, v4  }
0x650: {  	v4 =	vld [tilespmem:s23+$0x1F90]  }
0x651: {  	[tilespmem:s28+$0x450] =	vst.add.f32.msk $0xffff, v5  }
0x652: {  	s8 =	sor.u32 $0xC10, s10;
	v5 =	vld [tilespmem:s26+$0x17E0]  }
0x653: {  	[dreg:$0xc] =	wrdreg s8;
	[tilespmem:s28+$0x4E0] =	vst.add.f32.msk $0xffff, v3  }
0x654: {  	s15 =	rddreg [dreg:$0xc];
	v3 =	vld [tilespmem:s25+$0x17F0]  }
0x655: {  	[tilespmem:s15+$0x13380] =	vst.add.f32.msk $0xffff, v4  }
0x656: {  	v4 =	vld [tilespmem:s23+$0x1FA0]  }
0x657: {  	[tilespmem:s28+$0x460] =	vst.add.f32.msk $0xffff, v5  }
0x658: {  	v5 =	vld [tilespmem:s26+$0x17F0]  }
0x659: {  	[tilespmem:s28+$0x4F0] =	vst.add.f32.msk $0xffff, v3  }
0x65a: {  	s16 =	rddreg [dreg:$0xa];
	v3 =	vld [tilespmem:s25+$0x1B80]  }
0x65b: {  	[tilespmem:s16+$0x13380] =	vst.add.f32.msk $0xffff, v4  }
0x65c: {  	v6 =	vld [tilespmem:s23+$0x1FB0]  }
0x65d: {  	s6 =	sadd.s32 $0x2, s6;
	[tilespmem:s28+$0x470] =	vst.add.f32.msk $0xffff, v5  }
0x65e: {  	p0 =	slt.u32 s6, $0x3E;
	s21 =	sor.u32 $0xC30, s10;
	v5 =	vld [tilespmem:s26+$0x1B80]  }
.Ltmp3:
0x65f: {  	[dreg:$0x9] =	wrdreg s21;
	[tilespmem:s28+$0x880] =	vst.add.f32.msk $0xffff, v3;
	(pc) =	sbr.rel @p0 .LBB2_8-.Ltmp3, $4  }
0x660: {  	s11 =	sadd.s32 $0x2, s11;
	s22 =	rddreg [dreg:$0x9];
	v4 =	vld [tilespmem:s25+$0x1B90]  }
0x661: {  	s24 =	smov.u32 s30;
	s12 =	sor.u32 $0xC60, s10;
	s9 =	rddreg [dreg:$0xb];
	[tilespmem:s22+$0x13380] =	vst.add.f32.msk $0xffff, v6  }
0x662: {  	s21 =	sor.u32 $0xC40, s10;
	s8 =	sor.u32 $0xC50, s10;
	s31 =	rddreg [dreg:$0x6];
	v3 =	vld [tilespmem:s23+$0x1FC0]  }
0x663: {  	s10 =	sor.u32 $0xC70, s10;
	s3 =	smov.u32 s9;
	s4 =	smov.u32 s1;
	[tilespmem:s31+$0x0] =	vst.add.f32.msk $0xffff, v5  }
0x664: {  	v5 =	vld [tilespmem:s26+$0x1B90];
	_ =	sdelay $0x2  }
0x665: {  	[tilespmem:s28+$0x890] =	vst.add.f32.msk $0xffff, v4  }
0x666: {  	v4 =	vld [tilespmem:s25+$0x1BA0]  }
0x667: {  	[tilespmem:s20+$0x0] =	vst.add.f32.msk $0xffff, v5  }
0x668: {  	v5 =	vld [tilespmem:s26+$0x1BA0];
	_ =	sdelay $0x2  }
0x669: {  	[tilespmem:s28+$0x8A0] =	vst.add.f32.msk $0xffff, v4  }
0x66a: {  	v4 =	vld [tilespmem:s25+$0x1BB0]  }
0x66b: {  	[tilespmem:s14+$0x0] =	vst.add.f32.msk $0xffff, v5  }
0x66c: {  	v5 =	vld [tilespmem:s26+$0x1BB0];
	_ =	sdelay $0x2  }
0x66d: {  	[tilespmem:s28+$0x8B0] =	vst.add.f32.msk $0xffff, v4  }
0x66e: {  	v4 =	vld [tilespmem:s25+$0x1BC0]  }
0x66f: {  	[tilespmem:s13+$0x0] =	vst.add.f32.msk $0xffff, v5  }
0x670: {  	v5 =	vld [tilespmem:s26+$0x1BC0];
	_ =	sdelay $0x2  }
0x671: {  	[tilespmem:s28+$0x8C0] =	vst.add.f32.msk $0xffff, v4  }
0x672: {  	v4 =	vld [tilespmem:s25+$0x1BD0]  }
0x673: {  	[tilespmem:s19+$0x0] =	vst.add.f32.msk $0xffff, v5  }
0x674: {  	v5 =	vld [tilespmem:s26+$0x1BD0];
	_ =	sdelay $0x2  }
0x675: {  	[tilespmem:s28+$0x8D0] =	vst.add.f32.msk $0xffff, v4  }
0x676: {  	v4 =	vld [tilespmem:s25+$0x1BE0]  }
0x677: {  	[tilespmem:s17+$0x0] =	vst.add.f32.msk $0xffff, v5  }
0x678: {  	v5 =	vld [tilespmem:s26+$0x1BE0];
	_ =	sdelay $0x2  }
0x679: {  	[tilespmem:s28+$0x8E0] =	vst.add.f32.msk $0xffff, v4  }
0x67a: {  	v4 =	vld [tilespmem:s25+$0x1BF0]  }
0x67b: {  	[tilespmem:s4+$0x0] =	vst.add.f32.msk $0xffff, v5  }
0x67c: {  	v5 =	vld [tilespmem:s26+$0x1BF0];
	_ =	sdelay $0x2  }
0x67d: {  	s0 =	sadd.s32 $0x1, s18;
	[tilespmem:s28+$0x8F0] =	vst.add.f32.msk $0xffff, v4  }
0x67e: {  	s0 =	sand.u32 $0x3, s0;
	v4 =	vld [tilespmem:s25+$0x1F80]  }
0x67f: {  	s0 =	sshll.u32 s0, $0x8;
	[tilespmem:s3+$0x0] =	vst.add.f32.msk $0xffff, v5  }
0x680: {  	s0 =	sadd.s32 s0, s24;
	v5 =	vld [tilespmem:s26+$0x1F80]  }
0x681: {  	s1 =	sadd.s32 $0x80, s0  }
0x682: {  	s2 =	sor.u32 $0xC00, s1  }
0x683: {  	[tilespmem:s2+$0x13380] =	vst.add.f32.msk $0xffff, v4  }
0x684: {  	s24 =	sor.u32 $0xC00, s0;
	v4 =	vld [tilespmem:s25+$0x1F90]  }
0x685: {  	[tilespmem:s24+$0x13380] =	vst.add.f32.msk $0xffff, v5  }
0x686: {  	v5 =	vld [tilespmem:s26+$0x1F90];
	_ =	sdelay $0x1  }
0x687: {  	s31 =	sor.u32 $0xC10, s1  }
0x688: {  	[tilespmem:s31+$0x13380] =	vst.add.f32.msk $0xffff, v4  }
0x689: {  	s3 =	sor.u32 $0xC10, s0;
	v4 =	vld [tilespmem:s25+$0x1FA0]  }
0x68a: {  	[tilespmem:s3+$0x13380] =	vst.add.f32.msk $0xffff, v5  }
0x68b: {  	v5 =	vld [tilespmem:s26+$0x1FA0];
	_ =	sdelay $0x1  }
0x68c: {  	s4 =	sor.u32 $0xC20, s1  }
0x68d: {  	[tilespmem:s4+$0x13380] =	vst.add.f32.msk $0xffff, v4  }
0x68e: {  	s5 =	sor.u32 $0xC20, s0;
	v4 =	vld [tilespmem:s25+$0x1FB0]  }
0x68f: {  	[tilespmem:s5+$0x13380] =	vst.add.f32.msk $0xffff, v5  }
0x690: {  	v5 =	vld [tilespmem:s26+$0x1FB0];
	_ =	sdelay $0x1  }
0x691: {  	s6 =	sor.u32 $0xC30, s1  }
0x692: {  	[tilespmem:s6+$0x13380] =	vst.add.f32.msk $0xffff, v4  }
0x693: {  	s7 =	sor.u32 $0xC30, s0;
	v4 =	vld [tilespmem:s25+$0x1FC0]  }
0x694: {  	[tilespmem:s7+$0x13380] =	vst.add.f32.msk $0xffff, v5  }
0x695: {  	v5 =	vld [tilespmem:s26+$0x1FC0]  }
0x696: {  	[tilespmem:s21+$0x13380] =	vst.add.f32.msk $0xffff, v3  }
0x697: {  	v3 =	vld [tilespmem:s23+$0x1FD0];
	s9 =	sor.u32 $0xC40, s1  }
0x698: {  	[tilespmem:s9+$0x13380] =	vst.add.f32.msk $0xffff, v4  }
0x699: {  	s11 =	sor.u32 $0xC40, s0;
	v4 =	vld [tilespmem:s25+$0x1FD0]  }
0x69a: {  	[tilespmem:s11+$0x13380] =	vst.add.f32.msk $0xffff, v5  }
0x69b: {  	v5 =	vld [tilespmem:s26+$0x1FD0]  }
0x69c: {  	[tilespmem:s8+$0x13380] =	vst.add.f32.msk $0xffff, v3  }
0x69d: {  	v3 =	vld [tilespmem:s23+$0x1FE0];
	s13 =	sor.u32 $0xC50, s1  }
0x69e: {  	[tilespmem:s13+$0x13380] =	vst.add.f32.msk $0xffff, v4  }
0x69f: {  	s14 =	sor.u32 $0xC50, s0;
	v4 =	vld [tilespmem:s25+$0x1FE0]  }
0x6a0: {  	[tilespmem:s14+$0x13380] =	vst.add.f32.msk $0xffff, v5  }
0x6a1: {  	v5 =	vld [tilespmem:s26+$0x1FE0]  }
0x6a2: {  	[tilespmem:s12+$0x13380] =	vst.add.f32.msk $0xffff, v3  }
0x6a3: {  	s15 =	sor.u32 $0xC60, s1;
	v3 =	vld [tilespmem:s23+$0x1FF0]  }
0x6a4: {  	[tilespmem:s15+$0x13380] =	vst.add.f32.msk $0xffff, v4  }
0x6a5: {  	s16 =	sor.u32 $0xC60, s0;
	v4 =	vld [tilespmem:s25+$0x1FF0]  }
0x6a6: {  	[tilespmem:s16+$0x13380] =	vst.add.f32.msk $0xffff, v5  }
0x6a7: {  	v5 =	vld [tilespmem:s26+$0x1FF0];
	_ =	sdelay $0x2  }
0x6a8: {  	[tilespmem:s10+$0x13380] =	vst.add.f32.msk $0xffff, v3;
	s1 =	sor.u32 $0xC70, s1  }
0x6a9: {  	s0 =	sor.u32 $0xC70, s0;
	[tilespmem:s1+$0x13380] =	vst.add.f32.msk $0xffff, v4  }
0x6aa: {  	s18 =	simm.s32 $0x1;
	[tilespmem:s0+$0x13380] =	vst.add.f32.msk $0xffff, v5  }
0x6ab: {  	s17 =	simm.s32 $0x13380;
	s24 =	simm.s32 $0x0;
	s0 =	rddreg [dreg:$0x13]  }
0x6ac: {  	[hbm4b:s0+s24] =	stream.linear.scatter [tilespmem:s17], [sflag:$0x6], $0x8000, $0x38;
	[tilespmem:$0x1B380] =	vst v63  }
0x6ad: {  	_ =	swait.ge [sflag:s18], $0x8000  }
0x6ae: {  	[sflag:s18] =	ssyncset.done $0x0  }
0x6af: {  	s19 =	simm.s32 $0x1C1;
	[sflag:s18] =	ssyncadd.s32 $0xFFFF8000  }
0x6b0: {  	v3 =	vld [tilespmem:s19+$0x0];
	_ =	sdelay $0x4  }
0x6b1: {  	(v2sf) =	vpush v3, $0x0;
	_ =	sdelay $0x3  }
0x6b2: {  	v3 =	vld [tilespmem:s19+$0xFFFFFFFF];
	_ =	sdelay $0x4  }
0x6b3: {  	(v2sf) =	vpush v3, $0x0;
	_ =	sdelay $0x5  }
0x6b4: {  	s20 =	spop (v2sf)  }
0x6b5: {  	s21 =	sshll.u32 s20, $0x9;
	s0 =	sshll.u32 s20, $0x7  }
0x6b6: {  	s1 =	sand.u32 $0xFFFFF000, s21;
	s0 =	sand.u32 $0x380, s0  }
0x6b7: {  	s22 =	sor.u32 s0, s1  }
0x6b8: {  	v3 =	vld [tilespmem:s22+$0x1380];
	_ =	sdelay $0x2  }
0x6b9: {  	s23 =	sand.u32 $0x7000, s24;
	s25 =	sand.u32 $0x300, s24  }
0x6ba: {  	s0 =	sor.u32 s25, s23  }
0x6bb: {  	s26 =	spop (v2sf);
	[tilespmem:s0+$0x3400] =	vst.add.f32.msk $0xffff, v3  }
0x6bc: {  	s31 =	sshll.u32 s26, $0x9;
	s1 =	sshll.u32 s26, $0x7;
	v3 =	vld [tilespmem:s22+$0x1390]  }
0x6bd: {  	s2 =	sand.u32 $0xFFFFF000, s31;
	s1 =	sand.u32 $0x380, s1  }
0x6be: {  	s23 =	sor.u32 s1, s2  }
0x6bf: {  	v4 =	vld [tilespmem:s23+$0x1380];
	_ =	sdelay $0x1  }
0x6c0: {  	[tilespmem:s0+$0x3410] =	vst.add.f32.msk $0xffff, v3  }
0x6c1: {  	v3 =	vld [tilespmem:s22+$0x13A0];
	_ =	sdelay $0x1  }
0x6c2: {  	[tilespmem:s0+$0x3380] =	vst.add.f32.msk $0xffff, v4  }
0x6c3: {  	v4 =	vld [tilespmem:s23+$0x1390];
	_ =	sdelay $0x1  }
0x6c4: {  	[tilespmem:s0+$0x3420] =	vst.add.f32.msk $0xffff, v3  }
0x6c5: {  	v3 =	vld [tilespmem:s22+$0x13B0];
	_ =	sdelay $0x1  }
0x6c6: {  	[tilespmem:s0+$0x3390] =	vst.add.f32.msk $0xffff, v4  }
0x6c7: {  	v4 =	vld [tilespmem:s23+$0x13A0];
	_ =	sdelay $0x1  }
0x6c8: {  	[tilespmem:s0+$0x3430] =	vst.add.f32.msk $0xffff, v3  }
0x6c9: {  	v3 =	vld [tilespmem:s22+$0x13C0];
	_ =	sdelay $0x1  }
0x6ca: {  	[tilespmem:s0+$0x33A0] =	vst.add.f32.msk $0xffff, v4  }
0x6cb: {  	v4 =	vld [tilespmem:s23+$0x13B0];
	_ =	sdelay $0x1  }
0x6cc: {  	[tilespmem:s0+$0x3440] =	vst.add.f32.msk $0xffff, v3  }
0x6cd: {  	v3 =	vld [tilespmem:s22+$0x13D0];
	_ =	sdelay $0x1  }
0x6ce: {  	[tilespmem:s0+$0x33B0] =	vst.add.f32.msk $0xffff, v4  }
0x6cf: {  	v4 =	vld [tilespmem:s23+$0x13C0];
	_ =	sdelay $0x1  }
0x6d0: {  	[tilespmem:s0+$0x3450] =	vst.add.f32.msk $0xffff, v3  }
0x6d1: {  	v3 =	vld [tilespmem:s22+$0x13E0];
	_ =	sdelay $0x1  }
0x6d2: {  	[tilespmem:s0+$0x33C0] =	vst.add.f32.msk $0xffff, v4  }
0x6d3: {  	v4 =	vld [tilespmem:s23+$0x13D0];
	_ =	sdelay $0x1  }
0x6d4: {  	[tilespmem:s0+$0x3460] =	vst.add.f32.msk $0xffff, v3  }
0x6d5: {  	v3 =	vld [tilespmem:s22+$0x13F0];
	_ =	sdelay $0x1  }
0x6d6: {  	[tilespmem:s0+$0x33D0] =	vst.add.f32.msk $0xffff, v4  }
0x6d7: {  	v4 =	vld [tilespmem:s23+$0x13E0];
	_ =	sdelay $0x1  }
0x6d8: {  	[tilespmem:s0+$0x3470] =	vst.add.f32.msk $0xffff, v3  }
0x6d9: {  	v3 =	vld [tilespmem:s22+$0x1780];
	_ =	sdelay $0x1  }
0x6da: {  	[tilespmem:s0+$0x33E0] =	vst.add.f32.msk $0xffff, v4  }
0x6db: {  	v4 =	vld [tilespmem:s23+$0x13F0];
	_ =	sdelay $0x1  }
0x6dc: {  	[tilespmem:s0+$0x3800] =	vst.add.f32.msk $0xffff, v3  }
0x6dd: {  	s4 =	simm.s32 $0x1C3;
	v3 =	vld [tilespmem:s22+$0x1790]  }
0x6de: {  	v5 =	vld [tilespmem:s4+$0x0]  }
0x6df: {  	[tilespmem:s0+$0x33F0] =	vst.add.f32.msk $0xffff, v4  }
0x6e0: {  	v4 =	vld [tilespmem:s23+$0x1780]  }
0x6e1: {  	v6 =	vld [tilespmem:s4+$0xFFFFFFFF]  }
0x6e2: {  	[tilespmem:s0+$0x3810] =	vst.add.f32.msk $0xffff, v3  }
0x6e3: {  	(v2sf) =	vpush v5, $0x0;
	v3 =	vld [tilespmem:s22+$0x17A0];
	_ =	sdelay $0x1  }
0x6e4: {  	[tilespmem:s0+$0x3780] =	vst.add.f32.msk $0xffff, v4  }
0x6e5: {  	(v2sf) =	vpush v6, $0x0;
	v4 =	vld [tilespmem:s23+$0x1790];
	_ =	sdelay $0x1  }
0x6e6: {  	[tilespmem:s0+$0x3820] =	vst.add.f32.msk $0xffff, v3  }
0x6e7: {  	v3 =	vld [tilespmem:s22+$0x17B0];
	_ =	sdelay $0x1  }
0x6e8: {  	[tilespmem:s0+$0x3790] =	vst.add.f32.msk $0xffff, v4  }
0x6e9: {  	v4 =	vld [tilespmem:s23+$0x17A0];
	_ =	sdelay $0x1  }
0x6ea: {  	[tilespmem:s0+$0x3830] =	vst.add.f32.msk $0xffff, v3  }
0x6eb: {  	v3 =	vld [tilespmem:s22+$0x17C0];
	_ =	sdelay $0x1  }
0x6ec: {  	[tilespmem:s0+$0x37A0] =	vst.add.f32.msk $0xffff, v4  }
0x6ed: {  	s5 =	spop (v2sf);
	v4 =	vld [tilespmem:s23+$0x17B0]  }
0x6ee: {  	s6 =	sshll.u32 s5, $0x9;
	s1 =	sshll.u32 s5, $0x7  }
0x6ef: {  	s2 =	sand.u32 $0xFFFFF000, s6;
	s1 =	sand.u32 $0x380, s1;
	[tilespmem:s0+$0x3840] =	vst.add.f32.msk $0xffff, v3  }
0x6f0: {  	s25 =	sor.u32 s1, s2;
	s7 =	spop (v2sf);
	v3 =	vld [tilespmem:s22+$0x17D0]  }
0x6f1: {  	v5 =	vld [tilespmem:s25+$0x1380];
	s8 =	sshll.u32 s7, $0x9;
	s1 =	sshll.u32 s7, $0x7  }
0x6f2: {  	s2 =	sand.u32 $0xFFFFF000, s8;
	s1 =	sand.u32 $0x380, s1;
	[tilespmem:s0+$0x37B0] =	vst.add.f32.msk $0xffff, v4  }
0x6f3: {  	s26 =	sor.u32 s1, s2;
	v4 =	vld [tilespmem:s23+$0x17C0]  }
0x6f4: {  	s29 =	simm.s32 $0x100;
	s30 =	simm.s32 $0x400;
	v6 =	vld [tilespmem:s26+$0x1380]  }
0x6f5: {  	s10 =	sand.u32 $0x300, s29;
	s9 =	sand.u32 $0x7000, s30;
	[tilespmem:s0+$0x3850] =	vst.add.f32.msk $0xffff, v3  }
0x6f6: {  	s28 =	sor.u32 s10, s9;
	v3 =	vld [tilespmem:s22+$0x17E0]  }
0x6f7: {  	[tilespmem:s28+$0x3400] =	vst.add.f32.msk $0xffff, v5  }
0x6f8: {  	[tilespmem:s0+$0x37C0] =	vst.add.f32.msk $0xffff, v4  }
0x6f9: {  	v4 =	vld [tilespmem:s23+$0x17D0]  }
0x6fa: {  	[tilespmem:s28+$0x3380] =	vst.add.f32.msk $0xffff, v6  }
0x6fb: {  	[tilespmem:s0+$0x3860] =	vst.add.f32.msk $0xffff, v3  }
0x6fc: {  	v3 =	vld [tilespmem:s22+$0x17F0]  }
0x6fd: {  	v5 =	vld [tilespmem:s26+$0x1390]  }
0x6fe: {  	[tilespmem:s0+$0x37D0] =	vst.add.f32.msk $0xffff, v4  }
0x6ff: {  	v4 =	vld [tilespmem:s23+$0x17E0];
	_ =	sdelay $0x1  }
0x700: {  	[tilespmem:s0+$0x3870] =	vst.add.f32.msk $0xffff, v3  }
0x701: {  	v3 =	vld [tilespmem:s22+$0x1B80]  }
0x702: {  	[tilespmem:s28+$0x3390] =	vst.add.f32.msk $0xffff, v5  }
0x703: {  	[tilespmem:s0+$0x37E0] =	vst.add.f32.msk $0xffff, v4  }
0x704: {  	v4 =	vld [tilespmem:s23+$0x17F0]  }
0x705: {  	v5 =	vld [tilespmem:s26+$0x13A0]  }
0x706: {  	[tilespmem:s0+$0x3C00] =	vst.add.f32.msk $0xffff, v3  }
0x707: {  	v3 =	vld [tilespmem:s22+$0x1B90];
	_ =	sdelay $0x1  }
0x708: {  	[tilespmem:s0+$0x37F0] =	vst.add.f32.msk $0xffff, v4  }
0x709: {  	v4 =	vld [tilespmem:s23+$0x1B80]  }
0x70a: {  	[tilespmem:s28+$0x33A0] =	vst.add.f32.msk $0xffff, v5  }
0x70b: {  	[tilespmem:s0+$0x3C10] =	vst.add.f32.msk $0xffff, v3  }
0x70c: {  	v3 =	vld [tilespmem:s22+$0x1BA0]  }
0x70d: {  	v5 =	vld [tilespmem:s26+$0x13B0]  }
0x70e: {  	[tilespmem:s0+$0x3B80] =	vst.add.f32.msk $0xffff, v4  }
0x70f: {  	v4 =	vld [tilespmem:s23+$0x1B90];
	_ =	sdelay $0x1  }
0x710: {  	[tilespmem:s0+$0x3C20] =	vst.add.f32.msk $0xffff, v3  }
0x711: {  	v3 =	vld [tilespmem:s22+$0x1BB0]  }
0x712: {  	[tilespmem:s28+$0x33B0] =	vst.add.f32.msk $0xffff, v5  }
0x713: {  	[tilespmem:s0+$0x3B90] =	vst.add.f32.msk $0xffff, v4  }
0x714: {  	v4 =	vld [tilespmem:s23+$0x1BA0]  }
0x715: {  	v5 =	vld [tilespmem:s26+$0x13C0]  }
0x716: {  	[tilespmem:s0+$0x3C30] =	vst.add.f32.msk $0xffff, v3  }
0x717: {  	v3 =	vld [tilespmem:s22+$0x1BC0];
	_ =	sdelay $0x1  }
0x718: {  	[tilespmem:s0+$0x3BA0] =	vst.add.f32.msk $0xffff, v4  }
0x719: {  	v4 =	vld [tilespmem:s23+$0x1BB0]  }
0x71a: {  	[tilespmem:s28+$0x33C0] =	vst.add.f32.msk $0xffff, v5  }
0x71b: {  	[tilespmem:s0+$0x3C40] =	vst.add.f32.msk $0xffff, v3  }
0x71c: {  	v3 =	vld [tilespmem:s22+$0x1BD0]  }
0x71d: {  	v5 =	vld [tilespmem:s26+$0x13D0]  }
0x71e: {  	[tilespmem:s0+$0x3BB0] =	vst.add.f32.msk $0xffff, v4  }
0x71f: {  	v4 =	vld [tilespmem:s23+$0x1BC0];
	_ =	sdelay $0x1  }
0x720: {  	[tilespmem:s0+$0x3C50] =	vst.add.f32.msk $0xffff, v3  }
0x721: {  	v3 =	vld [tilespmem:s22+$0x1BE0]  }
0x722: {  	[tilespmem:s28+$0x33D0] =	vst.add.f32.msk $0xffff, v5  }
0x723: {  	[tilespmem:s0+$0x3BC0] =	vst.add.f32.msk $0xffff, v4  }
0x724: {  	v4 =	vld [tilespmem:s25+$0x1390]  }
0x725: {  	v5 =	vld [tilespmem:s26+$0x13E0]  }
0x726: {  	[tilespmem:s0+$0x3C60] =	vst.add.f32.msk $0xffff, v3  }
0x727: {  	v3 =	vld [tilespmem:s22+$0x1BF0];
	_ =	sdelay $0x1  }
0x728: {  	[tilespmem:s28+$0x3410] =	vst.add.f32.msk $0xffff, v4  }
0x729: {  	v4 =	vld [tilespmem:s25+$0x13A0]  }
0x72a: {  	[tilespmem:s28+$0x33E0] =	vst.add.f32.msk $0xffff, v5  }
0x72b: {  	[tilespmem:s0+$0x3C70] =	vst.add.f32.msk $0xffff, v3  }
0x72c: {  	s11 =	sand.u32 $0x3, s24;
	v3 =	vld [tilespmem:s22+$0x1F80]  }
0x72d: {  	s1 =	sshll.u32 s11, $0x8;
	v5 =	vld [tilespmem:s26+$0x13F0]  }
0x72e: {  	s1 =	sadd.s32 $0x0, s1;
	[tilespmem:s28+$0x3420] =	vst.add.f32.msk $0xffff, v4  }
0x72f: {  	s12 =	sadd.s32 $0x80, s1;
	v4 =	vld [tilespmem:s25+$0x13B0]  }
0x730: {  	s13 =	sor.u32 $0xC00, s12  }
0x731: {  	[tilespmem:s13+$0x3380] =	vst.add.f32.msk $0xffff, v3  }
0x732: {  	v3 =	vld [tilespmem:s22+$0x1F90]  }
0x733: {  	[tilespmem:s28+$0x33F0] =	vst.add.f32.msk $0xffff, v5  }
0x734: {  	[tilespmem:s28+$0x3430] =	vst.add.f32.msk $0xffff, v4  }
0x735: {  	v4 =	vld [tilespmem:s25+$0x13C0]  }
0x736: {  	s14 =	sor.u32 $0xC10, s12;
	v5 =	vld [tilespmem:s26+$0x1780]  }
0x737: {  	[tilespmem:s14+$0x3380] =	vst.add.f32.msk $0xffff, v3  }
0x738: {  	v3 =	vld [tilespmem:s22+$0x1FA0];
	_ =	sdelay $0x1  }
0x739: {  	[tilespmem:s28+$0x3440] =	vst.add.f32.msk $0xffff, v4  }
0x73a: {  	v4 =	vld [tilespmem:s25+$0x13D0]  }
0x73b: {  	s15 =	sor.u32 $0xC20, s12;
	[tilespmem:s28+$0x3780] =	vst.add.f32.msk $0xffff, v5  }
0x73c: {  	[tilespmem:s15+$0x3380] =	vst.add.f32.msk $0xffff, v3  }
0x73d: {  	v3 =	vld [tilespmem:s22+$0x1FB0]  }
0x73e: {  	v5 =	vld [tilespmem:s26+$0x1790]  }
0x73f: {  	[tilespmem:s28+$0x3450] =	vst.add.f32.msk $0xffff, v4  }
0x740: {  	v4 =	vld [tilespmem:s25+$0x13E0]  }
0x741: {  	s16 =	sor.u32 $0xC30, s12  }
0x742: {  	[tilespmem:s16+$0x3380] =	vst.add.f32.msk $0xffff, v3  }
0x743: {  	v3 =	vld [tilespmem:s22+$0x1FC0]  }
0x744: {  	[tilespmem:s28+$0x3790] =	vst.add.f32.msk $0xffff, v5  }
0x745: {  	[tilespmem:s28+$0x3460] =	vst.add.f32.msk $0xffff, v4  }
0x746: {  	v4 =	vld [tilespmem:s25+$0x13F0]  }
0x747: {  	s17 =	sor.u32 $0xC40, s12;
	v5 =	vld [tilespmem:s26+$0x17A0]  }
0x748: {  	[tilespmem:s17+$0x3380] =	vst.add.f32.msk $0xffff, v3  }
0x749: {  	v3 =	vld [tilespmem:s22+$0x1FD0];
	_ =	sdelay $0x1  }
0x74a: {  	[tilespmem:s28+$0x3470] =	vst.add.f32.msk $0xffff, v4  }
0x74b: {  	v4 =	vld [tilespmem:s25+$0x1780]  }
0x74c: {  	s18 =	sor.u32 $0xC50, s12;
	[tilespmem:s28+$0x37A0] =	vst.add.f32.msk $0xffff, v5  }
0x74d: {  	[tilespmem:s18+$0x3380] =	vst.add.f32.msk $0xffff, v3  }
0x74e: {  	v3 =	vld [tilespmem:s22+$0x1FE0]  }
0x74f: {  	v5 =	vld [tilespmem:s26+$0x17B0]  }
0x750: {  	[tilespmem:s28+$0x3800] =	vst.add.f32.msk $0xffff, v4  }
0x751: {  	v4 =	vld [tilespmem:s25+$0x1790]  }
0x752: {  	s19 =	sor.u32 $0xC60, s12  }
0x753: {  	[tilespmem:s19+$0x3380] =	vst.add.f32.msk $0xffff, v3  }
0x754: {  	v3 =	vld [tilespmem:s22+$0x1FF0]  }
0x755: {  	[tilespmem:s28+$0x37B0] =	vst.add.f32.msk $0xffff, v5  }
0x756: {  	[tilespmem:s28+$0x3810] =	vst.add.f32.msk $0xffff, v4  }
0x757: {  	v4 =	vld [tilespmem:s25+$0x17A0]  }
0x758: {  	s2 =	sor.u32 $0xC70, s12;
	v5 =	vld [tilespmem:s26+$0x17C0]  }
0x759: {  	[tilespmem:s2+$0x3380] =	vst.add.f32.msk $0xffff, v3  }
0x75a: {  	v3 =	vld [tilespmem:s23+$0x1BD0];
	_ =	sdelay $0x1  }
0x75b: {  	[tilespmem:s28+$0x3820] =	vst.add.f32.msk $0xffff, v4  }
0x75c: {  	v4 =	vld [tilespmem:s25+$0x17B0]  }
0x75d: {  	[tilespmem:s28+$0x37C0] =	vst.add.f32.msk $0xffff, v5  }
0x75e: {  	[tilespmem:s0+$0x3BD0] =	vst.add.f32.msk $0xffff, v3  }
0x75f: {  	v3 =	vld [tilespmem:s23+$0x1BE0]  }
0x760: {  	v5 =	vld [tilespmem:s26+$0x17D0]  }
0x761: {  	[tilespmem:s28+$0x3830] =	vst.add.f32.msk $0xffff, v4  }
0x762: {  	v4 =	vld [tilespmem:s25+$0x17C0];
	_ =	sdelay $0x1  }
0x763: {  	[tilespmem:s0+$0x3BE0] =	vst.add.f32.msk $0xffff, v3  }
0x764: {  	v3 =	vld [tilespmem:s23+$0x1BF0]  }
0x765: {  	[tilespmem:s28+$0x37D0] =	vst.add.f32.msk $0xffff, v5  }
0x766: {  	[tilespmem:s28+$0x3840] =	vst.add.f32.msk $0xffff, v4  }
0x767: {  	v4 =	vld [tilespmem:s25+$0x17D0]  }
0x768: {  	v5 =	vld [tilespmem:s26+$0x17E0]  }
0x769: {  	[tilespmem:s0+$0x3BF0] =	vst.add.f32.msk $0xffff, v3  }
0x76a: {  	v3 =	vld [tilespmem:s23+$0x1F80];
	_ =	sdelay $0x1  }
0x76b: {  	[tilespmem:s28+$0x3850] =	vst.add.f32.msk $0xffff, v4  }
0x76c: {  	v4 =	vld [tilespmem:s25+$0x17E0]  }
0x76d: {  	s20 =	sor.u32 $0xC00, s1;
	[tilespmem:s28+$0x37E0] =	vst.add.f32.msk $0xffff, v5  }
0x76e: {  	[tilespmem:s20+$0x3380] =	vst.add.f32.msk $0xffff, v3  }
0x76f: {  	v3 =	vld [tilespmem:s23+$0x1F90]  }
0x770: {  	v5 =	vld [tilespmem:s26+$0x17F0]  }
0x771: {  	[tilespmem:s28+$0x3860] =	vst.add.f32.msk $0xffff, v4  }
0x772: {  	v4 =	vld [tilespmem:s25+$0x17F0]  }
0x773: {  	s21 =	sor.u32 $0xC10, s1  }
0x774: {  	[tilespmem:s21+$0x3380] =	vst.add.f32.msk $0xffff, v3  }
0x775: {  	v3 =	vld [tilespmem:s23+$0x1FA0]  }
0x776: {  	[tilespmem:s28+$0x37F0] =	vst.add.f32.msk $0xffff, v5  }
0x777: {  	[tilespmem:s28+$0x3870] =	vst.add.f32.msk $0xffff, v4  }
0x778: {  	v4 =	vld [tilespmem:s25+$0x1B80]  }
0x779: {  	v5 =	vld [tilespmem:s26+$0x1B80];
	s22 =	sor.u32 $0xC20, s1  }
0x77a: {  	[tilespmem:s22+$0x3380] =	vst.add.f32.msk $0xffff, v3  }
0x77b: {  	v3 =	vld [tilespmem:s23+$0x1FB0];
	_ =	sdelay $0x1  }
0x77c: {  	[tilespmem:s28+$0x3C00] =	vst.add.f32.msk $0xffff, v4  }
0x77d: {  	v4 =	vld [tilespmem:s25+$0x1B90]  }
0x77e: {  	s9 =	simm.s32 $0x1C5;
	s31 =	sor.u32 $0xC30, s1;
	[tilespmem:s28+$0x3B80] =	vst.add.f32.msk $0xffff, v5  }
0x77f: {  	s6 =	simm.s32 $0x2;
	s11 =	sor.u32 $0xC40, s1;
	s8 =	sor.u32 $0xC50, s1;
	[tilespmem:s31+$0x3380] =	vst.add.f32.msk $0xffff, v3  }
0x780: {  	s10 =	sor.u32 $0xC60, s1;
	s3 =	sor.u32 $0xC70, s1;
	s0 =	simm.s32 $0x400;
	v3 =	vld [tilespmem:s23+$0x1FC0]  }
.LBB2_10:
0x781: {  	v5 =	vld [tilespmem:s9+$0x0];
	s6 =	sadd.s32 $0x2, s6  }
0x782: {  	p0 =	slt.u32 s6, $0x3E;
	[tilespmem:s28+$0x3C10] =	vst.add.f32.msk $0xffff, v4  }
0x783: {  	v4 =	vld [tilespmem:s25+$0x1BA0]  }
0x784: {  	v6 =	vld [tilespmem:s9+$0xFFFFFFFF]  }
0x785: {  	v7 =	vld [tilespmem:s26+$0x1B90]  }
0x786: {  	(v2sf) =	vpush v5, $0x0;
	[tilespmem:s11+$0x3380] =	vst.add.f32.msk $0xffff, v3  }
0x787: {  	v3 =	vld [tilespmem:s23+$0x1FD0]  }
0x788: {  	[tilespmem:s28+$0x3C20] =	vst.add.f32.msk $0xffff, v4  }
0x789: {  	(v2sf) =	vpush v6, $0x0;
	v4 =	vld [tilespmem:s25+$0x1BB0]  }
0x78a: {  	[tilespmem:s28+$0x3B90] =	vst.add.f32.msk $0xffff, v7  }
0x78b: {  	v5 =	vld [tilespmem:s26+$0x1BA0]  }
0x78c: {  	[tilespmem:s8+$0x3380] =	vst.add.f32.msk $0xffff, v3  }
0x78d: {  	v3 =	vld [tilespmem:s23+$0x1FE0]  }
0x78e: {  	[tilespmem:s28+$0x3C30] =	vst.add.f32.msk $0xffff, v4  }
0x78f: {  	v4 =	vld [tilespmem:s25+$0x1BC0]  }
0x790: {  	[tilespmem:s28+$0x3BA0] =	vst.add.f32.msk $0xffff, v5  }
0x791: {  	v5 =	vld [tilespmem:s26+$0x1BB0]  }
0x792: {  	[tilespmem:s10+$0x3380] =	vst.add.f32.msk $0xffff, v3  }
0x793: {  	v3 =	vld [tilespmem:s23+$0x1FF0];
	s23 =	smov.u32 s26  }
0x794: {  	[tilespmem:s28+$0x3C40] =	vst.add.f32.msk $0xffff, v4  }
0x795: {  	s1 =	spop (v2sf);
	v4 =	vld [tilespmem:s25+$0x1BD0]  }
0x796: {  	s2 =	sshll.u32 s1, $0x9;
	s1 =	sshll.u32 s1, $0x7;
	[tilespmem:s28+$0x3BB0] =	vst.add.f32.msk $0xffff, v5  }
0x797: {  	s2 =	sand.u32 $0xFFFFF000, s2;
	s1 =	sand.u32 $0x380, s1;
	v5 =	vld [tilespmem:s23+$0x1BC0]  }
0x798: {  	s14 =	sor.u32 s1, s2;
	s1 =	spop (v2sf);
	[tilespmem:s3+$0x3380] =	vst.add.f32.msk $0xffff, v3  }
0x799: {  	s2 =	sshll.u32 s1, $0x9;
	s1 =	sshll.u32 s1, $0x7;
	v3 =	vld [tilespmem:s14+$0x1380]  }
0x79a: {  	s2 =	sand.u32 $0xFFFFF000, s2;
	s1 =	sand.u32 $0x380, s1;
	[tilespmem:s28+$0x3C50] =	vst.add.f32.msk $0xffff, v4  }
0x79b: {  	s29 =	sadd.s32 $0x100, s29;
	s30 =	sadd.s32 $0x400, s30;
	s26 =	sor.u32 s1, s2;
	v4 =	vld [tilespmem:s25+$0x1BE0]  }
0x79c: {  	s1 =	sand.u32 $0x7000, s30;
	s2 =	sand.u32 $0x300, s29;
	v6 =	vld [tilespmem:s26+$0x1380]  }
0x79d: {  	s2 =	sor.u32 s2, s1;
	[tilespmem:s28+$0x3BC0] =	vst.add.f32.msk $0xffff, v5  }
0x79e: {  	[tilespmem:s2+$0x3400] =	vst.add.f32.msk $0xffff, v3  }
0x79f: {  	v3 =	vld [tilespmem:s14+$0x1390]  }
0x7a0: {  	[tilespmem:s28+$0x3C60] =	vst.add.f32.msk $0xffff, v4  }
0x7a1: {  	v4 =	vld [tilespmem:s25+$0x1BF0]  }
0x7a2: {  	[tilespmem:s2+$0x3380] =	vst.add.f32.msk $0xffff, v6  }
0x7a3: {  	v5 =	vld [tilespmem:s26+$0x1390]  }
0x7a4: {  	[tilespmem:s2+$0x3410] =	vst.add.f32.msk $0xffff, v3  }
0x7a5: {  	v3 =	vld [tilespmem:s14+$0x13A0]  }
0x7a6: {  	s24 =	sadd.s32 $0x1, s24;
	[tilespmem:s28+$0x3C70] =	vst.add.f32.msk $0xffff, v4  }
0x7a7: {  	s1 =	sand.u32 $0x3, s24;
	v4 =	vld [tilespmem:s25+$0x1F80]  }
0x7a8: {  	s1 =	sshll.u32 s1, $0x8;
	[tilespmem:s2+$0x3390] =	vst.add.f32.msk $0xffff, v5  }
0x7a9: {  	s3 =	sadd.s32 s1, s0;
	s0 =	smov.u32 s30;
	v5 =	vld [tilespmem:s26+$0x13A0]  }
0x7aa: {  	s1 =	sor.u32 $0xC00, s3;
	s4 =	sor.u32 $0xC10, s3;
	s5 =	sadd.s32 $0x80, s3;
	[tilespmem:s2+$0x3420] =	vst.add.f32.msk $0xffff, v3  }
0x7ab: {  	s13 =	sor.u32 $0xC20, s3;
	s12 =	sor.u32 $0xC30, s3;
	s7 =	sor.u32 $0xC00, s5;
	v3 =	vld [tilespmem:s14+$0x13B0]  }
0x7ac: {  	s11 =	sor.u32 $0xC40, s3;
	s8 =	sor.u32 $0xC50, s3;
	s10 =	sor.u32 $0xC60, s3;
	[tilespmem:s7+$0x3380] =	vst.add.f32.msk $0xffff, v4  }
0x7ad: {  	s3 =	sor.u32 $0xC70, s3;
	v4 =	vld [tilespmem:s25+$0x1F90]  }
0x7ae: {  	[tilespmem:s2+$0x33A0] =	vst.add.f32.msk $0xffff, v5  }
0x7af: {  	v5 =	vld [tilespmem:s26+$0x13B0]  }
0x7b0: {  	[tilespmem:s2+$0x3430] =	vst.add.f32.msk $0xffff, v3  }
0x7b1: {  	s7 =	sor.u32 $0xC10, s5;
	v3 =	vld [tilespmem:s14+$0x13C0]  }
0x7b2: {  	[tilespmem:s7+$0x3380] =	vst.add.f32.msk $0xffff, v4  }
0x7b3: {  	v4 =	vld [tilespmem:s25+$0x1FA0]  }
0x7b4: {  	[tilespmem:s2+$0x33B0] =	vst.add.f32.msk $0xffff, v5  }
0x7b5: {  	v5 =	vld [tilespmem:s26+$0x13C0]  }
0x7b6: {  	[tilespmem:s2+$0x3440] =	vst.add.f32.msk $0xffff, v3  }
0x7b7: {  	s7 =	sor.u32 $0xC20, s5;
	v3 =	vld [tilespmem:s14+$0x13D0]  }
0x7b8: {  	[tilespmem:s7+$0x3380] =	vst.add.f32.msk $0xffff, v4  }
0x7b9: {  	v4 =	vld [tilespmem:s25+$0x1FB0]  }
0x7ba: {  	[tilespmem:s2+$0x33C0] =	vst.add.f32.msk $0xffff, v5  }
0x7bb: {  	v5 =	vld [tilespmem:s26+$0x13D0]  }
0x7bc: {  	[tilespmem:s2+$0x3450] =	vst.add.f32.msk $0xffff, v3  }
0x7bd: {  	s7 =	sor.u32 $0xC30, s5;
	v3 =	vld [tilespmem:s14+$0x13E0]  }
0x7be: {  	[tilespmem:s7+$0x3380] =	vst.add.f32.msk $0xffff, v4  }
0x7bf: {  	v4 =	vld [tilespmem:s25+$0x1FC0]  }
0x7c0: {  	[tilespmem:s2+$0x33D0] =	vst.add.f32.msk $0xffff, v5  }
0x7c1: {  	v5 =	vld [tilespmem:s26+$0x13E0]  }
0x7c2: {  	[tilespmem:s2+$0x3460] =	vst.add.f32.msk $0xffff, v3  }
0x7c3: {  	s7 =	sor.u32 $0xC40, s5;
	v3 =	vld [tilespmem:s14+$0x13F0]  }
0x7c4: {  	[tilespmem:s7+$0x3380] =	vst.add.f32.msk $0xffff, v4  }
0x7c5: {  	v4 =	vld [tilespmem:s25+$0x1FD0]  }
0x7c6: {  	[tilespmem:s2+$0x33E0] =	vst.add.f32.msk $0xffff, v5  }
0x7c7: {  	v5 =	vld [tilespmem:s26+$0x13F0]  }
0x7c8: {  	[tilespmem:s2+$0x3470] =	vst.add.f32.msk $0xffff, v3  }
0x7c9: {  	s7 =	sor.u32 $0xC50, s5;
	v3 =	vld [tilespmem:s14+$0x1780]  }
0x7ca: {  	[tilespmem:s7+$0x3380] =	vst.add.f32.msk $0xffff, v4  }
0x7cb: {  	v4 =	vld [tilespmem:s25+$0x1FE0]  }
0x7cc: {  	[tilespmem:s2+$0x33F0] =	vst.add.f32.msk $0xffff, v5  }
0x7cd: {  	v5 =	vld [tilespmem:s26+$0x1780]  }
0x7ce: {  	[tilespmem:s2+$0x3800] =	vst.add.f32.msk $0xffff, v3  }
0x7cf: {  	s7 =	sor.u32 $0xC60, s5;
	v3 =	vld [tilespmem:s14+$0x1790]  }
0x7d0: {  	[tilespmem:s7+$0x3380] =	vst.add.f32.msk $0xffff, v4  }
0x7d1: {  	v4 =	vld [tilespmem:s25+$0x1FF0];
	s25 =	smov.u32 s14  }
0x7d2: {  	[tilespmem:s2+$0x3780] =	vst.add.f32.msk $0xffff, v5  }
0x7d3: {  	v5 =	vld [tilespmem:s26+$0x1790]  }
0x7d4: {  	[tilespmem:s2+$0x3810] =	vst.add.f32.msk $0xffff, v3  }
0x7d5: {  	s5 =	sor.u32 $0xC70, s5;
	v3 =	vld [tilespmem:s25+$0x17A0]  }
0x7d6: {  	[tilespmem:s5+$0x3380] =	vst.add.f32.msk $0xffff, v4  }
0x7d7: {  	v4 =	vld [tilespmem:s23+$0x1BD0]  }
0x7d8: {  	[tilespmem:s2+$0x3790] =	vst.add.f32.msk $0xffff, v5  }
0x7d9: {  	v5 =	vld [tilespmem:s26+$0x17A0]  }
0x7da: {  	[tilespmem:s2+$0x3820] =	vst.add.f32.msk $0xffff, v3  }
0x7db: {  	v3 =	vld [tilespmem:s25+$0x17B0]  }
0x7dc: {  	[tilespmem:s28+$0x3BD0] =	vst.add.f32.msk $0xffff, v4  }
0x7dd: {  	v4 =	vld [tilespmem:s23+$0x1BE0]  }
0x7de: {  	[tilespmem:s2+$0x37A0] =	vst.add.f32.msk $0xffff, v5  }
0x7df: {  	v5 =	vld [tilespmem:s26+$0x17B0]  }
0x7e0: {  	[tilespmem:s2+$0x3830] =	vst.add.f32.msk $0xffff, v3  }
0x7e1: {  	v3 =	vld [tilespmem:s25+$0x17C0]  }
0x7e2: {  	[tilespmem:s28+$0x3BE0] =	vst.add.f32.msk $0xffff, v4  }
0x7e3: {  	v4 =	vld [tilespmem:s23+$0x1BF0]  }
0x7e4: {  	[tilespmem:s2+$0x37B0] =	vst.add.f32.msk $0xffff, v5  }
0x7e5: {  	v5 =	vld [tilespmem:s26+$0x17C0]  }
0x7e6: {  	[tilespmem:s2+$0x3840] =	vst.add.f32.msk $0xffff, v3  }
0x7e7: {  	v3 =	vld [tilespmem:s25+$0x17D0]  }
0x7e8: {  	[tilespmem:s28+$0x3BF0] =	vst.add.f32.msk $0xffff, v4;
	s28 =	smov.u32 s2  }
0x7e9: {  	v4 =	vld [tilespmem:s23+$0x1F80]  }
0x7ea: {  	[tilespmem:s28+$0x37C0] =	vst.add.f32.msk $0xffff, v5  }
0x7eb: {  	v5 =	vld [tilespmem:s26+$0x17D0]  }
0x7ec: {  	[tilespmem:s28+$0x3850] =	vst.add.f32.msk $0xffff, v3  }
0x7ed: {  	v3 =	vld [tilespmem:s25+$0x17E0]  }
0x7ee: {  	[tilespmem:s1+$0x3380] =	vst.add.f32.msk $0xffff, v4  }
0x7ef: {  	v4 =	vld [tilespmem:s23+$0x1F90]  }
0x7f0: {  	[tilespmem:s28+$0x37D0] =	vst.add.f32.msk $0xffff, v5  }
0x7f1: {  	v5 =	vld [tilespmem:s26+$0x17E0]  }
0x7f2: {  	[tilespmem:s28+$0x3860] =	vst.add.f32.msk $0xffff, v3  }
0x7f3: {  	v3 =	vld [tilespmem:s25+$0x17F0]  }
0x7f4: {  	[tilespmem:s4+$0x3380] =	vst.add.f32.msk $0xffff, v4  }
0x7f5: {  	v4 =	vld [tilespmem:s23+$0x1FA0]  }
0x7f6: {  	[tilespmem:s28+$0x37E0] =	vst.add.f32.msk $0xffff, v5  }
0x7f7: {  	v5 =	vld [tilespmem:s26+$0x17F0]  }
0x7f8: {  	[tilespmem:s28+$0x3870] =	vst.add.f32.msk $0xffff, v3  }
0x7f9: {  	v3 =	vld [tilespmem:s25+$0x1B80]  }
0x7fa: {  	[tilespmem:s13+$0x3380] =	vst.add.f32.msk $0xffff, v4  }
0x7fb: {  	v6 =	vld [tilespmem:s23+$0x1FB0]  }
0x7fc: {  	[tilespmem:s28+$0x37F0] =	vst.add.f32.msk $0xffff, v5  }
0x7fd: {  	v5 =	vld [tilespmem:s26+$0x1B80]  }
.Ltmp4:
0x7fe: {  	[tilespmem:s28+$0x3C00] =	vst.add.f32.msk $0xffff, v3;
	(pc) =	sbr.rel @p0 .LBB2_10-.Ltmp4, $4  }
0x7ff: {  	v4 =	vld [tilespmem:s25+$0x1B90]  }
0x800: {  	[tilespmem:s12+$0x3380] =	vst.add.f32.msk $0xffff, v6  }
0x801: {  	v3 =	vld [tilespmem:s23+$0x1FC0]  }
0x802: {  	s9 =	sadd.s32 $0x2, s9;
	[tilespmem:s28+$0x3B80] =	vst.add.f32.msk $0xffff, v5  }
0x803: {  	v5 =	vld [tilespmem:s26+$0x1B90];
	_ =	sdelay $0x2  }
0x804: {  	[tilespmem:s28+$0x3C10] =	vst.add.f32.msk $0xffff, v4  }
0x805: {  	v4 =	vld [tilespmem:s25+$0x1BA0]  }
0x806: {  	[tilespmem:s28+$0x3B90] =	vst.add.f32.msk $0xffff, v5  }
0x807: {  	v5 =	vld [tilespmem:s26+$0x1BA0];
	_ =	sdelay $0x2  }
0x808: {  	[tilespmem:s28+$0x3C20] =	vst.add.f32.msk $0xffff, v4  }
0x809: {  	v4 =	vld [tilespmem:s25+$0x1BB0]  }
0x80a: {  	[tilespmem:s28+$0x3BA0] =	vst.add.f32.msk $0xffff, v5  }
0x80b: {  	v5 =	vld [tilespmem:s26+$0x1BB0];
	_ =	sdelay $0x2  }
0x80c: {  	[tilespmem:s28+$0x3C30] =	vst.add.f32.msk $0xffff, v4  }
0x80d: {  	v4 =	vld [tilespmem:s25+$0x1BC0]  }
0x80e: {  	[tilespmem:s28+$0x3BB0] =	vst.add.f32.msk $0xffff, v5  }
0x80f: {  	v5 =	vld [tilespmem:s26+$0x1BC0];
	_ =	sdelay $0x2  }
0x810: {  	[tilespmem:s28+$0x3C40] =	vst.add.f32.msk $0xffff, v4  }
0x811: {  	v4 =	vld [tilespmem:s25+$0x1BD0]  }
0x812: {  	[tilespmem:s28+$0x3BC0] =	vst.add.f32.msk $0xffff, v5  }
0x813: {  	v5 =	vld [tilespmem:s26+$0x1BD0];
	_ =	sdelay $0x2  }
0x814: {  	[tilespmem:s28+$0x3C50] =	vst.add.f32.msk $0xffff, v4  }
0x815: {  	v4 =	vld [tilespmem:s25+$0x1BE0]  }
0x816: {  	[tilespmem:s28+$0x3BD0] =	vst.add.f32.msk $0xffff, v5  }
0x817: {  	v5 =	vld [tilespmem:s26+$0x1BE0];
	_ =	sdelay $0x2  }
0x818: {  	[tilespmem:s28+$0x3C60] =	vst.add.f32.msk $0xffff, v4  }
0x819: {  	v4 =	vld [tilespmem:s25+$0x1BF0]  }
0x81a: {  	[tilespmem:s28+$0x3BE0] =	vst.add.f32.msk $0xffff, v5  }
0x81b: {  	v5 =	vld [tilespmem:s26+$0x1BF0];
	_ =	sdelay $0x2  }
0x81c: {  	s1 =	sadd.s32 $0x1, s24;
	[tilespmem:s28+$0x3C70] =	vst.add.f32.msk $0xffff, v4  }
0x81d: {  	s1 =	sand.u32 $0x3, s1;
	v4 =	vld [tilespmem:s25+$0x1F80]  }
0x81e: {  	s1 =	sshll.u32 s1, $0x8;
	[tilespmem:s28+$0x3BF0] =	vst.add.f32.msk $0xffff, v5  }
0x81f: {  	s0 =	sadd.s32 s1, s0;
	v5 =	vld [tilespmem:s26+$0x1F80]  }
0x820: {  	s1 =	sadd.s32 $0x80, s0  }
0x821: {  	s2 =	sor.u32 $0xC00, s1  }
0x822: {  	[tilespmem:s2+$0x3380] =	vst.add.f32.msk $0xffff, v4  }
0x823: {  	s12 =	sor.u32 $0xC00, s0;
	v4 =	vld [tilespmem:s25+$0x1F90]  }
0x824: {  	[tilespmem:s12+$0x3380] =	vst.add.f32.msk $0xffff, v5  }
0x825: {  	v5 =	vld [tilespmem:s26+$0x1F90];
	_ =	sdelay $0x1  }
0x826: {  	s13 =	sor.u32 $0xC10, s1  }
0x827: {  	[tilespmem:s13+$0x3380] =	vst.add.f32.msk $0xffff, v4  }
0x828: {  	s14 =	sor.u32 $0xC10, s0;
	v4 =	vld [tilespmem:s25+$0x1FA0]  }
0x829: {  	[tilespmem:s14+$0x3380] =	vst.add.f32.msk $0xffff, v5  }
0x82a: {  	v5 =	vld [tilespmem:s26+$0x1FA0];
	_ =	sdelay $0x1  }
0x82b: {  	s15 =	sor.u32 $0xC20, s1  }
0x82c: {  	[tilespmem:s15+$0x3380] =	vst.add.f32.msk $0xffff, v4  }
0x82d: {  	s16 =	sor.u32 $0xC20, s0;
	v4 =	vld [tilespmem:s25+$0x1FB0]  }
0x82e: {  	[tilespmem:s16+$0x3380] =	vst.add.f32.msk $0xffff, v5  }
0x82f: {  	v5 =	vld [tilespmem:s26+$0x1FB0];
	_ =	sdelay $0x1  }
0x830: {  	s17 =	sor.u32 $0xC30, s1  }
0x831: {  	[tilespmem:s17+$0x3380] =	vst.add.f32.msk $0xffff, v4  }
0x832: {  	s18 =	sor.u32 $0xC30, s0;
	v4 =	vld [tilespmem:s25+$0x1FC0]  }
0x833: {  	[tilespmem:s18+$0x3380] =	vst.add.f32.msk $0xffff, v5  }
0x834: {  	v5 =	vld [tilespmem:s26+$0x1FC0]  }
0x835: {  	[tilespmem:s11+$0x3380] =	vst.add.f32.msk $0xffff, v3  }
0x836: {  	v3 =	vld [tilespmem:s23+$0x1FD0];
	s19 =	sor.u32 $0xC40, s1  }
0x837: {  	[tilespmem:s19+$0x3380] =	vst.add.f32.msk $0xffff, v4  }
0x838: {  	s20 =	sor.u32 $0xC40, s0;
	v4 =	vld [tilespmem:s25+$0x1FD0]  }
0x839: {  	[tilespmem:s20+$0x3380] =	vst.add.f32.msk $0xffff, v5  }
0x83a: {  	v5 =	vld [tilespmem:s26+$0x1FD0]  }
0x83b: {  	[tilespmem:s8+$0x3380] =	vst.add.f32.msk $0xffff, v3  }
0x83c: {  	s21 =	sor.u32 $0xC50, s1;
	v3 =	vld [tilespmem:s23+$0x1FE0]  }
0x83d: {  	[tilespmem:s21+$0x3380] =	vst.add.f32.msk $0xffff, v4  }
0x83e: {  	s22 =	sor.u32 $0xC50, s0;
	v4 =	vld [tilespmem:s25+$0x1FE0]  }
0x83f: {  	[tilespmem:s22+$0x3380] =	vst.add.f32.msk $0xffff, v5  }
0x840: {  	v5 =	vld [tilespmem:s26+$0x1FE0]  }
0x841: {  	[tilespmem:s10+$0x3380] =	vst.add.f32.msk $0xffff, v3  }
0x842: {  	s24 =	sor.u32 $0xC60, s1;
	v3 =	vld [tilespmem:s23+$0x1FF0]  }
0x843: {  	[tilespmem:s24+$0x3380] =	vst.add.f32.msk $0xffff, v4  }
0x844: {  	s28 =	sor.u32 $0xC60, s0;
	v4 =	vld [tilespmem:s25+$0x1FF0]  }
0x845: {  	[tilespmem:s28+$0x3380] =	vst.add.f32.msk $0xffff, v5  }
0x846: {  	v5 =	vld [tilespmem:s26+$0x1FF0];
	_ =	sdelay $0x2  }
0x847: {  	s1 =	sor.u32 $0xC70, s1;
	[tilespmem:s3+$0x3380] =	vst.add.f32.msk $0xffff, v3  }
0x848: {  	s0 =	sor.u32 $0xC70, s0;
	[tilespmem:s1+$0x3380] =	vst.add.f32.msk $0xffff, v4  }
0x849: {  	s6 =	simm.s32 $0x0;
	[tilespmem:s0+$0x3380] =	vst.add.f32.msk $0xffff, v5  }
0x84a: {  	s3 =	simm.s32 $0x4;
	s17 =	simm.s32 $0x3380;
	s0 =	rddreg [dreg:$0x14]  }
0x84b: {  	[hbm4b:s0+s6] =	stream.linear.scatter [tilespmem:s17], [sflag:$0x4], $0x8000, $0x38;
	[tilespmem:$0x1B380] =	vst v63  }
0x84c: {  	_ =	swait.ge [sflag:s3], $0x8000  }
0x84d: {  	[sflag:s3] =	ssyncset.done $0x0  }
0x84e: {  	s4 =	simm.s32 $0x5;
	[sflag:s3] =	ssyncadd.s32 $0xFFFF8000  }
0x84f: {  	_ =	swait.ge [sflag:s4], $0x8000  }
0x850: {  	[sflag:s4] =	ssyncset.done $0x0  }
0x851: {  	s5 =	simm.s32 $0x6;
	[sflag:s4] =	ssyncadd.s32 $0xFFFF8000  }
0x852: {  	_ =	swait.ge [sflag:s5], $0x8000  }
0x853: {  	s29 =	rddreg [dreg:$0x16]  }
0x854: {  	s30 =	rddreg [dreg:$0x15];
	s1 =	sadd.s32 $0x1, s29  }
0x855: {  	p0 =	sne.s32 s1, s30  }
.Ltmp5:
0x856: {  	_ = 	snop;
	(pc) =	sbr.rel @p0 .LBB2_1-.Ltmp5, $4  }
0x857: {  	s31 =	simm.s32 $0x6380  }
0x858: {  	s18 =	simm.s32 $0x3B80;
	s19 =	simm.s32 $0x4380;
	[sflag:s5] =	ssyncset.done $0x0  }
0x859: {  	s20 =	simm.s32 $0x4B80;
	s16 =	rddreg [dreg:$0xe];
	[sflag:s5] =	ssyncadd.s32 $0xFFFF8000  }
0x85a: {  	s21 =	simm.s32 $0x5380;
	s22 =	simm.s32 $0x5B80;
	s15 =	rddreg [dreg:$0x1]  }
0x85b: {  	_ =	sfence.sel $0x180000  }
0x85c: {  	[bflag:$0x0] =	sbarrier.arrive $0xFFFF  }
0x85d: {  	_ =	strace $0x90000047  }
0x85e: {  	s0 =	stileid.u32;
	[bflag:$0x2] =	sbarrier.arrive $0xFFFF  }
0x85f: {  	p0 =	sne.s32 s0, $0x0;
	s0 =	rddreg [dreg:$0x5]  }
0x860: {  	s0 =	sadd.s32 @!p0 $0x100000, s0  }
0x861: {  	[sflag:s0] =	ssyncadd.tile.s32 @!p0 $0x1;
	_ =	shalt  }
.Lfunc_end2:
_tile_overlayer_lowered:
.L_overlay_start_2:
0x862: {  	(tag) =	ssettag $0x2  }
0x863: {  	s0 =	rddreg [dreg:$0x0];
	s2 =	stileid.u32  }
0x864: {  	s1 =	rddreg [dreg:$0x1];
	p0 =	sne.s32 s2, $0x0  }
0x865: {  	s3 =	rddreg [dreg:$0x2];
	[bflag:$0x3] =	sbarrier.arrive $0xFFFF;
	s2 =	simm.s32 @!p0 $0x1C07  }
0x866: {  	[timem:s3], [sflag:s2] =	dma.local @!p0 [hbm:s0], s1  }
0x867: {  	s0 =	simm.s32 @!p0 $0x7  }
0x868: {  	_ =	swait.ge @!p0 [sflag:s0], s1  }
0x869: {  	s1 =	ssub.s32 @!p0 $0x0, s1;
	[sflag:s0] =	ssyncset.done @!p0 $0x0  }
0x86a: {  	[sflag:s0] =	ssyncadd.s32 @!p0 s1  }
0x86b: {  	[bflag:$0x3] =	sbarrier.arrive $0xFFFF  }
0x86c: {  	_ =	shalt  }

</sc_bundles>
